<compile_context>
chip_gen: v7x
topology: tpu7x:2x2x1
jax: 0.10.2.dev20260603
libtpu: 0.0.44.dev20260713+nightly
codegen_flags: <defaults>
</compile_context>

<pallas_src>
import functools

import jax
import jax.numpy as jnp
from jax import lax
from jax.experimental import pallas as pl
from jax.experimental.pallas import tpu as pltpu
from jax.experimental.pallas import tpu_sc as plsc

N = 10000
E = 320000
G = 64
D = 128

NC = 2
NS = 16
NW = NC * NS
CH = 128
NCHUNK = 80
SUP = 8
NSUP = NCHUNK // SUP
EPW = NCHUNK * CH
EPAD = NW * EPW - E
RPS = 624
TAIL = N - NS * RPS


def _sc_edge_agg_body(feats, ei, out, agg, rows0, rows1,
                      sbA, sbB, dbA, dbB, gs0, gs1, ss0, ss1,
                      xsA, xsB, dsA, dsB):
    c = lax.axis_index("c")
    s = lax.axis_index("s")
    wid = s * NC + c
    rows = (rows0, rows1)
    gs = (gs0, gs1)
    ss = (ss0, ss1)
    sb = (sbA, sbB)
    dbv = (dbA, dbB)
    xs = (xsA, xsB)
    ds = (dsA, dsB)

    def zrow(i, _):
        for j in range(D // 16):
            rows0[i, pl.ds(j * 16, 16)] = jnp.zeros((16,), jnp.float32)
        return _
    lax.fori_loop(0, CH, zrow, None)
    for r in range(RPS // CH):
        pltpu.sync_copy(rows0, agg.at[pl.ds(s * RPS + r * CH, CH)])
    pltpu.sync_copy(rows0.at[pl.ds(0, RPS % CH)],
                    agg.at[pl.ds(s * RPS + (RPS // CH) * CH, RPS % CH)])

    @pl.when(s == NS - 1)
    def _():
        pltpu.sync_copy(rows0.at[pl.ds(0, TAIL)], agg.at[pl.ds(NS * RPS, TAIL)])

    plsc.subcore_barrier()

    def idx_load(part, sp, buf, sem):
        pltpu.async_copy(ei.at[part, wid, sp], buf, sem)

    def idx_wait(buf, sem):
        pltpu.make_async_copy(ei.at[0, wid, 0], buf, sem).wait()

    idx_load(0, 0, sbA, xsA)
    idx_load(1, 0, dbA, dsA)
    idx_load(0, 1, sbB, xsB)
    idx_load(1, 1, dbB, dsB)
    idx_wait(sbA, xsA)
    pltpu.async_copy(feats.at[sbA.at[0]], rows0, gs0)
    pltpu.async_copy(feats.at[sbA.at[1]], rows1, gs1)

    def super_step(i, _):
        for p in range(2):
            sp = 2 * i + p
            cur, nxt = p, 1 - p
            idx_wait(dbv[cur], ds[cur])
            for j in range(SUP):
                k = j % 2
                pltpu.make_async_copy(feats.at[sb[cur].at[j]], rows[k],
                                      gs[k]).wait()
                pltpu.async_copy(rows[k], agg.at[dbv[cur].at[j]], ss[k],
                                 add=True).wait()
                if j < SUP - 2:
                    pltpu.async_copy(feats.at[sb[cur].at[j + 2]], rows[k],
                                     gs[k])
                else:
                    @pl.when(sp + 1 < NSUP)
                    def _():
                        if j == SUP - 2:
                            idx_wait(sb[nxt], xs[nxt])
                        pltpu.async_copy(feats.at[sb[nxt].at[j - (SUP - 2)]],
                                         rows[k], gs[k])
                if j == SUP - 1:
                    @pl.when(sp + 2 < NSUP)
                    def _():
                        idx_load(0, sp + 2, sb[cur], xs[cur])
                        idx_load(1, sp + 2, dbv[cur], ds[cur])
        return _
    lax.fori_loop(0, NSUP // 2, super_step, None)

    plsc.subcore_barrier()
    pltpu.sync_copy(agg.at[pl.ds(s * RPS, RPS)], out.at[c, pl.ds(s * RPS, RPS)])

    @pl.when(s == NS - 1)
    def _():
        pltpu.sync_copy(agg.at[pl.ds(NS * RPS, TAIL)],
                        out.at[c, pl.ds(NS * RPS, TAIL)])


@functools.cache
def _sc_edge_agg():
    return pl.kernel(
        _sc_edge_agg_body,
        out_type=jax.ShapeDtypeStruct((NC, N, D), jnp.float32),
        mesh=plsc.VectorSubcoreMesh(
            core_axis_name="c", subcore_axis_name="s",
            num_cores=NC, num_subcores=NS,
        ),
        scratch_types=(
            [pltpu.VMEM_SHARED((N, D), jnp.float32)]
            + [pltpu.VMEM((CH, D), jnp.float32)] * 2
            + [pltpu.VMEM((SUP, CH), jnp.int32)] * 4
            + [pltpu.SemaphoreType.DMA] * 8
        ),
    )


RB = 2000
NRB = N // RB


def _mlp_body(x_ref, p_ref, w1_ref, b1_ref, w2_ref, b2_ref, o_ref):
    h = x_ref[...] + p_ref[0] + p_ref[1]
    t = jnp.dot(h, w1_ref[...], preferred_element_type=jnp.float32) + b1_ref[...]
    t = jnp.maximum(t, 0.0)
    o = jnp.dot(t, w2_ref[...], preferred_element_type=jnp.float32) + b2_ref[...]
    o_ref[...] = jnp.maximum(o, 0.0)


_row_spec = pl.BlockSpec((RB, D), lambda i: (i, 0))
_parts_spec = pl.BlockSpec((NC, RB, D), lambda i: (0, i, 0))
_w_spec = pl.BlockSpec((D, D), lambda i: (0, 0))
_b_spec = pl.BlockSpec((1, D), lambda i: (0, 0))

_mlp = pl.pallas_call(
    _mlp_body,
    grid=(NRB,),
    in_specs=[_row_spec, _parts_spec, _w_spec, _b_spec, _w_spec, _b_spec],
    out_specs=_row_spec,
    out_shape=jax.ShapeDtypeStruct((N, D), jnp.float32),
)


def _log_softmax(z):
    m = jnp.max(z, axis=1, keepdims=True)
    e = jnp.exp(z - m)
    return z - m - jnp.log(jnp.sum(e, axis=1, keepdims=True))


def _mlp_pool_head_body(x_ref, p_ref, w1_ref, b1_ref, w2_ref, b2_ref,
                        batch_ref, code_ref, lin1W_ref, lin1b_ref, lin2W_ref,
                        lin2b_ref, fc1W_ref, fc1b_ref, fc2W_ref, fc2b_ref,
                        fc3W_ref, fc3b_ref, finA_ref, finB_ref, finb_ref,
                        o_ref, acc_ref):
    i = pl.program_id(0)
    h = x_ref[...] + p_ref[0] + p_ref[1]
    t = jnp.dot(h, w1_ref[...], preferred_element_type=jnp.float32) + b1_ref[...]
    t = jnp.maximum(t, 0.0)
    h2 = jnp.dot(t, w2_ref[...], preferred_element_type=jnp.float32) + b2_ref[...]
    h2 = jnp.maximum(h2, 0.0)
    b = batch_ref[0]
    gid = lax.broadcasted_iota(jnp.int32, (G, 1), 0)
    mask = (b == gid).astype(jnp.float32)
    part = jnp.dot(mask, h2, preferred_element_type=jnp.float32)

    @pl.when(i == 0)
    def _():
        acc_ref[...] = jnp.zeros_like(acc_ref)

    acc_ref[...] += part

    @pl.when(i == NRB - 1)
    def _():
        t1 = jnp.dot(acc_ref[...], lin1W_ref[...],
                     preferred_element_type=jnp.float32) + lin1b_ref[...]
        t1 = jnp.maximum(t1, 0.0)
        te = jnp.dot(t1, lin2W_ref[...],
                     preferred_element_type=jnp.float32) + lin2b_ref[...]
        c = jnp.dot(code_ref[...], fc1W_ref[...],
                    preferred_element_type=jnp.float32) + fc1b_ref[...]
        c = jnp.maximum(c, 0.0)
        c = jnp.dot(c, fc2W_ref[...], preferred_element_type=jnp.float32) + fc2b_ref[...]
        c = jnp.maximum(c, 0.0)
        z = jnp.dot(c, fc3W_ref[...], preferred_element_type=jnp.float32) + fc3b_ref[...]
        ce = _log_softmax(z)
        f = (jnp.dot(ce, finA_ref[...], preferred_element_type=jnp.float32)
             + jnp.dot(te, finB_ref[...], preferred_element_type=jnp.float32)
             + finb_ref[...])
        o_ref[...] = _log_softmax(f)


_full = lambda shape: pl.BlockSpec(shape, lambda i: tuple(0 for _ in shape))

_mlp_pool_head = pl.pallas_call(
    _mlp_pool_head_body,
    grid=(NRB,),
    in_specs=[
        _row_spec, _parts_spec, _w_spec, _b_spec, _w_spec, _b_spec,
        pl.BlockSpec((1, 1, RB), lambda i: (i, 0, 0)),
        _full((G, 256)), _full((D, D)), _b_spec, _full((D, D)), _b_spec,
        _full((256, D)), _b_spec, _full((D, D)), _b_spec, _full((D, D)),
        _b_spec, _full((D, G)), _full((D, G)), _full((1, G)),
    ],
    out_specs=pl.BlockSpec((G, G), lambda i: (0, 0)),
    out_shape=jax.ShapeDtypeStruct((G, G), jnp.float32),
    scratch_shapes=[pltpu.VMEM((G, D), jnp.float32)],
    compiler_params=pltpu.CompilerParams(dimension_semantics=("arbitrary",)),
)


def _fold_bn(W1, b1, g, beta, rm, rv):
    s = g / jnp.sqrt(rv + 1e-5)
    return W1 * s[None, :], (b1 - rm) * s + beta


def kernel(x, code_x, edge_index, batch, c1_W1, c1_b1, c1_g, c1_beta, c1_rm, c1_rv, c1_W2, c1_b2, c2_W1, c2_b1, c2_g, c2_beta, c2_rm, c2_rv, c2_W2, c2_b2, lin1_W, lin1_b, lin2_W, lin2_b, fc1_W, fc1_b, fc2_W, fc2_b, fc3_W, fc3_b, fin_W, fin_b):
    ar = jnp.arange(EPAD, dtype=jnp.int32)
    pad = jnp.stack([N + (ar % 128), ar])
    ei5 = jnp.concatenate([edge_index, pad], axis=1).reshape(
        2, NW, NSUP, SUP, CH)
    zrow = jnp.zeros((128, D), jnp.float32)
    xp = jnp.concatenate([x, zrow])
    batch3 = batch.reshape(NRB, 1, RB)

    W1a, b1a = _fold_bn(c1_W1, c1_b1, c1_g, c1_beta, c1_rm, c1_rv)
    W1b, b1b = _fold_bn(c2_W1, c2_b1, c2_g, c2_beta, c2_rm, c2_rv)

    parts = _sc_edge_agg()(xp, ei5)
    h1 = _mlp(x, parts, W1a, b1a.reshape(1, D), c1_W2, c1_b2.reshape(1, D))
    parts2 = _sc_edge_agg()(jnp.concatenate([h1, zrow]), ei5)
    return _mlp_pool_head(
        h1, parts2, W1b, b1b.reshape(1, D), c2_W2, c2_b2.reshape(1, D),
        batch3, code_x, lin1_W, lin1_b.reshape(1, D), lin2_W,
        lin2_b.reshape(1, D), fc1_W, fc1_b.reshape(1, D), fc2_W,
        fc2_b.reshape(1, D), fc3_W, fc3_b.reshape(1, D),
        fin_W[:D], fin_W[D:], fin_b.reshape(1, G))

# --- scband reference (transcript-rebuilt; emitter-appended) ---
"""Pipeline reference for scband-all-concat-model-new-81243601371615 (READ-ONLY COPY).

The authoritative reference and input builder live on the scoring server;
editing this copy changes nothing except your own understanding.
"""

import jax, jax.numpy as jnp
import numpy as np

N = 10000
E = 320000
G = 64
D = 128
CIN = 256
FIN = 64

def _bn(h, g, b, rm, rv):
    return (h - rm) / jnp.sqrt(rv + 1e-5) * g + b

def _gin_mlp(h, W1, b1, g, bt, rm, rv, W2, b2):
    h = jax.nn.relu(_bn(h @ W1 + b1, g, bt, rm, rv))
    return jax.nn.relu(h @ W2 + b2)

def _forward(x, code_x, ws, edge_index, batch):
    c1 = ws[0:8]
    c2 = ws[8:16]
    (lin1_W, lin1_b, lin2_W, lin2_b, fc1_W, fc1_b, fc2_W, fc2_b, fc3_W, fc3_b, fin_W, fin_b) = ws[16:]
    src = edge_index[0]
    dst = edge_index[1]
    # GINConv (add aggregation, eps=0): h = nn(x + sum_{j->i} x_j)
    agg = jax.ops.segment_sum(x[src], dst, num_segments=N)
    h = _gin_mlp(x + agg, *c1)
    agg2 = jax.ops.segment_sum(h[src], dst, num_segments=N)
    h = _gin_mlp(h + agg2, *c2)
    # global_add_pool over graph ids
    pooled = jax.ops.segment_sum(h, batch, num_segments=G)
    t = jax.nn.relu(pooled @ lin1_W + lin1_b)
    trans_emb = t @ lin2_W + lin2_b  # dropout p=0.5 is identity in eval mode
    c = jax.nn.relu(code_x @ fc1_W + fc1_b)
    c = jax.nn.relu(c @ fc2_W + fc2_b)
    code_emb = jax.nn.log_softmax(c @ fc3_W + fc3_b, axis=1)
    cat = jnp.concatenate([code_emb, trans_emb], axis=1)
    return jax.nn.log_softmax(cat @ fin_W + fin_b, axis=-1)


def setup_inputs(seed: int = 0):
    key = jax.random.key(seed)
    def nk(i):
        return jax.random.fold_in(key, i)
    def nrm(i, shape, s=0.05):
        return jax.random.normal(nk(i), shape, dtype=jnp.float32) * s
    inp = {}
    inp['x'] = jax.random.normal(nk(0), (N, D), dtype=jnp.float32)
    inp['code_x'] = jax.random.normal(nk(1), (G, CIN), dtype=jnp.float32)
    inp['edge_index'] = jax.random.randint(nk(2), (2, E), 0, N, dtype=jnp.int32)
    inp['batch'] = jnp.sort(jax.random.randint(nk(3), (N,), 0, G, dtype=jnp.int32))
    for pre, i in (('c1', 4), ('c2', 6)):
        inp[pre + '_W1'] = nrm(i, (D, D))
        inp[pre + '_b1'] = jnp.zeros((D,), jnp.float32)
        inp[pre + '_g'] = jnp.ones((D,), jnp.float32)
        inp[pre + '_beta'] = jnp.zeros((D,), jnp.float32)
        inp[pre + '_rm'] = jnp.zeros((D,), jnp.float32)
        inp[pre + '_rv'] = jnp.ones((D,), jnp.float32)
        inp[pre + '_W2'] = nrm(i + 1, (D, D))
        inp[pre + '_b2'] = jnp.zeros((D,), jnp.float32)
    inp['lin1_W'] = nrm(8, (D, D)); inp['lin1_b'] = jnp.zeros((D,), jnp.float32)
    inp['lin2_W'] = nrm(9, (D, D)); inp['lin2_b'] = jnp.zeros((D,), jnp.float32)
    inp['fc1_W'] = nrm(10, (CIN, D)); inp['fc1_b'] = jnp.zeros((D,), jnp.float32)
    inp['fc2_W'] = nrm(11, (D, D)); inp['fc2_b'] = jnp.zeros((D,), jnp.float32)
    inp['fc3_W'] = nrm(12, (D, D)); inp['fc3_b'] = jnp.zeros((D,), jnp.float32)
    inp['fin_W'] = nrm(13, (2 * D, FIN)); inp['fin_b'] = jnp.zeros((FIN,), jnp.float32)
    return inp


def reference(x, code_x, edge_index, batch, c1_W1, c1_b1, c1_g, c1_beta, c1_rm, c1_rv, c1_W2, c1_b2, c2_W1, c2_b1, c2_g, c2_beta, c2_rm, c2_rv, c2_W2, c2_b2, lin1_W, lin1_b, lin2_W, lin2_b, fc1_W, fc1_b, fc2_W, fc2_b, fc3_W, fc3_b, fin_W, fin_b):
    ws = (c1_W1, c1_b1, c1_g, c1_beta, c1_rm, c1_rv, c1_W2, c1_b2,
          c2_W1, c2_b1, c2_g, c2_beta, c2_rm, c2_rv, c2_W2, c2_b2,
          lin1_W, lin1_b, lin2_W, lin2_b, fc1_W, fc1_b, fc2_W, fc2_b,
          fc3_W, fc3_b, fin_W, fin_b)
    return _forward(x, code_x, ws, edge_index, batch)

if __name__ == "__main__":
    import jax
    _d = setup_inputs()
    print(jax.jit(kernel)(*tuple(_d.values())))

</pallas_src>

<mosaic_0001>
#map = affine_map<(d0, d1) -> (0, 0)>
#map1 = affine_map<(d0, d1) -> (0, 0, 0, 0, 0)>
#map2 = affine_map<(d0, d1) -> (0, 0, 0)>
module attributes {stable_mosaic.version = 14 : i64} {
  func.func @_sc_edge_agg_body(%arg0: i32, %arg1: i32, %arg2: memref<10128x128xf32, #tpu.memory_space<hbm>>, %arg3: memref<2x32x10x8x128xi32, #tpu.memory_space<hbm>>, %arg4: memref<2x10000x128xf32, #tpu.memory_space<hbm>>, %arg5: memref<10000x128xf32, #tpu.memory_space<vmem_shared>>, %arg6: memref<128x128xf32, #tpu.memory_space<vmem>>, %arg7: memref<128x128xf32, #tpu.memory_space<vmem>>, %arg8: memref<8x128xi32, #tpu.memory_space<vmem>>, %arg9: memref<8x128xi32, #tpu.memory_space<vmem>>, %arg10: memref<8x128xi32, #tpu.memory_space<vmem>>, %arg11: memref<8x128xi32, #tpu.memory_space<vmem>>, %arg12: memref<!tpu.dma_semaphore, #tpu.memory_space<semaphore_mem>>, %arg13: memref<!tpu.dma_semaphore, #tpu.memory_space<semaphore_mem>>, %arg14: memref<!tpu.dma_semaphore, #tpu.memory_space<semaphore_mem>>, %arg15: memref<!tpu.dma_semaphore, #tpu.memory_space<semaphore_mem>>, %arg16: memref<!tpu.dma_semaphore, #tpu.memory_space<semaphore_mem>>, %arg17: memref<!tpu.dma_semaphore, #tpu.memory_space<semaphore_mem>>, %arg18: memref<!tpu.dma_semaphore, #tpu.memory_space<semaphore_mem>>, %arg19: memref<!tpu.dma_semaphore, #tpu.memory_space<semaphore_mem>>) attributes {dimension_semantics = [#tpu.dimension_semantics<core_parallel>, #tpu.dimension_semantics<subcore_parallel>], iteration_bounds = array<i64: 2, 16>, scalar_prefetch = 0 : i64, scratch_operands = 15 : i64, tpu.core_type = #tpu.core_type<sc_vector_subcore>, window_params = [{transform_indices = #map}, {transform_indices = #map1}, {transform_indices = #map2}]} {
    %mul3A = arith.constant 2 : i32
    %mul3A_0 = arith.muli %arg1, %mul3A : i32
    %add3A = arith.addi %mul3A_0, %arg0 : i32
    %scan3A = arith.constant 0 : i32
    %scan3A_1 = arith.constant 128 : i32
    %scan3A_2 = arith.addi %scan3A, %scan3A_1 : i32
    %scan3A_3 = arith.constant 1 : i32
    scf.for %scan3A_104 = %scan3A to %scan3A_2 step %scan3A_3  : i32 {
      %broadcast_in_dim3A = arith.constant 0.000000e+00 : f32
      %broadcast_in_dim3A_105 = vector.broadcast %broadcast_in_dim3A : f32 to vector<16xf32>
      %swap3A = arith.index_cast %scan3A_104 : i32 to index
      %swap3A_106 = arith.constant 0 : index
      %swap3A_107 = tpu.vector_load %arg6[%swap3A, %swap3A_106] {strides = array<i32>} : memref<128x128xf32, #tpu.memory_space<vmem>>, vector<1x16xf32>,
      %swap3A_108 = vector.shape_cast %swap3A_107 : vector<1x16xf32> to vector<16xf32>
      %swap3A_109 = vector.shape_cast %broadcast_in_dim3A_105 : vector<16xf32> to vector<1x16xf32>
      tpu.vector_store %arg6[%swap3A, %swap3A_106], %swap3A_109 {strides = array<i32>} : memref<128x128xf32, #tpu.memory_space<vmem>>, vector<1x16xf32>,
      %broadcast_in_dim3A_110 = arith.constant 0.000000e+00 : f32
      %broadcast_in_dim3A_111 = vector.broadcast %broadcast_in_dim3A_110 : f32 to vector<16xf32>
      %swap3A_112 = arith.index_cast %scan3A_104 : i32 to index
      %swap3A_113 = arith.constant 16 : index
      %swap3A_114 = tpu.vector_load %arg6[%swap3A_112, %swap3A_113] {strides = array<i32>} : memref<128x128xf32, #tpu.memory_space<vmem>>, vector<1x16xf32>,
      %swap3A_115 = vector.shape_cast %swap3A_114 : vector<1x16xf32> to vector<16xf32>
      %swap3A_116 = vector.shape_cast %broadcast_in_dim3A_111 : vector<16xf32> to vector<1x16xf32>
      tpu.vector_store %arg6[%swap3A_112, %swap3A_113], %swap3A_116 {strides = array<i32>} : memref<128x128xf32, #tpu.memory_space<vmem>>, vector<1x16xf32>,
      %broadcast_in_dim3A_117 = arith.constant 0.000000e+00 : f32
      %broadcast_in_dim3A_118 = vector.broadcast %broadcast_in_dim3A_117 : f32 to vector<16xf32>
      %swap3A_119 = arith.index_cast %scan3A_104 : i32 to index
      %swap3A_120 = arith.constant 32 : index
      %swap3A_121 = tpu.vector_load %arg6[%swap3A_119, %swap3A_120] {strides = array<i32>} : memref<128x128xf32, #tpu.memory_space<vmem>>, vector<1x16xf32>,
      %swap3A_122 = vector.shape_cast %swap3A_121 : vector<1x16xf32> to vector<16xf32>
      %swap3A_123 = vector.shape_cast %broadcast_in_dim3A_118 : vector<16xf32> to vector<1x16xf32>
      tpu.vector_store %arg6[%swap3A_119, %swap3A_120], %swap3A_123 {strides = array<i32>} : memref<128x128xf32, #tpu.memory_space<vmem>>, vector<1x16xf32>,
      %broadcast_in_dim3A_124 = arith.constant 0.000000e+00 : f32
      %broadcast_in_dim3A_125 = vector.broadcast %broadcast_in_dim3A_124 : f32 to vector<16xf32>
      %swap3A_126 = arith.index_cast %scan3A_104 : i32 to index
      %swap3A_127 = arith.constant 48 : index
      %swap3A_128 = tpu.vector_load %arg6[%swap3A_126, %swap3A_127] {strides = array<i32>} : memref<128x128xf32, #tpu.memory_space<vmem>>, vector<1x16xf32>,
      %swap3A_129 = vector.shape_cast %swap3A_128 : vector<1x16xf32> to vector<16xf32>
      %swap3A_130 = vector.shape_cast %broadcast_in_dim3A_125 : vector<16xf32> to vector<1x16xf32>
      tpu.vector_store %arg6[%swap3A_126, %swap3A_127], %swap3A_130 {strides = array<i32>} : memref<128x128xf32, #tpu.memory_space<vmem>>, vector<1x16xf32>,
      %broadcast_in_dim3A_131 = arith.constant 0.000000e+00 : f32
      %broadcast_in_dim3A_132 = vector.broadcast %broadcast_in_dim3A_131 : f32 to vector<16xf32>
      %swap3A_133 = arith.index_cast %scan3A_104 : i32 to index
      %swap3A_134 = arith.constant 64 : index
      %swap3A_135 = tpu.vector_load %arg6[%swap3A_133, %swap3A_134] {strides = array<i32>} : memref<128x128xf32, #tpu.memory_space<vmem>>, vector<1x16xf32>,
      %swap3A_136 = vector.shape_cast %swap3A_135 : vector<1x16xf32> to vector<16xf32>
      %swap3A_137 = vector.shape_cast %broadcast_in_dim3A_132 : vector<16xf32> to vector<1x16xf32>
      tpu.vector_store %arg6[%swap3A_133, %swap3A_134], %swap3A_137 {strides = array<i32>} : memref<128x128xf32, #tpu.memory_space<vmem>>, vector<1x16xf32>,
      %broadcast_in_dim3A_138 = arith.constant 0.000000e+00 : f32
      %broadcast_in_dim3A_139 = vector.broadcast %broadcast_in_dim3A_138 : f32 to vector<16xf32>
      %swap3A_140 = arith.index_cast %scan3A_104 : i32 to index
      %swap3A_141 = arith.constant 80 : index
      %swap3A_142 = tpu.vector_load %arg6[%swap3A_140, %swap3A_141] {strides = array<i32>} : memref<128x128xf32, #tpu.memory_space<vmem>>, vector<1x16xf32>,
      %swap3A_143 = vector.shape_cast %swap3A_142 : vector<1x16xf32> to vector<16xf32>
      %swap3A_144 = vector.shape_cast %broadcast_in_dim3A_139 : vector<16xf32> to vector<1x16xf32>
      tpu.vector_store %arg6[%swap3A_140, %swap3A_141], %swap3A_144 {strides = array<i32>} : memref<128x128xf32, #tpu.memory_space<vmem>>, vector<1x16xf32>,
      %broadcast_in_dim3A_145 = arith.constant 0.000000e+00 : f32
      %broadcast_in_dim3A_146 = vector.broadcast %broadcast_in_dim3A_145 : f32 to vector<16xf32>
      %swap3A_147 = arith.index_cast %scan3A_104 : i32 to index
      %swap3A_148 = arith.constant 96 : index
      %swap3A_149 = tpu.vector_load %arg6[%swap3A_147, %swap3A_148] {strides = array<i32>} : memref<128x128xf32, #tpu.memory_space<vmem>>, vector<1x16xf32>,
      %swap3A_150 = vector.shape_cast %swap3A_149 : vector<1x16xf32> to vector<16xf32>
      %swap3A_151 = vector.shape_cast %broadcast_in_dim3A_146 : vector<16xf32> to vector<1x16xf32>
      tpu.vector_store %arg6[%swap3A_147, %swap3A_148], %swap3A_151 {strides = array<i32>} : memref<128x128xf32, #tpu.memory_space<vmem>>, vector<1x16xf32>,
      %broadcast_in_dim3A_152 = arith.constant 0.000000e+00 : f32
      %broadcast_in_dim3A_153 = vector.broadcast %broadcast_in_dim3A_152 : f32 to vector<16xf32>
      %swap3A_154 = arith.index_cast %scan3A_104 : i32 to index
      %swap3A_155 = arith.constant 112 : index
      %swap3A_156 = tpu.vector_load %arg6[%swap3A_154, %swap3A_155] {strides = array<i32>} : memref<128x128xf32, #tpu.memory_space<vmem>>, vector<1x16xf32>,
      %swap3A_157 = vector.shape_cast %swap3A_156 : vector<1x16xf32> to vector<16xf32>
      %swap3A_158 = vector.shape_cast %broadcast_in_dim3A_153 : vector<16xf32> to vector<1x16xf32>
      tpu.vector_store %arg6[%swap3A_154, %swap3A_155], %swap3A_158 {strides = array<i32>} : memref<128x128xf32, #tpu.memory_space<vmem>>, vector<1x16xf32>,
    }
    %scan3A_4 = arith.constant 128 : i32
    %mul3A_5 = arith.constant 624 : i32
    %mul3A_6 = arith.muli %arg1, %mul3A_5 : i32
    %add3A_7 = arith.constant 0 : i32
    %add3A_8 = arith.addi %mul3A_6, %add3A_7 : i32
    "tpu.region"() ({
      %run_scoped3A = tpu.sem_alloc : memref<!tpu.dma_semaphore, #tpu.memory_space<semaphore_mem>>
      %dma_start3A_104 = arith.constant 0 : i32
      %dma_start3A_105 = tpu.memref_slice %arg5[%add3A_8, %dma_start3A_104] : memref<10000x128xf32, #tpu.memory_space<vmem_shared>> -> memref<128x128xf32, #tpu.memory_space<vmem_shared>>
      %dma_start3A_106 = arith.constant 0 : i32
      %dma_start3A_107 = tpu.memref_slice %arg5[%add3A_8, %dma_start3A_106] : memref<10000x128xf32, #tpu.memory_space<vmem_shared>> -> memref<128x128xf32, #tpu.memory_space<vmem_shared>>
      tpu.enqueue_dma source(%arg6 : memref<128x128xf32, #tpu.memory_space<vmem>>) target(%dma_start3A_107 : memref<128x128xf32, #tpu.memory_space<vmem_shared>>) target_semaphore(%run_scoped3A : memref<!tpu.dma_semaphore, #tpu.memory_space<semaphore_mem>>)
      %dma_wait3A_108 = arith.constant 0 : i32
      %dma_wait3A_109 = tpu.memref_slice %arg5[%add3A_8, %dma_wait3A_108] : memref<10000x128xf32, #tpu.memory_space<vmem_shared>> -> memref<128x128xf32, #tpu.memory_space<vmem_shared>>
      %dma_wait3A_110 = arith.constant 0 : i32
      %dma_wait3A_111 = tpu.memref_slice %arg5[%add3A_8, %dma_wait3A_110] : memref<10000x128xf32, #tpu.memory_space<vmem_shared>> -> memref<128x128xf32, #tpu.memory_space<vmem_shared>>
      tpu.wait_dma2 semaphore(%run_scoped3A : memref<!tpu.dma_semaphore, #tpu.memory_space<semaphore_mem>>) src(%arg6 : memref<128x128xf32, #tpu.memory_space<vmem>>) dst(%dma_wait3A_111 : memref<128x128xf32, #tpu.memory_space<vmem_shared>>)
      tpu.yield
    }) : () -> ()
    %mul3A_9 = arith.constant 624 : i32
    %mul3A_10 = arith.muli %arg1, %mul3A_9 : i32
    %add3A_11 = arith.constant 128 : i32
    %add3A_12 = arith.addi %mul3A_10, %add3A_11 : i32
    "tpu.region"() ({
      %run_scoped3A = tpu.sem_alloc : memref<!tpu.dma_semaphore, #tpu.memory_space<semaphore_mem>>
      %dma_start3A_104 = arith.constant 0 : i32
      %dma_start3A_105 = tpu.memref_slice %arg5[%add3A_12, %dma_start3A_104] : memref<10000x128xf32, #tpu.memory_space<vmem_shared>> -> memref<128x128xf32, #tpu.memory_space<vmem_shared>>
      %dma_start3A_106 = arith.constant 0 : i32
      %dma_start3A_107 = tpu.memref_slice %arg5[%add3A_12, %dma_start3A_106] : memref<10000x128xf32, #tpu.memory_space<vmem_shared>> -> memref<128x128xf32, #tpu.memory_space<vmem_shared>>
      tpu.enqueue_dma source(%arg6 : memref<128x128xf32, #tpu.memory_space<vmem>>) target(%dma_start3A_107 : memref<128x128xf32, #tpu.memory_space<vmem_shared>>) target_semaphore(%run_scoped3A : memref<!tpu.dma_semaphore, #tpu.memory_space<semaphore_mem>>)
      %dma_wait3A_108 = arith.constant 0 : i32
      %dma_wait3A_109 = tpu.memref_slice %arg5[%add3A_12, %dma_wait3A_108] : memref<10000x128xf32, #tpu.memory_space<vmem_shared>> -> memref<128x128xf32, #tpu.memory_space<vmem_shared>>
      %dma_wait3A_110 = arith.constant 0 : i32
      %dma_wait3A_111 = tpu.memref_slice %arg5[%add3A_12, %dma_wait3A_110] : memref<10000x128xf32, #tpu.memory_space<vmem_shared>> -> memref<128x128xf32, #tpu.memory_space<vmem_shared>>
      tpu.wait_dma2 semaphore(%run_scoped3A : memref<!tpu.dma_semaphore, #tpu.memory_space<semaphore_mem>>) src(%arg6 : memref<128x128xf32, #tpu.memory_space<vmem>>) dst(%dma_wait3A_111 : memref<128x128xf32, #tpu.memory_space<vmem_shared>>)
      tpu.yield
    }) : () -> ()
    %mul3A_13 = arith.constant 624 : i32
    %mul3A_14 = arith.muli %arg1, %mul3A_13 : i32
    %add3A_15 = arith.constant 256 : i32
    %add3A_16 = arith.addi %mul3A_14, %add3A_15 : i32
    "tpu.region"() ({
      %run_scoped3A = tpu.sem_alloc : memref<!tpu.dma_semaphore, #tpu.memory_space<semaphore_mem>>
      %dma_start3A_104 = arith.constant 0 : i32
      %dma_start3A_105 = tpu.memref_slice %arg5[%add3A_16, %dma_start3A_104] : memref<10000x128xf32, #tpu.memory_space<vmem_shared>> -> memref<128x128xf32, #tpu.memory_space<vmem_shared>>
      %dma_start3A_106 = arith.constant 0 : i32
      %dma_start3A_107 = tpu.memref_slice %arg5[%add3A_16, %dma_start3A_106] : memref<10000x128xf32, #tpu.memory_space<vmem_shared>> -> memref<128x128xf32, #tpu.memory_space<vmem_shared>>
      tpu.enqueue_dma source(%arg6 : memref<128x128xf32, #tpu.memory_space<vmem>>) target(%dma_start3A_107 : memref<128x128xf32, #tpu.memory_space<vmem_shared>>) target_semaphore(%run_scoped3A : memref<!tpu.dma_semaphore, #tpu.memory_space<semaphore_mem>>)
      %dma_wait3A_108 = arith.constant 0 : i32
      %dma_wait3A_109 = tpu.memref_slice %arg5[%add3A_16, %dma_wait3A_108] : memref<10000x128xf32, #tpu.memory_space<vmem_shared>> -> memref<128x128xf32, #tpu.memory_space<vmem_shared>>
      %dma_wait3A_110 = arith.constant 0 : i32
      %dma_wait3A_111 = tpu.memref_slice %arg5[%add3A_16, %dma_wait3A_110] : memref<10000x128xf32, #tpu.memory_space<vmem_shared>> -> memref<128x128xf32, #tpu.memory_space<vmem_shared>>
      tpu.wait_dma2 semaphore(%run_scoped3A : memref<!tpu.dma_semaphore, #tpu.memory_space<semaphore_mem>>) src(%arg6 : memref<128x128xf32, #tpu.memory_space<vmem>>) dst(%dma_wait3A_111 : memref<128x128xf32, #tpu.memory_space<vmem_shared>>)
      tpu.yield
    }) : () -> ()
    %mul3A_17 = arith.constant 624 : i32
    %mul3A_18 = arith.muli %arg1, %mul3A_17 : i32
    %add3A_19 = arith.constant 384 : i32
    %add3A_20 = arith.addi %mul3A_18, %add3A_19 : i32
    "tpu.region"() ({
      %run_scoped3A = tpu.sem_alloc : memref<!tpu.dma_semaphore, #tpu.memory_space<semaphore_mem>>
      %dma_start3A_104 = arith.constant 0 : i32
      %dma_start3A_105 = tpu.memref_slice %arg5[%add3A_20, %dma_start3A_104] : memref<10000x128xf32, #tpu.memory_space<vmem_shared>> -> memref<128x128xf32, #tpu.memory_space<vmem_shared>>
      %dma_start3A_106 = arith.constant 0 : i32
      %dma_start3A_107 = tpu.memref_slice %arg5[%add3A_20, %dma_start3A_106] : memref<10000x128xf32, #tpu.memory_space<vmem_shared>> -> memref<128x128xf32, #tpu.memory_space<vmem_shared>>
      tpu.enqueue_dma source(%arg6 : memref<128x128xf32, #tpu.memory_space<vmem>>) target(%dma_start3A_107 : memref<128x128xf32, #tpu.memory_space<vmem_shared>>) target_semaphore(%run_scoped3A : memref<!tpu.dma_semaphore, #tpu.memory_space<semaphore_mem>>)
      %dma_wait3A_108 = arith.constant 0 : i32
      %dma_wait3A_109 = tpu.memref_slice %arg5[%add3A_20, %dma_wait3A_108] : memref<10000x128xf32, #tpu.memory_space<vmem_shared>> -> memref<128x128xf32, #tpu.memory_space<vmem_shared>>
      %dma_wait3A_110 = arith.constant 0 : i32
      %dma_wait3A_111 = tpu.memref_slice %arg5[%add3A_20, %dma_wait3A_110] : memref<10000x128xf32, #tpu.memory_space<vmem_shared>> -> memref<128x128xf32, #tpu.memory_space<vmem_shared>>
      tpu.wait_dma2 semaphore(%run_scoped3A : memref<!tpu.dma_semaphore, #tpu.memory_space<semaphore_mem>>) src(%arg6 : memref<128x128xf32, #tpu.memory_space<vmem>>) dst(%dma_wait3A_111 : memref<128x128xf32, #tpu.memory_space<vmem_shared>>)
      tpu.yield
    }) : () -> ()
    %mul3A_21 = arith.constant 624 : i32
    %mul3A_22 = arith.muli %arg1, %mul3A_21 : i32
    %add3A_23 = arith.constant 512 : i32
    %add3A_24 = arith.addi %mul3A_22, %add3A_23 : i32
    "tpu.region"() ({
      %run_scoped3A = tpu.sem_alloc : memref<!tpu.dma_semaphore, #tpu.memory_space<semaphore_mem>>
      %dma_start3A_104 = arith.constant 0 : i32
      %dma_start3A_105 = arith.constant 0 : i32
      %dma_start3A_106 = tpu.memref_slice %arg6[%dma_start3A_104, %dma_start3A_105] : memref<128x128xf32, #tpu.memory_space<vmem>> -> memref<112x128xf32, #tpu.memory_space<vmem>>
      %dma_start3A_107 = arith.constant 0 : i32
      %dma_start3A_108 = tpu.memref_slice %arg5[%add3A_24, %dma_start3A_107] : memref<10000x128xf32, #tpu.memory_space<vmem_shared>> -> memref<112x128xf32, #tpu.memory_space<vmem_shared>>
      %dma_start3A_109 = arith.constant 0 : i32
      %dma_start3A_110 = tpu.memref_slice %arg5[%add3A_24, %dma_start3A_109] : memref<10000x128xf32, #tpu.memory_space<vmem_shared>> -> memref<112x128xf32, #tpu.memory_space<vmem_shared>>
      %dma_start3A_111 = arith.constant 0 : i32
      %dma_start3A_112 = arith.constant 0 : i32
      %dma_start3A_113 = tpu.memref_slice %arg6[%dma_start3A_111, %dma_start3A_112] : memref<128x128xf32, #tpu.memory_space<vmem>> -> memref<112x128xf32, #tpu.memory_space<vmem>>
      tpu.enqueue_dma source(%dma_start3A_113 : memref<112x128xf32, #tpu.memory_space<vmem>>) target(%dma_start3A_110 : memref<112x128xf32, #tpu.memory_space<vmem_shared>>) target_semaphore(%run_scoped3A : memref<!tpu.dma_semaphore, #tpu.memory_space<semaphore_mem>>)
      %dma_wait3A_114 = arith.constant 0 : i32
      %dma_wait3A_115 = arith.constant 0 : i32
      %dma_wait3A_116 = tpu.memref_slice %arg6[%dma_wait3A_114, %dma_wait3A_115] : memref<128x128xf32, #tpu.memory_space<vmem>> -> memref<112x128xf32, #tpu.memory_space<vmem>>
      %dma_wait3A_117 = arith.constant 0 : i32
      %dma_wait3A_118 = tpu.memref_slice %arg5[%add3A_24, %dma_wait3A_117] : memref<10000x128xf32, #tpu.memory_space<vmem_shared>> -> memref<112x128xf32, #tpu.memory_space<vmem_shared>>
      %dma_wait3A_119 = arith.constant 0 : i32
      %dma_wait3A_120 = tpu.memref_slice %arg5[%add3A_24, %dma_wait3A_119] : memref<10000x128xf32, #tpu.memory_space<vmem_shared>> -> memref<112x128xf32, #tpu.memory_space<vmem_shared>>
      %dma_wait3A_121 = arith.constant 0 : i32
      %dma_wait3A_122 = arith.constant 0 : i32
      %dma_wait3A_123 = tpu.memref_slice %arg6[%dma_wait3A_121, %dma_wait3A_122] : memref<128x128xf32, #tpu.memory_space<vmem>> -> memref<112x128xf32, #tpu.memory_space<vmem>>
      tpu.wait_dma2 semaphore(%run_scoped3A : memref<!tpu.dma_semaphore, #tpu.memory_space<semaphore_mem>>) src(%dma_wait3A_123 : memref<112x128xf32, #tpu.memory_space<vmem>>) dst(%dma_wait3A_120 : memref<112x128xf32, #tpu.memory_space<vmem_shared>>)
      tpu.yield
    }) : () -> ()
    %eq3A = arith.constant 15 : i32
    %eq3A_25 = arith.cmpi eq, %arg1, %eq3A : i32
    %convert_element_type3A = arith.extui %eq3A_25 : i1 to i32
    %cond3A = arith.constant 0 : i32
    %cond3A_26 = arith.cmpi ne, %convert_element_type3A, %cond3A : i32
    scf.if %cond3A_26 {
      "tpu.region"() ({
        %run_scoped3A = tpu.sem_alloc : memref<!tpu.dma_semaphore, #tpu.memory_space<semaphore_mem>>
        %dma_start3A_104 = arith.constant 0 : i32
        %dma_start3A_105 = arith.constant 0 : i32
        %dma_start3A_106 = tpu.memref_slice %arg6[%dma_start3A_104, %dma_start3A_105] : memref<128x128xf32, #tpu.memory_space<vmem>> -> memref<16x128xf32, #tpu.memory_space<vmem>>
        %dma_start3A_107 = arith.constant 9984 : i32
        %dma_start3A_108 = arith.constant 0 : i32
        %dma_start3A_109 = tpu.memref_slice %arg5[%dma_start3A_107, %dma_start3A_108] : memref<10000x128xf32, #tpu.memory_space<vmem_shared>> -> memref<16x128xf32, #tpu.memory_space<vmem_shared>>
        %dma_start3A_110 = arith.constant 9984 : i32
        %dma_start3A_111 = arith.constant 0 : i32
        %dma_start3A_112 = tpu.memref_slice %arg5[%dma_start3A_110, %dma_start3A_111] : memref<10000x128xf32, #tpu.memory_space<vmem_shared>> -> memref<16x128xf32, #tpu.memory_space<vmem_shared>>
        %dma_start3A_113 = arith.constant 0 : i32
        %dma_start3A_114 = arith.constant 0 : i32
        %dma_start3A_115 = tpu.memref_slice %arg6[%dma_start3A_113, %dma_start3A_114] : memref<128x128xf32, #tpu.memory_space<vmem>> -> memref<16x128xf32, #tpu.memory_space<vmem>>
        tpu.enqueue_dma source(%dma_start3A_115 : memref<16x128xf32, #tpu.memory_space<vmem>>) target(%dma_start3A_112 : memref<16x128xf32, #tpu.memory_space<vmem_shared>>) target_semaphore(%run_scoped3A : memref<!tpu.dma_semaphore, #tpu.memory_space<semaphore_mem>>)
        %dma_wait3A_116 = arith.constant 0 : i32
        %dma_wait3A_117 = arith.constant 0 : i32
        %dma_wait3A_118 = tpu.memref_slice %arg6[%dma_wait3A_116, %dma_wait3A_117] : memref<128x128xf32, #tpu.memory_space<vmem>> -> memref<16x128xf32, #tpu.memory_space<vmem>>
        %dma_wait3A_119 = arith.constant 9984 : i32
        %dma_wait3A_120 = arith.constant 0 : i32
        %dma_wait3A_121 = tpu.memref_slice %arg5[%dma_wait3A_119, %dma_wait3A_120] : memref<10000x128xf32, #tpu.memory_space<vmem_shared>> -> memref<16x128xf32, #tpu.memory_space<vmem_shared>>
        %dma_wait3A_122 = arith.constant 9984 : i32
        %dma_wait3A_123 = arith.constant 0 : i32
        %dma_wait3A_124 = tpu.memref_slice %arg5[%dma_wait3A_122, %dma_wait3A_123] : memref<10000x128xf32, #tpu.memory_space<vmem_shared>> -> memref<16x128xf32, #tpu.memory_space<vmem_shared>>
        %dma_wait3A_125 = arith.constant 0 : i32
        %dma_wait3A_126 = arith.constant 0 : i32
        %dma_wait3A_127 = tpu.memref_slice %arg6[%dma_wait3A_125, %dma_wait3A_126] : memref<128x128xf32, #tpu.memory_space<vmem>> -> memref<16x128xf32, #tpu.memory_space<vmem>>
        tpu.wait_dma2 semaphore(%run_scoped3A : memref<!tpu.dma_semaphore, #tpu.memory_space<semaphore_mem>>) src(%dma_wait3A_127 : memref<16x128xf32, #tpu.memory_space<vmem>>) dst(%dma_wait3A_124 : memref<16x128xf32, #tpu.memory_space<vmem_shared>>)
        tpu.yield
      }) : () -> ()
    } else {
    }
    %barrier3A = arith.constant 0 : index
    tpu.barrier barrier_id(%barrier3A)
    %dma_start3A = arith.constant 0 : i32
    %dma_start3A_27 = arith.constant 0 : i32
    %dma_start3A_28 = arith.constant 0 : i32
    %dma_start3A_29 = arith.constant 0 : i32
    %dma_start3A_30 = tpu.memref_slice %arg3[%dma_start3A, %add3A, %dma_start3A_27, %dma_start3A_28, %dma_start3A_29] : memref<2x32x10x8x128xi32, #tpu.memory_space<hbm>> -> memref<1x1x1x8x128xi32, #tpu.memory_space<hbm>>
    %dma_start3A_31 = tpu.memref_squeeze %dma_start3A_30 : memref<1x1x1x8x128xi32, #tpu.memory_space<hbm>> -> memref<8x128xi32, #tpu.memory_space<hbm>>
    %dma_start3A_32 = arith.constant 0 : i32
    %dma_start3A_33 = arith.constant 0 : i32
    %dma_start3A_34 = tpu.memref_slice %arg3[%dma_start3A, %add3A, %dma_start3A_27, %dma_start3A_32, %dma_start3A_33] : memref<2x32x10x8x128xi32, #tpu.memory_space<hbm>> -> memref<1x1x1x8x128xi32, #tpu.memory_space<hbm>>
    %dma_start3A_35 = tpu.memref_squeeze %dma_start3A_34 : memref<1x1x1x8x128xi32, #tpu.memory_space<hbm>> -> memref<8x128xi32, #tpu.memory_space<hbm>>
    tpu.enqueue_dma source(%dma_start3A_35 : memref<8x128xi32, #tpu.memory_space<hbm>>) target(%arg8 : memref<8x128xi32, #tpu.memory_space<vmem>>) target_semaphore(%arg16 : memref<!tpu.dma_semaphore, #tpu.memory_space<semaphore_mem>>)
    %dma_start3A_36 = arith.constant 1 : i32
    %dma_start3A_37 = arith.constant 0 : i32
    %dma_start3A_38 = arith.constant 0 : i32
    %dma_start3A_39 = arith.constant 0 : i32
    %dma_start3A_40 = tpu.memref_slice %arg3[%dma_start3A_36, %add3A, %dma_start3A_37, %dma_start3A_38, %dma_start3A_39] : memref<2x32x10x8x128xi32, #tpu.memory_space<hbm>> -> memref<1x1x1x8x128xi32, #tpu.memory_space<hbm>>
    %dma_start3A_41 = tpu.memref_squeeze %dma_start3A_40 : memref<1x1x1x8x128xi32, #tpu.memory_space<hbm>> -> memref<8x128xi32, #tpu.memory_space<hbm>>
    %dma_start3A_42 = arith.constant 0 : i32
    %dma_start3A_43 = arith.constant 0 : i32
    %dma_start3A_44 = tpu.memref_slice %arg3[%dma_start3A_36, %add3A, %dma_start3A_37, %dma_start3A_42, %dma_start3A_43] : memref<2x32x10x8x128xi32, #tpu.memory_space<hbm>> -> memref<1x1x1x8x128xi32, #tpu.memory_space<hbm>>
    %dma_start3A_45 = tpu.memref_squeeze %dma_start3A_44 : memref<1x1x1x8x128xi32, #tpu.memory_space<hbm>> -> memref<8x128xi32, #tpu.memory_space<hbm>>
    tpu.enqueue_dma source(%dma_start3A_45 : memref<8x128xi32, #tpu.memory_space<hbm>>) target(%arg10 : memref<8x128xi32, #tpu.memory_space<vmem>>) target_semaphore(%arg18 : memref<!tpu.dma_semaphore, #tpu.memory_space<semaphore_mem>>)
    %dma_start3A_46 = arith.constant 0 : i32
    %dma_start3A_47 = arith.constant 1 : i32
    %dma_start3A_48 = arith.constant 0 : i32
    %dma_start3A_49 = arith.constant 0 : i32
    %dma_start3A_50 = tpu.memref_slice %arg3[%dma_start3A_46, %add3A, %dma_start3A_47, %dma_start3A_48, %dma_start3A_49] : memref<2x32x10x8x128xi32, #tpu.memory_space<hbm>> -> memref<1x1x1x8x128xi32, #tpu.memory_space<hbm>>
    %dma_start3A_51 = tpu.memref_squeeze %dma_start3A_50 : memref<1x1x1x8x128xi32, #tpu.memory_space<hbm>> -> memref<8x128xi32, #tpu.memory_space<hbm>>
    %dma_start3A_52 = arith.constant 0 : i32
    %dma_start3A_53 = arith.constant 0 : i32
    %dma_start3A_54 = tpu.memref_slice %arg3[%dma_start3A_46, %add3A, %dma_start3A_47, %dma_start3A_52, %dma_start3A_53] : memref<2x32x10x8x128xi32, #tpu.memory_space<hbm>> -> memref<1x1x1x8x128xi32, #tpu.memory_space<hbm>>
    %dma_start3A_55 = tpu.memref_squeeze %dma_start3A_54 : memref<1x1x1x8x128xi32, #tpu.memory_space<hbm>> -> memref<8x128xi32, #tpu.memory_space<hbm>>
    tpu.enqueue_dma source(%dma_start3A_55 : memref<8x128xi32, #tpu.memory_space<hbm>>) target(%arg9 : memref<8x128xi32, #tpu.memory_space<vmem>>) target_semaphore(%arg17 : memref<!tpu.dma_semaphore, #tpu.memory_space<semaphore_mem>>)
    %dma_start3A_56 = arith.constant 1 : i32
    %dma_start3A_57 = arith.constant 1 : i32
    %dma_start3A_58 = arith.constant 0 : i32
    %dma_start3A_59 = arith.constant 0 : i32
    %dma_start3A_60 = tpu.memref_slice %arg3[%dma_start3A_56, %add3A, %dma_start3A_57, %dma_start3A_58, %dma_start3A_59] : memref<2x32x10x8x128xi32, #tpu.memory_space<hbm>> -> memref<1x1x1x8x128xi32, #tpu.memory_space<hbm>>
    %dma_start3A_61 = tpu.memref_squeeze %dma_start3A_60 : memref<1x1x1x8x128xi32, #tpu.memory_space<hbm>> -> memref<8x128xi32, #tpu.memory_space<hbm>>
    %dma_start3A_62 = arith.constant 0 : i32
    %dma_start3A_63 = arith.constant 0 : i32
    %dma_start3A_64 = tpu.memref_slice %arg3[%dma_start3A_56, %add3A, %dma_start3A_57, %dma_start3A_62, %dma_start3A_63] : memref<2x32x10x8x128xi32, #tpu.memory_space<hbm>> -> memref<1x1x1x8x128xi32, #tpu.memory_space<hbm>>
    %dma_start3A_65 = tpu.memref_squeeze %dma_start3A_64 : memref<1x1x1x8x128xi32, #tpu.memory_space<hbm>> -> memref<8x128xi32, #tpu.memory_space<hbm>>
    tpu.enqueue_dma source(%dma_start3A_65 : memref<8x128xi32, #tpu.memory_space<hbm>>) target(%arg11 : memref<8x128xi32, #tpu.memory_space<vmem>>) target_semaphore(%arg19 : memref<!tpu.dma_semaphore, #tpu.memory_space<semaphore_mem>>)
    %dma_wait3A = arith.constant 0 : i32
    %dma_wait3A_66 = arith.constant 0 : i32
    %dma_wait3A_67 = arith.constant 0 : i32
    %dma_wait3A_68 = arith.constant 0 : i32
    %dma_wait3A_69 = tpu.memref_slice %arg3[%dma_wait3A, %add3A, %dma_wait3A_66, %dma_wait3A_67, %dma_wait3A_68] : memref<2x32x10x8x128xi32, #tpu.memory_space<hbm>> -> memref<1x1x1x8x128xi32, #tpu.memory_space<hbm>>
    %dma_wait3A_70 = tpu.memref_squeeze %dma_wait3A_69 : memref<1x1x1x8x128xi32, #tpu.memory_space<hbm>> -> memref<8x128xi32, #tpu.memory_space<hbm>>
    %dma_wait3A_71 = arith.constant 0 : i32
    %dma_wait3A_72 = arith.constant 0 : i32
    %dma_wait3A_73 = tpu.memref_slice %arg3[%dma_wait3A, %add3A, %dma_wait3A_66, %dma_wait3A_71, %dma_wait3A_72] : memref<2x32x10x8x128xi32, #tpu.memory_space<hbm>> -> memref<1x1x1x8x128xi32, #tpu.memory_space<hbm>>
    %dma_wait3A_74 = tpu.memref_squeeze %dma_wait3A_73 : memref<1x1x1x8x128xi32, #tpu.memory_space<hbm>> -> memref<8x128xi32, #tpu.memory_space<hbm>>
    tpu.wait_dma2 semaphore(%arg16 : memref<!tpu.dma_semaphore, #tpu.memory_space<semaphore_mem>>) src(%dma_wait3A_74 : memref<8x128xi32, #tpu.memory_space<hbm>>) dst(%arg8 : memref<8x128xi32, #tpu.memory_space<vmem>>)
    %dma_start3A_75 = arith.constant 0 : i32
    %dma_start3A_76 = arith.constant 0 : i32
    %dma_start3A_77 = tpu.memref_slice %arg8[%dma_start3A_75, %dma_start3A_76] : memref<8x128xi32, #tpu.memory_space<vmem>> -> memref<1x128xi32, #tpu.memory_space<vmem>>
    %dma_start3A_78 = tpu.memref_squeeze %dma_start3A_77 : memref<1x128xi32, #tpu.memory_space<vmem>> -> memref<128xi32, #tpu.memory_space<vmem>>
    %dma_start3A_79 = arith.constant 0 : i32
    %dma_start3A_80 = arith.constant 0 : i32
    %dma_start3A_81 = tpu.memref_slice %arg2[%dma_start3A_79, %dma_start3A_80] : memref<10128x128xf32, #tpu.memory_space<hbm>> -> memref<10128x128xf32, #tpu.memory_space<hbm>>
    tpu.enqueue_indirect_dma source(%dma_start3A_81 : memref<10128x128xf32, #tpu.memory_space<hbm>>) target(%arg6 : memref<128x128xf32, #tpu.memory_space<vmem>>) offsets(%dma_start3A_78 : memref<128xi32, #tpu.memory_space<vmem>>) semaphore(%arg12 : memref<!tpu.dma_semaphore, #tpu.memory_space<semaphore_mem>>)
    %dma_start3A_82 = arith.constant 1 : i32
    %dma_start3A_83 = arith.constant 0 : i32
    %dma_start3A_84 = tpu.memref_slice %arg8[%dma_start3A_82, %dma_start3A_83] : memref<8x128xi32, #tpu.memory_space<vmem>> -> memref<1x128xi32, #tpu.memory_space<vmem>>
    %dma_start3A_85 = tpu.memref_squeeze %dma_start3A_84 : memref<1x128xi32, #tpu.memory_space<vmem>> -> memref<128xi32, #tpu.memory_space<vmem>>
    %dma_start3A_86 = arith.constant 0 : i32
    %dma_start3A_87 = arith.constant 0 : i32
    %dma_start3A_88 = tpu.memref_slice %arg2[%dma_start3A_86, %dma_start3A_87] : memref<10128x128xf32, #tpu.memory_space<hbm>> -> memref<10128x128xf32, #tpu.memory_space<hbm>>
    tpu.enqueue_indirect_dma source(%dma_start3A_88 : memref<10128x128xf32, #tpu.memory_space<hbm>>) target(%arg7 : memref<128x128xf32, #tpu.memory_space<vmem>>) offsets(%dma_start3A_85 : memref<128xi32, #tpu.memory_space<vmem>>) semaphore(%arg13 : memref<!tpu.dma_semaphore, #tpu.memory_space<semaphore_mem>>)
    %scan3A_89 = arith.constant 0 : i32
    %scan3A_90 = arith.constant 5 : i32
    %scan3A_91 = arith.addi %scan3A_89, %scan3A_90 : i32
    %scan3A_92 = arith.constant 1 : i32
    scf.for %scan3A_104 = %scan3A_89 to %scan3A_91 step %scan3A_92  : i32 {
      %mul3A_105 = arith.constant 2 : i32
      %mul3A_106 = arith.muli %mul3A_105, %scan3A_104 : i32
      %add3A_107 = arith.constant 0 : i32
      %add3A_108 = arith.addi %mul3A_106, %add3A_107 : i32
      %dma_wait3A_109 = arith.constant 0 : i32
      %dma_wait3A_110 = arith.constant 0 : i32
      %dma_wait3A_111 = arith.constant 0 : i32
      %dma_wait3A_112 = arith.constant 0 : i32
      %dma_wait3A_113 = tpu.memref_slice %arg3[%dma_wait3A_109, %add3A, %dma_wait3A_110, %dma_wait3A_111, %dma_wait3A_112] : memref<2x32x10x8x128xi32, #tpu.memory_space<hbm>> -> memref<1x1x1x8x128xi32, #tpu.memory_space<hbm>>
      %dma_wait3A_114 = tpu.memref_squeeze %dma_wait3A_113 : memref<1x1x1x8x128xi32, #tpu.memory_space<hbm>> -> memref<8x128xi32, #tpu.memory_space<hbm>>
      %dma_wait3A_115 = arith.constant 0 : i32
      %dma_wait3A_116 = arith.constant 0 : i32
      %dma_wait3A_117 = tpu.memref_slice %arg3[%dma_wait3A_109, %add3A, %dma_wait3A_110, %dma_wait3A_115, %dma_wait3A_116] : memref<2x32x10x8x128xi32, #tpu.memory_space<hbm>> -> memref<1x1x1x8x128xi32, #tpu.memory_space<hbm>>
      %dma_wait3A_118 = tpu.memref_squeeze %dma_wait3A_117 : memref<1x1x1x8x128xi32, #tpu.memory_space<hbm>> -> memref<8x128xi32, #tpu.memory_space<hbm>>
      tpu.wait_dma2 semaphore(%arg18 : memref<!tpu.dma_semaphore, #tpu.memory_space<semaphore_mem>>) src(%dma_wait3A_118 : memref<8x128xi32, #tpu.memory_space<hbm>>) dst(%arg10 : memref<8x128xi32, #tpu.memory_space<vmem>>)
      %dma_wait3A_119 = arith.constant 0 : i32
      %dma_wait3A_120 = arith.constant 0 : i32
      %dma_wait3A_121 = tpu.memref_slice %arg8[%dma_wait3A_119, %dma_wait3A_120] : memref<8x128xi32, #tpu.memory_space<vmem>> -> memref<1x128xi32, #tpu.memory_space<vmem>>
      %dma_wait3A_122 = tpu.memref_squeeze %dma_wait3A_121 : memref<1x128xi32, #tpu.memory_space<vmem>> -> memref<128xi32, #tpu.memory_space<vmem>>
      %dma_wait3A_123 = arith.constant 0 : i32
      %dma_wait3A_124 = arith.constant 0 : i32
      %dma_wait3A_125 = tpu.memref_slice %arg2[%dma_wait3A_123, %dma_wait3A_124] : memref<10128x128xf32, #tpu.memory_space<hbm>> -> memref<10128x128xf32, #tpu.memory_space<hbm>>
      tpu.wait_indirect_dma semaphore(%arg12 : memref<!tpu.dma_semaphore, #tpu.memory_space<semaphore_mem>>) src(%dma_wait3A_125 : memref<10128x128xf32, #tpu.memory_space<hbm>>) dst(%arg6 : memref<128x128xf32, #tpu.memory_space<vmem>>)
      %dma_start3A_126 = arith.constant 0 : i32
      %dma_start3A_127 = arith.constant 0 : i32
      %dma_start3A_128 = tpu.memref_slice %arg10[%dma_start3A_126, %dma_start3A_127] : memref<8x128xi32, #tpu.memory_space<vmem>> -> memref<1x128xi32, #tpu.memory_space<vmem>>
      %dma_start3A_129 = tpu.memref_squeeze %dma_start3A_128 : memref<1x128xi32, #tpu.memory_space<vmem>> -> memref<128xi32, #tpu.memory_space<vmem>>
      %dma_start3A_130 = arith.constant 0 : i32
      %dma_start3A_131 = arith.constant 0 : i32
      %dma_start3A_132 = tpu.memref_slice %arg5[%dma_start3A_130, %dma_start3A_131] : memref<10000x128xf32, #tpu.memory_space<vmem_shared>> -> memref<10000x128xf32, #tpu.memory_space<vmem_shared>>
      tpu.enqueue_indirect_dma source(%arg6 : memref<128x128xf32, #tpu.memory_space<vmem>>) target(%dma_start3A_132 : memref<10000x128xf32, #tpu.memory_space<vmem_shared>>) offsets(%dma_start3A_129 : memref<128xi32, #tpu.memory_space<vmem>>) semaphore(%arg14 : memref<!tpu.dma_semaphore, #tpu.memory_space<semaphore_mem>>) {add = true}
      %dma_wait3A_133 = arith.constant 0 : i32
      %dma_wait3A_134 = arith.constant 0 : i32
      %dma_wait3A_135 = tpu.memref_slice %arg10[%dma_wait3A_133, %dma_wait3A_134] : memref<8x128xi32, #tpu.memory_space<vmem>> -> memref<1x128xi32, #tpu.memory_space<vmem>>
      %dma_wait3A_136 = tpu.memref_squeeze %dma_wait3A_135 : memref<1x128xi32, #tpu.memory_space<vmem>> -> memref<128xi32, #tpu.memory_space<vmem>>
      %dma_wait3A_137 = arith.constant 0 : i32
      %dma_wait3A_138 = arith.constant 0 : i32
      %dma_wait3A_139 = tpu.memref_slice %arg5[%dma_wait3A_137, %dma_wait3A_138] : memref<10000x128xf32, #tpu.memory_space<vmem_shared>> -> memref<10000x128xf32, #tpu.memory_space<vmem_shared>>
      tpu.wait_indirect_dma semaphore(%arg14 : memref<!tpu.dma_semaphore, #tpu.memory_space<semaphore_mem>>) src(%arg6 : memref<128x128xf32, #tpu.memory_space<vmem>>) dst(%dma_wait3A_139 : memref<10000x128xf32, #tpu.memory_space<vmem_shared>>)
      %dma_start3A_140 = arith.constant 2 : i32
      %dma_start3A_141 = arith.constant 0 : i32
      %dma_start3A_142 = tpu.memref_slice %arg8[%dma_start3A_140, %dma_start3A_141] : memref<8x128xi32, #tpu.memory_space<vmem>> -> memref<1x128xi32, #tpu.memory_space<vmem>>
      %dma_start3A_143 = tpu.memref_squeeze %dma_start3A_142 : memref<1x128xi32, #tpu.memory_space<vmem>> -> memref<128xi32, #tpu.memory_space<vmem>>
      %dma_start3A_144 = arith.constant 0 : i32
      %dma_start3A_145 = arith.constant 0 : i32
      %dma_start3A_146 = tpu.memref_slice %arg2[%dma_start3A_144, %dma_start3A_145] : memref<10128x128xf32, #tpu.memory_space<hbm>> -> memref<10128x128xf32, #tpu.memory_space<hbm>>
      tpu.enqueue_indirect_dma source(%dma_start3A_146 : memref<10128x128xf32, #tpu.memory_space<hbm>>) target(%arg6 : memref<128x128xf32, #tpu.memory_space<vmem>>) offsets(%dma_start3A_143 : memref<128xi32, #tpu.memory_space<vmem>>) semaphore(%arg12 : memref<!tpu.dma_semaphore, #tpu.memory_space<semaphore_mem>>)
      %dma_wait3A_147 = arith.constant 1 : i32
      %dma_wait3A_148 = arith.constant 0 : i32
      %dma_wait3A_149 = tpu.memref_slice %arg8[%dma_wait3A_147, %dma_wait3A_148] : memref<8x128xi32, #tpu.memory_space<vmem>> -> memref<1x128xi32, #tpu.memory_space<vmem>>
      %dma_wait3A_150 = tpu.memref_squeeze %dma_wait3A_149 : memref<1x128xi32, #tpu.memory_space<vmem>> -> memref<128xi32, #tpu.memory_space<vmem>>
      %dma_wait3A_151 = arith.constant 0 : i32
      %dma_wait3A_152 = arith.constant 0 : i32
      %dma_wait3A_153 = tpu.memref_slice %arg2[%dma_wait3A_151, %dma_wait3A_152] : memref<10128x128xf32, #tpu.memory_space<hbm>> -> memref<10128x128xf32, #tpu.memory_space<hbm>>
      tpu.wait_indirect_dma semaphore(%arg13 : memref<!tpu.dma_semaphore, #tpu.memory_space<semaphore_mem>>) src(%dma_wait3A_153 : memref<10128x128xf32, #tpu.memory_space<hbm>>) dst(%arg7 : memref<128x128xf32, #tpu.memory_space<vmem>>)
      %dma_start3A_154 = arith.constant 1 : i32
      %dma_start3A_155 = arith.constant 0 : i32
      %dma_start3A_156 = tpu.memref_slice %arg10[%dma_start3A_154, %dma_start3A_155] : memref<8x128xi32, #tpu.memory_space<vmem>> -> memref<1x128xi32, #tpu.memory_space<vmem>>
      %dma_start3A_157 = tpu.memref_squeeze %dma_start3A_156 : memref<1x128xi32, #tpu.memory_space<vmem>> -> memref<128xi32, #tpu.memory_space<vmem>>
      %dma_start3A_158 = arith.constant 0 : i32
      %dma_start3A_159 = arith.constant 0 : i32
      %dma_start3A_160 = tpu.memref_slice %arg5[%dma_start3A_158, %dma_start3A_159] : memref<10000x128xf32, #tpu.memory_space<vmem_shared>> -> memref<10000x128xf32, #tpu.memory_space<vmem_shared>>
      tpu.enqueue_indirect_dma source(%arg7 : memref<128x128xf32, #tpu.memory_space<vmem>>) target(%dma_start3A_160 : memref<10000x128xf32, #tpu.memory_space<vmem_shared>>) offsets(%dma_start3A_157 : memref<128xi32, #tpu.memory_space<vmem>>) semaphore(%arg15 : memref<!tpu.dma_semaphore, #tpu.memory_space<semaphore_mem>>) {add = true}
      %dma_wait3A_161 = arith.constant 1 : i32
      %dma_wait3A_162 = arith.constant 0 : i32
      %dma_wait3A_163 = tpu.memref_slice %arg10[%dma_wait3A_161, %dma_wait3A_162] : memref<8x128xi32, #tpu.memory_space<vmem>> -> memref<1x128xi32, #tpu.memory_space<vmem>>
      %dma_wait3A_164 = tpu.memref_squeeze %dma_wait3A_163 : memref<1x128xi32, #tpu.memory_space<vmem>> -> memref<128xi32, #tpu.memory_space<vmem>>
      %dma_wait3A_165 = arith.constant 0 : i32
      %dma_wait3A_166 = arith.constant 0 : i32
      %dma_wait3A_167 = tpu.memref_slice %arg5[%dma_wait3A_165, %dma_wait3A_166] : memref<10000x128xf32, #tpu.memory_space<vmem_shared>> -> memref<10000x128xf32, #tpu.memory_space<vmem_shared>>
      tpu.wait_indirect_dma semaphore(%arg15 : memref<!tpu.dma_semaphore, #tpu.memory_space<semaphore_mem>>) src(%arg7 : memref<128x128xf32, #tpu.memory_space<vmem>>) dst(%dma_wait3A_167 : memref<10000x128xf32, #tpu.memory_space<vmem_shared>>)
      %dma_start3A_168 = arith.constant 3 : i32
      %dma_start3A_169 = arith.constant 0 : i32
      %dma_start3A_170 = tpu.memref_slice %arg8[%dma_start3A_168, %dma_start3A_169] : memref<8x128xi32, #tpu.memory_space<vmem>> -> memref<1x128xi32, #tpu.memory_space<vmem>>
      %dma_start3A_171 = tpu.memref_squeeze %dma_start3A_170 : memref<1x128xi32, #tpu.memory_space<vmem>> -> memref<128xi32, #tpu.memory_space<vmem>>
      %dma_start3A_172 = arith.constant 0 : i32
      %dma_start3A_173 = arith.constant 0 : i32
      %dma_start3A_174 = tpu.memref_slice %arg2[%dma_start3A_172, %dma_start3A_173] : memref<10128x128xf32, #tpu.memory_space<hbm>> -> memref<10128x128xf32, #tpu.memory_space<hbm>>
      tpu.enqueue_indirect_dma source(%dma_start3A_174 : memref<10128x128xf32, #tpu.memory_space<hbm>>) target(%arg7 : memref<128x128xf32, #tpu.memory_space<vmem>>) offsets(%dma_start3A_171 : memref<128xi32, #tpu.memory_space<vmem>>) semaphore(%arg13 : memref<!tpu.dma_semaphore, #tpu.memory_space<semaphore_mem>>)
      %dma_wait3A_175 = arith.constant 2 : i32
      %dma_wait3A_176 = arith.constant 0 : i32
      %dma_wait3A_177 = tpu.memref_slice %arg8[%dma_wait3A_175, %dma_wait3A_176] : memref<8x128xi32, #tpu.memory_space<vmem>> -> memref<1x128xi32, #tpu.memory_space<vmem>>
      %dma_wait3A_178 = tpu.memref_squeeze %dma_wait3A_177 : memref<1x128xi32, #tpu.memory_space<vmem>> -> memref<128xi32, #tpu.memory_space<vmem>>
      %dma_wait3A_179 = arith.constant 0 : i32
      %dma_wait3A_180 = arith.constant 0 : i32
      %dma_wait3A_181 = tpu.memref_slice %arg2[%dma_wait3A_179, %dma_wait3A_180] : memref<10128x128xf32, #tpu.memory_space<hbm>> -> memref<10128x128xf32, #tpu.memory_space<hbm>>
      tpu.wait_indirect_dma semaphore(%arg12 : memref<!tpu.dma_semaphore, #tpu.memory_space<semaphore_mem>>) src(%dma_wait3A_181 : memref<10128x128xf32, #tpu.memory_space<hbm>>) dst(%arg6 : memref<128x128xf32, #tpu.memory_space<vmem>>)
      %dma_start3A_182 = arith.constant 2 : i32
      %dma_start3A_183 = arith.constant 0 : i32
      %dma_start3A_184 = tpu.memref_slice %arg10[%dma_start3A_182, %dma_start3A_183] : memref<8x128xi32, #tpu.memory_space<vmem>> -> memref<1x128xi32, #tpu.memory_space<vmem>>
      %dma_start3A_185 = tpu.memref_squeeze %dma_start3A_184 : memref<1x128xi32, #tpu.memory_space<vmem>> -> memref<128xi32, #tpu.memory_space<vmem>>
      %dma_start3A_186 = arith.constant 0 : i32
      %dma_start3A_187 = arith.constant 0 : i32
      %dma_start3A_188 = tpu.memref_slice %arg5[%dma_start3A_186, %dma_start3A_187] : memref<10000x128xf32, #tpu.memory_space<vmem_shared>> -> memref<10000x128xf32, #tpu.memory_space<vmem_shared>>
      tpu.enqueue_indirect_dma source(%arg6 : memref<128x128xf32, #tpu.memory_space<vmem>>) target(%dma_start3A_188 : memref<10000x128xf32, #tpu.memory_space<vmem_shared>>) offsets(%dma_start3A_185 : memref<128xi32, #tpu.memory_space<vmem>>) semaphore(%arg14 : memref<!tpu.dma_semaphore, #tpu.memory_space<semaphore_mem>>) {add = true}
      %dma_wait3A_189 = arith.constant 2 : i32
      %dma_wait3A_190 = arith.constant 0 : i32
      %dma_wait3A_191 = tpu.memref_slice %arg10[%dma_wait3A_189, %dma_wait3A_190] : memref<8x128xi32, #tpu.memory_space<vmem>> -> memref<1x128xi32, #tpu.memory_space<vmem>>
      %dma_wait3A_192 = tpu.memref_squeeze %dma_wait3A_191 : memref<1x128xi32, #tpu.memory_space<vmem>> -> memref<128xi32, #tpu.memory_space<vmem>>
      %dma_wait3A_193 = arith.constant 0 : i32
      %dma_wait3A_194 = arith.constant 0 : i32
      %dma_wait3A_195 = tpu.memref_slice %arg5[%dma_wait3A_193, %dma_wait3A_194] : memref<10000x128xf32, #tpu.memory_space<vmem_shared>> -> memref<10000x128xf32, #tpu.memory_space<vmem_shared>>
      tpu.wait_indirect_dma semaphore(%arg14 : memref<!tpu.dma_semaphore, #tpu.memory_space<semaphore_mem>>) src(%arg6 : memref<128x128xf32, #tpu.memory_space<vmem>>) dst(%dma_wait3A_195 : memref<10000x128xf32, #tpu.memory_space<vmem_shared>>)
      %dma_start3A_196 = arith.constant 4 : i32
      %dma_start3A_197 = arith.constant 0 : i32
      %dma_start3A_198 = tpu.memref_slice %arg8[%dma_start3A_196, %dma_start3A_197] : memref<8x128xi32, #tpu.memory_space<vmem>> -> memref<1x128xi32, #tpu.memory_space<vmem>>
      %dma_start3A_199 = tpu.memref_squeeze %dma_start3A_198 : memref<1x128xi32, #tpu.memory_space<vmem>> -> memref<128xi32, #tpu.memory_space<vmem>>
      %dma_start3A_200 = arith.constant 0 : i32
      %dma_start3A_201 = arith.constant 0 : i32
      %dma_start3A_202 = tpu.memref_slice %arg2[%dma_start3A_200, %dma_start3A_201] : memref<10128x128xf32, #tpu.memory_space<hbm>> -> memref<10128x128xf32, #tpu.memory_space<hbm>>
      tpu.enqueue_indirect_dma source(%dma_start3A_202 : memref<10128x128xf32, #tpu.memory_space<hbm>>) target(%arg6 : memref<128x128xf32, #tpu.memory_space<vmem>>) offsets(%dma_start3A_199 : memref<128xi32, #tpu.memory_space<vmem>>) semaphore(%arg12 : memref<!tpu.dma_semaphore, #tpu.memory_space<semaphore_mem>>)
      %dma_wait3A_203 = arith.constant 3 : i32
      %dma_wait3A_204 = arith.constant 0 : i32
      %dma_wait3A_205 = tpu.memref_slice %arg8[%dma_wait3A_203, %dma_wait3A_204] : memref<8x128xi32, #tpu.memory_space<vmem>> -> memref<1x128xi32, #tpu.memory_space<vmem>>
      %dma_wait3A_206 = tpu.memref_squeeze %dma_wait3A_205 : memref<1x128xi32, #tpu.memory_space<vmem>> -> memref<128xi32, #tpu.memory_space<vmem>>
      %dma_wait3A_207 = arith.constant 0 : i32
      %dma_wait3A_208 = arith.constant 0 : i32
      %dma_wait3A_209 = tpu.memref_slice %arg2[%dma_wait3A_207, %dma_wait3A_208] : memref<10128x128xf32, #tpu.memory_space<hbm>> -> memref<10128x128xf32, #tpu.memory_space<hbm>>
      tpu.wait_indirect_dma semaphore(%arg13 : memref<!tpu.dma_semaphore, #tpu.memory_space<semaphore_mem>>) src(%dma_wait3A_209 : memref<10128x128xf32, #tpu.memory_space<hbm>>) dst(%arg7 : memref<128x128xf32, #tpu.memory_space<vmem>>)
      %dma_start3A_210 = arith.constant 3 : i32
      %dma_start3A_211 = arith.constant 0 : i32
      %dma_start3A_212 = tpu.memref_slice %arg10[%dma_start3A_210, %dma_start3A_211] : memref<8x128xi32, #tpu.memory_space<vmem>> -> memref<1x128xi32, #tpu.memory_space<vmem>>
      %dma_start3A_213 = tpu.memref_squeeze %dma_start3A_212 : memref<1x128xi32, #tpu.memory_space<vmem>> -> memref<128xi32, #tpu.memory_space<vmem>>
      %dma_start3A_214 = arith.constant 0 : i32
      %dma_start3A_215 = arith.constant 0 : i32
      %dma_start3A_216 = tpu.memref_slice %arg5[%dma_start3A_214, %dma_start3A_215] : memref<10000x128xf32, #tpu.memory_space<vmem_shared>> -> memref<10000x128xf32, #tpu.memory_space<vmem_shared>>
      tpu.enqueue_indirect_dma source(%arg7 : memref<128x128xf32, #tpu.memory_space<vmem>>) target(%dma_start3A_216 : memref<10000x128xf32, #tpu.memory_space<vmem_shared>>) offsets(%dma_start3A_213 : memref<128xi32, #tpu.memory_space<vmem>>) semaphore(%arg15 : memref<!tpu.dma_semaphore, #tpu.memory_space<semaphore_mem>>) {add = true}
      %dma_wait3A_217 = arith.constant 3 : i32
      %dma_wait3A_218 = arith.constant 0 : i32
      %dma_wait3A_219 = tpu.memref_slice %arg10[%dma_wait3A_217, %dma_wait3A_218] : memref<8x128xi32, #tpu.memory_space<vmem>> -> memref<1x128xi32, #tpu.memory_space<vmem>>
      %dma_wait3A_220 = tpu.memref_squeeze %dma_wait3A_219 : memref<1x128xi32, #tpu.memory_space<vmem>> -> memref<128xi32, #tpu.memory_space<vmem>>
      %dma_wait3A_221 = arith.constant 0 : i32
      %dma_wait3A_222 = arith.constant 0 : i32
      %dma_wait3A_223 = tpu.memref_slice %arg5[%dma_wait3A_221, %dma_wait3A_222] : memref<10000x128xf32, #tpu.memory_space<vmem_shared>> -> memref<10000x128xf32, #tpu.memory_space<vmem_shared>>
      tpu.wait_indirect_dma semaphore(%arg15 : memref<!tpu.dma_semaphore, #tpu.memory_space<semaphore_mem>>) src(%arg7 : memref<128x128xf32, #tpu.memory_space<vmem>>) dst(%dma_wait3A_223 : memref<10000x128xf32, #tpu.memory_space<vmem_shared>>)
      %dma_start3A_224 = arith.constant 5 : i32
      %dma_start3A_225 = arith.constant 0 : i32
      %dma_start3A_226 = tpu.memref_slice %arg8[%dma_start3A_224, %dma_start3A_225] : memref<8x128xi32, #tpu.memory_space<vmem>> -> memref<1x128xi32, #tpu.memory_space<vmem>>
      %dma_start3A_227 = tpu.memref_squeeze %dma_start3A_226 : memref<1x128xi32, #tpu.memory_space<vmem>> -> memref<128xi32, #tpu.memory_space<vmem>>
      %dma_start3A_228 = arith.constant 0 : i32
      %dma_start3A_229 = arith.constant 0 : i32
      %dma_start3A_230 = tpu.memref_slice %arg2[%dma_start3A_228, %dma_start3A_229] : memref<10128x128xf32, #tpu.memory_space<hbm>> -> memref<10128x128xf32, #tpu.memory_space<hbm>>
      tpu.enqueue_indirect_dma source(%dma_start3A_230 : memref<10128x128xf32, #tpu.memory_space<hbm>>) target(%arg7 : memref<128x128xf32, #tpu.memory_space<vmem>>) offsets(%dma_start3A_227 : memref<128xi32, #tpu.memory_space<vmem>>) semaphore(%arg13 : memref<!tpu.dma_semaphore, #tpu.memory_space<semaphore_mem>>)
      %dma_wait3A_231 = arith.constant 4 : i32
      %dma_wait3A_232 = arith.constant 0 : i32
      %dma_wait3A_233 = tpu.memref_slice %arg8[%dma_wait3A_231, %dma_wait3A_232] : memref<8x128xi32, #tpu.memory_space<vmem>> -> memref<1x128xi32, #tpu.memory_space<vmem>>
      %dma_wait3A_234 = tpu.memref_squeeze %dma_wait3A_233 : memref<1x128xi32, #tpu.memory_space<vmem>> -> memref<128xi32, #tpu.memory_space<vmem>>
      %dma_wait3A_235 = arith.constant 0 : i32
      %dma_wait3A_236 = arith.constant 0 : i32
      %dma_wait3A_237 = tpu.memref_slice %arg2[%dma_wait3A_235, %dma_wait3A_236] : memref<10128x128xf32, #tpu.memory_space<hbm>> -> memref<10128x128xf32, #tpu.memory_space<hbm>>
      tpu.wait_indirect_dma semaphore(%arg12 : memref<!tpu.dma_semaphore, #tpu.memory_space<semaphore_mem>>) src(%dma_wait3A_237 : memref<10128x128xf32, #tpu.memory_space<hbm>>) dst(%arg6 : memref<128x128xf32, #tpu.memory_space<vmem>>)
      %dma_start3A_238 = arith.constant 4 : i32
      %dma_start3A_239 = arith.constant 0 : i32
      %dma_start3A_240 = tpu.memref_slice %arg10[%dma_start3A_238, %dma_start3A_239] : memref<8x128xi32, #tpu.memory_space<vmem>> -> memref<1x128xi32, #tpu.memory_space<vmem>>
      %dma_start3A_241 = tpu.memref_squeeze %dma_start3A_240 : memref<1x128xi32, #tpu.memory_space<vmem>> -> memref<128xi32, #tpu.memory_space<vmem>>
      %dma_start3A_242 = arith.constant 0 : i32
      %dma_start3A_243 = arith.constant 0 : i32
      %dma_start3A_244 = tpu.memref_slice %arg5[%dma_start3A_242, %dma_start3A_243] : memref<10000x128xf32, #tpu.memory_space<vmem_shared>> -> memref<10000x128xf32, #tpu.memory_space<vmem_shared>>
      tpu.enqueue_indirect_dma source(%arg6 : memref<128x128xf32, #tpu.memory_space<vmem>>) target(%dma_start3A_244 : memref<10000x128xf32, #tpu.memory_space<vmem_shared>>) offsets(%dma_start3A_241 : memref<128xi32, #tpu.memory_space<vmem>>) semaphore(%arg14 : memref<!tpu.dma_semaphore, #tpu.memory_space<semaphore_mem>>) {add = true}
      %dma_wait3A_245 = arith.constant 4 : i32
      %dma_wait3A_246 = arith.constant 0 : i32
      %dma_wait3A_247 = tpu.memref_slice %arg10[%dma_wait3A_245, %dma_wait3A_246] : memref<8x128xi32, #tpu.memory_space<vmem>> -> memref<1x128xi32, #tpu.memory_space<vmem>>
      %dma_wait3A_248 = tpu.memref_squeeze %dma_wait3A_247 : memref<1x128xi32, #tpu.memory_space<vmem>> -> memref<128xi32, #tpu.memory_space<vmem>>
      %dma_wait3A_249 = arith.constant 0 : i32
      %dma_wait3A_250 = arith.constant 0 : i32
      %dma_wait3A_251 = tpu.memref_slice %arg5[%dma_wait3A_249, %dma_wait3A_250] : memref<10000x128xf32, #tpu.memory_space<vmem_shared>> -> memref<10000x128xf32, #tpu.memory_space<vmem_shared>>
      tpu.wait_indirect_dma semaphore(%arg14 : memref<!tpu.dma_semaphore, #tpu.memory_space<semaphore_mem>>) src(%arg6 : memref<128x128xf32, #tpu.memory_space<vmem>>) dst(%dma_wait3A_251 : memref<10000x128xf32, #tpu.memory_space<vmem_shared>>)
      %dma_start3A_252 = arith.constant 6 : i32
      %dma_start3A_253 = arith.constant 0 : i32
      %dma_start3A_254 = tpu.memref_slice %arg8[%dma_start3A_252, %dma_start3A_253] : memref<8x128xi32, #tpu.memory_space<vmem>> -> memref<1x128xi32, #tpu.memory_space<vmem>>
      %dma_start3A_255 = tpu.memref_squeeze %dma_start3A_254 : memref<1x128xi32, #tpu.memory_space<vmem>> -> memref<128xi32, #tpu.memory_space<vmem>>
      %dma_start3A_256 = arith.constant 0 : i32
      %dma_start3A_257 = arith.constant 0 : i32
      %dma_start3A_258 = tpu.memref_slice %arg2[%dma_start3A_256, %dma_start3A_257] : memref<10128x128xf32, #tpu.memory_space<hbm>> -> memref<10128x128xf32, #tpu.memory_space<hbm>>
      tpu.enqueue_indirect_dma source(%dma_start3A_258 : memref<10128x128xf32, #tpu.memory_space<hbm>>) target(%arg6 : memref<128x128xf32, #tpu.memory_space<vmem>>) offsets(%dma_start3A_255 : memref<128xi32, #tpu.memory_space<vmem>>) semaphore(%arg12 : memref<!tpu.dma_semaphore, #tpu.memory_space<semaphore_mem>>)
      %dma_wait3A_259 = arith.constant 5 : i32
      %dma_wait3A_260 = arith.constant 0 : i32
      %dma_wait3A_261 = tpu.memref_slice %arg8[%dma_wait3A_259, %dma_wait3A_260] : memref<8x128xi32, #tpu.memory_space<vmem>> -> memref<1x128xi32, #tpu.memory_space<vmem>>
      %dma_wait3A_262 = tpu.memref_squeeze %dma_wait3A_261 : memref<1x128xi32, #tpu.memory_space<vmem>> -> memref<128xi32, #tpu.memory_space<vmem>>
      %dma_wait3A_263 = arith.constant 0 : i32
      %dma_wait3A_264 = arith.constant 0 : i32
      %dma_wait3A_265 = tpu.memref_slice %arg2[%dma_wait3A_263, %dma_wait3A_264] : memref<10128x128xf32, #tpu.memory_space<hbm>> -> memref<10128x128xf32, #tpu.memory_space<hbm>>
      tpu.wait_indirect_dma semaphore(%arg13 : memref<!tpu.dma_semaphore, #tpu.memory_space<semaphore_mem>>) src(%dma_wait3A_265 : memref<10128x128xf32, #tpu.memory_space<hbm>>) dst(%arg7 : memref<128x128xf32, #tpu.memory_space<vmem>>)
      %dma_start3A_266 = arith.constant 5 : i32
      %dma_start3A_267 = arith.constant 0 : i32
      %dma_start3A_268 = tpu.memref_slice %arg10[%dma_start3A_266, %dma_start3A_267] : memref<8x128xi32, #tpu.memory_space<vmem>> -> memref<1x128xi32, #tpu.memory_space<vmem>>
      %dma_start3A_269 = tpu.memref_squeeze %dma_start3A_268 : memref<1x128xi32, #tpu.memory_space<vmem>> -> memref<128xi32, #tpu.memory_space<vmem>>
      %dma_start3A_270 = arith.constant 0 : i32
      %dma_start3A_271 = arith.constant 0 : i32
      %dma_start3A_272 = tpu.memref_slice %arg5[%dma_start3A_270, %dma_start3A_271] : memref<10000x128xf32, #tpu.memory_space<vmem_shared>> -> memref<10000x128xf32, #tpu.memory_space<vmem_shared>>
      tpu.enqueue_indirect_dma source(%arg7 : memref<128x128xf32, #tpu.memory_space<vmem>>) target(%dma_start3A_272 : memref<10000x128xf32, #tpu.memory_space<vmem_shared>>) offsets(%dma_start3A_269 : memref<128xi32, #tpu.memory_space<vmem>>) semaphore(%arg15 : memref<!tpu.dma_semaphore, #tpu.memory_space<semaphore_mem>>) {add = true}
      %dma_wait3A_273 = arith.constant 5 : i32
      %dma_wait3A_274 = arith.constant 0 : i32
      %dma_wait3A_275 = tpu.memref_slice %arg10[%dma_wait3A_273, %dma_wait3A_274] : memref<8x128xi32, #tpu.memory_space<vmem>> -> memref<1x128xi32, #tpu.memory_space<vmem>>
      %dma_wait3A_276 = tpu.memref_squeeze %dma_wait3A_275 : memref<1x128xi32, #tpu.memory_space<vmem>> -> memref<128xi32, #tpu.memory_space<vmem>>
      %dma_wait3A_277 = arith.constant 0 : i32
      %dma_wait3A_278 = arith.constant 0 : i32
      %dma_wait3A_279 = tpu.memref_slice %arg5[%dma_wait3A_277, %dma_wait3A_278] : memref<10000x128xf32, #tpu.memory_space<vmem_shared>> -> memref<10000x128xf32, #tpu.memory_space<vmem_shared>>
      tpu.wait_indirect_dma semaphore(%arg15 : memref<!tpu.dma_semaphore, #tpu.memory_space<semaphore_mem>>) src(%arg7 : memref<128x128xf32, #tpu.memory_space<vmem>>) dst(%dma_wait3A_279 : memref<10000x128xf32, #tpu.memory_space<vmem_shared>>)
      %dma_start3A_280 = arith.constant 7 : i32
      %dma_start3A_281 = arith.constant 0 : i32
      %dma_start3A_282 = tpu.memref_slice %arg8[%dma_start3A_280, %dma_start3A_281] : memref<8x128xi32, #tpu.memory_space<vmem>> -> memref<1x128xi32, #tpu.memory_space<vmem>>
      %dma_start3A_283 = tpu.memref_squeeze %dma_start3A_282 : memref<1x128xi32, #tpu.memory_space<vmem>> -> memref<128xi32, #tpu.memory_space<vmem>>
      %dma_start3A_284 = arith.constant 0 : i32
      %dma_start3A_285 = arith.constant 0 : i32
      %dma_start3A_286 = tpu.memref_slice %arg2[%dma_start3A_284, %dma_start3A_285] : memref<10128x128xf32, #tpu.memory_space<hbm>> -> memref<10128x128xf32, #tpu.memory_space<hbm>>
      tpu.enqueue_indirect_dma source(%dma_start3A_286 : memref<10128x128xf32, #tpu.memory_space<hbm>>) target(%arg7 : memref<128x128xf32, #tpu.memory_space<vmem>>) offsets(%dma_start3A_283 : memref<128xi32, #tpu.memory_space<vmem>>) semaphore(%arg13 : memref<!tpu.dma_semaphore, #tpu.memory_space<semaphore_mem>>)
      %dma_wait3A_287 = arith.constant 6 : i32
      %dma_wait3A_288 = arith.constant 0 : i32
      %dma_wait3A_289 = tpu.memref_slice %arg8[%dma_wait3A_287, %dma_wait3A_288] : memref<8x128xi32, #tpu.memory_space<vmem>> -> memref<1x128xi32, #tpu.memory_space<vmem>>
      %dma_wait3A_290 = tpu.memref_squeeze %dma_wait3A_289 : memref<1x128xi32, #tpu.memory_space<vmem>> -> memref<128xi32, #tpu.memory_space<vmem>>
      %dma_wait3A_291 = arith.constant 0 : i32
      %dma_wait3A_292 = arith.constant 0 : i32
      %dma_wait3A_293 = tpu.memref_slice %arg2[%dma_wait3A_291, %dma_wait3A_292] : memref<10128x128xf32, #tpu.memory_space<hbm>> -> memref<10128x128xf32, #tpu.memory_space<hbm>>
      tpu.wait_indirect_dma semaphore(%arg12 : memref<!tpu.dma_semaphore, #tpu.memory_space<semaphore_mem>>) src(%dma_wait3A_293 : memref<10128x128xf32, #tpu.memory_space<hbm>>) dst(%arg6 : memref<128x128xf32, #tpu.memory_space<vmem>>)
      %dma_start3A_294 = arith.constant 6 : i32
      %dma_start3A_295 = arith.constant 0 : i32
      %dma_start3A_296 = tpu.memref_slice %arg10[%dma_start3A_294, %dma_start3A_295] : memref<8x128xi32, #tpu.memory_space<vmem>> -> memref<1x128xi32, #tpu.memory_space<vmem>>
      %dma_start3A_297 = tpu.memref_squeeze %dma_start3A_296 : memref<1x128xi32, #tpu.memory_space<vmem>> -> memref<128xi32, #tpu.memory_space<vmem>>
      %dma_start3A_298 = arith.constant 0 : i32
      %dma_start3A_299 = arith.constant 0 : i32
      %dma_start3A_300 = tpu.memref_slice %arg5[%dma_start3A_298, %dma_start3A_299] : memref<10000x128xf32, #tpu.memory_space<vmem_shared>> -> memref<10000x128xf32, #tpu.memory_space<vmem_shared>>
      tpu.enqueue_indirect_dma source(%arg6 : memref<128x128xf32, #tpu.memory_space<vmem>>) target(%dma_start3A_300 : memref<10000x128xf32, #tpu.memory_space<vmem_shared>>) offsets(%dma_start3A_297 : memref<128xi32, #tpu.memory_space<vmem>>) semaphore(%arg14 : memref<!tpu.dma_semaphore, #tpu.memory_space<semaphore_mem>>) {add = true}
      %dma_wait3A_301 = arith.constant 6 : i32
      %dma_wait3A_302 = arith.constant 0 : i32
      %dma_wait3A_303 = tpu.memref_slice %arg10[%dma_wait3A_301, %dma_wait3A_302] : memref<8x128xi32, #tpu.memory_space<vmem>> -> memref<1x128xi32, #tpu.memory_space<vmem>>
      %dma_wait3A_304 = tpu.memref_squeeze %dma_wait3A_303 : memref<1x128xi32, #tpu.memory_space<vmem>> -> memref<128xi32, #tpu.memory_space<vmem>>
      %dma_wait3A_305 = arith.constant 0 : i32
      %dma_wait3A_306 = arith.constant 0 : i32
      %dma_wait3A_307 = tpu.memref_slice %arg5[%dma_wait3A_305, %dma_wait3A_306] : memref<10000x128xf32, #tpu.memory_space<vmem_shared>> -> memref<10000x128xf32, #tpu.memory_space<vmem_shared>>
      tpu.wait_indirect_dma semaphore(%arg14 : memref<!tpu.dma_semaphore, #tpu.memory_space<semaphore_mem>>) src(%arg6 : memref<128x128xf32, #tpu.memory_space<vmem>>) dst(%dma_wait3A_307 : memref<10000x128xf32, #tpu.memory_space<vmem_shared>>)
      %add3A_308 = arith.constant 1 : i32
      %add3A_309 = arith.addi %add3A_108, %add3A_308 : i32
      %lt3A = arith.constant 10 : i32
      %lt3A_310 = arith.cmpi slt, %add3A_309, %lt3A : i32
      %convert_element_type3A_311 = arith.extui %lt3A_310 : i1 to i32
      %cond3A_312 = arith.constant 0 : i32
      %cond3A_313 = arith.cmpi ne, %convert_element_type3A_311, %cond3A_312 : i32
      scf.if %cond3A_313 {
        %dma_wait3A_594 = arith.constant 0 : i32
        %dma_wait3A_595 = arith.constant 0 : i32
        %dma_wait3A_596 = arith.constant 0 : i32
        %dma_wait3A_597 = arith.constant 0 : i32
        %dma_wait3A_598 = tpu.memref_slice %arg3[%dma_wait3A_594, %add3A, %dma_wait3A_595, %dma_wait3A_596, %dma_wait3A_597] : memref<2x32x10x8x128xi32, #tpu.memory_space<hbm>> -> memref<1x1x1x8x128xi32, #tpu.memory_space<hbm>>
        %dma_wait3A_599 = tpu.memref_squeeze %dma_wait3A_598 : memref<1x1x1x8x128xi32, #tpu.memory_space<hbm>> -> memref<8x128xi32, #tpu.memory_space<hbm>>
        %dma_wait3A_600 = arith.constant 0 : i32
        %dma_wait3A_601 = arith.constant 0 : i32
        %dma_wait3A_602 = tpu.memref_slice %arg3[%dma_wait3A_594, %add3A, %dma_wait3A_595, %dma_wait3A_600, %dma_wait3A_601] : memref<2x32x10x8x128xi32, #tpu.memory_space<hbm>> -> memref<1x1x1x8x128xi32, #tpu.memory_space<hbm>>
        %dma_wait3A_603 = tpu.memref_squeeze %dma_wait3A_602 : memref<1x1x1x8x128xi32, #tpu.memory_space<hbm>> -> memref<8x128xi32, #tpu.memory_space<hbm>>
        tpu.wait_dma2 semaphore(%arg17 : memref<!tpu.dma_semaphore, #tpu.memory_space<semaphore_mem>>) src(%dma_wait3A_603 : memref<8x128xi32, #tpu.memory_space<hbm>>) dst(%arg9 : memref<8x128xi32, #tpu.memory_space<vmem>>)
        %dma_start3A_604 = arith.constant 0 : i32
        %dma_start3A_605 = arith.constant 0 : i32
        %dma_start3A_606 = tpu.memref_slice %arg9[%dma_start3A_604, %dma_start3A_605] : memref<8x128xi32, #tpu.memory_space<vmem>> -> memref<1x128xi32, #tpu.memory_space<vmem>>
        %dma_start3A_607 = tpu.memref_squeeze %dma_start3A_606 : memref<1x128xi32, #tpu.memory_space<vmem>> -> memref<128xi32, #tpu.memory_space<vmem>>
        %dma_start3A_608 = arith.constant 0 : i32
        %dma_start3A_609 = arith.constant 0 : i32
        %dma_start3A_610 = tpu.memref_slice %arg2[%dma_start3A_608, %dma_start3A_609] : memref<10128x128xf32, #tpu.memory_space<hbm>> -> memref<10128x128xf32, #tpu.memory_space<hbm>>
        tpu.enqueue_indirect_dma source(%dma_start3A_610 : memref<10128x128xf32, #tpu.memory_space<hbm>>) target(%arg6 : memref<128x128xf32, #tpu.memory_space<vmem>>) offsets(%dma_start3A_607 : memref<128xi32, #tpu.memory_space<vmem>>) semaphore(%arg12 : memref<!tpu.dma_semaphore, #tpu.memory_space<semaphore_mem>>)
      } else {
      }
      %dma_wait3A_314 = arith.constant 7 : i32
      %dma_wait3A_315 = arith.constant 0 : i32
      %dma_wait3A_316 = tpu.memref_slice %arg8[%dma_wait3A_314, %dma_wait3A_315] : memref<8x128xi32, #tpu.memory_space<vmem>> -> memref<1x128xi32, #tpu.memory_space<vmem>>
      %dma_wait3A_317 = tpu.memref_squeeze %dma_wait3A_316 : memref<1x128xi32, #tpu.memory_space<vmem>> -> memref<128xi32, #tpu.memory_space<vmem>>
      %dma_wait3A_318 = arith.constant 0 : i32
      %dma_wait3A_319 = arith.constant 0 : i32
      %dma_wait3A_320 = tpu.memref_slice %arg2[%dma_wait3A_318, %dma_wait3A_319] : memref<10128x128xf32, #tpu.memory_space<hbm>> -> memref<10128x128xf32, #tpu.memory_space<hbm>>
      tpu.wait_indirect_dma semaphore(%arg13 : memref<!tpu.dma_semaphore, #tpu.memory_space<semaphore_mem>>) src(%dma_wait3A_320 : memref<10128x128xf32, #tpu.memory_space<hbm>>) dst(%arg7 : memref<128x128xf32, #tpu.memory_space<vmem>>)
      %dma_start3A_321 = arith.constant 7 : i32
      %dma_start3A_322 = arith.constant 0 : i32
      %dma_start3A_323 = tpu.memref_slice %arg10[%dma_start3A_321, %dma_start3A_322] : memref<8x128xi32, #tpu.memory_space<vmem>> -> memref<1x128xi32, #tpu.memory_space<vmem>>
      %dma_start3A_324 = tpu.memref_squeeze %dma_start3A_323 : memref<1x128xi32, #tpu.memory_space<vmem>> -> memref<128xi32, #tpu.memory_space<vmem>>
      %dma_start3A_325 = arith.constant 0 : i32
      %dma_start3A_326 = arith.constant 0 : i32
      %dma_start3A_327 = tpu.memref_slice %arg5[%dma_start3A_325, %dma_start3A_326] : memref<10000x128xf32, #tpu.memory_space<vmem_shared>> -> memref<10000x128xf32, #tpu.memory_space<vmem_shared>>
      tpu.enqueue_indirect_dma source(%arg7 : memref<128x128xf32, #tpu.memory_space<vmem>>) target(%dma_start3A_327 : memref<10000x128xf32, #tpu.memory_space<vmem_shared>>) offsets(%dma_start3A_324 : memref<128xi32, #tpu.memory_space<vmem>>) semaphore(%arg15 : memref<!tpu.dma_semaphore, #tpu.memory_space<semaphore_mem>>) {add = true}
      %dma_wait3A_328 = arith.constant 7 : i32
      %dma_wait3A_329 = arith.constant 0 : i32
      %dma_wait3A_330 = tpu.memref_slice %arg10[%dma_wait3A_328, %dma_wait3A_329] : memref<8x128xi32, #tpu.memory_space<vmem>> -> memref<1x128xi32, #tpu.memory_space<vmem>>
      %dma_wait3A_331 = tpu.memref_squeeze %dma_wait3A_330 : memref<1x128xi32, #tpu.memory_space<vmem>> -> memref<128xi32, #tpu.memory_space<vmem>>
      %dma_wait3A_332 = arith.constant 0 : i32
      %dma_wait3A_333 = arith.constant 0 : i32
      %dma_wait3A_334 = tpu.memref_slice %arg5[%dma_wait3A_332, %dma_wait3A_333] : memref<10000x128xf32, #tpu.memory_space<vmem_shared>> -> memref<10000x128xf32, #tpu.memory_space<vmem_shared>>
      tpu.wait_indirect_dma semaphore(%arg15 : memref<!tpu.dma_semaphore, #tpu.memory_space<semaphore_mem>>) src(%arg7 : memref<128x128xf32, #tpu.memory_space<vmem>>) dst(%dma_wait3A_334 : memref<10000x128xf32, #tpu.memory_space<vmem_shared>>)
      %add3A_335 = arith.constant 1 : i32
      %add3A_336 = arith.addi %add3A_108, %add3A_335 : i32
      %lt3A_337 = arith.constant 10 : i32
      %lt3A_338 = arith.cmpi slt, %add3A_336, %lt3A_337 : i32
      %convert_element_type3A_339 = arith.extui %lt3A_338 : i1 to i32
      %cond3A_340 = arith.constant 0 : i32
      %cond3A_341 = arith.cmpi ne, %convert_element_type3A_339, %cond3A_340 : i32
      scf.if %cond3A_341 {
        %dma_start3A_594 = arith.constant 1 : i32
        %dma_start3A_595 = arith.constant 0 : i32
        %dma_start3A_596 = tpu.memref_slice %arg9[%dma_start3A_594, %dma_start3A_595] : memref<8x128xi32, #tpu.memory_space<vmem>> -> memref<1x128xi32, #tpu.memory_space<vmem>>
        %dma_start3A_597 = tpu.memref_squeeze %dma_start3A_596 : memref<1x128xi32, #tpu.memory_space<vmem>> -> memref<128xi32, #tpu.memory_space<vmem>>
        %dma_start3A_598 = arith.constant 0 : i32
        %dma_start3A_599 = arith.constant 0 : i32
        %dma_start3A_600 = tpu.memref_slice %arg2[%dma_start3A_598, %dma_start3A_599] : memref<10128x128xf32, #tpu.memory_space<hbm>> -> memref<10128x128xf32, #tpu.memory_space<hbm>>
        tpu.enqueue_indirect_dma source(%dma_start3A_600 : memref<10128x128xf32, #tpu.memory_space<hbm>>) target(%arg7 : memref<128x128xf32, #tpu.memory_space<vmem>>) offsets(%dma_start3A_597 : memref<128xi32, #tpu.memory_space<vmem>>) semaphore(%arg13 : memref<!tpu.dma_semaphore, #tpu.memory_space<semaphore_mem>>)
      } else {
      }
      %add3A_342 = arith.constant 2 : i32
      %add3A_343 = arith.addi %add3A_108, %add3A_342 : i32
      %lt3A_344 = arith.constant 10 : i32
      %lt3A_345 = arith.cmpi slt, %add3A_343, %lt3A_344 : i32
      %convert_element_type3A_346 = arith.extui %lt3A_345 : i1 to i32
      %cond3A_347 = arith.constant 0 : i32
      %cond3A_348 = arith.cmpi ne, %convert_element_type3A_346, %cond3A_347 : i32
      scf.if %cond3A_348 {
        %add3A_594 = arith.constant 2 : i32
        %add3A_595 = arith.addi %add3A_108, %add3A_594 : i32
        %dma_start3A_596 = arith.constant 0 : i32
        %dma_start3A_597 = arith.constant 0 : i32
        %dma_start3A_598 = arith.constant 0 : i32
        %dma_start3A_599 = tpu.memref_slice %arg3[%dma_start3A_596, %add3A, %add3A_595, %dma_start3A_597, %dma_start3A_598] : memref<2x32x10x8x128xi32, #tpu.memory_space<hbm>> -> memref<1x1x1x8x128xi32, #tpu.memory_space<hbm>>
        %dma_start3A_600 = tpu.memref_squeeze %dma_start3A_599 : memref<1x1x1x8x128xi32, #tpu.memory_space<hbm>> -> memref<8x128xi32, #tpu.memory_space<hbm>>
        %dma_start3A_601 = arith.constant 0 : i32
        %dma_start3A_602 = arith.constant 0 : i32
        %dma_start3A_603 = tpu.memref_slice %arg3[%dma_start3A_596, %add3A, %add3A_595, %dma_start3A_601, %dma_start3A_602] : memref<2x32x10x8x128xi32, #tpu.memory_space<hbm>> -> memref<1x1x1x8x128xi32, #tpu.memory_space<hbm>>
        %dma_start3A_604 = tpu.memref_squeeze %dma_start3A_603 : memref<1x1x1x8x128xi32, #tpu.memory_space<hbm>> -> memref<8x128xi32, #tpu.memory_space<hbm>>
        tpu.enqueue_dma source(%dma_start3A_604 : memref<8x128xi32, #tpu.memory_space<hbm>>) target(%arg8 : memref<8x128xi32, #tpu.memory_space<vmem>>) target_semaphore(%arg16 : memref<!tpu.dma_semaphore, #tpu.memory_space<semaphore_mem>>)
        %add3A_605 = arith.constant 2 : i32
        %add3A_606 = arith.addi %add3A_108, %add3A_605 : i32
        %dma_start3A_607 = arith.constant 1 : i32
        %dma_start3A_608 = arith.constant 0 : i32
        %dma_start3A_609 = arith.constant 0 : i32
        %dma_start3A_610 = tpu.memref_slice %arg3[%dma_start3A_607, %add3A, %add3A_606, %dma_start3A_608, %dma_start3A_609] : memref<2x32x10x8x128xi32, #tpu.memory_space<hbm>> -> memref<1x1x1x8x128xi32, #tpu.memory_space<hbm>>
        %dma_start3A_611 = tpu.memref_squeeze %dma_start3A_610 : memref<1x1x1x8x128xi32, #tpu.memory_space<hbm>> -> memref<8x128xi32, #tpu.memory_space<hbm>>
        %dma_start3A_612 = arith.constant 0 : i32
        %dma_start3A_613 = arith.constant 0 : i32
        %dma_start3A_614 = tpu.memref_slice %arg3[%dma_start3A_607, %add3A, %add3A_606, %dma_start3A_612, %dma_start3A_613] : memref<2x32x10x8x128xi32, #tpu.memory_space<hbm>> -> memref<1x1x1x8x128xi32, #tpu.memory_space<hbm>>
        %dma_start3A_615 = tpu.memref_squeeze %dma_start3A_614 : memref<1x1x1x8x128xi32, #tpu.memory_space<hbm>> -> memref<8x128xi32, #tpu.memory_space<hbm>>
        tpu.enqueue_dma source(%dma_start3A_615 : memref<8x128xi32, #tpu.memory_space<hbm>>) target(%arg10 : memref<8x128xi32, #tpu.memory_space<vmem>>) target_semaphore(%arg18 : memref<!tpu.dma_semaphore, #tpu.memory_space<semaphore_mem>>)
      } else {
      }
      %mul3A_349 = arith.constant 2 : i32
      %mul3A_350 = arith.muli %mul3A_349, %scan3A_104 : i32
      %add3A_351 = arith.constant 1 : i32
      %add3A_352 = arith.addi %mul3A_350, %add3A_351 : i32
      %dma_wait3A_353 = arith.constant 0 : i32
      %dma_wait3A_354 = arith.constant 0 : i32
      %dma_wait3A_355 = arith.constant 0 : i32
      %dma_wait3A_356 = arith.constant 0 : i32
      %dma_wait3A_357 = tpu.memref_slice %arg3[%dma_wait3A_353, %add3A, %dma_wait3A_354, %dma_wait3A_355, %dma_wait3A_356] : memref<2x32x10x8x128xi32, #tpu.memory_space<hbm>> -> memref<1x1x1x8x128xi32, #tpu.memory_space<hbm>>
      %dma_wait3A_358 = tpu.memref_squeeze %dma_wait3A_357 : memref<1x1x1x8x128xi32, #tpu.memory_space<hbm>> -> memref<8x128xi32, #tpu.memory_space<hbm>>
      %dma_wait3A_359 = arith.constant 0 : i32
      %dma_wait3A_360 = arith.constant 0 : i32
      %dma_wait3A_361 = tpu.memref_slice %arg3[%dma_wait3A_353, %add3A, %dma_wait3A_354, %dma_wait3A_359, %dma_wait3A_360] : memref<2x32x10x8x128xi32, #tpu.memory_space<hbm>> -> memref<1x1x1x8x128xi32, #tpu.memory_space<hbm>>
      %dma_wait3A_362 = tpu.memref_squeeze %dma_wait3A_361 : memref<1x1x1x8x128xi32, #tpu.memory_space<hbm>> -> memref<8x128xi32, #tpu.memory_space<hbm>>
      tpu.wait_dma2 semaphore(%arg19 : memref<!tpu.dma_semaphore, #tpu.memory_space<semaphore_mem>>) src(%dma_wait3A_362 : memref<8x128xi32, #tpu.memory_space<hbm>>) dst(%arg11 : memref<8x128xi32, #tpu.memory_space<vmem>>)
      %dma_wait3A_363 = arith.constant 0 : i32
      %dma_wait3A_364 = arith.constant 0 : i32
      %dma_wait3A_365 = tpu.memref_slice %arg9[%dma_wait3A_363, %dma_wait3A_364] : memref<8x128xi32, #tpu.memory_space<vmem>> -> memref<1x128xi32, #tpu.memory_space<vmem>>
      %dma_wait3A_366 = tpu.memref_squeeze %dma_wait3A_365 : memref<1x128xi32, #tpu.memory_space<vmem>> -> memref<128xi32, #tpu.memory_space<vmem>>
      %dma_wait3A_367 = arith.constant 0 : i32
      %dma_wait3A_368 = arith.constant 0 : i32
      %dma_wait3A_369 = tpu.memref_slice %arg2[%dma_wait3A_367, %dma_wait3A_368] : memref<10128x128xf32, #tpu.memory_space<hbm>> -> memref<10128x128xf32, #tpu.memory_space<hbm>>
      tpu.wait_indirect_dma semaphore(%arg12 : memref<!tpu.dma_semaphore, #tpu.memory_space<semaphore_mem>>) src(%dma_wait3A_369 : memref<10128x128xf32, #tpu.memory_space<hbm>>) dst(%arg6 : memref<128x128xf32, #tpu.memory_space<vmem>>)
      %dma_start3A_370 = arith.constant 0 : i32
      %dma_start3A_371 = arith.constant 0 : i32
      %dma_start3A_372 = tpu.memref_slice %arg11[%dma_start3A_370, %dma_start3A_371] : memref<8x128xi32, #tpu.memory_space<vmem>> -> memref<1x128xi32, #tpu.memory_space<vmem>>
      %dma_start3A_373 = tpu.memref_squeeze %dma_start3A_372 : memref<1x128xi32, #tpu.memory_space<vmem>> -> memref<128xi32, #tpu.memory_space<vmem>>
      %dma_start3A_374 = arith.constant 0 : i32
      %dma_start3A_375 = arith.constant 0 : i32
      %dma_start3A_376 = tpu.memref_slice %arg5[%dma_start3A_374, %dma_start3A_375] : memref<10000x128xf32, #tpu.memory_space<vmem_shared>> -> memref<10000x128xf32, #tpu.memory_space<vmem_shared>>
      tpu.enqueue_indirect_dma source(%arg6 : memref<128x128xf32, #tpu.memory_space<vmem>>) target(%dma_start3A_376 : memref<10000x128xf32, #tpu.memory_space<vmem_shared>>) offsets(%dma_start3A_373 : memref<128xi32, #tpu.memory_space<vmem>>) semaphore(%arg14 : memref<!tpu.dma_semaphore, #tpu.memory_space<semaphore_mem>>) {add = true}
      %dma_wait3A_377 = arith.constant 0 : i32
      %dma_wait3A_378 = arith.constant 0 : i32
      %dma_wait3A_379 = tpu.memref_slice %arg11[%dma_wait3A_377, %dma_wait3A_378] : memref<8x128xi32, #tpu.memory_space<vmem>> -> memref<1x128xi32, #tpu.memory_space<vmem>>
      %dma_wait3A_380 = tpu.memref_squeeze %dma_wait3A_379 : memref<1x128xi32, #tpu.memory_space<vmem>> -> memref<128xi32, #tpu.memory_space<vmem>>
      %dma_wait3A_381 = arith.constant 0 : i32
      %dma_wait3A_382 = arith.constant 0 : i32
      %dma_wait3A_383 = tpu.memref_slice %arg5[%dma_wait3A_381, %dma_wait3A_382] : memref<10000x128xf32, #tpu.memory_space<vmem_shared>> -> memref<10000x128xf32, #tpu.memory_space<vmem_shared>>
      tpu.wait_indirect_dma semaphore(%arg14 : memref<!tpu.dma_semaphore, #tpu.memory_space<semaphore_mem>>) src(%arg6 : memref<128x128xf32, #tpu.memory_space<vmem>>) dst(%dma_wait3A_383 : memref<10000x128xf32, #tpu.memory_space<vmem_shared>>)
      %dma_start3A_384 = arith.constant 2 : i32
      %dma_start3A_385 = arith.constant 0 : i32
      %dma_start3A_386 = tpu.memref_slice %arg9[%dma_start3A_384, %dma_start3A_385] : memref<8x128xi32, #tpu.memory_space<vmem>> -> memref<1x128xi32, #tpu.memory_space<vmem>>
      %dma_start3A_387 = tpu.memref_squeeze %dma_start3A_386 : memref<1x128xi32, #tpu.memory_space<vmem>> -> memref<128xi32, #tpu.memory_space<vmem>>
      %dma_start3A_388 = arith.constant 0 : i32
      %dma_start3A_389 = arith.constant 0 : i32
      %dma_start3A_390 = tpu.memref_slice %arg2[%dma_start3A_388, %dma_start3A_389] : memref<10128x128xf32, #tpu.memory_space<hbm>> -> memref<10128x128xf32, #tpu.memory_space<hbm>>
      tpu.enqueue_indirect_dma source(%dma_start3A_390 : memref<10128x128xf32, #tpu.memory_space<hbm>>) target(%arg6 : memref<128x128xf32, #tpu.memory_space<vmem>>) offsets(%dma_start3A_387 : memref<128xi32, #tpu.memory_space<vmem>>) semaphore(%arg12 : memref<!tpu.dma_semaphore, #tpu.memory_space<semaphore_mem>>)
      %dma_wait3A_391 = arith.constant 1 : i32
      %dma_wait3A_392 = arith.constant 0 : i32
      %dma_wait3A_393 = tpu.memref_slice %arg9[%dma_wait3A_391, %dma_wait3A_392] : memref<8x128xi32, #tpu.memory_space<vmem>> -> memref<1x128xi32, #tpu.memory_space<vmem>>
      %dma_wait3A_394 = tpu.memref_squeeze %dma_wait3A_393 : memref<1x128xi32, #tpu.memory_space<vmem>> -> memref<128xi32, #tpu.memory_space<vmem>>
      %dma_wait3A_395 = arith.constant 0 : i32
      %dma_wait3A_396 = arith.constant 0 : i32
      %dma_wait3A_397 = tpu.memref_slice %arg2[%dma_wait3A_395, %dma_wait3A_396] : memref<10128x128xf32, #tpu.memory_space<hbm>> -> memref<10128x128xf32, #tpu.memory_space<hbm>>
      tpu.wait_indirect_dma semaphore(%arg13 : memref<!tpu.dma_semaphore, #tpu.memory_space<semaphore_mem>>) src(%dma_wait3A_397 : memref<10128x128xf32, #tpu.memory_space<hbm>>) dst(%arg7 : memref<128x128xf32, #tpu.memory_space<vmem>>)
      %dma_start3A_398 = arith.constant 1 : i32
      %dma_start3A_399 = arith.constant 0 : i32
      %dma_start3A_400 = tpu.memref_slice %arg11[%dma_start3A_398, %dma_start3A_399] : memref<8x128xi32, #tpu.memory_space<vmem>> -> memref<1x128xi32, #tpu.memory_space<vmem>>
      %dma_start3A_401 = tpu.memref_squeeze %dma_start3A_400 : memref<1x128xi32, #tpu.memory_space<vmem>> -> memref<128xi32, #tpu.memory_space<vmem>>
      %dma_start3A_402 = arith.constant 0 : i32
      %dma_start3A_403 = arith.constant 0 : i32
      %dma_start3A_404 = tpu.memref_slice %arg5[%dma_start3A_402, %dma_start3A_403] : memref<10000x128xf32, #tpu.memory_space<vmem_shared>> -> memref<10000x128xf32, #tpu.memory_space<vmem_shared>>
      tpu.enqueue_indirect_dma source(%arg7 : memref<128x128xf32, #tpu.memory_space<vmem>>) target(%dma_start3A_404 : memref<10000x128xf32, #tpu.memory_space<vmem_shared>>) offsets(%dma_start3A_401 : memref<128xi32, #tpu.memory_space<vmem>>) semaphore(%arg15 : memref<!tpu.dma_semaphore, #tpu.memory_space<semaphore_mem>>) {add = true}
      %dma_wait3A_405 = arith.constant 1 : i32
      %dma_wait3A_406 = arith.constant 0 : i32
      %dma_wait3A_407 = tpu.memref_slice %arg11[%dma_wait3A_405, %dma_wait3A_406] : memref<8x128xi32, #tpu.memory_space<vmem>> -> memref<1x128xi32, #tpu.memory_space<vmem>>
      %dma_wait3A_408 = tpu.memref_squeeze %dma_wait3A_407 : memref<1x128xi32, #tpu.memory_space<vmem>> -> memref<128xi32, #tpu.memory_space<vmem>>
      %dma_wait3A_409 = arith.constant 0 : i32
      %dma_wait3A_410 = arith.constant 0 : i32
      %dma_wait3A_411 = tpu.memref_slice %arg5[%dma_wait3A_409, %dma_wait3A_410] : memref<10000x128xf32, #tpu.memory_space<vmem_shared>> -> memref<10000x128xf32, #tpu.memory_space<vmem_shared>>
      tpu.wait_indirect_dma semaphore(%arg15 : memref<!tpu.dma_semaphore, #tpu.memory_space<semaphore_mem>>) src(%arg7 : memref<128x128xf32, #tpu.memory_space<vmem>>) dst(%dma_wait3A_411 : memref<10000x128xf32, #tpu.memory_space<vmem_shared>>)
      %dma_start3A_412 = arith.constant 3 : i32
      %dma_start3A_413 = arith.constant 0 : i32
      %dma_start3A_414 = tpu.memref_slice %arg9[%dma_start3A_412, %dma_start3A_413] : memref<8x128xi32, #tpu.memory_space<vmem>> -> memref<1x128xi32, #tpu.memory_space<vmem>>
      %dma_start3A_415 = tpu.memref_squeeze %dma_start3A_414 : memref<1x128xi32, #tpu.memory_space<vmem>> -> memref<128xi32, #tpu.memory_space<vmem>>
      %dma_start3A_416 = arith.constant 0 : i32
      %dma_start3A_417 = arith.constant 0 : i32
      %dma_start3A_418 = tpu.memref_slice %arg2[%dma_start3A_416, %dma_start3A_417] : memref<10128x128xf32, #tpu.memory_space<hbm>> -> memref<10128x128xf32, #tpu.memory_space<hbm>>
      tpu.enqueue_indirect_dma source(%dma_start3A_418 : memref<10128x128xf32, #tpu.memory_space<hbm>>) target(%arg7 : memref<128x128xf32, #tpu.memory_space<vmem>>) offsets(%dma_start3A_415 : memref<128xi32, #tpu.memory_space<vmem>>) semaphore(%arg13 : memref<!tpu.dma_semaphore, #tpu.memory_space<semaphore_mem>>)
      %dma_wait3A_419 = arith.constant 2 : i32
      %dma_wait3A_420 = arith.constant 0 : i32
      %dma_wait3A_421 = tpu.memref_slice %arg9[%dma_wait3A_419, %dma_wait3A_420] : memref<8x128xi32, #tpu.memory_space<vmem>> -> memref<1x128xi32, #tpu.memory_space<vmem>>
      %dma_wait3A_422 = tpu.memref_squeeze %dma_wait3A_421 : memref<1x128xi32, #tpu.memory_space<vmem>> -> memref<128xi32, #tpu.memory_space<vmem>>
      %dma_wait3A_423 = arith.constant 0 : i32
      %dma_wait3A_424 = arith.constant 0 : i32
      %dma_wait3A_425 = tpu.memref_slice %arg2[%dma_wait3A_423, %dma_wait3A_424] : memref<10128x128xf32, #tpu.memory_space<hbm>> -> memref<10128x128xf32, #tpu.memory_space<hbm>>
      tpu.wait_indirect_dma semaphore(%arg12 : memref<!tpu.dma_semaphore, #tpu.memory_space<semaphore_mem>>) src(%dma_wait3A_425 : memref<10128x128xf32, #tpu.memory_space<hbm>>) dst(%arg6 : memref<128x128xf32, #tpu.memory_space<vmem>>)
      %dma_start3A_426 = arith.constant 2 : i32
      %dma_start3A_427 = arith.constant 0 : i32
      %dma_start3A_428 = tpu.memref_slice %arg11[%dma_start3A_426, %dma_start3A_427] : memref<8x128xi32, #tpu.memory_space<vmem>> -> memref<1x128xi32, #tpu.memory_space<vmem>>
      %dma_start3A_429 = tpu.memref_squeeze %dma_start3A_428 : memref<1x128xi32, #tpu.memory_space<vmem>> -> memref<128xi32, #tpu.memory_space<vmem>>
      %dma_start3A_430 = arith.constant 0 : i32
      %dma_start3A_431 = arith.constant 0 : i32
      %dma_start3A_432 = tpu.memref_slice %arg5[%dma_start3A_430, %dma_start3A_431] : memref<10000x128xf32, #tpu.memory_space<vmem_shared>> -> memref<10000x128xf32, #tpu.memory_space<vmem_shared>>
      tpu.enqueue_indirect_dma source(%arg6 : memref<128x128xf32, #tpu.memory_space<vmem>>) target(%dma_start3A_432 : memref<10000x128xf32, #tpu.memory_space<vmem_shared>>) offsets(%dma_start3A_429 : memref<128xi32, #tpu.memory_space<vmem>>) semaphore(%arg14 : memref<!tpu.dma_semaphore, #tpu.memory_space<semaphore_mem>>) {add = true}
      %dma_wait3A_433 = arith.constant 2 : i32
      %dma_wait3A_434 = arith.constant 0 : i32
      %dma_wait3A_435 = tpu.memref_slice %arg11[%dma_wait3A_433, %dma_wait3A_434] : memref<8x128xi32, #tpu.memory_space<vmem>> -> memref<1x128xi32, #tpu.memory_space<vmem>>
      %dma_wait3A_436 = tpu.memref_squeeze %dma_wait3A_435 : memref<1x128xi32, #tpu.memory_space<vmem>> -> memref<128xi32, #tpu.memory_space<vmem>>
      %dma_wait3A_437 = arith.constant 0 : i32
      %dma_wait3A_438 = arith.constant 0 : i32
      %dma_wait3A_439 = tpu.memref_slice %arg5[%dma_wait3A_437, %dma_wait3A_438] : memref<10000x128xf32, #tpu.memory_space<vmem_shared>> -> memref<10000x128xf32, #tpu.memory_space<vmem_shared>>
      tpu.wait_indirect_dma semaphore(%arg14 : memref<!tpu.dma_semaphore, #tpu.memory_space<semaphore_mem>>) src(%arg6 : memref<128x128xf32, #tpu.memory_space<vmem>>) dst(%dma_wait3A_439 : memref<10000x128xf32, #tpu.memory_space<vmem_shared>>)
      %dma_start3A_440 = arith.constant 4 : i32
      %dma_start3A_441 = arith.constant 0 : i32
      %dma_start3A_442 = tpu.memref_slice %arg9[%dma_start3A_440, %dma_start3A_441] : memref<8x128xi32, #tpu.memory_space<vmem>> -> memref<1x128xi32, #tpu.memory_space<vmem>>
      %dma_start3A_443 = tpu.memref_squeeze %dma_start3A_442 : memref<1x128xi32, #tpu.memory_space<vmem>> -> memref<128xi32, #tpu.memory_space<vmem>>
      %dma_start3A_444 = arith.constant 0 : i32
      %dma_start3A_445 = arith.constant 0 : i32
      %dma_start3A_446 = tpu.memref_slice %arg2[%dma_start3A_444, %dma_start3A_445] : memref<10128x128xf32, #tpu.memory_space<hbm>> -> memref<10128x128xf32, #tpu.memory_space<hbm>>
      tpu.enqueue_indirect_dma source(%dma_start3A_446 : memref<10128x128xf32, #tpu.memory_space<hbm>>) target(%arg6 : memref<128x128xf32, #tpu.memory_space<vmem>>) offsets(%dma_start3A_443 : memref<128xi32, #tpu.memory_space<vmem>>) semaphore(%arg12 : memref<!tpu.dma_semaphore, #tpu.memory_space<semaphore_mem>>)
      %dma_wait3A_447 = arith.constant 3 : i32
      %dma_wait3A_448 = arith.constant 0 : i32
      %dma_wait3A_449 = tpu.memref_slice %arg9[%dma_wait3A_447, %dma_wait3A_448] : memref<8x128xi32, #tpu.memory_space<vmem>> -> memref<1x128xi32, #tpu.memory_space<vmem>>
      %dma_wait3A_450 = tpu.memref_squeeze %dma_wait3A_449 : memref<1x128xi32, #tpu.memory_space<vmem>> -> memref<128xi32, #tpu.memory_space<vmem>>
      %dma_wait3A_451 = arith.constant 0 : i32
      %dma_wait3A_452 = arith.constant 0 : i32
      %dma_wait3A_453 = tpu.memref_slice %arg2[%dma_wait3A_451, %dma_wait3A_452] : memref<10128x128xf32, #tpu.memory_space<hbm>> -> memref<10128x128xf32, #tpu.memory_space<hbm>>
      tpu.wait_indirect_dma semaphore(%arg13 : memref<!tpu.dma_semaphore, #tpu.memory_space<semaphore_mem>>) src(%dma_wait3A_453 : memref<10128x128xf32, #tpu.memory_space<hbm>>) dst(%arg7 : memref<128x128xf32, #tpu.memory_space<vmem>>)
      %dma_start3A_454 = arith.constant 3 : i32
      %dma_start3A_455 = arith.constant 0 : i32
      %dma_start3A_456 = tpu.memref_slice %arg11[%dma_start3A_454, %dma_start3A_455] : memref<8x128xi32, #tpu.memory_space<vmem>> -> memref<1x128xi32, #tpu.memory_space<vmem>>
      %dma_start3A_457 = tpu.memref_squeeze %dma_start3A_456 : memref<1x128xi32, #tpu.memory_space<vmem>> -> memref<128xi32, #tpu.memory_space<vmem>>
      %dma_start3A_458 = arith.constant 0 : i32
      %dma_start3A_459 = arith.constant 0 : i32
      %dma_start3A_460 = tpu.memref_slice %arg5[%dma_start3A_458, %dma_start3A_459] : memref<10000x128xf32, #tpu.memory_space<vmem_shared>> -> memref<10000x128xf32, #tpu.memory_space<vmem_shared>>
      tpu.enqueue_indirect_dma source(%arg7 : memref<128x128xf32, #tpu.memory_space<vmem>>) target(%dma_start3A_460 : memref<10000x128xf32, #tpu.memory_space<vmem_shared>>) offsets(%dma_start3A_457 : memref<128xi32, #tpu.memory_space<vmem>>) semaphore(%arg15 : memref<!tpu.dma_semaphore, #tpu.memory_space<semaphore_mem>>) {add = true}
      %dma_wait3A_461 = arith.constant 3 : i32
      %dma_wait3A_462 = arith.constant 0 : i32
      %dma_wait3A_463 = tpu.memref_slice %arg11[%dma_wait3A_461, %dma_wait3A_462] : memref<8x128xi32, #tpu.memory_space<vmem>> -> memref<1x128xi32, #tpu.memory_space<vmem>>
      %dma_wait3A_464 = tpu.memref_squeeze %dma_wait3A_463 : memref<1x128xi32, #tpu.memory_space<vmem>> -> memref<128xi32, #tpu.memory_space<vmem>>
      %dma_wait3A_465 = arith.constant 0 : i32
      %dma_wait3A_466 = arith.constant 0 : i32
      %dma_wait3A_467 = tpu.memref_slice %arg5[%dma_wait3A_465, %dma_wait3A_466] : memref<10000x128xf32, #tpu.memory_space<vmem_shared>> -> memref<10000x128xf32, #tpu.memory_space<vmem_shared>>
      tpu.wait_indirect_dma semaphore(%arg15 : memref<!tpu.dma_semaphore, #tpu.memory_space<semaphore_mem>>) src(%arg7 : memref<128x128xf32, #tpu.memory_space<vmem>>) dst(%dma_wait3A_467 : memref<10000x128xf32, #tpu.memory_space<vmem_shared>>)
      %dma_start3A_468 = arith.constant 5 : i32
      %dma_start3A_469 = arith.constant 0 : i32
      %dma_start3A_470 = tpu.memref_slice %arg9[%dma_start3A_468, %dma_start3A_469] : memref<8x128xi32, #tpu.memory_space<vmem>> -> memref<1x128xi32, #tpu.memory_space<vmem>>
      %dma_start3A_471 = tpu.memref_squeeze %dma_start3A_470 : memref<1x128xi32, #tpu.memory_space<vmem>> -> memref<128xi32, #tpu.memory_space<vmem>>
      %dma_start3A_472 = arith.constant 0 : i32
      %dma_start3A_473 = arith.constant 0 : i32
      %dma_start3A_474 = tpu.memref_slice %arg2[%dma_start3A_472, %dma_start3A_473] : memref<10128x128xf32, #tpu.memory_space<hbm>> -> memref<10128x128xf32, #tpu.memory_space<hbm>>
      tpu.enqueue_indirect_dma source(%dma_start3A_474 : memref<10128x128xf32, #tpu.memory_space<hbm>>) target(%arg7 : memref<128x128xf32, #tpu.memory_space<vmem>>) offsets(%dma_start3A_471 : memref<128xi32, #tpu.memory_space<vmem>>) semaphore(%arg13 : memref<!tpu.dma_semaphore, #tpu.memory_space<semaphore_mem>>)
      %dma_wait3A_475 = arith.constant 4 : i32
      %dma_wait3A_476 = arith.constant 0 : i32
      %dma_wait3A_477 = tpu.memref_slice %arg9[%dma_wait3A_475, %dma_wait3A_476] : memref<8x128xi32, #tpu.memory_space<vmem>> -> memref<1x128xi32, #tpu.memory_space<vmem>>
      %dma_wait3A_478 = tpu.memref_squeeze %dma_wait3A_477 : memref<1x128xi32, #tpu.memory_space<vmem>> -> memref<128xi32, #tpu.memory_space<vmem>>
      %dma_wait3A_479 = arith.constant 0 : i32
      %dma_wait3A_480 = arith.constant 0 : i32
      %dma_wait3A_481 = tpu.memref_slice %arg2[%dma_wait3A_479, %dma_wait3A_480] : memref<10128x128xf32, #tpu.memory_space<hbm>> -> memref<10128x128xf32, #tpu.memory_space<hbm>>
      tpu.wait_indirect_dma semaphore(%arg12 : memref<!tpu.dma_semaphore, #tpu.memory_space<semaphore_mem>>) src(%dma_wait3A_481 : memref<10128x128xf32, #tpu.memory_space<hbm>>) dst(%arg6 : memref<128x128xf32, #tpu.memory_space<vmem>>)
      %dma_start3A_482 = arith.constant 4 : i32
      %dma_start3A_483 = arith.constant 0 : i32
      %dma_start3A_484 = tpu.memref_slice %arg11[%dma_start3A_482, %dma_start3A_483] : memref<8x128xi32, #tpu.memory_space<vmem>> -> memref<1x128xi32, #tpu.memory_space<vmem>>
      %dma_start3A_485 = tpu.memref_squeeze %dma_start3A_484 : memref<1x128xi32, #tpu.memory_space<vmem>> -> memref<128xi32, #tpu.memory_space<vmem>>
      %dma_start3A_486 = arith.constant 0 : i32
      %dma_start3A_487 = arith.constant 0 : i32
      %dma_start3A_488 = tpu.memref_slice %arg5[%dma_start3A_486, %dma_start3A_487] : memref<10000x128xf32, #tpu.memory_space<vmem_shared>> -> memref<10000x128xf32, #tpu.memory_space<vmem_shared>>
      tpu.enqueue_indirect_dma source(%arg6 : memref<128x128xf32, #tpu.memory_space<vmem>>) target(%dma_start3A_488 : memref<10000x128xf32, #tpu.memory_space<vmem_shared>>) offsets(%dma_start3A_485 : memref<128xi32, #tpu.memory_space<vmem>>) semaphore(%arg14 : memref<!tpu.dma_semaphore, #tpu.memory_space<semaphore_mem>>) {add = true}
      %dma_wait3A_489 = arith.constant 4 : i32
      %dma_wait3A_490 = arith.constant 0 : i32
      %dma_wait3A_491 = tpu.memref_slice %arg11[%dma_wait3A_489, %dma_wait3A_490] : memref<8x128xi32, #tpu.memory_space<vmem>> -> memref<1x128xi32, #tpu.memory_space<vmem>>
      %dma_wait3A_492 = tpu.memref_squeeze %dma_wait3A_491 : memref<1x128xi32, #tpu.memory_space<vmem>> -> memref<128xi32, #tpu.memory_space<vmem>>
      %dma_wait3A_493 = arith.constant 0 : i32
      %dma_wait3A_494 = arith.constant 0 : i32
      %dma_wait3A_495 = tpu.memref_slice %arg5[%dma_wait3A_493, %dma_wait3A_494] : memref<10000x128xf32, #tpu.memory_space<vmem_shared>> -> memref<10000x128xf32, #tpu.memory_space<vmem_shared>>
      tpu.wait_indirect_dma semaphore(%arg14 : memref<!tpu.dma_semaphore, #tpu.memory_space<semaphore_mem>>) src(%arg6 : memref<128x128xf32, #tpu.memory_space<vmem>>) dst(%dma_wait3A_495 : memref<10000x128xf32, #tpu.memory_space<vmem_shared>>)
      %dma_start3A_496 = arith.constant 6 : i32
      %dma_start3A_497 = arith.constant 0 : i32
      %dma_start3A_498 = tpu.memref_slice %arg9[%dma_start3A_496, %dma_start3A_497] : memref<8x128xi32, #tpu.memory_space<vmem>> -> memref<1x128xi32, #tpu.memory_space<vmem>>
      %dma_start3A_499 = tpu.memref_squeeze %dma_start3A_498 : memref<1x128xi32, #tpu.memory_space<vmem>> -> memref<128xi32, #tpu.memory_space<vmem>>
      %dma_start3A_500 = arith.constant 0 : i32
      %dma_start3A_501 = arith.constant 0 : i32
      %dma_start3A_502 = tpu.memref_slice %arg2[%dma_start3A_500, %dma_start3A_501] : memref<10128x128xf32, #tpu.memory_space<hbm>> -> memref<10128x128xf32, #tpu.memory_space<hbm>>
      tpu.enqueue_indirect_dma source(%dma_start3A_502 : memref<10128x128xf32, #tpu.memory_space<hbm>>) target(%arg6 : memref<128x128xf32, #tpu.memory_space<vmem>>) offsets(%dma_start3A_499 : memref<128xi32, #tpu.memory_space<vmem>>) semaphore(%arg12 : memref<!tpu.dma_semaphore, #tpu.memory_space<semaphore_mem>>)
      %dma_wait3A_503 = arith.constant 5 : i32
      %dma_wait3A_504 = arith.constant 0 : i32
      %dma_wait3A_505 = tpu.memref_slice %arg9[%dma_wait3A_503, %dma_wait3A_504] : memref<8x128xi32, #tpu.memory_space<vmem>> -> memref<1x128xi32, #tpu.memory_space<vmem>>
      %dma_wait3A_506 = tpu.memref_squeeze %dma_wait3A_505 : memref<1x128xi32, #tpu.memory_space<vmem>> -> memref<128xi32, #tpu.memory_space<vmem>>
      %dma_wait3A_507 = arith.constant 0 : i32
      %dma_wait3A_508 = arith.constant 0 : i32
      %dma_wait3A_509 = tpu.memref_slice %arg2[%dma_wait3A_507, %dma_wait3A_508] : memref<10128x128xf32, #tpu.memory_space<hbm>> -> memref<10128x128xf32, #tpu.memory_space<hbm>>
      tpu.wait_indirect_dma semaphore(%arg13 : memref<!tpu.dma_semaphore, #tpu.memory_space<semaphore_mem>>) src(%dma_wait3A_509 : memref<10128x128xf32, #tpu.memory_space<hbm>>) dst(%arg7 : memref<128x128xf32, #tpu.memory_space<vmem>>)
      %dma_start3A_510 = arith.constant 5 : i32
      %dma_start3A_511 = arith.constant 0 : i32
      %dma_start3A_512 = tpu.memref_slice %arg11[%dma_start3A_510, %dma_start3A_511] : memref<8x128xi32, #tpu.memory_space<vmem>> -> memref<1x128xi32, #tpu.memory_space<vmem>>
      %dma_start3A_513 = tpu.memref_squeeze %dma_start3A_512 : memref<1x128xi32, #tpu.memory_space<vmem>> -> memref<128xi32, #tpu.memory_space<vmem>>
      %dma_start3A_514 = arith.constant 0 : i32
      %dma_start3A_515 = arith.constant 0 : i32
      %dma_start3A_516 = tpu.memref_slice %arg5[%dma_start3A_514, %dma_start3A_515] : memref<10000x128xf32, #tpu.memory_space<vmem_shared>> -> memref<10000x128xf32, #tpu.memory_space<vmem_shared>>
      tpu.enqueue_indirect_dma source(%arg7 : memref<128x128xf32, #tpu.memory_space<vmem>>) target(%dma_start3A_516 : memref<10000x128xf32, #tpu.memory_space<vmem_shared>>) offsets(%dma_start3A_513 : memref<128xi32, #tpu.memory_space<vmem>>) semaphore(%arg15 : memref<!tpu.dma_semaphore, #tpu.memory_space<semaphore_mem>>) {add = true}
      %dma_wait3A_517 = arith.constant 5 : i32
      %dma_wait3A_518 = arith.constant 0 : i32
      %dma_wait3A_519 = tpu.memref_slice %arg11[%dma_wait3A_517, %dma_wait3A_518] : memref<8x128xi32, #tpu.memory_space<vmem>> -> memref<1x128xi32, #tpu.memory_space<vmem>>
      %dma_wait3A_520 = tpu.memref_squeeze %dma_wait3A_519 : memref<1x128xi32, #tpu.memory_space<vmem>> -> memref<128xi32, #tpu.memory_space<vmem>>
      %dma_wait3A_521 = arith.constant 0 : i32
      %dma_wait3A_522 = arith.constant 0 : i32
      %dma_wait3A_523 = tpu.memref_slice %arg5[%dma_wait3A_521, %dma_wait3A_522] : memref<10000x128xf32, #tpu.memory_space<vmem_shared>> -> memref<10000x128xf32, #tpu.memory_space<vmem_shared>>
      tpu.wait_indirect_dma semaphore(%arg15 : memref<!tpu.dma_semaphore, #tpu.memory_space<semaphore_mem>>) src(%arg7 : memref<128x128xf32, #tpu.memory_space<vmem>>) dst(%dma_wait3A_523 : memref<10000x128xf32, #tpu.memory_space<vmem_shared>>)
      %dma_start3A_524 = arith.constant 7 : i32
      %dma_start3A_525 = arith.constant 0 : i32
      %dma_start3A_526 = tpu.memref_slice %arg9[%dma_start3A_524, %dma_start3A_525] : memref<8x128xi32, #tpu.memory_space<vmem>> -> memref<1x128xi32, #tpu.memory_space<vmem>>
      %dma_start3A_527 = tpu.memref_squeeze %dma_start3A_526 : memref<1x128xi32, #tpu.memory_space<vmem>> -> memref<128xi32, #tpu.memory_space<vmem>>
      %dma_start3A_528 = arith.constant 0 : i32
      %dma_start3A_529 = arith.constant 0 : i32
      %dma_start3A_530 = tpu.memref_slice %arg2[%dma_start3A_528, %dma_start3A_529] : memref<10128x128xf32, #tpu.memory_space<hbm>> -> memref<10128x128xf32, #tpu.memory_space<hbm>>
      tpu.enqueue_indirect_dma source(%dma_start3A_530 : memref<10128x128xf32, #tpu.memory_space<hbm>>) target(%arg7 : memref<128x128xf32, #tpu.memory_space<vmem>>) offsets(%dma_start3A_527 : memref<128xi32, #tpu.memory_space<vmem>>) semaphore(%arg13 : memref<!tpu.dma_semaphore, #tpu.memory_space<semaphore_mem>>)
      %dma_wait3A_531 = arith.constant 6 : i32
      %dma_wait3A_532 = arith.constant 0 : i32
      %dma_wait3A_533 = tpu.memref_slice %arg9[%dma_wait3A_531, %dma_wait3A_532] : memref<8x128xi32, #tpu.memory_space<vmem>> -> memref<1x128xi32, #tpu.memory_space<vmem>>
      %dma_wait3A_534 = tpu.memref_squeeze %dma_wait3A_533 : memref<1x128xi32, #tpu.memory_space<vmem>> -> memref<128xi32, #tpu.memory_space<vmem>>
      %dma_wait3A_535 = arith.constant 0 : i32
      %dma_wait3A_536 = arith.constant 0 : i32
      %dma_wait3A_537 = tpu.memref_slice %arg2[%dma_wait3A_535, %dma_wait3A_536] : memref<10128x128xf32, #tpu.memory_space<hbm>> -> memref<10128x128xf32, #tpu.memory_space<hbm>>
      tpu.wait_indirect_dma semaphore(%arg12 : memref<!tpu.dma_semaphore, #tpu.memory_space<semaphore_mem>>) src(%dma_wait3A_537 : memref<10128x128xf32, #tpu.memory_space<hbm>>) dst(%arg6 : memref<128x128xf32, #tpu.memory_space<vmem>>)
      %dma_start3A_538 = arith.constant 6 : i32
      %dma_start3A_539 = arith.constant 0 : i32
      %dma_start3A_540 = tpu.memref_slice %arg11[%dma_start3A_538, %dma_start3A_539] : memref<8x128xi32, #tpu.memory_space<vmem>> -> memref<1x128xi32, #tpu.memory_space<vmem>>
      %dma_start3A_541 = tpu.memref_squeeze %dma_start3A_540 : memref<1x128xi32, #tpu.memory_space<vmem>> -> memref<128xi32, #tpu.memory_space<vmem>>
      %dma_start3A_542 = arith.constant 0 : i32
      %dma_start3A_543 = arith.constant 0 : i32
      %dma_start3A_544 = tpu.memref_slice %arg5[%dma_start3A_542, %dma_start3A_543] : memref<10000x128xf32, #tpu.memory_space<vmem_shared>> -> memref<10000x128xf32, #tpu.memory_space<vmem_shared>>
      tpu.enqueue_indirect_dma source(%arg6 : memref<128x128xf32, #tpu.memory_space<vmem>>) target(%dma_start3A_544 : memref<10000x128xf32, #tpu.memory_space<vmem_shared>>) offsets(%dma_start3A_541 : memref<128xi32, #tpu.memory_space<vmem>>) semaphore(%arg14 : memref<!tpu.dma_semaphore, #tpu.memory_space<semaphore_mem>>) {add = true}
      %dma_wait3A_545 = arith.constant 6 : i32
      %dma_wait3A_546 = arith.constant 0 : i32
      %dma_wait3A_547 = tpu.memref_slice %arg11[%dma_wait3A_545, %dma_wait3A_546] : memref<8x128xi32, #tpu.memory_space<vmem>> -> memref<1x128xi32, #tpu.memory_space<vmem>>
      %dma_wait3A_548 = tpu.memref_squeeze %dma_wait3A_547 : memref<1x128xi32, #tpu.memory_space<vmem>> -> memref<128xi32, #tpu.memory_space<vmem>>
      %dma_wait3A_549 = arith.constant 0 : i32
      %dma_wait3A_550 = arith.constant 0 : i32
      %dma_wait3A_551 = tpu.memref_slice %arg5[%dma_wait3A_549, %dma_wait3A_550] : memref<10000x128xf32, #tpu.memory_space<vmem_shared>> -> memref<10000x128xf32, #tpu.memory_space<vmem_shared>>
      tpu.wait_indirect_dma semaphore(%arg14 : memref<!tpu.dma_semaphore, #tpu.memory_space<semaphore_mem>>) src(%arg6 : memref<128x128xf32, #tpu.memory_space<vmem>>) dst(%dma_wait3A_551 : memref<10000x128xf32, #tpu.memory_space<vmem_shared>>)
      %add3A_552 = arith.constant 1 : i32
      %add3A_553 = arith.addi %add3A_352, %add3A_552 : i32
      %lt3A_554 = arith.constant 10 : i32
      %lt3A_555 = arith.cmpi slt, %add3A_553, %lt3A_554 : i32
      %convert_element_type3A_556 = arith.extui %lt3A_555 : i1 to i32
      %cond3A_557 = arith.constant 0 : i32
      %cond3A_558 = arith.cmpi ne, %convert_element_type3A_556, %cond3A_557 : i32
      scf.if %cond3A_558 {
        %dma_wait3A_594 = arith.constant 0 : i32
        %dma_wait3A_595 = arith.constant 0 : i32
        %dma_wait3A_596 = arith.constant 0 : i32
        %dma_wait3A_597 = arith.constant 0 : i32
        %dma_wait3A_598 = tpu.memref_slice %arg3[%dma_wait3A_594, %add3A, %dma_wait3A_595, %dma_wait3A_596, %dma_wait3A_597] : memref<2x32x10x8x128xi32, #tpu.memory_space<hbm>> -> memref<1x1x1x8x128xi32, #tpu.memory_space<hbm>>
        %dma_wait3A_599 = tpu.memref_squeeze %dma_wait3A_598 : memref<1x1x1x8x128xi32, #tpu.memory_space<hbm>> -> memref<8x128xi32, #tpu.memory_space<hbm>>
        %dma_wait3A_600 = arith.constant 0 : i32
        %dma_wait3A_601 = arith.constant 0 : i32
        %dma_wait3A_602 = tpu.memref_slice %arg3[%dma_wait3A_594, %add3A, %dma_wait3A_595, %dma_wait3A_600, %dma_wait3A_601] : memref<2x32x10x8x128xi32, #tpu.memory_space<hbm>> -> memref<1x1x1x8x128xi32, #tpu.memory_space<hbm>>
        %dma_wait3A_603 = tpu.memref_squeeze %dma_wait3A_602 : memref<1x1x1x8x128xi32, #tpu.memory_space<hbm>> -> memref<8x128xi32, #tpu.memory_space<hbm>>
        tpu.wait_dma2 semaphore(%arg16 : memref<!tpu.dma_semaphore, #tpu.memory_space<semaphore_mem>>) src(%dma_wait3A_603 : memref<8x128xi32, #tpu.memory_space<hbm>>) dst(%arg8 : memref<8x128xi32, #tpu.memory_space<vmem>>)
        %dma_start3A_604 = arith.constant 0 : i32
        %dma_start3A_605 = arith.constant 0 : i32
        %dma_start3A_606 = tpu.memref_slice %arg8[%dma_start3A_604, %dma_start3A_605] : memref<8x128xi32, #tpu.memory_space<vmem>> -> memref<1x128xi32, #tpu.memory_space<vmem>>
        %dma_start3A_607 = tpu.memref_squeeze %dma_start3A_606 : memref<1x128xi32, #tpu.memory_space<vmem>> -> memref<128xi32, #tpu.memory_space<vmem>>
        %dma_start3A_608 = arith.constant 0 : i32
        %dma_start3A_609 = arith.constant 0 : i32
        %dma_start3A_610 = tpu.memref_slice %arg2[%dma_start3A_608, %dma_start3A_609] : memref<10128x128xf32, #tpu.memory_space<hbm>> -> memref<10128x128xf32, #tpu.memory_space<hbm>>
        tpu.enqueue_indirect_dma source(%dma_start3A_610 : memref<10128x128xf32, #tpu.memory_space<hbm>>) target(%arg6 : memref<128x128xf32, #tpu.memory_space<vmem>>) offsets(%dma_start3A_607 : memref<128xi32, #tpu.memory_space<vmem>>) semaphore(%arg12 : memref<!tpu.dma_semaphore, #tpu.memory_space<semaphore_mem>>)
      } else {
      }
      %dma_wait3A_559 = arith.constant 7 : i32
      %dma_wait3A_560 = arith.constant 0 : i32
      %dma_wait3A_561 = tpu.memref_slice %arg9[%dma_wait3A_559, %dma_wait3A_560] : memref<8x128xi32, #tpu.memory_space<vmem>> -> memref<1x128xi32, #tpu.memory_space<vmem>>
      %dma_wait3A_562 = tpu.memref_squeeze %dma_wait3A_561 : memref<1x128xi32, #tpu.memory_space<vmem>> -> memref<128xi32, #tpu.memory_space<vmem>>
      %dma_wait3A_563 = arith.constant 0 : i32
      %dma_wait3A_564 = arith.constant 0 : i32
      %dma_wait3A_565 = tpu.memref_slice %arg2[%dma_wait3A_563, %dma_wait3A_564] : memref<10128x128xf32, #tpu.memory_space<hbm>> -> memref<10128x128xf32, #tpu.memory_space<hbm>>
      tpu.wait_indirect_dma semaphore(%arg13 : memref<!tpu.dma_semaphore, #tpu.memory_space<semaphore_mem>>) src(%dma_wait3A_565 : memref<10128x128xf32, #tpu.memory_space<hbm>>) dst(%arg7 : memref<128x128xf32, #tpu.memory_space<vmem>>)
      %dma_start3A_566 = arith.constant 7 : i32
      %dma_start3A_567 = arith.constant 0 : i32
      %dma_start3A_568 = tpu.memref_slice %arg11[%dma_start3A_566, %dma_start3A_567] : memref<8x128xi32, #tpu.memory_space<vmem>> -> memref<1x128xi32, #tpu.memory_space<vmem>>
      %dma_start3A_569 = tpu.memref_squeeze %dma_start3A_568 : memref<1x128xi32, #tpu.memory_space<vmem>> -> memref<128xi32, #tpu.memory_space<vmem>>
      %dma_start3A_570 = arith.constant 0 : i32
      %dma_start3A_571 = arith.constant 0 : i32
      %dma_start3A_572 = tpu.memref_slice %arg5[%dma_start3A_570, %dma_start3A_571] : memref<10000x128xf32, #tpu.memory_space<vmem_shared>> -> memref<10000x128xf32, #tpu.memory_space<vmem_shared>>
      tpu.enqueue_indirect_dma source(%arg7 : memref<128x128xf32, #tpu.memory_space<vmem>>) target(%dma_start3A_572 : memref<10000x128xf32, #tpu.memory_space<vmem_shared>>) offsets(%dma_start3A_569 : memref<128xi32, #tpu.memory_space<vmem>>) semaphore(%arg15 : memref<!tpu.dma_semaphore, #tpu.memory_space<semaphore_mem>>) {add = true}
      %dma_wait3A_573 = arith.constant 7 : i32
      %dma_wait3A_574 = arith.constant 0 : i32
      %dma_wait3A_575 = tpu.memref_slice %arg11[%dma_wait3A_573, %dma_wait3A_574] : memref<8x128xi32, #tpu.memory_space<vmem>> -> memref<1x128xi32, #tpu.memory_space<vmem>>
      %dma_wait3A_576 = tpu.memref_squeeze %dma_wait3A_575 : memref<1x128xi32, #tpu.memory_space<vmem>> -> memref<128xi32, #tpu.memory_space<vmem>>
      %dma_wait3A_577 = arith.constant 0 : i32
      %dma_wait3A_578 = arith.constant 0 : i32
      %dma_wait3A_579 = tpu.memref_slice %arg5[%dma_wait3A_577, %dma_wait3A_578] : memref<10000x128xf32, #tpu.memory_space<vmem_shared>> -> memref<10000x128xf32, #tpu.memory_space<vmem_shared>>
      tpu.wait_indirect_dma semaphore(%arg15 : memref<!tpu.dma_semaphore, #tpu.memory_space<semaphore_mem>>) src(%arg7 : memref<128x128xf32, #tpu.memory_space<vmem>>) dst(%dma_wait3A_579 : memref<10000x128xf32, #tpu.memory_space<vmem_shared>>)
      %add3A_580 = arith.constant 1 : i32
      %add3A_581 = arith.addi %add3A_352, %add3A_580 : i32
      %lt3A_582 = arith.constant 10 : i32
      %lt3A_583 = arith.cmpi slt, %add3A_581, %lt3A_582 : i32
      %convert_element_type3A_584 = arith.extui %lt3A_583 : i1 to i32
      %cond3A_585 = arith.constant 0 : i32
      %cond3A_586 = arith.cmpi ne, %convert_element_type3A_584, %cond3A_585 : i32
      scf.if %cond3A_586 {
        %dma_start3A_594 = arith.constant 1 : i32
        %dma_start3A_595 = arith.constant 0 : i32
        %dma_start3A_596 = tpu.memref_slice %arg8[%dma_start3A_594, %dma_start3A_595] : memref<8x128xi32, #tpu.memory_space<vmem>> -> memref<1x128xi32, #tpu.memory_space<vmem>>
        %dma_start3A_597 = tpu.memref_squeeze %dma_start3A_596 : memref<1x128xi32, #tpu.memory_space<vmem>> -> memref<128xi32, #tpu.memory_space<vmem>>
        %dma_start3A_598 = arith.constant 0 : i32
        %dma_start3A_599 = arith.constant 0 : i32
        %dma_start3A_600 = tpu.memref_slice %arg2[%dma_start3A_598, %dma_start3A_599] : memref<10128x128xf32, #tpu.memory_space<hbm>> -> memref<10128x128xf32, #tpu.memory_space<hbm>>
        tpu.enqueue_indirect_dma source(%dma_start3A_600 : memref<10128x128xf32, #tpu.memory_space<hbm>>) target(%arg7 : memref<128x128xf32, #tpu.memory_space<vmem>>) offsets(%dma_start3A_597 : memref<128xi32, #tpu.memory_space<vmem>>) semaphore(%arg13 : memref<!tpu.dma_semaphore, #tpu.memory_space<semaphore_mem>>)
      } else {
      }
      %add3A_587 = arith.constant 2 : i32
      %add3A_588 = arith.addi %add3A_352, %add3A_587 : i32
      %lt3A_589 = arith.constant 10 : i32
      %lt3A_590 = arith.cmpi slt, %add3A_588, %lt3A_589 : i32
      %convert_element_type3A_591 = arith.extui %lt3A_590 : i1 to i32
      %cond3A_592 = arith.constant 0 : i32
      %cond3A_593 = arith.cmpi ne, %convert_element_type3A_591, %cond3A_592 : i32
      scf.if %cond3A_593 {
        %add3A_594 = arith.constant 2 : i32
        %add3A_595 = arith.addi %add3A_352, %add3A_594 : i32
        %dma_start3A_596 = arith.constant 0 : i32
        %dma_start3A_597 = arith.constant 0 : i32
        %dma_start3A_598 = arith.constant 0 : i32
        %dma_start3A_599 = tpu.memref_slice %arg3[%dma_start3A_596, %add3A, %add3A_595, %dma_start3A_597, %dma_start3A_598] : memref<2x32x10x8x128xi32, #tpu.memory_space<hbm>> -> memref<1x1x1x8x128xi32, #tpu.memory_space<hbm>>
        %dma_start3A_600 = tpu.memref_squeeze %dma_start3A_599 : memref<1x1x1x8x128xi32, #tpu.memory_space<hbm>> -> memref<8x128xi32, #tpu.memory_space<hbm>>
        %dma_start3A_601 = arith.constant 0 : i32
        %dma_start3A_602 = arith.constant 0 : i32
        %dma_start3A_603 = tpu.memref_slice %arg3[%dma_start3A_596, %add3A, %add3A_595, %dma_start3A_601, %dma_start3A_602] : memref<2x32x10x8x128xi32, #tpu.memory_space<hbm>> -> memref<1x1x1x8x128xi32, #tpu.memory_space<hbm>>
        %dma_start3A_604 = tpu.memref_squeeze %dma_start3A_603 : memref<1x1x1x8x128xi32, #tpu.memory_space<hbm>> -> memref<8x128xi32, #tpu.memory_space<hbm>>
        tpu.enqueue_dma source(%dma_start3A_604 : memref<8x128xi32, #tpu.memory_space<hbm>>) target(%arg9 : memref<8x128xi32, #tpu.memory_space<vmem>>) target_semaphore(%arg17 : memref<!tpu.dma_semaphore, #tpu.memory_space<semaphore_mem>>)
        %add3A_605 = arith.constant 2 : i32
        %add3A_606 = arith.addi %add3A_352, %add3A_605 : i32
        %dma_start3A_607 = arith.constant 1 : i32
        %dma_start3A_608 = arith.constant 0 : i32
        %dma_start3A_609 = arith.constant 0 : i32
        %dma_start3A_610 = tpu.memref_slice %arg3[%dma_start3A_607, %add3A, %add3A_606, %dma_start3A_608, %dma_start3A_609] : memref<2x32x10x8x128xi32, #tpu.memory_space<hbm>> -> memref<1x1x1x8x128xi32, #tpu.memory_space<hbm>>
        %dma_start3A_611 = tpu.memref_squeeze %dma_start3A_610 : memref<1x1x1x8x128xi32, #tpu.memory_space<hbm>> -> memref<8x128xi32, #tpu.memory_space<hbm>>
        %dma_start3A_612 = arith.constant 0 : i32
        %dma_start3A_613 = arith.constant 0 : i32
        %dma_start3A_614 = tpu.memref_slice %arg3[%dma_start3A_607, %add3A, %add3A_606, %dma_start3A_612, %dma_start3A_613] : memref<2x32x10x8x128xi32, #tpu.memory_space<hbm>> -> memref<1x1x1x8x128xi32, #tpu.memory_space<hbm>>
        %dma_start3A_615 = tpu.memref_squeeze %dma_start3A_614 : memref<1x1x1x8x128xi32, #tpu.memory_space<hbm>> -> memref<8x128xi32, #tpu.memory_space<hbm>>
        tpu.enqueue_dma source(%dma_start3A_615 : memref<8x128xi32, #tpu.memory_space<hbm>>) target(%arg11 : memref<8x128xi32, #tpu.memory_space<vmem>>) target_semaphore(%arg19 : memref<!tpu.dma_semaphore, #tpu.memory_space<semaphore_mem>>)
      } else {
      }
    }
    %scan3A_93 = arith.constant 5 : i32
    %barrier3A_94 = arith.constant 0 : index
    tpu.barrier barrier_id(%barrier3A_94)
    %mul3A_95 = arith.constant 624 : i32
    %mul3A_96 = arith.muli %arg1, %mul3A_95 : i32
    %mul3A_97 = arith.constant 624 : i32
    %mul3A_98 = arith.muli %arg1, %mul3A_97 : i32
    "tpu.region"() ({
      %run_scoped3A = tpu.sem_alloc : memref<!tpu.dma_semaphore, #tpu.memory_space<semaphore_mem>>
      %dma_start3A_104 = arith.constant 0 : i32
      %dma_start3A_105 = tpu.memref_slice %arg4[%arg0, %mul3A_98, %dma_start3A_104] : memref<2x10000x128xf32, #tpu.memory_space<hbm>> -> memref<1x624x128xf32, #tpu.memory_space<hbm>>
      %dma_start3A_106 = tpu.memref_squeeze %dma_start3A_105 : memref<1x624x128xf32, #tpu.memory_space<hbm>> -> memref<624x128xf32, #tpu.memory_space<hbm>>
      %dma_start3A_107 = arith.constant 0 : i32
      %dma_start3A_108 = tpu.memref_slice %arg5[%mul3A_96, %dma_start3A_107] : memref<10000x128xf32, #tpu.memory_space<vmem_shared>> -> memref<624x128xf32, #tpu.memory_space<vmem_shared>>
      tpu.enqueue_dma source(%dma_start3A_108 : memref<624x128xf32, #tpu.memory_space<vmem_shared>>) target(%dma_start3A_106 : memref<624x128xf32, #tpu.memory_space<hbm>>) target_semaphore(%run_scoped3A : memref<!tpu.dma_semaphore, #tpu.memory_space<semaphore_mem>>)
      %dma_wait3A_109 = arith.constant 0 : i32
      %dma_wait3A_110 = tpu.memref_slice %arg4[%arg0, %mul3A_98, %dma_wait3A_109] : memref<2x10000x128xf32, #tpu.memory_space<hbm>> -> memref<1x624x128xf32, #tpu.memory_space<hbm>>
      %dma_wait3A_111 = tpu.memref_squeeze %dma_wait3A_110 : memref<1x624x128xf32, #tpu.memory_space<hbm>> -> memref<624x128xf32, #tpu.memory_space<hbm>>
      %dma_wait3A_112 = arith.constant 0 : i32
      %dma_wait3A_113 = tpu.memref_slice %arg5[%mul3A_96, %dma_wait3A_112] : memref<10000x128xf32, #tpu.memory_space<vmem_shared>> -> memref<624x128xf32, #tpu.memory_space<vmem_shared>>
      tpu.wait_dma2 semaphore(%run_scoped3A : memref<!tpu.dma_semaphore, #tpu.memory_space<semaphore_mem>>) src(%dma_wait3A_113 : memref<624x128xf32, #tpu.memory_space<vmem_shared>>) dst(%dma_wait3A_111 : memref<624x128xf32, #tpu.memory_space<hbm>>)
      tpu.yield
    }) : () -> ()
    %eq3A_99 = arith.constant 15 : i32
    %eq3A_100 = arith.cmpi eq, %arg1, %eq3A_99 : i32
    %convert_element_type3A_101 = arith.extui %eq3A_100 : i1 to i32
    %cond3A_102 = arith.constant 0 : i32
    %cond3A_103 = arith.cmpi ne, %convert_element_type3A_101, %cond3A_102 : i32
    scf.if %cond3A_103 {
      "tpu.region"() ({
        %run_scoped3A = tpu.sem_alloc : memref<!tpu.dma_semaphore, #tpu.memory_space<semaphore_mem>>
        %dma_start3A_104 = arith.constant 9984 : i32
        %dma_start3A_105 = arith.constant 0 : i32
        %dma_start3A_106 = tpu.memref_slice %arg4[%arg0, %dma_start3A_104, %dma_start3A_105] : memref<2x10000x128xf32, #tpu.memory_space<hbm>> -> memref<1x16x128xf32, #tpu.memory_space<hbm>>
        %dma_start3A_107 = tpu.memref_squeeze %dma_start3A_106 : memref<1x16x128xf32, #tpu.memory_space<hbm>> -> memref<16x128xf32, #tpu.memory_space<hbm>>
        %dma_start3A_108 = arith.constant 9984 : i32
        %dma_start3A_109 = arith.constant 0 : i32
        %dma_start3A_110 = tpu.memref_slice %arg5[%dma_start3A_108, %dma_start3A_109] : memref<10000x128xf32, #tpu.memory_space<vmem_shared>> -> memref<16x128xf32, #tpu.memory_space<vmem_shared>>
        tpu.enqueue_dma source(%dma_start3A_110 : memref<16x128xf32, #tpu.memory_space<vmem_shared>>) target(%dma_start3A_107 : memref<16x128xf32, #tpu.memory_space<hbm>>) target_semaphore(%run_scoped3A : memref<!tpu.dma_semaphore, #tpu.memory_space<semaphore_mem>>)
        %dma_wait3A_111 = arith.constant 9984 : i32
        %dma_wait3A_112 = arith.constant 0 : i32
        %dma_wait3A_113 = tpu.memref_slice %arg4[%arg0, %dma_wait3A_111, %dma_wait3A_112] : memref<2x10000x128xf32, #tpu.memory_space<hbm>> -> memref<1x16x128xf32, #tpu.memory_space<hbm>>
        %dma_wait3A_114 = tpu.memref_squeeze %dma_wait3A_113 : memref<1x16x128xf32, #tpu.memory_space<hbm>> -> memref<16x128xf32, #tpu.memory_space<hbm>>
        %dma_wait3A_115 = arith.constant 9984 : i32
        %dma_wait3A_116 = arith.constant 0 : i32
        %dma_wait3A_117 = tpu.memref_slice %arg5[%dma_wait3A_115, %dma_wait3A_116] : memref<10000x128xf32, #tpu.memory_space<vmem_shared>> -> memref<16x128xf32, #tpu.memory_space<vmem_shared>>
        tpu.wait_dma2 semaphore(%run_scoped3A : memref<!tpu.dma_semaphore, #tpu.memory_space<semaphore_mem>>) src(%dma_wait3A_117 : memref<16x128xf32, #tpu.memory_space<vmem_shared>>) dst(%dma_wait3A_114 : memref<16x128xf32, #tpu.memory_space<hbm>>)
        tpu.yield
      }) : () -> ()
    } else {
    }
    return
  }
}

#map = affine_map<(d0, d1) -> (0, 0)>
#map1 = affine_map<(d0, d1) -> (0, 0, 0, 0, 0)>
#map2 = affine_map<(d0, d1) -> (0, 0, 0)>
module attributes {stable_mosaic.version = 14 : i64} {
  func.func @_sc_edge_agg_body(%arg0: i32, %arg1: i32, %arg2: memref<10128x128xf32, #tpu.memory_space<hbm>>, %arg3: memref<2x32x10x8x128xi32, #tpu.memory_space<hbm>>, %arg4: memref<2x10000x128xf32, #tpu.memory_space<hbm>>, %arg5: memref<10000x128xf32, #tpu.memory_space<vmem_shared>>, %arg6: memref<128x128xf32, #tpu.memory_space<vmem>>, %arg7: memref<128x128xf32, #tpu.memory_space<vmem>>, %arg8: memref<8x128xi32, #tpu.memory_space<vmem>>, %arg9: memref<8x128xi32, #tpu.memory_space<vmem>>, %arg10: memref<8x128xi32, #tpu.memory_space<vmem>>, %arg11: memref<8x128xi32, #tpu.memory_space<vmem>>, %arg12: memref<!tpu.dma_semaphore, #tpu.memory_space<semaphore_mem>>, %arg13: memref<!tpu.dma_semaphore, #tpu.memory_space<semaphore_mem>>, %arg14: memref<!tpu.dma_semaphore, #tpu.memory_space<semaphore_mem>>, %arg15: memref<!tpu.dma_semaphore, #tpu.memory_space<semaphore_mem>>, %arg16: memref<!tpu.dma_semaphore, #tpu.memory_space<semaphore_mem>>, %arg17: memref<!tpu.dma_semaphore, #tpu.memory_space<semaphore_mem>>, %arg18: memref<!tpu.dma_semaphore, #tpu.memory_space<semaphore_mem>>, %arg19: memref<!tpu.dma_semaphore, #tpu.memory_space<semaphore_mem>>) attributes {dimension_semantics = [#tpu.dimension_semantics<core_parallel>, #tpu.dimension_semantics<subcore_parallel>], iteration_bounds = array<i64: 2, 16>, scalar_prefetch = 0 : i64, scratch_operands = 15 : i64, tpu.core_type = #tpu.core_type<sc_vector_subcore>, window_params = [{transform_indices = #map}, {transform_indices = #map1}, {transform_indices = #map2}]} {
    %mul3A = arith.constant 2 : i32
    %mul3A_0 = arith.muli %arg1, %mul3A : i32
    %add3A = arith.addi %mul3A_0, %arg0 : i32
    %scan3A = arith.constant 0 : i32
    %scan3A_1 = arith.constant 128 : i32
    %scan3A_2 = arith.addi %scan3A, %scan3A_1 : i32
    %scan3A_3 = arith.constant 1 : i32
    scf.for %scan3A_104 = %scan3A to %scan3A_2 step %scan3A_3  : i32 {
      %broadcast_in_dim3A = arith.constant 0.000000e+00 : f32
      %broadcast_in_dim3A_105 = vector.broadcast %broadcast_in_dim3A : f32 to vector<16xf32>
      %swap3A = arith.index_cast %scan3A_104 : i32 to index
      %swap3A_106 = arith.constant 0 : index
      %swap3A_107 = tpu.vector_load %arg6[%swap3A, %swap3A_106] {strides = array<i32>} : memref<128x128xf32, #tpu.memory_space<vmem>>, vector<1x16xf32>,
      %swap3A_108 = vector.shape_cast %swap3A_107 : vector<1x16xf32> to vector<16xf32>
      %swap3A_109 = vector.shape_cast %broadcast_in_dim3A_105 : vector<16xf32> to vector<1x16xf32>
      tpu.vector_store %arg6[%swap3A, %swap3A_106], %swap3A_109 {strides = array<i32>} : memref<128x128xf32, #tpu.memory_space<vmem>>, vector<1x16xf32>,
      %broadcast_in_dim3A_110 = arith.constant 0.000000e+00 : f32
      %broadcast_in_dim3A_111 = vector.broadcast %broadcast_in_dim3A_110 : f32 to vector<16xf32>
      %swap3A_112 = arith.index_cast %scan3A_104 : i32 to index
      %swap3A_113 = arith.constant 16 : index
      %swap3A_114 = tpu.vector_load %arg6[%swap3A_112, %swap3A_113] {strides = array<i32>} : memref<128x128xf32, #tpu.memory_space<vmem>>, vector<1x16xf32>,
      %swap3A_115 = vector.shape_cast %swap3A_114 : vector<1x16xf32> to vector<16xf32>
      %swap3A_116 = vector.shape_cast %broadcast_in_dim3A_111 : vector<16xf32> to vector<1x16xf32>
      tpu.vector_store %arg6[%swap3A_112, %swap3A_113], %swap3A_116 {strides = array<i32>} : memref<128x128xf32, #tpu.memory_space<vmem>>, vector<1x16xf32>,
      %broadcast_in_dim3A_117 = arith.constant 0.000000e+00 : f32
      %broadcast_in_dim3A_118 = vector.broadcast %broadcast_in_dim3A_117 : f32 to vector<16xf32>
      %swap3A_119 = arith.index_cast %scan3A_104 : i32 to index
      %swap3A_120 = arith.constant 32 : index
      %swap3A_121 = tpu.vector_load %arg6[%swap3A_119, %swap3A_120] {strides = array<i32>} : memref<128x128xf32, #tpu.memory_space<vmem>>, vector<1x16xf32>,
      %swap3A_122 = vector.shape_cast %swap3A_121 : vector<1x16xf32> to vector<16xf32>
      %swap3A_123 = vector.shape_cast %broadcast_in_dim3A_118 : vector<16xf32> to vector<1x16xf32>
      tpu.vector_store %arg6[%swap3A_119, %swap3A_120], %swap3A_123 {strides = array<i32>} : memref<128x128xf32, #tpu.memory_space<vmem>>, vector<1x16xf32>,
      %broadcast_in_dim3A_124 = arith.constant 0.000000e+00 : f32
      %broadcast_in_dim3A_125 = vector.broadcast %broadcast_in_dim3A_124 : f32 to vector<16xf32>
      %swap3A_126 = arith.index_cast %scan3A_104 : i32 to index
      %swap3A_127 = arith.constant 48 : index
      %swap3A_128 = tpu.vector_load %arg6[%swap3A_126, %swap3A_127] {strides = array<i32>} : memref<128x128xf32, #tpu.memory_space<vmem>>, vector<1x16xf32>,
      %swap3A_129 = vector.shape_cast %swap3A_128 : vector<1x16xf32> to vector<16xf32>
      %swap3A_130 = vector.shape_cast %broadcast_in_dim3A_125 : vector<16xf32> to vector<1x16xf32>
      tpu.vector_store %arg6[%swap3A_126, %swap3A_127], %swap3A_130 {strides = array<i32>} : memref<128x128xf32, #tpu.memory_space<vmem>>, vector<1x16xf32>,
      %broadcast_in_dim3A_131 = arith.constant 0.000000e+00 : f32
      %broadcast_in_dim3A_132 = vector.broadcast %broadcast_in_dim3A_131 : f32 to vector<16xf32>
      %swap3A_133 = arith.index_cast %scan3A_104 : i32 to index
      %swap3A_134 = arith.constant 64 : index
      %swap3A_135 = tpu.vector_load %arg6[%swap3A_133, %swap3A_134] {strides = array<i32>} : memref<128x128xf32, #tpu.memory_space<vmem>>, vector<1x16xf32>,
      %swap3A_136 = vector.shape_cast %swap3A_135 : vector<1x16xf32> to vector<16xf32>
      %swap3A_137 = vector.shape_cast %broadcast_in_dim3A_132 : vector<16xf32> to vector<1x16xf32>
      tpu.vector_store %arg6[%swap3A_133, %swap3A_134], %swap3A_137 {strides = array<i32>} : memref<128x128xf32, #tpu.memory_space<vmem>>, vector<1x16xf32>,
      %broadcast_in_dim3A_138 = arith.constant 0.000000e+00 : f32
      %broadcast_in_dim3A_139 = vector.broadcast %broadcast_in_dim3A_138 : f32 to vector<16xf32>
      %swap3A_140 = arith.index_cast %scan3A_104 : i32 to index
      %swap3A_141 = arith.constant 80 : index
      %swap3A_142 = tpu.vector_load %arg6[%swap3A_140, %swap3A_141] {strides = array<i32>} : memref<128x128xf32, #tpu.memory_space<vmem>>, vector<1x16xf32>,
      %swap3A_143 = vector.shape_cast %swap3A_142 : vector<1x16xf32> to vector<16xf32>
      %swap3A_144 = vector.shape_cast %broadcast_in_dim3A_139 : vector<16xf32> to vector<1x16xf32>
      tpu.vector_store %arg6[%swap3A_140, %swap3A_141], %swap3A_144 {strides = array<i32>} : memref<128x128xf32, #tpu.memory_space<vmem>>, vector<1x16xf32>,
      %broadcast_in_dim3A_145 = arith.constant 0.000000e+00 : f32
      %broadcast_in_dim3A_146 = vector.broadcast %broadcast_in_dim3A_145 : f32 to vector<16xf32>
      %swap3A_147 = arith.index_cast %scan3A_104 : i32 to index
      %swap3A_148 = arith.constant 96 : index
      %swap3A_149 = tpu.vector_load %arg6[%swap3A_147, %swap3A_148] {strides = array<i32>} : memref<128x128xf32, #tpu.memory_space<vmem>>, vector<1x16xf32>,
      %swap3A_150 = vector.shape_cast %swap3A_149 : vector<1x16xf32> to vector<16xf32>
      %swap3A_151 = vector.shape_cast %broadcast_in_dim3A_146 : vector<16xf32> to vector<1x16xf32>
      tpu.vector_store %arg6[%swap3A_147, %swap3A_148], %swap3A_151 {strides = array<i32>} : memref<128x128xf32, #tpu.memory_space<vmem>>, vector<1x16xf32>,
      %broadcast_in_dim3A_152 = arith.constant 0.000000e+00 : f32
      %broadcast_in_dim3A_153 = vector.broadcast %broadcast_in_dim3A_152 : f32 to vector<16xf32>
      %swap3A_154 = arith.index_cast %scan3A_104 : i32 to index
      %swap3A_155 = arith.constant 112 : index
      %swap3A_156 = tpu.vector_load %arg6[%swap3A_154, %swap3A_155] {strides = array<i32>} : memref<128x128xf32, #tpu.memory_space<vmem>>, vector<1x16xf32>,
      %swap3A_157 = vector.shape_cast %swap3A_156 : vector<1x16xf32> to vector<16xf32>
      %swap3A_158 = vector.shape_cast %broadcast_in_dim3A_153 : vector<16xf32> to vector<1x16xf32>
      tpu.vector_store %arg6[%swap3A_154, %swap3A_155], %swap3A_158 {strides = array<i32>} : memref<128x128xf32, #tpu.memory_space<vmem>>, vector<1x16xf32>,
    }
    %scan3A_4 = arith.constant 128 : i32
    %mul3A_5 = arith.constant 624 : i32
    %mul3A_6 = arith.muli %arg1, %mul3A_5 : i32
    %add3A_7 = arith.constant 0 : i32
    %add3A_8 = arith.addi %mul3A_6, %add3A_7 : i32
    "tpu.region"() ({
      %run_scoped3A = tpu.sem_alloc : memref<!tpu.dma_semaphore, #tpu.memory_space<semaphore_mem>>
      %dma_start3A_104 = arith.constant 0 : i32
      %dma_start3A_105 = tpu.memref_slice %arg5[%add3A_8, %dma_start3A_104] : memref<10000x128xf32, #tpu.memory_space<vmem_shared>> -> memref<128x128xf32, #tpu.memory_space<vmem_shared>>
      %dma_start3A_106 = arith.constant 0 : i32
      %dma_start3A_107 = tpu.memref_slice %arg5[%add3A_8, %dma_start3A_106] : memref<10000x128xf32, #tpu.memory_space<vmem_shared>> -> memref<128x128xf32, #tpu.memory_space<vmem_shared>>
      tpu.enqueue_dma source(%arg6 : memref<128x128xf32, #tpu.memory_space<vmem>>) target(%dma_start3A_107 : memref<128x128xf32, #tpu.memory_space<vmem_shared>>) target_semaphore(%run_scoped3A : memref<!tpu.dma_semaphore, #tpu.memory_space<semaphore_mem>>)
      %dma_wait3A_108 = arith.constant 0 : i32
      %dma_wait3A_109 = tpu.memref_slice %arg5[%add3A_8, %dma_wait3A_108] : memref<10000x128xf32, #tpu.memory_space<vmem_shared>> -> memref<128x128xf32, #tpu.memory_space<vmem_shared>>
      %dma_wait3A_110 = arith.constant 0 : i32
      %dma_wait3A_111 = tpu.memref_slice %arg5[%add3A_8, %dma_wait3A_110] : memref<10000x128xf32, #tpu.memory_space<vmem_shared>> -> memref<128x128xf32, #tpu.memory_space<vmem_shared>>
      tpu.wait_dma2 semaphore(%run_scoped3A : memref<!tpu.dma_semaphore, #tpu.memory_space<semaphore_mem>>) src(%arg6 : memref<128x128xf32, #tpu.memory_space<vmem>>) dst(%dma_wait3A_111 : memref<128x128xf32, #tpu.memory_space<vmem_shared>>)
      tpu.yield
    }) : () -> ()
    %mul3A_9 = arith.constant 624 : i32
    %mul3A_10 = arith.muli %arg1, %mul3A_9 : i32
    %add3A_11 = arith.constant 128 : i32
    %add3A_12 = arith.addi %mul3A_10, %add3A_11 : i32
    "tpu.region"() ({
      %run_scoped3A = tpu.sem_alloc : memref<!tpu.dma_semaphore, #tpu.memory_space<semaphore_mem>>
      %dma_start3A_104 = arith.constant 0 : i32
      %dma_start3A_105 = tpu.memref_slice %arg5[%add3A_12, %dma_start3A_104] : memref<10000x128xf32, #tpu.memory_space<vmem_shared>> -> memref<128x128xf32, #tpu.memory_space<vmem_shared>>
      %dma_start3A_106 = arith.constant 0 : i32
      %dma_start3A_107 = tpu.memref_slice %arg5[%add3A_12, %dma_start3A_106] : memref<10000x128xf32, #tpu.memory_space<vmem_shared>> -> memref<128x128xf32, #tpu.memory_space<vmem_shared>>
      tpu.enqueue_dma source(%arg6 : memref<128x128xf32, #tpu.memory_space<vmem>>) target(%dma_start3A_107 : memref<128x128xf32, #tpu.memory_space<vmem_shared>>) target_semaphore(%run_scoped3A : memref<!tpu.dma_semaphore, #tpu.memory_space<semaphore_mem>>)
      %dma_wait3A_108 = arith.constant 0 : i32
      %dma_wait3A_109 = tpu.memref_slice %arg5[%add3A_12, %dma_wait3A_108] : memref<10000x128xf32, #tpu.memory_space<vmem_shared>> -> memref<128x128xf32, #tpu.memory_space<vmem_shared>>
      %dma_wait3A_110 = arith.constant 0 : i32
      %dma_wait3A_111 = tpu.memref_slice %arg5[%add3A_12, %dma_wait3A_110] : memref<10000x128xf32, #tpu.memory_space<vmem_shared>> -> memref<128x128xf32, #tpu.memory_space<vmem_shared>>
      tpu.wait_dma2 semaphore(%run_scoped3A : memref<!tpu.dma_semaphore, #tpu.memory_space<semaphore_mem>>) src(%arg6 : memref<128x128xf32, #tpu.memory_space<vmem>>) dst(%dma_wait3A_111 : memref<128x128xf32, #tpu.memory_space<vmem_shared>>)
      tpu.yield
    }) : () -> ()
    %mul3A_13 = arith.constant 624 : i32
    %mul3A_14 = arith.muli %arg1, %mul3A_13 : i32
    %add3A_15 = arith.constant 256 : i32
    %add3A_16 = arith.addi %mul3A_14, %add3A_15 : i32
    "tpu.region"() ({
      %run_scoped3A = tpu.sem_alloc : memref<!tpu.dma_semaphore, #tpu.memory_space<semaphore_mem>>
      %dma_start3A_104 = arith.constant 0 : i32
      %dma_start3A_105 = tpu.memref_slice %arg5[%add3A_16, %dma_start3A_104] : memref<10000x128xf32, #tpu.memory_space<vmem_shared>> -> memref<128x128xf32, #tpu.memory_space<vmem_shared>>
      %dma_start3A_106 = arith.constant 0 : i32
      %dma_start3A_107 = tpu.memref_slice %arg5[%add3A_16, %dma_start3A_106] : memref<10000x128xf32, #tpu.memory_space<vmem_shared>> -> memref<128x128xf32, #tpu.memory_space<vmem_shared>>
      tpu.enqueue_dma source(%arg6 : memref<128x128xf32, #tpu.memory_space<vmem>>) target(%dma_start3A_107 : memref<128x128xf32, #tpu.memory_space<vmem_shared>>) target_semaphore(%run_scoped3A : memref<!tpu.dma_semaphore, #tpu.memory_space<semaphore_mem>>)
      %dma_wait3A_108 = arith.constant 0 : i32
      %dma_wait3A_109 = tpu.memref_slice %arg5[%add3A_16, %dma_wait3A_108] : memref<10000x128xf32, #tpu.memory_space<vmem_shared>> -> memref<128x128xf32, #tpu.memory_space<vmem_shared>>
      %dma_wait3A_110 = arith.constant 0 : i32
      %dma_wait3A_111 = tpu.memref_slice %arg5[%add3A_16, %dma_wait3A_110] : memref<10000x128xf32, #tpu.memory_space<vmem_shared>> -> memref<128x128xf32, #tpu.memory_space<vmem_shared>>
      tpu.wait_dma2 semaphore(%run_scoped3A : memref<!tpu.dma_semaphore, #tpu.memory_space<semaphore_mem>>) src(%arg6 : memref<128x128xf32, #tpu.memory_space<vmem>>) dst(%dma_wait3A_111 : memref<128x128xf32, #tpu.memory_space<vmem_shared>>)
      tpu.yield
    }) : () -> ()
    %mul3A_17 = arith.constant 624 : i32
    %mul3A_18 = arith.muli %arg1, %mul3A_17 : i32
    %add3A_19 = arith.constant 384 : i32
    %add3A_20 = arith.addi %mul3A_18, %add3A_19 : i32
    "tpu.region"() ({
      %run_scoped3A = tpu.sem_alloc : memref<!tpu.dma_semaphore, #tpu.memory_space<semaphore_mem>>
      %dma_start3A_104 = arith.constant 0 : i32
      %dma_start3A_105 = tpu.memref_slice %arg5[%add3A_20, %dma_start3A_104] : memref<10000x128xf32, #tpu.memory_space<vmem_shared>> -> memref<128x128xf32, #tpu.memory_space<vmem_shared>>
      %dma_start3A_106 = arith.constant 0 : i32
      %dma_start3A_107 = tpu.memref_slice %arg5[%add3A_20, %dma_start3A_106] : memref<10000x128xf32, #tpu.memory_space<vmem_shared>> -> memref<128x128xf32, #tpu.memory_space<vmem_shared>>
      tpu.enqueue_dma source(%arg6 : memref<128x128xf32, #tpu.memory_space<vmem>>) target(%dma_start3A_107 : memref<128x128xf32, #tpu.memory_space<vmem_shared>>) target_semaphore(%run_scoped3A : memref<!tpu.dma_semaphore, #tpu.memory_space<semaphore_mem>>)
      %dma_wait3A_108 = arith.constant 0 : i32
      %dma_wait3A_109 = tpu.memref_slice %arg5[%add3A_20, %dma_wait3A_108] : memref<10000x128xf32, #tpu.memory_space<vmem_shared>> -> memref<128x128xf32, #tpu.memory_space<vmem_shared>>
      %dma_wait3A_110 = arith.constant 0 : i32
      %dma_wait3A_111 = tpu.memref_slice %arg5[%add3A_20, %dma_wait3A_110] : memref<10000x128xf32, #tpu.memory_space<vmem_shared>> -> memref<128x128xf32, #tpu.memory_space<vmem_shared>>
      tpu.wait_dma2 semaphore(%run_scoped3A : memref<!tpu.dma_semaphore, #tpu.memory_space<semaphore_mem>>) src(%arg6 : memref<128x128xf32, #tpu.memory_space<vmem>>) dst(%dma_wait3A_111 : memref<128x128xf32, #tpu.memory_space<vmem_shared>>)
      tpu.yield
    }) : () -> ()
    %mul3A_21 = arith.constant 624 : i32
    %mul3A_22 = arith.muli %arg1, %mul3A_21 : i32
    %add3A_23 = arith.constant 512 : i32
    %add3A_24 = arith.addi %mul3A_22, %add3A_23 : i32
    "tpu.region"() ({
      %run_scoped3A = tpu.sem_alloc : memref<!tpu.dma_semaphore, #tpu.memory_space<semaphore_mem>>
      %dma_start3A_104 = arith.constant 0 : i32
      %dma_start3A_105 = arith.constant 0 : i32
      %dma_start3A_106 = tpu.memref_slice %arg6[%dma_start3A_104, %dma_start3A_105] : memref<128x128xf32, #tpu.memory_space<vmem>> -> memref<112x128xf32, #tpu.memory_space<vmem>>
      %dma_start3A_107 = arith.constant 0 : i32
      %dma_start3A_108 = tpu.memref_slice %arg5[%add3A_24, %dma_start3A_107] : memref<10000x128xf32, #tpu.memory_space<vmem_shared>> -> memref<112x128xf32, #tpu.memory_space<vmem_shared>>
      %dma_start3A_109 = arith.constant 0 : i32
      %dma_start3A_110 = tpu.memref_slice %arg5[%add3A_24, %dma_start3A_109] : memref<10000x128xf32, #tpu.memory_space<vmem_shared>> -> memref<112x128xf32, #tpu.memory_space<vmem_shared>>
      %dma_start3A_111 = arith.constant 0 : i32
      %dma_start3A_112 = arith.constant 0 : i32
      %dma_start3A_113 = tpu.memref_slice %arg6[%dma_start3A_111, %dma_start3A_112] : memref<128x128xf32, #tpu.memory_space<vmem>> -> memref<112x128xf32, #tpu.memory_space<vmem>>
      tpu.enqueue_dma source(%dma_start3A_113 : memref<112x128xf32, #tpu.memory_space<vmem>>) target(%dma_start3A_110 : memref<112x128xf32, #tpu.memory_space<vmem_shared>>) target_semaphore(%run_scoped3A : memref<!tpu.dma_semaphore, #tpu.memory_space<semaphore_mem>>)
      %dma_wait3A_114 = arith.constant 0 : i32
      %dma_wait3A_115 = arith.constant 0 : i32
      %dma_wait3A_116 = tpu.memref_slice %arg6[%dma_wait3A_114, %dma_wait3A_115] : memref<128x128xf32, #tpu.memory_space<vmem>> -> memref<112x128xf32, #tpu.memory_space<vmem>>
      %dma_wait3A_117 = arith.constant 0 : i32
      %dma_wait3A_118 = tpu.memref_slice %arg5[%add3A_24, %dma_wait3A_117] : memref<10000x128xf32, #tpu.memory_space<vmem_shared>> -> memref<112x128xf32, #tpu.memory_space<vmem_shared>>
      %dma_wait3A_119 = arith.constant 0 : i32
      %dma_wait3A_120 = tpu.memref_slice %arg5[%add3A_24, %dma_wait3A_119] : memref<10000x128xf32, #tpu.memory_space<vmem_shared>> -> memref<112x128xf32, #tpu.memory_space<vmem_shared>>
      %dma_wait3A_121 = arith.constant 0 : i32
      %dma_wait3A_122 = arith.constant 0 : i32
      %dma_wait3A_123 = tpu.memref_slice %arg6[%dma_wait3A_121, %dma_wait3A_122] : memref<128x128xf32, #tpu.memory_space<vmem>> -> memref<112x128xf32, #tpu.memory_space<vmem>>
      tpu.wait_dma2 semaphore(%run_scoped3A : memref<!tpu.dma_semaphore, #tpu.memory_space<semaphore_mem>>) src(%dma_wait3A_123 : memref<112x128xf32, #tpu.memory_space<vmem>>) dst(%dma_wait3A_120 : memref<112x128xf32, #tpu.memory_space<vmem_shared>>)
      tpu.yield
    }) : () -> ()
    %eq3A = arith.constant 15 : i32
    %eq3A_25 = arith.cmpi eq, %arg1, %eq3A : i32
    %convert_element_type3A = arith.extui %eq3A_25 : i1 to i32
    %cond3A = arith.constant 0 : i32
    %cond3A_26 = arith.cmpi ne, %convert_element_type3A, %cond3A : i32
    scf.if %cond3A_26 {
      "tpu.region"() ({
        %run_scoped3A = tpu.sem_alloc : memref<!tpu.dma_semaphore, #tpu.memory_space<semaphore_mem>>
        %dma_start3A_104 = arith.constant 0 : i32
        %dma_start3A_105 = arith.constant 0 : i32
        %dma_start3A_106 = tpu.memref_slice %arg6[%dma_start3A_104, %dma_start3A_105] : memref<128x128xf32, #tpu.memory_space<vmem>> -> memref<16x128xf32, #tpu.memory_space<vmem>>
        %dma_start3A_107 = arith.constant 9984 : i32
        %dma_start3A_108 = arith.constant 0 : i32
        %dma_start3A_109 = tpu.memref_slice %arg5[%dma_start3A_107, %dma_start3A_108] : memref<10000x128xf32, #tpu.memory_space<vmem_shared>> -> memref<16x128xf32, #tpu.memory_space<vmem_shared>>
        %dma_start3A_110 = arith.constant 9984 : i32
        %dma_start3A_111 = arith.constant 0 : i32
        %dma_start3A_112 = tpu.memref_slice %arg5[%dma_start3A_110, %dma_start3A_111] : memref<10000x128xf32, #tpu.memory_space<vmem_shared>> -> memref<16x128xf32, #tpu.memory_space<vmem_shared>>
        %dma_start3A_113 = arith.constant 0 : i32
        %dma_start3A_114 = arith.constant 0 : i32
        %dma_start3A_115 = tpu.memref_slice %arg6[%dma_start3A_113, %dma_start3A_114] : memref<128x128xf32, #tpu.memory_space<vmem>> -> memref<16x128xf32, #tpu.memory_space<vmem>>
        tpu.enqueue_dma source(%dma_start3A_115 : memref<16x128xf32, #tpu.memory_space<vmem>>) target(%dma_start3A_112 : memref<16x128xf32, #tpu.memory_space<vmem_shared>>) target_semaphore(%run_scoped3A : memref<!tpu.dma_semaphore, #tpu.memory_space<semaphore_mem>>)
        %dma_wait3A_116 = arith.constant 0 : i32
        %dma_wait3A_117 = arith.constant 0 : i32
        %dma_wait3A_118 = tpu.memref_slice %arg6[%dma_wait3A_116, %dma_wait3A_117] : memref<128x128xf32, #tpu.memory_space<vmem>> -> memref<16x128xf32, #tpu.memory_space<vmem>>
        %dma_wait3A_119 = arith.constant 9984 : i32
        %dma_wait3A_120 = arith.constant 0 : i32
        %dma_wait3A_121 = tpu.memref_slice %arg5[%dma_wait3A_119, %dma_wait3A_120] : memref<10000x128xf32, #tpu.memory_space<vmem_shared>> -> memref<16x128xf32, #tpu.memory_space<vmem_shared>>
        %dma_wait3A_122 = arith.constant 9984 : i32
        %dma_wait3A_123 = arith.constant 0 : i32
        %dma_wait3A_124 = tpu.memref_slice %arg5[%dma_wait3A_122, %dma_wait3A_123] : memref<10000x128xf32, #tpu.memory_space<vmem_shared>> -> memref<16x128xf32, #tpu.memory_space<vmem_shared>>
        %dma_wait3A_125 = arith.constant 0 : i32
        %dma_wait3A_126 = arith.constant 0 : i32
        %dma_wait3A_127 = tpu.memref_slice %arg6[%dma_wait3A_125, %dma_wait3A_126] : memref<128x128xf32, #tpu.memory_space<vmem>> -> memref<16x128xf32, #tpu.memory_space<vmem>>
        tpu.wait_dma2 semaphore(%run_scoped3A : memref<!tpu.dma_semaphore, #tpu.memory_space<semaphore_mem>>) src(%dma_wait3A_127 : memref<16x128xf32, #tpu.memory_space<vmem>>) dst(%dma_wait3A_124 : memref<16x128xf32, #tpu.memory_space<vmem_shared>>)
        tpu.yield
      }) : () -> ()
    } else {
    }
    %barrier3A = arith.constant 0 : index
    tpu.barrier barrier_id(%barrier3A)
    %dma_start3A = arith.constant 0 : i32
    %dma_start3A_27 = arith.constant 0 : i32
    %dma_start3A_28 = arith.constant 0 : i32
    %dma_start3A_29 = arith.constant 0 : i32
    %dma_start3A_30 = tpu.memref_slice %arg3[%dma_start3A, %add3A, %dma_start3A_27, %dma_start3A_28, %dma_start3A_29] : memref<2x32x10x8x128xi32, #tpu.memory_space<hbm>> -> memref<1x1x1x8x128xi32, #tpu.memory_space<hbm>>
    %dma_start3A_31 = tpu.memref_squeeze %dma_start3A_30 : memref<1x1x1x8x128xi32, #tpu.memory_space<hbm>> -> memref<8x128xi32, #tpu.memory_space<hbm>>
    %dma_start3A_32 = arith.constant 0 : i32
    %dma_start3A_33 = arith.constant 0 : i32
    %dma_start3A_34 = tpu.memref_slice %arg3[%dma_start3A, %add3A, %dma_start3A_27, %dma_start3A_32, %dma_start3A_33] : memref<2x32x10x8x128xi32, #tpu.memory_space<hbm>> -> memref<1x1x1x8x128xi32, #tpu.memory_space<hbm>>
    %dma_start3A_35 = tpu.memref_squeeze %dma_start3A_34 : memref<1x1x1x8x128xi32, #tpu.memory_space<hbm>> -> memref<8x128xi32, #tpu.memory_space<hbm>>
    tpu.enqueue_dma source(%dma_start3A_35 : memref<8x128xi32, #tpu.memory_space<hbm>>) target(%arg8 : memref<8x128xi32, #tpu.memory_space<vmem>>) target_semaphore(%arg16 : memref<!tpu.dma_semaphore, #tpu.memory_space<semaphore_mem>>)
    %dma_start3A_36 = arith.constant 1 : i32
    %dma_start3A_37 = arith.constant 0 : i32
    %dma_start3A_38 = arith.constant 0 : i32
    %dma_start3A_39 = arith.constant 0 : i32
    %dma_start3A_40 = tpu.memref_slice %arg3[%dma_start3A_36, %add3A, %dma_start3A_37, %dma_start3A_38, %dma_start3A_39] : memref<2x32x10x8x128xi32, #tpu.memory_space<hbm>> -> memref<1x1x1x8x128xi32, #tpu.memory_space<hbm>>
    %dma_start3A_41 = tpu.memref_squeeze %dma_start3A_40 : memref<1x1x1x8x128xi32, #tpu.memory_space<hbm>> -> memref<8x128xi32, #tpu.memory_space<hbm>>
    %dma_start3A_42 = arith.constant 0 : i32
    %dma_start3A_43 = arith.constant 0 : i32
    %dma_start3A_44 = tpu.memref_slice %arg3[%dma_start3A_36, %add3A, %dma_start3A_37, %dma_start3A_42, %dma_start3A_43] : memref<2x32x10x8x128xi32, #tpu.memory_space<hbm>> -> memref<1x1x1x8x128xi32, #tpu.memory_space<hbm>>
    %dma_start3A_45 = tpu.memref_squeeze %dma_start3A_44 : memref<1x1x1x8x128xi32, #tpu.memory_space<hbm>> -> memref<8x128xi32, #tpu.memory_space<hbm>>
    tpu.enqueue_dma source(%dma_start3A_45 : memref<8x128xi32, #tpu.memory_space<hbm>>) target(%arg10 : memref<8x128xi32, #tpu.memory_space<vmem>>) target_semaphore(%arg18 : memref<!tpu.dma_semaphore, #tpu.memory_space<semaphore_mem>>)
    %dma_start3A_46 = arith.constant 0 : i32
    %dma_start3A_47 = arith.constant 1 : i32
    %dma_start3A_48 = arith.constant 0 : i32
    %dma_start3A_49 = arith.constant 0 : i32
    %dma_start3A_50 = tpu.memref_slice %arg3[%dma_start3A_46, %add3A, %dma_start3A_47, %dma_start3A_48, %dma_start3A_49] : memref<2x32x10x8x128xi32, #tpu.memory_space<hbm>> -> memref<1x1x1x8x128xi32, #tpu.memory_space<hbm>>
    %dma_start3A_51 = tpu.memref_squeeze %dma_start3A_50 : memref<1x1x1x8x128xi32, #tpu.memory_space<hbm>> -> memref<8x128xi32, #tpu.memory_space<hbm>>
    %dma_start3A_52 = arith.constant 0 : i32
    %dma_start3A_53 = arith.constant 0 : i32
    %dma_start3A_54 = tpu.memref_slice %arg3[%dma_start3A_46, %add3A, %dma_start3A_47, %dma_start3A_52, %dma_start3A_53] : memref<2x32x10x8x128xi32, #tpu.memory_space<hbm>> -> memref<1x1x1x8x128xi32, #tpu.memory_space<hbm>>
    %dma_start3A_55 = tpu.memref_squeeze %dma_start3A_54 : memref<1x1x1x8x128xi32, #tpu.memory_space<hbm>> -> memref<8x128xi32, #tpu.memory_space<hbm>>
    tpu.enqueue_dma source(%dma_start3A_55 : memref<8x128xi32, #tpu.memory_space<hbm>>) target(%arg9 : memref<8x128xi32, #tpu.memory_space<vmem>>) target_semaphore(%arg17 : memref<!tpu.dma_semaphore, #tpu.memory_space<semaphore_mem>>)
    %dma_start3A_56 = arith.constant 1 : i32
    %dma_start3A_57 = arith.constant 1 : i32
    %dma_start3A_58 = arith.constant 0 : i32
    %dma_start3A_59 = arith.constant 0 : i32
    %dma_start3A_60 = tpu.memref_slice %arg3[%dma_start3A_56, %add3A, %dma_start3A_57, %dma_start3A_58, %dma_start3A_59] : memref<2x32x10x8x128xi32, #tpu.memory_space<hbm>> -> memref<1x1x1x8x128xi32, #tpu.memory_space<hbm>>
    %dma_start3A_61 = tpu.memref_squeeze %dma_start3A_60 : memref<1x1x1x8x128xi32, #tpu.memory_space<hbm>> -> memref<8x128xi32, #tpu.memory_space<hbm>>
    %dma_start3A_62 = arith.constant 0 : i32
    %dma_start3A_63 = arith.constant 0 : i32
    %dma_start3A_64 = tpu.memref_slice %arg3[%dma_start3A_56, %add3A, %dma_start3A_57, %dma_start3A_62, %dma_start3A_63] : memref<2x32x10x8x128xi32, #tpu.memory_space<hbm>> -> memref<1x1x1x8x128xi32, #tpu.memory_space<hbm>>
    %dma_start3A_65 = tpu.memref_squeeze %dma_start3A_64 : memref<1x1x1x8x128xi32, #tpu.memory_space<hbm>> -> memref<8x128xi32, #tpu.memory_space<hbm>>
    tpu.enqueue_dma source(%dma_start3A_65 : memref<8x128xi32, #tpu.memory_space<hbm>>) target(%arg11 : memref<8x128xi32, #tpu.memory_space<vmem>>) target_semaphore(%arg19 : memref<!tpu.dma_semaphore, #tpu.memory_space<semaphore_mem>>)
    %dma_wait3A = arith.constant 0 : i32
    %dma_wait3A_66 = arith.constant 0 : i32
    %dma_wait3A_67 = arith.constant 0 : i32
    %dma_wait3A_68 = arith.constant 0 : i32
    %dma_wait3A_69 = tpu.memref_slice %arg3[%dma_wait3A, %add3A, %dma_wait3A_66, %dma_wait3A_67, %dma_wait3A_68] : memref<2x32x10x8x128xi32, #tpu.memory_space<hbm>> -> memref<1x1x1x8x128xi32, #tpu.memory_space<hbm>>
    %dma_wait3A_70 = tpu.memref_squeeze %dma_wait3A_69 : memref<1x1x1x8x128xi32, #tpu.memory_space<hbm>> -> memref<8x128xi32, #tpu.memory_space<hbm>>
    %dma_wait3A_71 = arith.constant 0 : i32
    %dma_wait3A_72 = arith.constant 0 : i32
    %dma_wait3A_73 = tpu.memref_slice %arg3[%dma_wait3A, %add3A, %dma_wait3A_66, %dma_wait3A_71, %dma_wait3A_72] : memref<2x32x10x8x128xi32, #tpu.memory_space<hbm>> -> memref<1x1x1x8x128xi32, #tpu.memory_space<hbm>>
    %dma_wait3A_74 = tpu.memref_squeeze %dma_wait3A_73 : memref<1x1x1x8x128xi32, #tpu.memory_space<hbm>> -> memref<8x128xi32, #tpu.memory_space<hbm>>
    tpu.wait_dma2 semaphore(%arg16 : memref<!tpu.dma_semaphore, #tpu.memory_space<semaphore_mem>>) src(%dma_wait3A_74 : memref<8x128xi32, #tpu.memory_space<hbm>>) dst(%arg8 : memref<8x128xi32, #tpu.memory_space<vmem>>)
    %dma_start3A_75 = arith.constant 0 : i32
    %dma_start3A_76 = arith.constant 0 : i32
    %dma_start3A_77 = tpu.memref_slice %arg8[%dma_start3A_75, %dma_start3A_76] : memref<8x128xi32, #tpu.memory_space<vmem>> -> memref<1x128xi32, #tpu.memory_space<vmem>>
    %dma_start3A_78 = tpu.memref_squeeze %dma_start3A_77 : memref<1x128xi32, #tpu.memory_space<vmem>> -> memref<128xi32, #tpu.memory_space<vmem>>
    %dma_start3A_79 = arith.constant 0 : i32
    %dma_start3A_80 = arith.constant 0 : i32
    %dma_start3A_81 = tpu.memref_slice %arg2[%dma_start3A_79, %dma_start3A_80] : memref<10128x128xf32, #tpu.memory_space<hbm>> -> memref<10128x128xf32, #tpu.memory_space<hbm>>
    tpu.enqueue_indirect_dma source(%dma_start3A_81 : memref<10128x128xf32, #tpu.memory_space<hbm>>) target(%arg6 : memref<128x128xf32, #tpu.memory_space<vmem>>) offsets(%dma_start3A_78 : memref<128xi32, #tpu.memory_space<vmem>>) semaphore(%arg12 : memref<!tpu.dma_semaphore, #tpu.memory_space<semaphore_mem>>)
    %dma_start3A_82 = arith.constant 1 : i32
    %dma_start3A_83 = arith.constant 0 : i32
    %dma_start3A_84 = tpu.memref_slice %arg8[%dma_start3A_82, %dma_start3A_83] : memref<8x128xi32, #tpu.memory_space<vmem>> -> memref<1x128xi32, #tpu.memory_space<vmem>>
    %dma_start3A_85 = tpu.memref_squeeze %dma_start3A_84 : memref<1x128xi32, #tpu.memory_space<vmem>> -> memref<128xi32, #tpu.memory_space<vmem>>
    %dma_start3A_86 = arith.constant 0 : i32
    %dma_start3A_87 = arith.constant 0 : i32
    %dma_start3A_88 = tpu.memref_slice %arg2[%dma_start3A_86, %dma_start3A_87] : memref<10128x128xf32, #tpu.memory_space<hbm>> -> memref<10128x128xf32, #tpu.memory_space<hbm>>
    tpu.enqueue_indirect_dma source(%dma_start3A_88 : memref<10128x128xf32, #tpu.memory_space<hbm>>) target(%arg7 : memref<128x128xf32, #tpu.memory_space<vmem>>) offsets(%dma_start3A_85 : memref<128xi32, #tpu.memory_space<vmem>>) semaphore(%arg13 : memref<!tpu.dma_semaphore, #tpu.memory_space<semaphore_mem>>)
    %scan3A_89 = arith.constant 0 : i32
    %scan3A_90 = arith.constant 5 : i32
    %scan3A_91 = arith.addi %scan3A_89, %scan3A_90 : i32
    %scan3A_92 = arith.constant 1 : i32
    scf.for %scan3A_104 = %scan3A_89 to %scan3A_91 step %scan3A_92  : i32 {
      %mul3A_105 = arith.constant 2 : i32
      %mul3A_106 = arith.muli %mul3A_105, %scan3A_104 : i32
      %add3A_107 = arith.constant 0 : i32
      %add3A_108 = arith.addi %mul3A_106, %add3A_107 : i32
      %dma_wait3A_109 = arith.constant 0 : i32
      %dma_wait3A_110 = arith.constant 0 : i32
      %dma_wait3A_111 = arith.constant 0 : i32
      %dma_wait3A_112 = arith.constant 0 : i32
      %dma_wait3A_113 = tpu.memref_slice %arg3[%dma_wait3A_109, %add3A, %dma_wait3A_110, %dma_wait3A_111, %dma_wait3A_112] : memref<2x32x10x8x128xi32, #tpu.memory_space<hbm>> -> memref<1x1x1x8x128xi32, #tpu.memory_space<hbm>>
      %dma_wait3A_114 = tpu.memref_squeeze %dma_wait3A_113 : memref<1x1x1x8x128xi32, #tpu.memory_space<hbm>> -> memref<8x128xi32, #tpu.memory_space<hbm>>
      %dma_wait3A_115 = arith.constant 0 : i32
      %dma_wait3A_116 = arith.constant 0 : i32
      %dma_wait3A_117 = tpu.memref_slice %arg3[%dma_wait3A_109, %add3A, %dma_wait3A_110, %dma_wait3A_115, %dma_wait3A_116] : memref<2x32x10x8x128xi32, #tpu.memory_space<hbm>> -> memref<1x1x1x8x128xi32, #tpu.memory_space<hbm>>
      %dma_wait3A_118 = tpu.memref_squeeze %dma_wait3A_117 : memref<1x1x1x8x128xi32, #tpu.memory_space<hbm>> -> memref<8x128xi32, #tpu.memory_space<hbm>>
      tpu.wait_dma2 semaphore(%arg18 : memref<!tpu.dma_semaphore, #tpu.memory_space<semaphore_mem>>) src(%dma_wait3A_118 : memref<8x128xi32, #tpu.memory_space<hbm>>) dst(%arg10 : memref<8x128xi32, #tpu.memory_space<vmem>>)
      %dma_wait3A_119 = arith.constant 0 : i32
      %dma_wait3A_120 = arith.constant 0 : i32
      %dma_wait3A_121 = tpu.memref_slice %arg8[%dma_wait3A_119, %dma_wait3A_120] : memref<8x128xi32, #tpu.memory_space<vmem>> -> memref<1x128xi32, #tpu.memory_space<vmem>>
      %dma_wait3A_122 = tpu.memref_squeeze %dma_wait3A_121 : memref<1x128xi32, #tpu.memory_space<vmem>> -> memref<128xi32, #tpu.memory_space<vmem>>
      %dma_wait3A_123 = arith.constant 0 : i32
      %dma_wait3A_124 = arith.constant 0 : i32
      %dma_wait3A_125 = tpu.memref_slice %arg2[%dma_wait3A_123, %dma_wait3A_124] : memref<10128x128xf32, #tpu.memory_space<hbm>> -> memref<10128x128xf32, #tpu.memory_space<hbm>>
      tpu.wait_indirect_dma semaphore(%arg12 : memref<!tpu.dma_semaphore, #tpu.memory_space<semaphore_mem>>) src(%dma_wait3A_125 : memref<10128x128xf32, #tpu.memory_space<hbm>>) dst(%arg6 : memref<128x128xf32, #tpu.memory_space<vmem>>)
      %dma_start3A_126 = arith.constant 0 : i32
      %dma_start3A_127 = arith.constant 0 : i32
      %dma_start3A_128 = tpu.memref_slice %arg10[%dma_start3A_126, %dma_start3A_127] : memref<8x128xi32, #tpu.memory_space<vmem>> -> memref<1x128xi32, #tpu.memory_space<vmem>>
      %dma_start3A_129 = tpu.memref_squeeze %dma_start3A_128 : memref<1x128xi32, #tpu.memory_space<vmem>> -> memref<128xi32, #tpu.memory_space<vmem>>
      %dma_start3A_130 = arith.constant 0 : i32
      %dma_start3A_131 = arith.constant 0 : i32
      %dma_start3A_132 = tpu.memref_slice %arg5[%dma_start3A_130, %dma_start3A_131] : memref<10000x128xf32, #tpu.memory_space<vmem_shared>> -> memref<10000x128xf32, #tpu.memory_space<vmem_shared>>
      tpu.enqueue_indirect_dma source(%arg6 : memref<128x128xf32, #tpu.memory_space<vmem>>) target(%dma_start3A_132 : memref<10000x128xf32, #tpu.memory_space<vmem_shared>>) offsets(%dma_start3A_129 : memref<128xi32, #tpu.memory_space<vmem>>) semaphore(%arg14 : memref<!tpu.dma_semaphore, #tpu.memory_space<semaphore_mem>>) {add = true}
      %dma_wait3A_133 = arith.constant 0 : i32
      %dma_wait3A_134 = arith.constant 0 : i32
      %dma_wait3A_135 = tpu.memref_slice %arg10[%dma_wait3A_133, %dma_wait3A_134] : memref<8x128xi32, #tpu.memory_space<vmem>> -> memref<1x128xi32, #tpu.memory_space<vmem>>
      %dma_wait3A_136 = tpu.memref_squeeze %dma_wait3A_135 : memref<1x128xi32, #tpu.memory_space<vmem>> -> memref<128xi32, #tpu.memory_space<vmem>>
      %dma_wait3A_137 = arith.constant 0 : i32
      %dma_wait3A_138 = arith.constant 0 : i32
      %dma_wait3A_139 = tpu.memref_slice %arg5[%dma_wait3A_137, %dma_wait3A_138] : memref<10000x128xf32, #tpu.memory_space<vmem_shared>> -> memref<10000x128xf32, #tpu.memory_space<vmem_shared>>
      tpu.wait_indirect_dma semaphore(%arg14 : memref<!tpu.dma_semaphore, #tpu.memory_space<semaphore_mem>>) src(%arg6 : memref<128x128xf32, #tpu.memory_space<vmem>>) dst(%dma_wait3A_139 : memref<10000x128xf32, #tpu.memory_space<vmem_shared>>)
      %dma_start3A_140 = arith.constant 2 : i32
      %dma_start3A_141 = arith.constant 0 : i32
      %dma_start3A_142 = tpu.memref_slice %arg8[%dma_start3A_140, %dma_start3A_141] : memref<8x128xi32, #tpu.memory_space<vmem>> -> memref<1x128xi32, #tpu.memory_space<vmem>>
      %dma_start3A_143 = tpu.memref_squeeze %dma_start3A_142 : memref<1x128xi32, #tpu.memory_space<vmem>> -> memref<128xi32, #tpu.memory_space<vmem>>
      %dma_start3A_144 = arith.constant 0 : i32
      %dma_start3A_145 = arith.constant 0 : i32
      %dma_start3A_146 = tpu.memref_slice %arg2[%dma_start3A_144, %dma_start3A_145] : memref<10128x128xf32, #tpu.memory_space<hbm>> -> memref<10128x128xf32, #tpu.memory_space<hbm>>
      tpu.enqueue_indirect_dma source(%dma_start3A_146 : memref<10128x128xf32, #tpu.memory_space<hbm>>) target(%arg6 : memref<128x128xf32, #tpu.memory_space<vmem>>) offsets(%dma_start3A_143 : memref<128xi32, #tpu.memory_space<vmem>>) semaphore(%arg12 : memref<!tpu.dma_semaphore, #tpu.memory_space<semaphore_mem>>)
      %dma_wait3A_147 = arith.constant 1 : i32
      %dma_wait3A_148 = arith.constant 0 : i32
      %dma_wait3A_149 = tpu.memref_slice %arg8[%dma_wait3A_147, %dma_wait3A_148] : memref<8x128xi32, #tpu.memory_space<vmem>> -> memref<1x128xi32, #tpu.memory_space<vmem>>
      %dma_wait3A_150 = tpu.memref_squeeze %dma_wait3A_149 : memref<1x128xi32, #tpu.memory_space<vmem>> -> memref<128xi32, #tpu.memory_space<vmem>>
      %dma_wait3A_151 = arith.constant 0 : i32
      %dma_wait3A_152 = arith.constant 0 : i32
      %dma_wait3A_153 = tpu.memref_slice %arg2[%dma_wait3A_151, %dma_wait3A_152] : memref<10128x128xf32, #tpu.memory_space<hbm>> -> memref<10128x128xf32, #tpu.memory_space<hbm>>
      tpu.wait_indirect_dma semaphore(%arg13 : memref<!tpu.dma_semaphore, #tpu.memory_space<semaphore_mem>>) src(%dma_wait3A_153 : memref<10128x128xf32, #tpu.memory_space<hbm>>) dst(%arg7 : memref<128x128xf32, #tpu.memory_space<vmem>>)
      %dma_start3A_154 = arith.constant 1 : i32
      %dma_start3A_155 = arith.constant 0 : i32
      %dma_start3A_156 = tpu.memref_slice %arg10[%dma_start3A_154, %dma_start3A_155] : memref<8x128xi32, #tpu.memory_space<vmem>> -> memref<1x128xi32, #tpu.memory_space<vmem>>
      %dma_start3A_157 = tpu.memref_squeeze %dma_start3A_156 : memref<1x128xi32, #tpu.memory_space<vmem>> -> memref<128xi32, #tpu.memory_space<vmem>>
      %dma_start3A_158 = arith.constant 0 : i32
      %dma_start3A_159 = arith.constant 0 : i32
      %dma_start3A_160 = tpu.memref_slice %arg5[%dma_start3A_158, %dma_start3A_159] : memref<10000x128xf32, #tpu.memory_space<vmem_shared>> -> memref<10000x128xf32, #tpu.memory_space<vmem_shared>>
      tpu.enqueue_indirect_dma source(%arg7 : memref<128x128xf32, #tpu.memory_space<vmem>>) target(%dma_start3A_160 : memref<10000x128xf32, #tpu.memory_space<vmem_shared>>) offsets(%dma_start3A_157 : memref<128xi32, #tpu.memory_space<vmem>>) semaphore(%arg15 : memref<!tpu.dma_semaphore, #tpu.memory_space<semaphore_mem>>) {add = true}
      %dma_wait3A_161 = arith.constant 1 : i32
      %dma_wait3A_162 = arith.constant 0 : i32
      %dma_wait3A_163 = tpu.memref_slice %arg10[%dma_wait3A_161, %dma_wait3A_162] : memref<8x128xi32, #tpu.memory_space<vmem>> -> memref<1x128xi32, #tpu.memory_space<vmem>>
      %dma_wait3A_164 = tpu.memref_squeeze %dma_wait3A_163 : memref<1x128xi32, #tpu.memory_space<vmem>> -> memref<128xi32, #tpu.memory_space<vmem>>
      %dma_wait3A_165 = arith.constant 0 : i32
      %dma_wait3A_166 = arith.constant 0 : i32
      %dma_wait3A_167 = tpu.memref_slice %arg5[%dma_wait3A_165, %dma_wait3A_166] : memref<10000x128xf32, #tpu.memory_space<vmem_shared>> -> memref<10000x128xf32, #tpu.memory_space<vmem_shared>>
      tpu.wait_indirect_dma semaphore(%arg15 : memref<!tpu.dma_semaphore, #tpu.memory_space<semaphore_mem>>) src(%arg7 : memref<128x128xf32, #tpu.memory_space<vmem>>) dst(%dma_wait3A_167 : memref<10000x128xf32, #tpu.memory_space<vmem_shared>>)
      %dma_start3A_168 = arith.constant 3 : i32
      %dma_start3A_169 = arith.constant 0 : i32
      %dma_start3A_170 = tpu.memref_slice %arg8[%dma_start3A_168, %dma_start3A_169] : memref<8x128xi32, #tpu.memory_space<vmem>> -> memref<1x128xi32, #tpu.memory_space<vmem>>
      %dma_start3A_171 = tpu.memref_squeeze %dma_start3A_170 : memref<1x128xi32, #tpu.memory_space<vmem>> -> memref<128xi32, #tpu.memory_space<vmem>>
      %dma_start3A_172 = arith.constant 0 : i32
      %dma_start3A_173 = arith.constant 0 : i32
      %dma_start3A_174 = tpu.memref_slice %arg2[%dma_start3A_172, %dma_start3A_173] : memref<10128x128xf32, #tpu.memory_space<hbm>> -> memref<10128x128xf32, #tpu.memory_space<hbm>>
      tpu.enqueue_indirect_dma source(%dma_start3A_174 : memref<10128x128xf32, #tpu.memory_space<hbm>>) target(%arg7 : memref<128x128xf32, #tpu.memory_space<vmem>>) offsets(%dma_start3A_171 : memref<128xi32, #tpu.memory_space<vmem>>) semaphore(%arg13 : memref<!tpu.dma_semaphore, #tpu.memory_space<semaphore_mem>>)
      %dma_wait3A_175 = arith.constant 2 : i32
      %dma_wait3A_176 = arith.constant 0 : i32
      %dma_wait3A_177 = tpu.memref_slice %arg8[%dma_wait3A_175, %dma_wait3A_176] : memref<8x128xi32, #tpu.memory_space<vmem>> -> memref<1x128xi32, #tpu.memory_space<vmem>>
      %dma_wait3A_178 = tpu.memref_squeeze %dma_wait3A_177 : memref<1x128xi32, #tpu.memory_space<vmem>> -> memref<128xi32, #tpu.memory_space<vmem>>
      %dma_wait3A_179 = arith.constant 0 : i32
      %dma_wait3A_180 = arith.constant 0 : i32
      %dma_wait3A_181 = tpu.memref_slice %arg2[%dma_wait3A_179, %dma_wait3A_180] : memref<10128x128xf32, #tpu.memory_space<hbm>> -> memref<10128x128xf32, #tpu.memory_space<hbm>>
      tpu.wait_indirect_dma semaphore(%arg12 : memref<!tpu.dma_semaphore, #tpu.memory_space<semaphore_mem>>) src(%dma_wait3A_181 : memref<10128x128xf32, #tpu.memory_space<hbm>>) dst(%arg6 : memref<128x128xf32, #tpu.memory_space<vmem>>)
      %dma_start3A_182 = arith.constant 2 : i32
      %dma_start3A_183 = arith.constant 0 : i32
      %dma_start3A_184 = tpu.memref_slice %arg10[%dma_start3A_182, %dma_start3A_183] : memref<8x128xi32, #tpu.memory_space<vmem>> -> memref<1x128xi32, #tpu.memory_space<vmem>>
      %dma_start3A_185 = tpu.memref_squeeze %dma_start3A_184 : memref<1x128xi32, #tpu.memory_space<vmem>> -> memref<128xi32, #tpu.memory_space<vmem>>
      %dma_start3A_186 = arith.constant 0 : i32
      %dma_start3A_187 = arith.constant 0 : i32
      %dma_start3A_188 = tpu.memref_slice %arg5[%dma_start3A_186, %dma_start3A_187] : memref<10000x128xf32, #tpu.memory_space<vmem_shared>> -> memref<10000x128xf32, #tpu.memory_space<vmem_shared>>
      tpu.enqueue_indirect_dma source(%arg6 : memref<128x128xf32, #tpu.memory_space<vmem>>) target(%dma_start3A_188 : memref<10000x128xf32, #tpu.memory_space<vmem_shared>>) offsets(%dma_start3A_185 : memref<128xi32, #tpu.memory_space<vmem>>) semaphore(%arg14 : memref<!tpu.dma_semaphore, #tpu.memory_space<semaphore_mem>>) {add = true}
      %dma_wait3A_189 = arith.constant 2 : i32
      %dma_wait3A_190 = arith.constant 0 : i32
      %dma_wait3A_191 = tpu.memref_slice %arg10[%dma_wait3A_189, %dma_wait3A_190] : memref<8x128xi32, #tpu.memory_space<vmem>> -> memref<1x128xi32, #tpu.memory_space<vmem>>
      %dma_wait3A_192 = tpu.memref_squeeze %dma_wait3A_191 : memref<1x128xi32, #tpu.memory_space<vmem>> -> memref<128xi32, #tpu.memory_space<vmem>>
      %dma_wait3A_193 = arith.constant 0 : i32
      %dma_wait3A_194 = arith.constant 0 : i32
      %dma_wait3A_195 = tpu.memref_slice %arg5[%dma_wait3A_193, %dma_wait3A_194] : memref<10000x128xf32, #tpu.memory_space<vmem_shared>> -> memref<10000x128xf32, #tpu.memory_space<vmem_shared>>
      tpu.wait_indirect_dma semaphore(%arg14 : memref<!tpu.dma_semaphore, #tpu.memory_space<semaphore_mem>>) src(%arg6 : memref<128x128xf32, #tpu.memory_space<vmem>>) dst(%dma_wait3A_195 : memref<10000x128xf32, #tpu.memory_space<vmem_shared>>)
      %dma_start3A_196 = arith.constant 4 : i32
      %dma_start3A_197 = arith.constant 0 : i32
      %dma_start3A_198 = tpu.memref_slice %arg8[%dma_start3A_196, %dma_start3A_197] : memref<8x128xi32, #tpu.memory_space<vmem>> -> memref<1x128xi32, #tpu.memory_space<vmem>>
      %dma_start3A_199 = tpu.memref_squeeze %dma_start3A_198 : memref<1x128xi32, #tpu.memory_space<vmem>> -> memref<128xi32, #tpu.memory_space<vmem>>
      %dma_start3A_200 = arith.constant 0 : i32
      %dma_start3A_201 = arith.constant 0 : i32
      %dma_start3A_202 = tpu.memref_slice %arg2[%dma_start3A_200, %dma_start3A_201] : memref<10128x128xf32, #tpu.memory_space<hbm>> -> memref<10128x128xf32, #tpu.memory_space<hbm>>
      tpu.enqueue_indirect_dma source(%dma_start3A_202 : memref<10128x128xf32, #tpu.memory_space<hbm>>) target(%arg6 : memref<128x128xf32, #tpu.memory_space<vmem>>) offsets(%dma_start3A_199 : memref<128xi32, #tpu.memory_space<vmem>>) semaphore(%arg12 : memref<!tpu.dma_semaphore, #tpu.memory_space<semaphore_mem>>)
      %dma_wait3A_203 = arith.constant 3 : i32
      %dma_wait3A_204 = arith.constant 0 : i32
      %dma_wait3A_205 = tpu.memref_slice %arg8[%dma_wait3A_203, %dma_wait3A_204] : memref<8x128xi32, #tpu.memory_space<vmem>> -> memref<1x128xi32, #tpu.memory_space<vmem>>
      %dma_wait3A_206 = tpu.memref_squeeze %dma_wait3A_205 : memref<1x128xi32, #tpu.memory_space<vmem>> -> memref<128xi32, #tpu.memory_space<vmem>>
      %dma_wait3A_207 = arith.constant 0 : i32
      %dma_wait3A_208 = arith.constant 0 : i32
      %dma_wait3A_209 = tpu.memref_slice %arg2[%dma_wait3A_207, %dma_wait3A_208] : memref<10128x128xf32, #tpu.memory_space<hbm>> -> memref<10128x128xf32, #tpu.memory_space<hbm>>
      tpu.wait_indirect_dma semaphore(%arg13 : memref<!tpu.dma_semaphore, #tpu.memory_space<semaphore_mem>>) src(%dma_wait3A_209 : memref<10128x128xf32, #tpu.memory_space<hbm>>) dst(%arg7 : memref<128x128xf32, #tpu.memory_space<vmem>>)
      %dma_start3A_210 = arith.constant 3 : i32
      %dma_start3A_211 = arith.constant 0 : i32
      %dma_start3A_212 = tpu.memref_slice %arg10[%dma_start3A_210, %dma_start3A_211] : memref<8x128xi32, #tpu.memory_space<vmem>> -> memref<1x128xi32, #tpu.memory_space<vmem>>
      %dma_start3A_213 = tpu.memref_squeeze %dma_start3A_212 : memref<1x128xi32, #tpu.memory_space<vmem>> -> memref<128xi32, #tpu.memory_space<vmem>>
      %dma_start3A_214 = arith.constant 0 : i32
      %dma_start3A_215 = arith.constant 0 : i32
      %dma_start3A_216 = tpu.memref_slice %arg5[%dma_start3A_214, %dma_start3A_215] : memref<10000x128xf32, #tpu.memory_space<vmem_shared>> -> memref<10000x128xf32, #tpu.memory_space<vmem_shared>>
      tpu.enqueue_indirect_dma source(%arg7 : memref<128x128xf32, #tpu.memory_space<vmem>>) target(%dma_start3A_216 : memref<10000x128xf32, #tpu.memory_space<vmem_shared>>) offsets(%dma_start3A_213 : memref<128xi32, #tpu.memory_space<vmem>>) semaphore(%arg15 : memref<!tpu.dma_semaphore, #tpu.memory_space<semaphore_mem>>) {add = true}
      %dma_wait3A_217 = arith.constant 3 : i32
      %dma_wait3A_218 = arith.constant 0 : i32
      %dma_wait3A_219 = tpu.memref_slice %arg10[%dma_wait3A_217, %dma_wait3A_218] : memref<8x128xi32, #tpu.memory_space<vmem>> -> memref<1x128xi32, #tpu.memory_space<vmem>>
      %dma_wait3A_220 = tpu.memref_squeeze %dma_wait3A_219 : memref<1x128xi32, #tpu.memory_space<vmem>> -> memref<128xi32, #tpu.memory_space<vmem>>
      %dma_wait3A_221 = arith.constant 0 : i32
      %dma_wait3A_222 = arith.constant 0 : i32
      %dma_wait3A_223 = tpu.memref_slice %arg5[%dma_wait3A_221, %dma_wait3A_222] : memref<10000x128xf32, #tpu.memory_space<vmem_shared>> -> memref<10000x128xf32, #tpu.memory_space<vmem_shared>>
      tpu.wait_indirect_dma semaphore(%arg15 : memref<!tpu.dma_semaphore, #tpu.memory_space<semaphore_mem>>) src(%arg7 : memref<128x128xf32, #tpu.memory_space<vmem>>) dst(%dma_wait3A_223 : memref<10000x128xf32, #tpu.memory_space<vmem_shared>>)
      %dma_start3A_224 = arith.constant 5 : i32
      %dma_start3A_225 = arith.constant 0 : i32
      %dma_start3A_226 = tpu.memref_slice %arg8[%dma_start3A_224, %dma_start3A_225] : memref<8x128xi32, #tpu.memory_space<vmem>> -> memref<1x128xi32, #tpu.memory_space<vmem>>
      %dma_start3A_227 = tpu.memref_squeeze %dma_start3A_226 : memref<1x128xi32, #tpu.memory_space<vmem>> -> memref<128xi32, #tpu.memory_space<vmem>>
      %dma_start3A_228 = arith.constant 0 : i32
      %dma_start3A_229 = arith.constant 0 : i32
      %dma_start3A_230 = tpu.memref_slice %arg2[%dma_start3A_228, %dma_start3A_229] : memref<10128x128xf32, #tpu.memory_space<hbm>> -> memref<10128x128xf32, #tpu.memory_space<hbm>>
      tpu.enqueue_indirect_dma source(%dma_start3A_230 : memref<10128x128xf32, #tpu.memory_space<hbm>>) target(%arg7 : memref<128x128xf32, #tpu.memory_space<vmem>>) offsets(%dma_start3A_227 : memref<128xi32, #tpu.memory_space<vmem>>) semaphore(%arg13 : memref<!tpu.dma_semaphore, #tpu.memory_space<semaphore_mem>>)
      %dma_wait3A_231 = arith.constant 4 : i32
      %dma_wait3A_232 = arith.constant 0 : i32
      %dma_wait3A_233 = tpu.memref_slice %arg8[%dma_wait3A_231, %dma_wait3A_232] : memref<8x128xi32, #tpu.memory_space<vmem>> -> memref<1x128xi32, #tpu.memory_space<vmem>>
      %dma_wait3A_234 = tpu.memref_squeeze %dma_wait3A_233 : memref<1x128xi32, #tpu.memory_space<vmem>> -> memref<128xi32, #tpu.memory_space<vmem>>
      %dma_wait3A_235 = arith.constant 0 : i32
      %dma_wait3A_236 = arith.constant 0 : i32
      %dma_wait3A_237 = tpu.memref_slice %arg2[%dma_wait3A_235, %dma_wait3A_236] : memref<10128x128xf32, #tpu.memory_space<hbm>> -> memref<10128x128xf32, #tpu.memory_space<hbm>>
      tpu.wait_indirect_dma semaphore(%arg12 : memref<!tpu.dma_semaphore, #tpu.memory_space<semaphore_mem>>) src(%dma_wait3A_237 : memref<10128x128xf32, #tpu.memory_space<hbm>>) dst(%arg6 : memref<128x128xf32, #tpu.memory_space<vmem>>)
      %dma_start3A_238 = arith.constant 4 : i32
      %dma_start3A_239 = arith.constant 0 : i32
      %dma_start3A_240 = tpu.memref_slice %arg10[%dma_start3A_238, %dma_start3A_239] : memref<8x128xi32, #tpu.memory_space<vmem>> -> memref<1x128xi32, #tpu.memory_space<vmem>>
      %dma_start3A_241 = tpu.memref_squeeze %dma_start3A_240 : memref<1x128xi32, #tpu.memory_space<vmem>> -> memref<128xi32, #tpu.memory_space<vmem>>
      %dma_start3A_242 = arith.constant 0 : i32
      %dma_start3A_243 = arith.constant 0 : i32
      %dma_start3A_244 = tpu.memref_slice %arg5[%dma_start3A_242, %dma_start3A_243] : memref<10000x128xf32, #tpu.memory_space<vmem_shared>> -> memref<10000x128xf32, #tpu.memory_space<vmem_shared>>
      tpu.enqueue_indirect_dma source(%arg6 : memref<128x128xf32, #tpu.memory_space<vmem>>) target(%dma_start3A_244 : memref<10000x128xf32, #tpu.memory_space<vmem_shared>>) offsets(%dma_start3A_241 : memref<128xi32, #tpu.memory_space<vmem>>) semaphore(%arg14 : memref<!tpu.dma_semaphore, #tpu.memory_space<semaphore_mem>>) {add = true}
      %dma_wait3A_245 = arith.constant 4 : i32
      %dma_wait3A_246 = arith.constant 0 : i32
      %dma_wait3A_247 = tpu.memref_slice %arg10[%dma_wait3A_245, %dma_wait3A_246] : memref<8x128xi32, #tpu.memory_space<vmem>> -> memref<1x128xi32, #tpu.memory_space<vmem>>
      %dma_wait3A_248 = tpu.memref_squeeze %dma_wait3A_247 : memref<1x128xi32, #tpu.memory_space<vmem>> -> memref<128xi32, #tpu.memory_space<vmem>>
      %dma_wait3A_249 = arith.constant 0 : i32
      %dma_wait3A_250 = arith.constant 0 : i32
      %dma_wait3A_251 = tpu.memref_slice %arg5[%dma_wait3A_249, %dma_wait3A_250] : memref<10000x128xf32, #tpu.memory_space<vmem_shared>> -> memref<10000x128xf32, #tpu.memory_space<vmem_shared>>
      tpu.wait_indirect_dma semaphore(%arg14 : memref<!tpu.dma_semaphore, #tpu.memory_space<semaphore_mem>>) src(%arg6 : memref<128x128xf32, #tpu.memory_space<vmem>>) dst(%dma_wait3A_251 : memref<10000x128xf32, #tpu.memory_space<vmem_shared>>)
      %dma_start3A_252 = arith.constant 6 : i32
      %dma_start3A_253 = arith.constant 0 : i32
      %dma_start3A_254 = tpu.memref_slice %arg8[%dma_start3A_252, %dma_start3A_253] : memref<8x128xi32, #tpu.memory_space<vmem>> -> memref<1x128xi32, #tpu.memory_space<vmem>>
      %dma_start3A_255 = tpu.memref_squeeze %dma_start3A_254 : memref<1x128xi32, #tpu.memory_space<vmem>> -> memref<128xi32, #tpu.memory_space<vmem>>
      %dma_start3A_256 = arith.constant 0 : i32
      %dma_start3A_257 = arith.constant 0 : i32
      %dma_start3A_258 = tpu.memref_slice %arg2[%dma_start3A_256, %dma_start3A_257] : memref<10128x128xf32, #tpu.memory_space<hbm>> -> memref<10128x128xf32, #tpu.memory_space<hbm>>
      tpu.enqueue_indirect_dma source(%dma_start3A_258 : memref<10128x128xf32, #tpu.memory_space<hbm>>) target(%arg6 : memref<128x128xf32, #tpu.memory_space<vmem>>) offsets(%dma_start3A_255 : memref<128xi32, #tpu.memory_space<vmem>>) semaphore(%arg12 : memref<!tpu.dma_semaphore, #tpu.memory_space<semaphore_mem>>)
      %dma_wait3A_259 = arith.constant 5 : i32
      %dma_wait3A_260 = arith.constant 0 : i32
      %dma_wait3A_261 = tpu.memref_slice %arg8[%dma_wait3A_259, %dma_wait3A_260] : memref<8x128xi32, #tpu.memory_space<vmem>> -> memref<1x128xi32, #tpu.memory_space<vmem>>
      %dma_wait3A_262 = tpu.memref_squeeze %dma_wait3A_261 : memref<1x128xi32, #tpu.memory_space<vmem>> -> memref<128xi32, #tpu.memory_space<vmem>>
      %dma_wait3A_263 = arith.constant 0 : i32
      %dma_wait3A_264 = arith.constant 0 : i32
      %dma_wait3A_265 = tpu.memref_slice %arg2[%dma_wait3A_263, %dma_wait3A_264] : memref<10128x128xf32, #tpu.memory_space<hbm>> -> memref<10128x128xf32, #tpu.memory_space<hbm>>
      tpu.wait_indirect_dma semaphore(%arg13 : memref<!tpu.dma_semaphore, #tpu.memory_space<semaphore_mem>>) src(%dma_wait3A_265 : memref<10128x128xf32, #tpu.memory_space<hbm>>) dst(%arg7 : memref<128x128xf32, #tpu.memory_space<vmem>>)
      %dma_start3A_266 = arith.constant 5 : i32
      %dma_start3A_267 = arith.constant 0 : i32
      %dma_start3A_268 = tpu.memref_slice %arg10[%dma_start3A_266, %dma_start3A_267] : memref<8x128xi32, #tpu.memory_space<vmem>> -> memref<1x128xi32, #tpu.memory_space<vmem>>
      %dma_start3A_269 = tpu.memref_squeeze %dma_start3A_268 : memref<1x128xi32, #tpu.memory_space<vmem>> -> memref<128xi32, #tpu.memory_space<vmem>>
      %dma_start3A_270 = arith.constant 0 : i32
      %dma_start3A_271 = arith.constant 0 : i32
      %dma_start3A_272 = tpu.memref_slice %arg5[%dma_start3A_270, %dma_start3A_271] : memref<10000x128xf32, #tpu.memory_space<vmem_shared>> -> memref<10000x128xf32, #tpu.memory_space<vmem_shared>>
      tpu.enqueue_indirect_dma source(%arg7 : memref<128x128xf32, #tpu.memory_space<vmem>>) target(%dma_start3A_272 : memref<10000x128xf32, #tpu.memory_space<vmem_shared>>) offsets(%dma_start3A_269 : memref<128xi32, #tpu.memory_space<vmem>>) semaphore(%arg15 : memref<!tpu.dma_semaphore, #tpu.memory_space<semaphore_mem>>) {add = true}
      %dma_wait3A_273 = arith.constant 5 : i32
      %dma_wait3A_274 = arith.constant 0 : i32
      %dma_wait3A_275 = tpu.memref_slice %arg10[%dma_wait3A_273, %dma_wait3A_274] : memref<8x128xi32, #tpu.memory_space<vmem>> -> memref<1x128xi32, #tpu.memory_space<vmem>>
      %dma_wait3A_276 = tpu.memref_squeeze %dma_wait3A_275 : memref<1x128xi32, #tpu.memory_space<vmem>> -> memref<128xi32, #tpu.memory_space<vmem>>
      %dma_wait3A_277 = arith.constant 0 : i32
      %dma_wait3A_278 = arith.constant 0 : i32
      %dma_wait3A_279 = tpu.memref_slice %arg5[%dma_wait3A_277, %dma_wait3A_278] : memref<10000x128xf32, #tpu.memory_space<vmem_shared>> -> memref<10000x128xf32, #tpu.memory_space<vmem_shared>>
      tpu.wait_indirect_dma semaphore(%arg15 : memref<!tpu.dma_semaphore, #tpu.memory_space<semaphore_mem>>) src(%arg7 : memref<128x128xf32, #tpu.memory_space<vmem>>) dst(%dma_wait3A_279 : memref<10000x128xf32, #tpu.memory_space<vmem_shared>>)
      %dma_start3A_280 = arith.constant 7 : i32
      %dma_start3A_281 = arith.constant 0 : i32
      %dma_start3A_282 = tpu.memref_slice %arg8[%dma_start3A_280, %dma_start3A_281] : memref<8x128xi32, #tpu.memory_space<vmem>> -> memref<1x128xi32, #tpu.memory_space<vmem>>
      %dma_start3A_283 = tpu.memref_squeeze %dma_start3A_282 : memref<1x128xi32, #tpu.memory_space<vmem>> -> memref<128xi32, #tpu.memory_space<vmem>>
      %dma_start3A_284 = arith.constant 0 : i32
      %dma_start3A_285 = arith.constant 0 : i32
      %dma_start3A_286 = tpu.memref_slice %arg2[%dma_start3A_284, %dma_start3A_285] : memref<10128x128xf32, #tpu.memory_space<hbm>> -> memref<10128x128xf32, #tpu.memory_space<hbm>>
      tpu.enqueue_indirect_dma source(%dma_start3A_286 : memref<10128x128xf32, #tpu.memory_space<hbm>>) target(%arg7 : memref<128x128xf32, #tpu.memory_space<vmem>>) offsets(%dma_start3A_283 : memref<128xi32, #tpu.memory_space<vmem>>) semaphore(%arg13 : memref<!tpu.dma_semaphore, #tpu.memory_space<semaphore_mem>>)
      %dma_wait3A_287 = arith.constant 6 : i32
      %dma_wait3A_288 = arith.constant 0 : i32
      %dma_wait3A_289 = tpu.memref_slice %arg8[%dma_wait3A_287, %dma_wait3A_288] : memref<8x128xi32, #tpu.memory_space<vmem>> -> memref<1x128xi32, #tpu.memory_space<vmem>>
      %dma_wait3A_290 = tpu.memref_squeeze %dma_wait3A_289 : memref<1x128xi32, #tpu.memory_space<vmem>> -> memref<128xi32, #tpu.memory_space<vmem>>
      %dma_wait3A_291 = arith.constant 0 : i32
      %dma_wait3A_292 = arith.constant 0 : i32
      %dma_wait3A_293 = tpu.memref_slice %arg2[%dma_wait3A_291, %dma_wait3A_292] : memref<10128x128xf32, #tpu.memory_space<hbm>> -> memref<10128x128xf32, #tpu.memory_space<hbm>>
      tpu.wait_indirect_dma semaphore(%arg12 : memref<!tpu.dma_semaphore, #tpu.memory_space<semaphore_mem>>) src(%dma_wait3A_293 : memref<10128x128xf32, #tpu.memory_space<hbm>>) dst(%arg6 : memref<128x128xf32, #tpu.memory_space<vmem>>)
      %dma_start3A_294 = arith.constant 6 : i32
      %dma_start3A_295 = arith.constant 0 : i32
      %dma_start3A_296 = tpu.memref_slice %arg10[%dma_start3A_294, %dma_start3A_295] : memref<8x128xi32, #tpu.memory_space<vmem>> -> memref<1x128xi32, #tpu.memory_space<vmem>>
      %dma_start3A_297 = tpu.memref_squeeze %dma_start3A_296 : memref<1x128xi32, #tpu.memory_space<vmem>> -> memref<128xi32, #tpu.memory_space<vmem>>
      %dma_start3A_298 = arith.constant 0 : i32
      %dma_start3A_299 = arith.constant 0 : i32
      %dma_start3A_300 = tpu.memref_slice %arg5[%dma_start3A_298, %dma_start3A_299] : memref<10000x128xf32, #tpu.memory_space<vmem_shared>> -> memref<10000x128xf32, #tpu.memory_space<vmem_shared>>
      tpu.enqueue_indirect_dma source(%arg6 : memref<128x128xf32, #tpu.memory_space<vmem>>) target(%dma_start3A_300 : memref<10000x128xf32, #tpu.memory_space<vmem_shared>>) offsets(%dma_start3A_297 : memref<128xi32, #tpu.memory_space<vmem>>) semaphore(%arg14 : memref<!tpu.dma_semaphore, #tpu.memory_space<semaphore_mem>>) {add = true}
      %dma_wait3A_301 = arith.constant 6 : i32
      %dma_wait3A_302 = arith.constant 0 : i32
      %dma_wait3A_303 = tpu.memref_slice %arg10[%dma_wait3A_301, %dma_wait3A_302] : memref<8x128xi32, #tpu.memory_space<vmem>> -> memref<1x128xi32, #tpu.memory_space<vmem>>
      %dma_wait3A_304 = tpu.memref_squeeze %dma_wait3A_303 : memref<1x128xi32, #tpu.memory_space<vmem>> -> memref<128xi32, #tpu.memory_space<vmem>>
      %dma_wait3A_305 = arith.constant 0 : i32
      %dma_wait3A_306 = arith.constant 0 : i32
      %dma_wait3A_307 = tpu.memref_slice %arg5[%dma_wait3A_305, %dma_wait3A_306] : memref<10000x128xf32, #tpu.memory_space<vmem_shared>> -> memref<10000x128xf32, #tpu.memory_space<vmem_shared>>
      tpu.wait_indirect_dma semaphore(%arg14 : memref<!tpu.dma_semaphore, #tpu.memory_space<semaphore_mem>>) src(%arg6 : memref<128x128xf32, #tpu.memory_space<vmem>>) dst(%dma_wait3A_307 : memref<10000x128xf32, #tpu.memory_space<vmem_shared>>)
      %add3A_308 = arith.constant 1 : i32
      %add3A_309 = arith.addi %add3A_108, %add3A_308 : i32
      %lt3A = arith.constant 10 : i32
      %lt3A_310 = arith.cmpi slt, %add3A_309, %lt3A : i32
      %convert_element_type3A_311 = arith.extui %lt3A_310 : i1 to i32
      %cond3A_312 = arith.constant 0 : i32
      %cond3A_313 = arith.cmpi ne, %convert_element_type3A_311, %cond3A_312 : i32
      scf.if %cond3A_313 {
        %dma_wait3A_594 = arith.constant 0 : i32
        %dma_wait3A_595 = arith.constant 0 : i32
        %dma_wait3A_596 = arith.constant 0 : i32
        %dma_wait3A_597 = arith.constant 0 : i32
        %dma_wait3A_598 = tpu.memref_slice %arg3[%dma_wait3A_594, %add3A, %dma_wait3A_595, %dma_wait3A_596, %dma_wait3A_597] : memref<2x32x10x8x128xi32, #tpu.memory_space<hbm>> -> memref<1x1x1x8x128xi32, #tpu.memory_space<hbm>>
        %dma_wait3A_599 = tpu.memref_squeeze %dma_wait3A_598 : memref<1x1x1x8x128xi32, #tpu.memory_space<hbm>> -> memref<8x128xi32, #tpu.memory_space<hbm>>
        %dma_wait3A_600 = arith.constant 0 : i32
        %dma_wait3A_601 = arith.constant 0 : i32
        %dma_wait3A_602 = tpu.memref_slice %arg3[%dma_wait3A_594, %add3A, %dma_wait3A_595, %dma_wait3A_600, %dma_wait3A_601] : memref<2x32x10x8x128xi32, #tpu.memory_space<hbm>> -> memref<1x1x1x8x128xi32, #tpu.memory_space<hbm>>
        %dma_wait3A_603 = tpu.memref_squeeze %dma_wait3A_602 : memref<1x1x1x8x128xi32, #tpu.memory_space<hbm>> -> memref<8x128xi32, #tpu.memory_space<hbm>>
        tpu.wait_dma2 semaphore(%arg17 : memref<!tpu.dma_semaphore, #tpu.memory_space<semaphore_mem>>) src(%dma_wait3A_603 : memref<8x128xi32, #tpu.memory_space<hbm>>) dst(%arg9 : memref<8x128xi32, #tpu.memory_space<vmem>>)
        %dma_start3A_604 = arith.constant 0 : i32
        %dma_start3A_605 = arith.constant 0 : i32
        %dma_start3A_606 = tpu.memref_slice %arg9[%dma_start3A_604, %dma_start3A_605] : memref<8x128xi32, #tpu.memory_space<vmem>> -> memref<1x128xi32, #tpu.memory_space<vmem>>
        %dma_start3A_607 = tpu.memref_squeeze %dma_start3A_606 : memref<1x128xi32, #tpu.memory_space<vmem>> -> memref<128xi32, #tpu.memory_space<vmem>>
        %dma_start3A_608 = arith.constant 0 : i32
        %dma_start3A_609 = arith.constant 0 : i32
        %dma_start3A_610 = tpu.memref_slice %arg2[%dma_start3A_608, %dma_start3A_609] : memref<10128x128xf32, #tpu.memory_space<hbm>> -> memref<10128x128xf32, #tpu.memory_space<hbm>>
        tpu.enqueue_indirect_dma source(%dma_start3A_610 : memref<10128x128xf32, #tpu.memory_space<hbm>>) target(%arg6 : memref<128x128xf32, #tpu.memory_space<vmem>>) offsets(%dma_start3A_607 : memref<128xi32, #tpu.memory_space<vmem>>) semaphore(%arg12 : memref<!tpu.dma_semaphore, #tpu.memory_space<semaphore_mem>>)
      } else {
      }
      %dma_wait3A_314 = arith.constant 7 : i32
      %dma_wait3A_315 = arith.constant 0 : i32
      %dma_wait3A_316 = tpu.memref_slice %arg8[%dma_wait3A_314, %dma_wait3A_315] : memref<8x128xi32, #tpu.memory_space<vmem>> -> memref<1x128xi32, #tpu.memory_space<vmem>>
      %dma_wait3A_317 = tpu.memref_squeeze %dma_wait3A_316 : memref<1x128xi32, #tpu.memory_space<vmem>> -> memref<128xi32, #tpu.memory_space<vmem>>
      %dma_wait3A_318 = arith.constant 0 : i32
      %dma_wait3A_319 = arith.constant 0 : i32
      %dma_wait3A_320 = tpu.memref_slice %arg2[%dma_wait3A_318, %dma_wait3A_319] : memref<10128x128xf32, #tpu.memory_space<hbm>> -> memref<10128x128xf32, #tpu.memory_space<hbm>>
      tpu.wait_indirect_dma semaphore(%arg13 : memref<!tpu.dma_semaphore, #tpu.memory_space<semaphore_mem>>) src(%dma_wait3A_320 : memref<10128x128xf32, #tpu.memory_space<hbm>>) dst(%arg7 : memref<128x128xf32, #tpu.memory_space<vmem>>)
      %dma_start3A_321 = arith.constant 7 : i32
      %dma_start3A_322 = arith.constant 0 : i32
      %dma_start3A_323 = tpu.memref_slice %arg10[%dma_start3A_321, %dma_start3A_322] : memref<8x128xi32, #tpu.memory_space<vmem>> -> memref<1x128xi32, #tpu.memory_space<vmem>>
      %dma_start3A_324 = tpu.memref_squeeze %dma_start3A_323 : memref<1x128xi32, #tpu.memory_space<vmem>> -> memref<128xi32, #tpu.memory_space<vmem>>
      %dma_start3A_325 = arith.constant 0 : i32
      %dma_start3A_326 = arith.constant 0 : i32
      %dma_start3A_327 = tpu.memref_slice %arg5[%dma_start3A_325, %dma_start3A_326] : memref<10000x128xf32, #tpu.memory_space<vmem_shared>> -> memref<10000x128xf32, #tpu.memory_space<vmem_shared>>
      tpu.enqueue_indirect_dma source(%arg7 : memref<128x128xf32, #tpu.memory_space<vmem>>) target(%dma_start3A_327 : memref<10000x128xf32, #tpu.memory_space<vmem_shared>>) offsets(%dma_start3A_324 : memref<128xi32, #tpu.memory_space<vmem>>) semaphore(%arg15 : memref<!tpu.dma_semaphore, #tpu.memory_space<semaphore_mem>>) {add = true}
      %dma_wait3A_328 = arith.constant 7 : i32
      %dma_wait3A_329 = arith.constant 0 : i32
      %dma_wait3A_330 = tpu.memref_slice %arg10[%dma_wait3A_328, %dma_wait3A_329] : memref<8x128xi32, #tpu.memory_space<vmem>> -> memref<1x128xi32, #tpu.memory_space<vmem>>
      %dma_wait3A_331 = tpu.memref_squeeze %dma_wait3A_330 : memref<1x128xi32, #tpu.memory_space<vmem>> -> memref<128xi32, #tpu.memory_space<vmem>>
      %dma_wait3A_332 = arith.constant 0 : i32
      %dma_wait3A_333 = arith.constant 0 : i32
      %dma_wait3A_334 = tpu.memref_slice %arg5[%dma_wait3A_332, %dma_wait3A_333] : memref<10000x128xf32, #tpu.memory_space<vmem_shared>> -> memref<10000x128xf32, #tpu.memory_space<vmem_shared>>
      tpu.wait_indirect_dma semaphore(%arg15 : memref<!tpu.dma_semaphore, #tpu.memory_space<semaphore_mem>>) src(%arg7 : memref<128x128xf32, #tpu.memory_space<vmem>>) dst(%dma_wait3A_334 : memref<10000x128xf32, #tpu.memory_space<vmem_shared>>)
      %add3A_335 = arith.constant 1 : i32
      %add3A_336 = arith.addi %add3A_108, %add3A_335 : i32
      %lt3A_337 = arith.constant 10 : i32
      %lt3A_338 = arith.cmpi slt, %add3A_336, %lt3A_337 : i32
      %convert_element_type3A_339 = arith.extui %lt3A_338 : i1 to i32
      %cond3A_340 = arith.constant 0 : i32
      %cond3A_341 = arith.cmpi ne, %convert_element_type3A_339, %cond3A_340 : i32
      scf.if %cond3A_341 {
        %dma_start3A_594 = arith.constant 1 : i32
        %dma_start3A_595 = arith.constant 0 : i32
        %dma_start3A_596 = tpu.memref_slice %arg9[%dma_start3A_594, %dma_start3A_595] : memref<8x128xi32, #tpu.memory_space<vmem>> -> memref<1x128xi32, #tpu.memory_space<vmem>>
        %dma_start3A_597 = tpu.memref_squeeze %dma_start3A_596 : memref<1x128xi32, #tpu.memory_space<vmem>> -> memref<128xi32, #tpu.memory_space<vmem>>
        %dma_start3A_598 = arith.constant 0 : i32
        %dma_start3A_599 = arith.constant 0 : i32
        %dma_start3A_600 = tpu.memref_slice %arg2[%dma_start3A_598, %dma_start3A_599] : memref<10128x128xf32, #tpu.memory_space<hbm>> -> memref<10128x128xf32, #tpu.memory_space<hbm>>
        tpu.enqueue_indirect_dma source(%dma_start3A_600 : memref<10128x128xf32, #tpu.memory_space<hbm>>) target(%arg7 : memref<128x128xf32, #tpu.memory_space<vmem>>) offsets(%dma_start3A_597 : memref<128xi32, #tpu.memory_space<vmem>>) semaphore(%arg13 : memref<!tpu.dma_semaphore, #tpu.memory_space<semaphore_mem>>)
      } else {
      }
      %add3A_342 = arith.constant 2 : i32
      %add3A_343 = arith.addi %add3A_108, %add3A_342 : i32
      %lt3A_344 = arith.constant 10 : i32
      %lt3A_345 = arith.cmpi slt, %add3A_343, %lt3A_344 : i32
      %convert_element_type3A_346 = arith.extui %lt3A_345 : i1 to i32
      %cond3A_347 = arith.constant 0 : i32
      %cond3A_348 = arith.cmpi ne, %convert_element_type3A_346, %cond3A_347 : i32
      scf.if %cond3A_348 {
        %add3A_594 = arith.constant 2 : i32
        %add3A_595 = arith.addi %add3A_108, %add3A_594 : i32
        %dma_start3A_596 = arith.constant 0 : i32
        %dma_start3A_597 = arith.constant 0 : i32
        %dma_start3A_598 = arith.constant 0 : i32
        %dma_start3A_599 = tpu.memref_slice %arg3[%dma_start3A_596, %add3A, %add3A_595, %dma_start3A_597, %dma_start3A_598] : memref<2x32x10x8x128xi32, #tpu.memory_space<hbm>> -> memref<1x1x1x8x128xi32, #tpu.memory_space<hbm>>
        %dma_start3A_600 = tpu.memref_squeeze %dma_start3A_599 : memref<1x1x1x8x128xi32, #tpu.memory_space<hbm>> -> memref<8x128xi32, #tpu.memory_space<hbm>>
        %dma_start3A_601 = arith.constant 0 : i32
        %dma_start3A_602 = arith.constant 0 : i32
        %dma_start3A_603 = tpu.memref_slice %arg3[%dma_start3A_596, %add3A, %add3A_595, %dma_start3A_601, %dma_start3A_602] : memref<2x32x10x8x128xi32, #tpu.memory_space<hbm>> -> memref<1x1x1x8x128xi32, #tpu.memory_space<hbm>>
        %dma_start3A_604 = tpu.memref_squeeze %dma_start3A_603 : memref<1x1x1x8x128xi32, #tpu.memory_space<hbm>> -> memref<8x128xi32, #tpu.memory_space<hbm>>
        tpu.enqueue_dma source(%dma_start3A_604 : memref<8x128xi32, #tpu.memory_space<hbm>>) target(%arg8 : memref<8x128xi32, #tpu.memory_space<vmem>>) target_semaphore(%arg16 : memref<!tpu.dma_semaphore, #tpu.memory_space<semaphore_mem>>)
        %add3A_605 = arith.constant 2 : i32
        %add3A_606 = arith.addi %add3A_108, %add3A_605 : i32
        %dma_start3A_607 = arith.constant 1 : i32
        %dma_start3A_608 = arith.constant 0 : i32
        %dma_start3A_609 = arith.constant 0 : i32
        %dma_start3A_610 = tpu.memref_slice %arg3[%dma_start3A_607, %add3A, %add3A_606, %dma_start3A_608, %dma_start3A_609] : memref<2x32x10x8x128xi32, #tpu.memory_space<hbm>> -> memref<1x1x1x8x128xi32, #tpu.memory_space<hbm>>
        %dma_start3A_611 = tpu.memref_squeeze %dma_start3A_610 : memref<1x1x1x8x128xi32, #tpu.memory_space<hbm>> -> memref<8x128xi32, #tpu.memory_space<hbm>>
        %dma_start3A_612 = arith.constant 0 : i32
        %dma_start3A_613 = arith.constant 0 : i32
        %dma_start3A_614 = tpu.memref_slice %arg3[%dma_start3A_607, %add3A, %add3A_606, %dma_start3A_612, %dma_start3A_613] : memref<2x32x10x8x128xi32, #tpu.memory_space<hbm>> -> memref<1x1x1x8x128xi32, #tpu.memory_space<hbm>>
        %dma_start3A_615 = tpu.memref_squeeze %dma_start3A_614 : memref<1x1x1x8x128xi32, #tpu.memory_space<hbm>> -> memref<8x128xi32, #tpu.memory_space<hbm>>
        tpu.enqueue_dma source(%dma_start3A_615 : memref<8x128xi32, #tpu.memory_space<hbm>>) target(%arg10 : memref<8x128xi32, #tpu.memory_space<vmem>>) target_semaphore(%arg18 : memref<!tpu.dma_semaphore, #tpu.memory_space<semaphore_mem>>)
      } else {
      }
      %mul3A_349 = arith.constant 2 : i32
      %mul3A_350 = arith.muli %mul3A_349, %scan3A_104 : i32
      %add3A_351 = arith.constant 1 : i32
      %add3A_352 = arith.addi %mul3A_350, %add3A_351 : i32
      %dma_wait3A_353 = arith.constant 0 : i32
      %dma_wait3A_354 = arith.constant 0 : i32
      %dma_wait3A_355 = arith.constant 0 : i32
      %dma_wait3A_356 = arith.constant 0 : i32
      %dma_wait3A_357 = tpu.memref_slice %arg3[%dma_wait3A_353, %add3A, %dma_wait3A_354, %dma_wait3A_355, %dma_wait3A_356] : memref<2x32x10x8x128xi32, #tpu.memory_space<hbm>> -> memref<1x1x1x8x128xi32, #tpu.memory_space<hbm>>
      %dma_wait3A_358 = tpu.memref_squeeze %dma_wait3A_357 : memref<1x1x1x8x128xi32, #tpu.memory_space<hbm>> -> memref<8x128xi32, #tpu.memory_space<hbm>>
      %dma_wait3A_359 = arith.constant 0 : i32
      %dma_wait3A_360 = arith.constant 0 : i32
      %dma_wait3A_361 = tpu.memref_slice %arg3[%dma_wait3A_353, %add3A, %dma_wait3A_354, %dma_wait3A_359, %dma_wait3A_360] : memref<2x32x10x8x128xi32, #tpu.memory_space<hbm>> -> memref<1x1x1x8x128xi32, #tpu.memory_space<hbm>>
      %dma_wait3A_362 = tpu.memref_squeeze %dma_wait3A_361 : memref<1x1x1x8x128xi32, #tpu.memory_space<hbm>> -> memref<8x128xi32, #tpu.memory_space<hbm>>
      tpu.wait_dma2 semaphore(%arg19 : memref<!tpu.dma_semaphore, #tpu.memory_space<semaphore_mem>>) src(%dma_wait3A_362 : memref<8x128xi32, #tpu.memory_space<hbm>>) dst(%arg11 : memref<8x128xi32, #tpu.memory_space<vmem>>)
      %dma_wait3A_363 = arith.constant 0 : i32
      %dma_wait3A_364 = arith.constant 0 : i32
      %dma_wait3A_365 = tpu.memref_slice %arg9[%dma_wait3A_363, %dma_wait3A_364] : memref<8x128xi32, #tpu.memory_space<vmem>> -> memref<1x128xi32, #tpu.memory_space<vmem>>
      %dma_wait3A_366 = tpu.memref_squeeze %dma_wait3A_365 : memref<1x128xi32, #tpu.memory_space<vmem>> -> memref<128xi32, #tpu.memory_space<vmem>>
      %dma_wait3A_367 = arith.constant 0 : i32
      %dma_wait3A_368 = arith.constant 0 : i32
      %dma_wait3A_369 = tpu.memref_slice %arg2[%dma_wait3A_367, %dma_wait3A_368] : memref<10128x128xf32, #tpu.memory_space<hbm>> -> memref<10128x128xf32, #tpu.memory_space<hbm>>
      tpu.wait_indirect_dma semaphore(%arg12 : memref<!tpu.dma_semaphore, #tpu.memory_space<semaphore_mem>>) src(%dma_wait3A_369 : memref<10128x128xf32, #tpu.memory_space<hbm>>) dst(%arg6 : memref<128x128xf32, #tpu.memory_space<vmem>>)
      %dma_start3A_370 = arith.constant 0 : i32
      %dma_start3A_371 = arith.constant 0 : i32
      %dma_start3A_372 = tpu.memref_slice %arg11[%dma_start3A_370, %dma_start3A_371] : memref<8x128xi32, #tpu.memory_space<vmem>> -> memref<1x128xi32, #tpu.memory_space<vmem>>
      %dma_start3A_373 = tpu.memref_squeeze %dma_start3A_372 : memref<1x128xi32, #tpu.memory_space<vmem>> -> memref<128xi32, #tpu.memory_space<vmem>>
      %dma_start3A_374 = arith.constant 0 : i32
      %dma_start3A_375 = arith.constant 0 : i32
      %dma_start3A_376 = tpu.memref_slice %arg5[%dma_start3A_374, %dma_start3A_375] : memref<10000x128xf32, #tpu.memory_space<vmem_shared>> -> memref<10000x128xf32, #tpu.memory_space<vmem_shared>>
      tpu.enqueue_indirect_dma source(%arg6 : memref<128x128xf32, #tpu.memory_space<vmem>>) target(%dma_start3A_376 : memref<10000x128xf32, #tpu.memory_space<vmem_shared>>) offsets(%dma_start3A_373 : memref<128xi32, #tpu.memory_space<vmem>>) semaphore(%arg14 : memref<!tpu.dma_semaphore, #tpu.memory_space<semaphore_mem>>) {add = true}
      %dma_wait3A_377 = arith.constant 0 : i32
      %dma_wait3A_378 = arith.constant 0 : i32
      %dma_wait3A_379 = tpu.memref_slice %arg11[%dma_wait3A_377, %dma_wait3A_378] : memref<8x128xi32, #tpu.memory_space<vmem>> -> memref<1x128xi32, #tpu.memory_space<vmem>>
      %dma_wait3A_380 = tpu.memref_squeeze %dma_wait3A_379 : memref<1x128xi32, #tpu.memory_space<vmem>> -> memref<128xi32, #tpu.memory_space<vmem>>
      %dma_wait3A_381 = arith.constant 0 : i32
      %dma_wait3A_382 = arith.constant 0 : i32
      %dma_wait3A_383 = tpu.memref_slice %arg5[%dma_wait3A_381, %dma_wait3A_382] : memref<10000x128xf32, #tpu.memory_space<vmem_shared>> -> memref<10000x128xf32, #tpu.memory_space<vmem_shared>>
      tpu.wait_indirect_dma semaphore(%arg14 : memref<!tpu.dma_semaphore, #tpu.memory_space<semaphore_mem>>) src(%arg6 : memref<128x128xf32, #tpu.memory_space<vmem>>) dst(%dma_wait3A_383 : memref<10000x128xf32, #tpu.memory_space<vmem_shared>>)
      %dma_start3A_384 = arith.constant 2 : i32
      %dma_start3A_385 = arith.constant 0 : i32
      %dma_start3A_386 = tpu.memref_slice %arg9[%dma_start3A_384, %dma_start3A_385] : memref<8x128xi32, #tpu.memory_space<vmem>> -> memref<1x128xi32, #tpu.memory_space<vmem>>
      %dma_start3A_387 = tpu.memref_squeeze %dma_start3A_386 : memref<1x128xi32, #tpu.memory_space<vmem>> -> memref<128xi32, #tpu.memory_space<vmem>>
      %dma_start3A_388 = arith.constant 0 : i32
      %dma_start3A_389 = arith.constant 0 : i32
      %dma_start3A_390 = tpu.memref_slice %arg2[%dma_start3A_388, %dma_start3A_389] : memref<10128x128xf32, #tpu.memory_space<hbm>> -> memref<10128x128xf32, #tpu.memory_space<hbm>>
      tpu.enqueue_indirect_dma source(%dma_start3A_390 : memref<10128x128xf32, #tpu.memory_space<hbm>>) target(%arg6 : memref<128x128xf32, #tpu.memory_space<vmem>>) offsets(%dma_start3A_387 : memref<128xi32, #tpu.memory_space<vmem>>) semaphore(%arg12 : memref<!tpu.dma_semaphore, #tpu.memory_space<semaphore_mem>>)
      %dma_wait3A_391 = arith.constant 1 : i32
      %dma_wait3A_392 = arith.constant 0 : i32
      %dma_wait3A_393 = tpu.memref_slice %arg9[%dma_wait3A_391, %dma_wait3A_392] : memref<8x128xi32, #tpu.memory_space<vmem>> -> memref<1x128xi32, #tpu.memory_space<vmem>>
      %dma_wait3A_394 = tpu.memref_squeeze %dma_wait3A_393 : memref<1x128xi32, #tpu.memory_space<vmem>> -> memref<128xi32, #tpu.memory_space<vmem>>
      %dma_wait3A_395 = arith.constant 0 : i32
      %dma_wait3A_396 = arith.constant 0 : i32
      %dma_wait3A_397 = tpu.memref_slice %arg2[%dma_wait3A_395, %dma_wait3A_396] : memref<10128x128xf32, #tpu.memory_space<hbm>> -> memref<10128x128xf32, #tpu.memory_space<hbm>>
      tpu.wait_indirect_dma semaphore(%arg13 : memref<!tpu.dma_semaphore, #tpu.memory_space<semaphore_mem>>) src(%dma_wait3A_397 : memref<10128x128xf32, #tpu.memory_space<hbm>>) dst(%arg7 : memref<128x128xf32, #tpu.memory_space<vmem>>)
      %dma_start3A_398 = arith.constant 1 : i32
      %dma_start3A_399 = arith.constant 0 : i32
      %dma_start3A_400 = tpu.memref_slice %arg11[%dma_start3A_398, %dma_start3A_399] : memref<8x128xi32, #tpu.memory_space<vmem>> -> memref<1x128xi32, #tpu.memory_space<vmem>>
      %dma_start3A_401 = tpu.memref_squeeze %dma_start3A_400 : memref<1x128xi32, #tpu.memory_space<vmem>> -> memref<128xi32, #tpu.memory_space<vmem>>
      %dma_start3A_402 = arith.constant 0 : i32
      %dma_start3A_403 = arith.constant 0 : i32
      %dma_start3A_404 = tpu.memref_slice %arg5[%dma_start3A_402, %dma_start3A_403] : memref<10000x128xf32, #tpu.memory_space<vmem_shared>> -> memref<10000x128xf32, #tpu.memory_space<vmem_shared>>
      tpu.enqueue_indirect_dma source(%arg7 : memref<128x128xf32, #tpu.memory_space<vmem>>) target(%dma_start3A_404 : memref<10000x128xf32, #tpu.memory_space<vmem_shared>>) offsets(%dma_start3A_401 : memref<128xi32, #tpu.memory_space<vmem>>) semaphore(%arg15 : memref<!tpu.dma_semaphore, #tpu.memory_space<semaphore_mem>>) {add = true}
      %dma_wait3A_405 = arith.constant 1 : i32
      %dma_wait3A_406 = arith.constant 0 : i32
      %dma_wait3A_407 = tpu.memref_slice %arg11[%dma_wait3A_405, %dma_wait3A_406] : memref<8x128xi32, #tpu.memory_space<vmem>> -> memref<1x128xi32, #tpu.memory_space<vmem>>
      %dma_wait3A_408 = tpu.memref_squeeze %dma_wait3A_407 : memref<1x128xi32, #tpu.memory_space<vmem>> -> memref<128xi32, #tpu.memory_space<vmem>>
      %dma_wait3A_409 = arith.constant 0 : i32
      %dma_wait3A_410 = arith.constant 0 : i32
      %dma_wait3A_411 = tpu.memref_slice %arg5[%dma_wait3A_409, %dma_wait3A_410] : memref<10000x128xf32, #tpu.memory_space<vmem_shared>> -> memref<10000x128xf32, #tpu.memory_space<vmem_shared>>
      tpu.wait_indirect_dma semaphore(%arg15 : memref<!tpu.dma_semaphore, #tpu.memory_space<semaphore_mem>>) src(%arg7 : memref<128x128xf32, #tpu.memory_space<vmem>>) dst(%dma_wait3A_411 : memref<10000x128xf32, #tpu.memory_space<vmem_shared>>)
      %dma_start3A_412 = arith.constant 3 : i32
      %dma_start3A_413 = arith.constant 0 : i32
      %dma_start3A_414 = tpu.memref_slice %arg9[%dma_start3A_412, %dma_start3A_413] : memref<8x128xi32, #tpu.memory_space<vmem>> -> memref<1x128xi32, #tpu.memory_space<vmem>>
      %dma_start3A_415 = tpu.memref_squeeze %dma_start3A_414 : memref<1x128xi32, #tpu.memory_space<vmem>> -> memref<128xi32, #tpu.memory_space<vmem>>
      %dma_start3A_416 = arith.constant 0 : i32
      %dma_start3A_417 = arith.constant 0 : i32
      %dma_start3A_418 = tpu.memref_slice %arg2[%dma_start3A_416, %dma_start3A_417] : memref<10128x128xf32, #tpu.memory_space<hbm>> -> memref<10128x128xf32, #tpu.memory_space<hbm>>
      tpu.enqueue_indirect_dma source(%dma_start3A_418 : memref<10128x128xf32, #tpu.memory_space<hbm>>) target(%arg7 : memref<128x128xf32, #tpu.memory_space<vmem>>) offsets(%dma_start3A_415 : memref<128xi32, #tpu.memory_space<vmem>>) semaphore(%arg13 : memref<!tpu.dma_semaphore, #tpu.memory_space<semaphore_mem>>)
      %dma_wait3A_419 = arith.constant 2 : i32
      %dma_wait3A_420 = arith.constant 0 : i32
      %dma_wait3A_421 = tpu.memref_slice %arg9[%dma_wait3A_419, %dma_wait3A_420] : memref<8x128xi32, #tpu.memory_space<vmem>> -> memref<1x128xi32, #tpu.memory_space<vmem>>
      %dma_wait3A_422 = tpu.memref_squeeze %dma_wait3A_421 : memref<1x128xi32, #tpu.memory_space<vmem>> -> memref<128xi32, #tpu.memory_space<vmem>>
      %dma_wait3A_423 = arith.constant 0 : i32
      %dma_wait3A_424 = arith.constant 0 : i32
      %dma_wait3A_425 = tpu.memref_slice %arg2[%dma_wait3A_423, %dma_wait3A_424] : memref<10128x128xf32, #tpu.memory_space<hbm>> -> memref<10128x128xf32, #tpu.memory_space<hbm>>
      tpu.wait_indirect_dma semaphore(%arg12 : memref<!tpu.dma_semaphore, #tpu.memory_space<semaphore_mem>>) src(%dma_wait3A_425 : memref<10128x128xf32, #tpu.memory_space<hbm>>) dst(%arg6 : memref<128x128xf32, #tpu.memory_space<vmem>>)
      %dma_start3A_426 = arith.constant 2 : i32
      %dma_start3A_427 = arith.constant 0 : i32
      %dma_start3A_428 = tpu.memref_slice %arg11[%dma_start3A_426, %dma_start3A_427] : memref<8x128xi32, #tpu.memory_space<vmem>> -> memref<1x128xi32, #tpu.memory_space<vmem>>
      %dma_start3A_429 = tpu.memref_squeeze %dma_start3A_428 : memref<1x128xi32, #tpu.memory_space<vmem>> -> memref<128xi32, #tpu.memory_space<vmem>>
      %dma_start3A_430 = arith.constant 0 : i32
      %dma_start3A_431 = arith.constant 0 : i32
      %dma_start3A_432 = tpu.memref_slice %arg5[%dma_start3A_430, %dma_start3A_431] : memref<10000x128xf32, #tpu.memory_space<vmem_shared>> -> memref<10000x128xf32, #tpu.memory_space<vmem_shared>>
      tpu.enqueue_indirect_dma source(%arg6 : memref<128x128xf32, #tpu.memory_space<vmem>>) target(%dma_start3A_432 : memref<10000x128xf32, #tpu.memory_space<vmem_shared>>) offsets(%dma_start3A_429 : memref<128xi32, #tpu.memory_space<vmem>>) semaphore(%arg14 : memref<!tpu.dma_semaphore, #tpu.memory_space<semaphore_mem>>) {add = true}
      %dma_wait3A_433 = arith.constant 2 : i32
      %dma_wait3A_434 = arith.constant 0 : i32
      %dma_wait3A_435 = tpu.memref_slice %arg11[%dma_wait3A_433, %dma_wait3A_434] : memref<8x128xi32, #tpu.memory_space<vmem>> -> memref<1x128xi32, #tpu.memory_space<vmem>>
      %dma_wait3A_436 = tpu.memref_squeeze %dma_wait3A_435 : memref<1x128xi32, #tpu.memory_space<vmem>> -> memref<128xi32, #tpu.memory_space<vmem>>
      %dma_wait3A_437 = arith.constant 0 : i32
      %dma_wait3A_438 = arith.constant 0 : i32
      %dma_wait3A_439 = tpu.memref_slice %arg5[%dma_wait3A_437, %dma_wait3A_438] : memref<10000x128xf32, #tpu.memory_space<vmem_shared>> -> memref<10000x128xf32, #tpu.memory_space<vmem_shared>>
      tpu.wait_indirect_dma semaphore(%arg14 : memref<!tpu.dma_semaphore, #tpu.memory_space<semaphore_mem>>) src(%arg6 : memref<128x128xf32, #tpu.memory_space<vmem>>) dst(%dma_wait3A_439 : memref<10000x128xf32, #tpu.memory_space<vmem_shared>>)
      %dma_start3A_440 = arith.constant 4 : i32
      %dma_start3A_441 = arith.constant 0 : i32
      %dma_start3A_442 = tpu.memref_slice %arg9[%dma_start3A_440, %dma_start3A_441] : memref<8x128xi32, #tpu.memory_space<vmem>> -> memref<1x128xi32, #tpu.memory_space<vmem>>
      %dma_start3A_443 = tpu.memref_squeeze %dma_start3A_442 : memref<1x128xi32, #tpu.memory_space<vmem>> -> memref<128xi32, #tpu.memory_space<vmem>>
      %dma_start3A_444 = arith.constant 0 : i32
      %dma_start3A_445 = arith.constant 0 : i32
      %dma_start3A_446 = tpu.memref_slice %arg2[%dma_start3A_444, %dma_start3A_445] : memref<10128x128xf32, #tpu.memory_space<hbm>> -> memref<10128x128xf32, #tpu.memory_space<hbm>>
      tpu.enqueue_indirect_dma source(%dma_start3A_446 : memref<10128x128xf32, #tpu.memory_space<hbm>>) target(%arg6 : memref<128x128xf32, #tpu.memory_space<vmem>>) offsets(%dma_start3A_443 : memref<128xi32, #tpu.memory_space<vmem>>) semaphore(%arg12 : memref<!tpu.dma_semaphore, #tpu.memory_space<semaphore_mem>>)
      %dma_wait3A_447 = arith.constant 3 : i32
      %dma_wait3A_448 = arith.constant 0 : i32
      %dma_wait3A_449 = tpu.memref_slice %arg9[%dma_wait3A_447, %dma_wait3A_448] : memref<8x128xi32, #tpu.memory_space<vmem>> -> memref<1x128xi32, #tpu.memory_space<vmem>>
      %dma_wait3A_450 = tpu.memref_squeeze %dma_wait3A_449 : memref<1x128xi32, #tpu.memory_space<vmem>> -> memref<128xi32, #tpu.memory_space<vmem>>
      %dma_wait3A_451 = arith.constant 0 : i32
      %dma_wait3A_452 = arith.constant 0 : i32
      %dma_wait3A_453 = tpu.memref_slice %arg2[%dma_wait3A_451, %dma_wait3A_452] : memref<10128x128xf32, #tpu.memory_space<hbm>> -> memref<10128x128xf32, #tpu.memory_space<hbm>>
      tpu.wait_indirect_dma semaphore(%arg13 : memref<!tpu.dma_semaphore, #tpu.memory_space<semaphore_mem>>) src(%dma_wait3A_453 : memref<10128x128xf32, #tpu.memory_space<hbm>>) dst(%arg7 : memref<128x128xf32, #tpu.memory_space<vmem>>)
      %dma_start3A_454 = arith.constant 3 : i32
      %dma_start3A_455 = arith.constant 0 : i32
      %dma_start3A_456 = tpu.memref_slice %arg11[%dma_start3A_454, %dma_start3A_455] : memref<8x128xi32, #tpu.memory_space<vmem>> -> memref<1x128xi32, #tpu.memory_space<vmem>>
      %dma_start3A_457 = tpu.memref_squeeze %dma_start3A_456 : memref<1x128xi32, #tpu.memory_space<vmem>> -> memref<128xi32, #tpu.memory_space<vmem>>
      %dma_start3A_458 = arith.constant 0 : i32
      %dma_start3A_459 = arith.constant 0 : i32
      %dma_start3A_460 = tpu.memref_slice %arg5[%dma_start3A_458, %dma_start3A_459] : memref<10000x128xf32, #tpu.memory_space<vmem_shared>> -> memref<10000x128xf32, #tpu.memory_space<vmem_shared>>
      tpu.enqueue_indirect_dma source(%arg7 : memref<128x128xf32, #tpu.memory_space<vmem>>) target(%dma_start3A_460 : memref<10000x128xf32, #tpu.memory_space<vmem_shared>>) offsets(%dma_start3A_457 : memref<128xi32, #tpu.memory_space<vmem>>) semaphore(%arg15 : memref<!tpu.dma_semaphore, #tpu.memory_space<semaphore_mem>>) {add = true}
      %dma_wait3A_461 = arith.constant 3 : i32
      %dma_wait3A_462 = arith.constant 0 : i32
      %dma_wait3A_463 = tpu.memref_slice %arg11[%dma_wait3A_461, %dma_wait3A_462] : memref<8x128xi32, #tpu.memory_space<vmem>> -> memref<1x128xi32, #tpu.memory_space<vmem>>
      %dma_wait3A_464 = tpu.memref_squeeze %dma_wait3A_463 : memref<1x128xi32, #tpu.memory_space<vmem>> -> memref<128xi32, #tpu.memory_space<vmem>>
      %dma_wait3A_465 = arith.constant 0 : i32
      %dma_wait3A_466 = arith.constant 0 : i32
      %dma_wait3A_467 = tpu.memref_slice %arg5[%dma_wait3A_465, %dma_wait3A_466] : memref<10000x128xf32, #tpu.memory_space<vmem_shared>> -> memref<10000x128xf32, #tpu.memory_space<vmem_shared>>
      tpu.wait_indirect_dma semaphore(%arg15 : memref<!tpu.dma_semaphore, #tpu.memory_space<semaphore_mem>>) src(%arg7 : memref<128x128xf32, #tpu.memory_space<vmem>>) dst(%dma_wait3A_467 : memref<10000x128xf32, #tpu.memory_space<vmem_shared>>)
      %dma_start3A_468 = arith.constant 5 : i32
      %dma_start3A_469 = arith.constant 0 : i32
      %dma_start3A_470 = tpu.memref_slice %arg9[%dma_start3A_468, %dma_start3A_469] : memref<8x128xi32, #tpu.memory_space<vmem>> -> memref<1x128xi32, #tpu.memory_space<vmem>>
      %dma_start3A_471 = tpu.memref_squeeze %dma_start3A_470 : memref<1x128xi32, #tpu.memory_space<vmem>> -> memref<128xi32, #tpu.memory_space<vmem>>
      %dma_start3A_472 = arith.constant 0 : i32
      %dma_start3A_473 = arith.constant 0 : i32
      %dma_start3A_474 = tpu.memref_slice %arg2[%dma_start3A_472, %dma_start3A_473] : memref<10128x128xf32, #tpu.memory_space<hbm>> -> memref<10128x128xf32, #tpu.memory_space<hbm>>
      tpu.enqueue_indirect_dma source(%dma_start3A_474 : memref<10128x128xf32, #tpu.memory_space<hbm>>) target(%arg7 : memref<128x128xf32, #tpu.memory_space<vmem>>) offsets(%dma_start3A_471 : memref<128xi32, #tpu.memory_space<vmem>>) semaphore(%arg13 : memref<!tpu.dma_semaphore, #tpu.memory_space<semaphore_mem>>)
      %dma_wait3A_475 = arith.constant 4 : i32
      %dma_wait3A_476 = arith.constant 0 : i32
      %dma_wait3A_477 = tpu.memref_slice %arg9[%dma_wait3A_475, %dma_wait3A_476] : memref<8x128xi32, #tpu.memory_space<vmem>> -> memref<1x128xi32, #tpu.memory_space<vmem>>
      %dma_wait3A_478 = tpu.memref_squeeze %dma_wait3A_477 : memref<1x128xi32, #tpu.memory_space<vmem>> -> memref<128xi32, #tpu.memory_space<vmem>>
      %dma_wait3A_479 = arith.constant 0 : i32
      %dma_wait3A_480 = arith.constant 0 : i32
      %dma_wait3A_481 = tpu.memref_slice %arg2[%dma_wait3A_479, %dma_wait3A_480] : memref<10128x128xf32, #tpu.memory_space<hbm>> -> memref<10128x128xf32, #tpu.memory_space<hbm>>
      tpu.wait_indirect_dma semaphore(%arg12 : memref<!tpu.dma_semaphore, #tpu.memory_space<semaphore_mem>>) src(%dma_wait3A_481 : memref<10128x128xf32, #tpu.memory_space<hbm>>) dst(%arg6 : memref<128x128xf32, #tpu.memory_space<vmem>>)
      %dma_start3A_482 = arith.constant 4 : i32
      %dma_start3A_483 = arith.constant 0 : i32
      %dma_start3A_484 = tpu.memref_slice %arg11[%dma_start3A_482, %dma_start3A_483] : memref<8x128xi32, #tpu.memory_space<vmem>> -> memref<1x128xi32, #tpu.memory_space<vmem>>
      %dma_start3A_485 = tpu.memref_squeeze %dma_start3A_484 : memref<1x128xi32, #tpu.memory_space<vmem>> -> memref<128xi32, #tpu.memory_space<vmem>>
      %dma_start3A_486 = arith.constant 0 : i32
      %dma_start3A_487 = arith.constant 0 : i32
      %dma_start3A_488 = tpu.memref_slice %arg5[%dma_start3A_486, %dma_start3A_487] : memref<10000x128xf32, #tpu.memory_space<vmem_shared>> -> memref<10000x128xf32, #tpu.memory_space<vmem_shared>>
      tpu.enqueue_indirect_dma source(%arg6 : memref<128x128xf32, #tpu.memory_space<vmem>>) target(%dma_start3A_488 : memref<10000x128xf32, #tpu.memory_space<vmem_shared>>) offsets(%dma_start3A_485 : memref<128xi32, #tpu.memory_space<vmem>>) semaphore(%arg14 : memref<!tpu.dma_semaphore, #tpu.memory_space<semaphore_mem>>) {add = true}
      %dma_wait3A_489 = arith.constant 4 : i32
      %dma_wait3A_490 = arith.constant 0 : i32
      %dma_wait3A_491 = tpu.memref_slice %arg11[%dma_wait3A_489, %dma_wait3A_490] : memref<8x128xi32, #tpu.memory_space<vmem>> -> memref<1x128xi32, #tpu.memory_space<vmem>>
      %dma_wait3A_492 = tpu.memref_squeeze %dma_wait3A_491 : memref<1x128xi32, #tpu.memory_space<vmem>> -> memref<128xi32, #tpu.memory_space<vmem>>
      %dma_wait3A_493 = arith.constant 0 : i32
      %dma_wait3A_494 = arith.constant 0 : i32
      %dma_wait3A_495 = tpu.memref_slice %arg5[%dma_wait3A_493, %dma_wait3A_494] : memref<10000x128xf32, #tpu.memory_space<vmem_shared>> -> memref<10000x128xf32, #tpu.memory_space<vmem_shared>>
      tpu.wait_indirect_dma semaphore(%arg14 : memref<!tpu.dma_semaphore, #tpu.memory_space<semaphore_mem>>) src(%arg6 : memref<128x128xf32, #tpu.memory_space<vmem>>) dst(%dma_wait3A_495 : memref<10000x128xf32, #tpu.memory_space<vmem_shared>>)
      %dma_start3A_496 = arith.constant 6 : i32
      %dma_start3A_497 = arith.constant 0 : i32
      %dma_start3A_498 = tpu.memref_slice %arg9[%dma_start3A_496, %dma_start3A_497] : memref<8x128xi32, #tpu.memory_space<vmem>> -> memref<1x128xi32, #tpu.memory_space<vmem>>
      %dma_start3A_499 = tpu.memref_squeeze %dma_start3A_498 : memref<1x128xi32, #tpu.memory_space<vmem>> -> memref<128xi32, #tpu.memory_space<vmem>>
      %dma_start3A_500 = arith.constant 0 : i32
      %dma_start3A_501 = arith.constant 0 : i32
      %dma_start3A_502 = tpu.memref_slice %arg2[%dma_start3A_500, %dma_start3A_501] : memref<10128x128xf32, #tpu.memory_space<hbm>> -> memref<10128x128xf32, #tpu.memory_space<hbm>>
      tpu.enqueue_indirect_dma source(%dma_start3A_502 : memref<10128x128xf32, #tpu.memory_space<hbm>>) target(%arg6 : memref<128x128xf32, #tpu.memory_space<vmem>>) offsets(%dma_start3A_499 : memref<128xi32, #tpu.memory_space<vmem>>) semaphore(%arg12 : memref<!tpu.dma_semaphore, #tpu.memory_space<semaphore_mem>>)
      %dma_wait3A_503 = arith.constant 5 : i32
      %dma_wait3A_504 = arith.constant 0 : i32
      %dma_wait3A_505 = tpu.memref_slice %arg9[%dma_wait3A_503, %dma_wait3A_504] : memref<8x128xi32, #tpu.memory_space<vmem>> -> memref<1x128xi32, #tpu.memory_space<vmem>>
      %dma_wait3A_506 = tpu.memref_squeeze %dma_wait3A_505 : memref<1x128xi32, #tpu.memory_space<vmem>> -> memref<128xi32, #tpu.memory_space<vmem>>
      %dma_wait3A_507 = arith.constant 0 : i32
      %dma_wait3A_508 = arith.constant 0 : i32
      %dma_wait3A_509 = tpu.memref_slice %arg2[%dma_wait3A_507, %dma_wait3A_508] : memref<10128x128xf32, #tpu.memory_space<hbm>> -> memref<10128x128xf32, #tpu.memory_space<hbm>>
      tpu.wait_indirect_dma semaphore(%arg13 : memref<!tpu.dma_semaphore, #tpu.memory_space<semaphore_mem>>) src(%dma_wait3A_509 : memref<10128x128xf32, #tpu.memory_space<hbm>>) dst(%arg7 : memref<128x128xf32, #tpu.memory_space<vmem>>)
      %dma_start3A_510 = arith.constant 5 : i32
      %dma_start3A_511 = arith.constant 0 : i32
      %dma_start3A_512 = tpu.memref_slice %arg11[%dma_start3A_510, %dma_start3A_511] : memref<8x128xi32, #tpu.memory_space<vmem>> -> memref<1x128xi32, #tpu.memory_space<vmem>>
      %dma_start3A_513 = tpu.memref_squeeze %dma_start3A_512 : memref<1x128xi32, #tpu.memory_space<vmem>> -> memref<128xi32, #tpu.memory_space<vmem>>
      %dma_start3A_514 = arith.constant 0 : i32
      %dma_start3A_515 = arith.constant 0 : i32
      %dma_start3A_516 = tpu.memref_slice %arg5[%dma_start3A_514, %dma_start3A_515] : memref<10000x128xf32, #tpu.memory_space<vmem_shared>> -> memref<10000x128xf32, #tpu.memory_space<vmem_shared>>
      tpu.enqueue_indirect_dma source(%arg7 : memref<128x128xf32, #tpu.memory_space<vmem>>) target(%dma_start3A_516 : memref<10000x128xf32, #tpu.memory_space<vmem_shared>>) offsets(%dma_start3A_513 : memref<128xi32, #tpu.memory_space<vmem>>) semaphore(%arg15 : memref<!tpu.dma_semaphore, #tpu.memory_space<semaphore_mem>>) {add = true}
      %dma_wait3A_517 = arith.constant 5 : i32
      %dma_wait3A_518 = arith.constant 0 : i32
      %dma_wait3A_519 = tpu.memref_slice %arg11[%dma_wait3A_517, %dma_wait3A_518] : memref<8x128xi32, #tpu.memory_space<vmem>> -> memref<1x128xi32, #tpu.memory_space<vmem>>
      %dma_wait3A_520 = tpu.memref_squeeze %dma_wait3A_519 : memref<1x128xi32, #tpu.memory_space<vmem>> -> memref<128xi32, #tpu.memory_space<vmem>>
      %dma_wait3A_521 = arith.constant 0 : i32
      %dma_wait3A_522 = arith.constant 0 : i32
      %dma_wait3A_523 = tpu.memref_slice %arg5[%dma_wait3A_521, %dma_wait3A_522] : memref<10000x128xf32, #tpu.memory_space<vmem_shared>> -> memref<10000x128xf32, #tpu.memory_space<vmem_shared>>
      tpu.wait_indirect_dma semaphore(%arg15 : memref<!tpu.dma_semaphore, #tpu.memory_space<semaphore_mem>>) src(%arg7 : memref<128x128xf32, #tpu.memory_space<vmem>>) dst(%dma_wait3A_523 : memref<10000x128xf32, #tpu.memory_space<vmem_shared>>)
      %dma_start3A_524 = arith.constant 7 : i32
      %dma_start3A_525 = arith.constant 0 : i32
      %dma_start3A_526 = tpu.memref_slice %arg9[%dma_start3A_524, %dma_start3A_525] : memref<8x128xi32, #tpu.memory_space<vmem>> -> memref<1x128xi32, #tpu.memory_space<vmem>>
      %dma_start3A_527 = tpu.memref_squeeze %dma_start3A_526 : memref<1x128xi32, #tpu.memory_space<vmem>> -> memref<128xi32, #tpu.memory_space<vmem>>
      %dma_start3A_528 = arith.constant 0 : i32
      %dma_start3A_529 = arith.constant 0 : i32
      %dma_start3A_530 = tpu.memref_slice %arg2[%dma_start3A_528, %dma_start3A_529] : memref<10128x128xf32, #tpu.memory_space<hbm>> -> memref<10128x128xf32, #tpu.memory_space<hbm>>
      tpu.enqueue_indirect_dma source(%dma_start3A_530 : memref<10128x128xf32, #tpu.memory_space<hbm>>) target(%arg7 : memref<128x128xf32, #tpu.memory_space<vmem>>) offsets(%dma_start3A_527 : memref<128xi32, #tpu.memory_space<vmem>>) semaphore(%arg13 : memref<!tpu.dma_semaphore, #tpu.memory_space<semaphore_mem>>)
      %dma_wait3A_531 = arith.constant 6 : i32
      %dma_wait3A_532 = arith.constant 0 : i32
      %dma_wait3A_533 = tpu.memref_slice %arg9[%dma_wait3A_531, %dma_wait3A_532] : memref<8x128xi32, #tpu.memory_space<vmem>> -> memref<1x128xi32, #tpu.memory_space<vmem>>
      %dma_wait3A_534 = tpu.memref_squeeze %dma_wait3A_533 : memref<1x128xi32, #tpu.memory_space<vmem>> -> memref<128xi32, #tpu.memory_space<vmem>>
      %dma_wait3A_535 = arith.constant 0 : i32
      %dma_wait3A_536 = arith.constant 0 : i32
      %dma_wait3A_537 = tpu.memref_slice %arg2[%dma_wait3A_535, %dma_wait3A_536] : memref<10128x128xf32, #tpu.memory_space<hbm>> -> memref<10128x128xf32, #tpu.memory_space<hbm>>
      tpu.wait_indirect_dma semaphore(%arg12 : memref<!tpu.dma_semaphore, #tpu.memory_space<semaphore_mem>>) src(%dma_wait3A_537 : memref<10128x128xf32, #tpu.memory_space<hbm>>) dst(%arg6 : memref<128x128xf32, #tpu.memory_space<vmem>>)
      %dma_start3A_538 = arith.constant 6 : i32
      %dma_start3A_539 = arith.constant 0 : i32
      %dma_start3A_540 = tpu.memref_slice %arg11[%dma_start3A_538, %dma_start3A_539] : memref<8x128xi32, #tpu.memory_space<vmem>> -> memref<1x128xi32, #tpu.memory_space<vmem>>
      %dma_start3A_541 = tpu.memref_squeeze %dma_start3A_540 : memref<1x128xi32, #tpu.memory_space<vmem>> -> memref<128xi32, #tpu.memory_space<vmem>>
      %dma_start3A_542 = arith.constant 0 : i32
      %dma_start3A_543 = arith.constant 0 : i32
      %dma_start3A_544 = tpu.memref_slice %arg5[%dma_start3A_542, %dma_start3A_543] : memref<10000x128xf32, #tpu.memory_space<vmem_shared>> -> memref<10000x128xf32, #tpu.memory_space<vmem_shared>>
      tpu.enqueue_indirect_dma source(%arg6 : memref<128x128xf32, #tpu.memory_space<vmem>>) target(%dma_start3A_544 : memref<10000x128xf32, #tpu.memory_space<vmem_shared>>) offsets(%dma_start3A_541 : memref<128xi32, #tpu.memory_space<vmem>>) semaphore(%arg14 : memref<!tpu.dma_semaphore, #tpu.memory_space<semaphore_mem>>) {add = true}
      %dma_wait3A_545 = arith.constant 6 : i32
      %dma_wait3A_546 = arith.constant 0 : i32
      %dma_wait3A_547 = tpu.memref_slice %arg11[%dma_wait3A_545, %dma_wait3A_546] : memref<8x128xi32, #tpu.memory_space<vmem>> -> memref<1x128xi32, #tpu.memory_space<vmem>>
      %dma_wait3A_548 = tpu.memref_squeeze %dma_wait3A_547 : memref<1x128xi32, #tpu.memory_space<vmem>> -> memref<128xi32, #tpu.memory_space<vmem>>
      %dma_wait3A_549 = arith.constant 0 : i32
      %dma_wait3A_550 = arith.constant 0 : i32
      %dma_wait3A_551 = tpu.memref_slice %arg5[%dma_wait3A_549, %dma_wait3A_550] : memref<10000x128xf32, #tpu.memory_space<vmem_shared>> -> memref<10000x128xf32, #tpu.memory_space<vmem_shared>>
      tpu.wait_indirect_dma semaphore(%arg14 : memref<!tpu.dma_semaphore, #tpu.memory_space<semaphore_mem>>) src(%arg6 : memref<128x128xf32, #tpu.memory_space<vmem>>) dst(%dma_wait3A_551 : memref<10000x128xf32, #tpu.memory_space<vmem_shared>>)
      %add3A_552 = arith.constant 1 : i32
      %add3A_553 = arith.addi %add3A_352, %add3A_552 : i32
      %lt3A_554 = arith.constant 10 : i32
      %lt3A_555 = arith.cmpi slt, %add3A_553, %lt3A_554 : i32
      %convert_element_type3A_556 = arith.extui %lt3A_555 : i1 to i32
      %cond3A_557 = arith.constant 0 : i32
      %cond3A_558 = arith.cmpi ne, %convert_element_type3A_556, %cond3A_557 : i32
      scf.if %cond3A_558 {
        %dma_wait3A_594 = arith.constant 0 : i32
        %dma_wait3A_595 = arith.constant 0 : i32
        %dma_wait3A_596 = arith.constant 0 : i32
        %dma_wait3A_597 = arith.constant 0 : i32
        %dma_wait3A_598 = tpu.memref_slice %arg3[%dma_wait3A_594, %add3A, %dma_wait3A_595, %dma_wait3A_596, %dma_wait3A_597] : memref<2x32x10x8x128xi32, #tpu.memory_space<hbm>> -> memref<1x1x1x8x128xi32, #tpu.memory_space<hbm>>
        %dma_wait3A_599 = tpu.memref_squeeze %dma_wait3A_598 : memref<1x1x1x8x128xi32, #tpu.memory_space<hbm>> -> memref<8x128xi32, #tpu.memory_space<hbm>>
        %dma_wait3A_600 = arith.constant 0 : i32
        %dma_wait3A_601 = arith.constant 0 : i32
        %dma_wait3A_602 = tpu.memref_slice %arg3[%dma_wait3A_594, %add3A, %dma_wait3A_595, %dma_wait3A_600, %dma_wait3A_601] : memref<2x32x10x8x128xi32, #tpu.memory_space<hbm>> -> memref<1x1x1x8x128xi32, #tpu.memory_space<hbm>>
        %dma_wait3A_603 = tpu.memref_squeeze %dma_wait3A_602 : memref<1x1x1x8x128xi32, #tpu.memory_space<hbm>> -> memref<8x128xi32, #tpu.memory_space<hbm>>
        tpu.wait_dma2 semaphore(%arg16 : memref<!tpu.dma_semaphore, #tpu.memory_space<semaphore_mem>>) src(%dma_wait3A_603 : memref<8x128xi32, #tpu.memory_space<hbm>>) dst(%arg8 : memref<8x128xi32, #tpu.memory_space<vmem>>)
        %dma_start3A_604 = arith.constant 0 : i32
        %dma_start3A_605 = arith.constant 0 : i32
        %dma_start3A_606 = tpu.memref_slice %arg8[%dma_start3A_604, %dma_start3A_605] : memref<8x128xi32, #tpu.memory_space<vmem>> -> memref<1x128xi32, #tpu.memory_space<vmem>>
        %dma_start3A_607 = tpu.memref_squeeze %dma_start3A_606 : memref<1x128xi32, #tpu.memory_space<vmem>> -> memref<128xi32, #tpu.memory_space<vmem>>
        %dma_start3A_608 = arith.constant 0 : i32
        %dma_start3A_609 = arith.constant 0 : i32
        %dma_start3A_610 = tpu.memref_slice %arg2[%dma_start3A_608, %dma_start3A_609] : memref<10128x128xf32, #tpu.memory_space<hbm>> -> memref<10128x128xf32, #tpu.memory_space<hbm>>
        tpu.enqueue_indirect_dma source(%dma_start3A_610 : memref<10128x128xf32, #tpu.memory_space<hbm>>) target(%arg6 : memref<128x128xf32, #tpu.memory_space<vmem>>) offsets(%dma_start3A_607 : memref<128xi32, #tpu.memory_space<vmem>>) semaphore(%arg12 : memref<!tpu.dma_semaphore, #tpu.memory_space<semaphore_mem>>)
      } else {
      }
      %dma_wait3A_559 = arith.constant 7 : i32
      %dma_wait3A_560 = arith.constant 0 : i32
      %dma_wait3A_561 = tpu.memref_slice %arg9[%dma_wait3A_559, %dma_wait3A_560] : memref<8x128xi32, #tpu.memory_space<vmem>> -> memref<1x128xi32, #tpu.memory_space<vmem>>
      %dma_wait3A_562 = tpu.memref_squeeze %dma_wait3A_561 : memref<1x128xi32, #tpu.memory_space<vmem>> -> memref<128xi32, #tpu.memory_space<vmem>>
      %dma_wait3A_563 = arith.constant 0 : i32
      %dma_wait3A_564 = arith.constant 0 : i32
      %dma_wait3A_565 = tpu.memref_slice %arg2[%dma_wait3A_563, %dma_wait3A_564] : memref<10128x128xf32, #tpu.memory_space<hbm>> -> memref<10128x128xf32, #tpu.memory_space<hbm>>
      tpu.wait_indirect_dma semaphore(%arg13 : memref<!tpu.dma_semaphore, #tpu.memory_space<semaphore_mem>>) src(%dma_wait3A_565 : memref<10128x128xf32, #tpu.memory_space<hbm>>) dst(%arg7 : memref<128x128xf32, #tpu.memory_space<vmem>>)
      %dma_start3A_566 = arith.constant 7 : i32
      %dma_start3A_567 = arith.constant 0 : i32
      %dma_start3A_568 = tpu.memref_slice %arg11[%dma_start3A_566, %dma_start3A_567] : memref<8x128xi32, #tpu.memory_space<vmem>> -> memref<1x128xi32, #tpu.memory_space<vmem>>
      %dma_start3A_569 = tpu.memref_squeeze %dma_start3A_568 : memref<1x128xi32, #tpu.memory_space<vmem>> -> memref<128xi32, #tpu.memory_space<vmem>>
      %dma_start3A_570 = arith.constant 0 : i32
      %dma_start3A_571 = arith.constant 0 : i32
      %dma_start3A_572 = tpu.memref_slice %arg5[%dma_start3A_570, %dma_start3A_571] : memref<10000x128xf32, #tpu.memory_space<vmem_shared>> -> memref<10000x128xf32, #tpu.memory_space<vmem_shared>>
      tpu.enqueue_indirect_dma source(%arg7 : memref<128x128xf32, #tpu.memory_space<vmem>>) target(%dma_start3A_572 : memref<10000x128xf32, #tpu.memory_space<vmem_shared>>) offsets(%dma_start3A_569 : memref<128xi32, #tpu.memory_space<vmem>>) semaphore(%arg15 : memref<!tpu.dma_semaphore, #tpu.memory_space<semaphore_mem>>) {add = true}
      %dma_wait3A_573 = arith.constant 7 : i32
      %dma_wait3A_574 = arith.constant 0 : i32
      %dma_wait3A_575 = tpu.memref_slice %arg11[%dma_wait3A_573, %dma_wait3A_574] : memref<8x128xi32, #tpu.memory_space<vmem>> -> memref<1x128xi32, #tpu.memory_space<vmem>>
      %dma_wait3A_576 = tpu.memref_squeeze %dma_wait3A_575 : memref<1x128xi32, #tpu.memory_space<vmem>> -> memref<128xi32, #tpu.memory_space<vmem>>
      %dma_wait3A_577 = arith.constant 0 : i32
      %dma_wait3A_578 = arith.constant 0 : i32
      %dma_wait3A_579 = tpu.memref_slice %arg5[%dma_wait3A_577, %dma_wait3A_578] : memref<10000x128xf32, #tpu.memory_space<vmem_shared>> -> memref<10000x128xf32, #tpu.memory_space<vmem_shared>>
      tpu.wait_indirect_dma semaphore(%arg15 : memref<!tpu.dma_semaphore, #tpu.memory_space<semaphore_mem>>) src(%arg7 : memref<128x128xf32, #tpu.memory_space<vmem>>) dst(%dma_wait3A_579 : memref<10000x128xf32, #tpu.memory_space<vmem_shared>>)
      %add3A_580 = arith.constant 1 : i32
      %add3A_581 = arith.addi %add3A_352, %add3A_580 : i32
      %lt3A_582 = arith.constant 10 : i32
      %lt3A_583 = arith.cmpi slt, %add3A_581, %lt3A_582 : i32
      %convert_element_type3A_584 = arith.extui %lt3A_583 : i1 to i32
      %cond3A_585 = arith.constant 0 : i32
      %cond3A_586 = arith.cmpi ne, %convert_element_type3A_584, %cond3A_585 : i32
      scf.if %cond3A_586 {
        %dma_start3A_594 = arith.constant 1 : i32
        %dma_start3A_595 = arith.constant 0 : i32
        %dma_start3A_596 = tpu.memref_slice %arg8[%dma_start3A_594, %dma_start3A_595] : memref<8x128xi32, #tpu.memory_space<vmem>> -> memref<1x128xi32, #tpu.memory_space<vmem>>
        %dma_start3A_597 = tpu.memref_squeeze %dma_start3A_596 : memref<1x128xi32, #tpu.memory_space<vmem>> -> memref<128xi32, #tpu.memory_space<vmem>>
        %dma_start3A_598 = arith.constant 0 : i32
        %dma_start3A_599 = arith.constant 0 : i32
        %dma_start3A_600 = tpu.memref_slice %arg2[%dma_start3A_598, %dma_start3A_599] : memref<10128x128xf32, #tpu.memory_space<hbm>> -> memref<10128x128xf32, #tpu.memory_space<hbm>>
        tpu.enqueue_indirect_dma source(%dma_start3A_600 : memref<10128x128xf32, #tpu.memory_space<hbm>>) target(%arg7 : memref<128x128xf32, #tpu.memory_space<vmem>>) offsets(%dma_start3A_597 : memref<128xi32, #tpu.memory_space<vmem>>) semaphore(%arg13 : memref<!tpu.dma_semaphore, #tpu.memory_space<semaphore_mem>>)
      } else {
      }
      %add3A_587 = arith.constant 2 : i32
      %add3A_588 = arith.addi %add3A_352, %add3A_587 : i32
      %lt3A_589 = arith.constant 10 : i32
      %lt3A_590 = arith.cmpi slt, %add3A_588, %lt3A_589 : i32
      %convert_element_type3A_591 = arith.extui %lt3A_590 : i1 to i32
      %cond3A_592 = arith.constant 0 : i32
      %cond3A_593 = arith.cmpi ne, %convert_element_type3A_591, %cond3A_592 : i32
      scf.if %cond3A_593 {
        %add3A_594 = arith.constant 2 : i32
        %add3A_595 = arith.addi %add3A_352, %add3A_594 : i32
        %dma_start3A_596 = arith.constant 0 : i32
        %dma_start3A_597 = arith.constant 0 : i32
        %dma_start3A_598 = arith.constant 0 : i32
        %dma_start3A_599 = tpu.memref_slice %arg3[%dma_start3A_596, %add3A, %add3A_595, %dma_start3A_597, %dma_start3A_598] : memref<2x32x10x8x128xi32, #tpu.memory_space<hbm>> -> memref<1x1x1x8x128xi32, #tpu.memory_space<hbm>>
        %dma_start3A_600 = tpu.memref_squeeze %dma_start3A_599 : memref<1x1x1x8x128xi32, #tpu.memory_space<hbm>> -> memref<8x128xi32, #tpu.memory_space<hbm>>
        %dma_start3A_601 = arith.constant 0 : i32
        %dma_start3A_602 = arith.constant 0 : i32
        %dma_start3A_603 = tpu.memref_slice %arg3[%dma_start3A_596, %add3A, %add3A_595, %dma_start3A_601, %dma_start3A_602] : memref<2x32x10x8x128xi32, #tpu.memory_space<hbm>> -> memref<1x1x1x8x128xi32, #tpu.memory_space<hbm>>
        %dma_start3A_604 = tpu.memref_squeeze %dma_start3A_603 : memref<1x1x1x8x128xi32, #tpu.memory_space<hbm>> -> memref<8x128xi32, #tpu.memory_space<hbm>>
        tpu.enqueue_dma source(%dma_start3A_604 : memref<8x128xi32, #tpu.memory_space<hbm>>) target(%arg9 : memref<8x128xi32, #tpu.memory_space<vmem>>) target_semaphore(%arg17 : memref<!tpu.dma_semaphore, #tpu.memory_space<semaphore_mem>>)
        %add3A_605 = arith.constant 2 : i32
        %add3A_606 = arith.addi %add3A_352, %add3A_605 : i32
        %dma_start3A_607 = arith.constant 1 : i32
        %dma_start3A_608 = arith.constant 0 : i32
        %dma_start3A_609 = arith.constant 0 : i32
        %dma_start3A_610 = tpu.memref_slice %arg3[%dma_start3A_607, %add3A, %add3A_606, %dma_start3A_608, %dma_start3A_609] : memref<2x32x10x8x128xi32, #tpu.memory_space<hbm>> -> memref<1x1x1x8x128xi32, #tpu.memory_space<hbm>>
        %dma_start3A_611 = tpu.memref_squeeze %dma_start3A_610 : memref<1x1x1x8x128xi32, #tpu.memory_space<hbm>> -> memref<8x128xi32, #tpu.memory_space<hbm>>
        %dma_start3A_612 = arith.constant 0 : i32
        %dma_start3A_613 = arith.constant 0 : i32
        %dma_start3A_614 = tpu.memref_slice %arg3[%dma_start3A_607, %add3A, %add3A_606, %dma_start3A_612, %dma_start3A_613] : memref<2x32x10x8x128xi32, #tpu.memory_space<hbm>> -> memref<1x1x1x8x128xi32, #tpu.memory_space<hbm>>
        %dma_start3A_615 = tpu.memref_squeeze %dma_start3A_614 : memref<1x1x1x8x128xi32, #tpu.memory_space<hbm>> -> memref<8x128xi32, #tpu.memory_space<hbm>>
        tpu.enqueue_dma source(%dma_start3A_615 : memref<8x128xi32, #tpu.memory_space<hbm>>) target(%arg11 : memref<8x128xi32, #tpu.memory_space<vmem>>) target_semaphore(%arg19 : memref<!tpu.dma_semaphore, #tpu.memory_space<semaphore_mem>>)
      } else {
      }
    }
    %scan3A_93 = arith.constant 5 : i32
    %barrier3A_94 = arith.constant 0 : index
    tpu.barrier barrier_id(%barrier3A_94)
    %mul3A_95 = arith.constant 624 : i32
    %mul3A_96 = arith.muli %arg1, %mul3A_95 : i32
    %mul3A_97 = arith.constant 624 : i32
    %mul3A_98 = arith.muli %arg1, %mul3A_97 : i32
    "tpu.region"() ({
      %run_scoped3A = tpu.sem_alloc : memref<!tpu.dma_semaphore, #tpu.memory_space<semaphore_mem>>
      %dma_start3A_104 = arith.constant 0 : i32
      %dma_start3A_105 = tpu.memref_slice %arg4[%arg0, %mul3A_98, %dma_start3A_104] : memref<2x10000x128xf32, #tpu.memory_space<hbm>> -> memref<1x624x128xf32, #tpu.memory_space<hbm>>
      %dma_start3A_106 = tpu.memref_squeeze %dma_start3A_105 : memref<1x624x128xf32, #tpu.memory_space<hbm>> -> memref<624x128xf32, #tpu.memory_space<hbm>>
      %dma_start3A_107 = arith.constant 0 : i32
      %dma_start3A_108 = tpu.memref_slice %arg5[%mul3A_96, %dma_start3A_107] : memref<10000x128xf32, #tpu.memory_space<vmem_shared>> -> memref<624x128xf32, #tpu.memory_space<vmem_shared>>
      tpu.enqueue_dma source(%dma_start3A_108 : memref<624x128xf32, #tpu.memory_space<vmem_shared>>) target(%dma_start3A_106 : memref<624x128xf32, #tpu.memory_space<hbm>>) target_semaphore(%run_scoped3A : memref<!tpu.dma_semaphore, #tpu.memory_space<semaphore_mem>>)
      %dma_wait3A_109 = arith.constant 0 : i32
      %dma_wait3A_110 = tpu.memref_slice %arg4[%arg0, %mul3A_98, %dma_wait3A_109] : memref<2x10000x128xf32, #tpu.memory_space<hbm>> -> memref<1x624x128xf32, #tpu.memory_space<hbm>>
      %dma_wait3A_111 = tpu.memref_squeeze %dma_wait3A_110 : memref<1x624x128xf32, #tpu.memory_space<hbm>> -> memref<624x128xf32, #tpu.memory_space<hbm>>
      %dma_wait3A_112 = arith.constant 0 : i32
      %dma_wait3A_113 = tpu.memref_slice %arg5[%mul3A_96, %dma_wait3A_112] : memref<10000x128xf32, #tpu.memory_space<vmem_shared>> -> memref<624x128xf32, #tpu.memory_space<vmem_shared>>
      tpu.wait_dma2 semaphore(%run_scoped3A : memref<!tpu.dma_semaphore, #tpu.memory_space<semaphore_mem>>) src(%dma_wait3A_113 : memref<624x128xf32, #tpu.memory_space<vmem_shared>>) dst(%dma_wait3A_111 : memref<624x128xf32, #tpu.memory_space<hbm>>)
      tpu.yield
    }) : () -> ()
    %eq3A_99 = arith.constant 15 : i32
    %eq3A_100 = arith.cmpi eq, %arg1, %eq3A_99 : i32
    %convert_element_type3A_101 = arith.extui %eq3A_100 : i1 to i32
    %cond3A_102 = arith.constant 0 : i32
    %cond3A_103 = arith.cmpi ne, %convert_element_type3A_101, %cond3A_102 : i32
    scf.if %cond3A_103 {
      "tpu.region"() ({
        %run_scoped3A = tpu.sem_alloc : memref<!tpu.dma_semaphore, #tpu.memory_space<semaphore_mem>>
        %dma_start3A_104 = arith.constant 9984 : i32
        %dma_start3A_105 = arith.constant 0 : i32
        %dma_start3A_106 = tpu.memref_slice %arg4[%arg0, %dma_start3A_104, %dma_start3A_105] : memref<2x10000x128xf32, #tpu.memory_space<hbm>> -> memref<1x16x128xf32, #tpu.memory_space<hbm>>
        %dma_start3A_107 = tpu.memref_squeeze %dma_start3A_106 : memref<1x16x128xf32, #tpu.memory_space<hbm>> -> memref<16x128xf32, #tpu.memory_space<hbm>>
        %dma_start3A_108 = arith.constant 9984 : i32
        %dma_start3A_109 = arith.constant 0 : i32
        %dma_start3A_110 = tpu.memref_slice %arg5[%dma_start3A_108, %dma_start3A_109] : memref<10000x128xf32, #tpu.memory_space<vmem_shared>> -> memref<16x128xf32, #tpu.memory_space<vmem_shared>>
        tpu.enqueue_dma source(%dma_start3A_110 : memref<16x128xf32, #tpu.memory_space<vmem_shared>>) target(%dma_start3A_107 : memref<16x128xf32, #tpu.memory_space<hbm>>) target_semaphore(%run_scoped3A : memref<!tpu.dma_semaphore, #tpu.memory_space<semaphore_mem>>)
        %dma_wait3A_111 = arith.constant 9984 : i32
        %dma_wait3A_112 = arith.constant 0 : i32
        %dma_wait3A_113 = tpu.memref_slice %arg4[%arg0, %dma_wait3A_111, %dma_wait3A_112] : memref<2x10000x128xf32, #tpu.memory_space<hbm>> -> memref<1x16x128xf32, #tpu.memory_space<hbm>>
        %dma_wait3A_114 = tpu.memref_squeeze %dma_wait3A_113 : memref<1x16x128xf32, #tpu.memory_space<hbm>> -> memref<16x128xf32, #tpu.memory_space<hbm>>
        %dma_wait3A_115 = arith.constant 9984 : i32
        %dma_wait3A_116 = arith.constant 0 : i32
        %dma_wait3A_117 = tpu.memref_slice %arg5[%dma_wait3A_115, %dma_wait3A_116] : memref<10000x128xf32, #tpu.memory_space<vmem_shared>> -> memref<16x128xf32, #tpu.memory_space<vmem_shared>>
        tpu.wait_dma2 semaphore(%run_scoped3A : memref<!tpu.dma_semaphore, #tpu.memory_space<semaphore_mem>>) src(%dma_wait3A_117 : memref<16x128xf32, #tpu.memory_space<vmem_shared>>) dst(%dma_wait3A_114 : memref<16x128xf32, #tpu.memory_space<hbm>>)
        tpu.yield
      }) : () -> ()
    } else {
    }
    return
  }
}

module attributes {stable_mosaic.version = 14 : i64} {
  func.func @_mlp_body(%arg0: i32, %arg1: memref<2000x128xf32, #tpu.memory_space<vmem>>, %arg2: memref<2x2000x128xf32, #tpu.memory_space<vmem>>, %arg3: memref<128x128xf32, #tpu.memory_space<vmem>>, %arg4: memref<1x128xf32, #tpu.memory_space<vmem>>, %arg5: memref<128x128xf32, #tpu.memory_space<vmem>>, %arg6: memref<1x128xf32, #tpu.memory_space<vmem>>, %arg7: memref<2000x128xf32, #tpu.memory_space<vmem>>) attributes {dimension_semantics = [#tpu.dimension_semantics<arbitrary>], iteration_bounds = array<i64: 5>, scalar_prefetch = 0 : i64, scratch_operands = 0 : i64, tpu.core_type = #tpu.core_type<tc>, window_params = [{transform_indices = @transform_0, window_bounds = array<i64: 2000, 128>}, {transform_indices = @transform_1, window_bounds = array<i64: 2, 2000, 128>}, {pipeline_mode = #tpu.pipeline_mode<synchronous>, transform_indices = @transform_2, window_bounds = array<i64: 128, 128>}, {pipeline_mode = #tpu.pipeline_mode<synchronous>, transform_indices = @transform_3, window_bounds = array<i64: 1, 128>}, {pipeline_mode = #tpu.pipeline_mode<synchronous>, transform_indices = @transform_4, window_bounds = array<i64: 128, 128>}, {pipeline_mode = #tpu.pipeline_mode<synchronous>, transform_indices = @transform_5, window_bounds = array<i64: 1, 128>}, {transform_indices = @transform_6, window_bounds = array<i64: 2000, 128>}]} {
    %get3A = arith.constant 0 : index
    %get3A_0 = arith.constant 0 : index
    %get3A_1 = vector.load %arg1[%get3A, %get3A_0] : memref<2000x128xf32, #tpu.memory_space<vmem>>, vector<2000x128xf32>
    %get3A_2 = arith.constant 0 : index
    %get3A_3 = arith.constant 0 : index
    %get3A_4 = arith.constant 0 : index
    %get3A_5 = vector.load %arg2[%get3A_2, %get3A_3, %get3A_4] : memref<2x2000x128xf32, #tpu.memory_space<vmem>>, vector<1x2000x128xf32>
    %get3A_6 = vector.shape_cast %get3A_5 : vector<1x2000x128xf32> to vector<2000x128xf32>
    %add3A = arith.addf %get3A_1, %get3A_6 : vector<2000x128xf32>
    %get3A_7 = arith.constant 1 : index
    %get3A_8 = arith.constant 0 : index
    %get3A_9 = arith.constant 0 : index
    %get3A_10 = vector.load %arg2[%get3A_7, %get3A_8, %get3A_9] : memref<2x2000x128xf32, #tpu.memory_space<vmem>>, vector<1x2000x128xf32>
    %get3A_11 = vector.shape_cast %get3A_10 : vector<1x2000x128xf32> to vector<2000x128xf32>
    %add3A_12 = arith.addf %add3A, %get3A_11 : vector<2000x128xf32>
    %get3A_13 = arith.constant 0 : index
    %get3A_14 = arith.constant 0 : index
    %get3A_15 = vector.load %arg3[%get3A_13, %get3A_14] : memref<128x128xf32, #tpu.memory_space<vmem>>, vector<128x128xf32>
    %dot_general3A = arith.constant dense<0.000000e+00> : vector<2000x128xf32>
    %dot_general3A_16 = tpu.matmul %add3A_12, %get3A_15, %dot_general3A {dimension_numbers = #tpu.dot_dimension_numbers<[1], [0], [0], [1], [0, 0, 1, 1], [], []>, transpose_lhs_hint = false} : vector<2000x128xf32>, vector<128x128xf32>, vector<2000x128xf32> -> vector<2000x128xf32>
    %get3A_17 = arith.constant 0 : index
    %get3A_18 = arith.constant 0 : index
    %get3A_19 = vector.load %arg4[%get3A_17, %get3A_18] : memref<1x128xf32, #tpu.memory_space<vmem>>, vector<1x128xf32>
    %add3A_20 = vector.broadcast %get3A_19 : vector<1x128xf32> to vector<2000x128xf32>
    %add3A_21 = arith.addf %dot_general3A_16, %add3A_20 : vector<2000x128xf32>
    %max3A = arith.constant 0.000000e+00 : f32
    %max3A_22 = vector.broadcast %max3A : f32 to vector<2000x128xf32>
    %max3A_23 = arith.maximumf %add3A_21, %max3A_22 : vector<2000x128xf32>
    %get3A_24 = arith.constant 0 : index
    %get3A_25 = arith.constant 0 : index
    %get3A_26 = vector.load %arg5[%get3A_24, %get3A_25] : memref<128x128xf32, #tpu.memory_space<vmem>>, vector<128x128xf32>
    %dot_general3A_27 = arith.constant dense<0.000000e+00> : vector<2000x128xf32>
    %dot_general3A_28 = tpu.matmul %max3A_23, %get3A_26, %dot_general3A_27 {dimension_numbers = #tpu.dot_dimension_numbers<[1], [0], [0], [1], [0, 0, 1, 1], [], []>, transpose_lhs_hint = false} : vector<2000x128xf32>, vector<128x128xf32>, vector<2000x128xf32> -> vector<2000x128xf32>
    %get3A_29 = arith.constant 0 : index
    %get3A_30 = arith.constant 0 : index
    %get3A_31 = vector.load %arg6[%get3A_29, %get3A_30] : memref<1x128xf32, #tpu.memory_space<vmem>>, vector<1x128xf32>
    %add3A_32 = vector.broadcast %get3A_31 : vector<1x128xf32> to vector<2000x128xf32>
    %add3A_33 = arith.addf %dot_general3A_28, %add3A_32 : vector<2000x128xf32>
    %max3A_34 = arith.constant 0.000000e+00 : f32
    %max3A_35 = vector.broadcast %max3A_34 : f32 to vector<2000x128xf32>
    %max3A_36 = arith.maximumf %add3A_33, %max3A_35 : vector<2000x128xf32>
    %swap3A = arith.constant 0 : index
    %swap3A_37 = arith.constant 0 : index
    %swap3A_38 = vector.load %arg7[%swap3A, %swap3A_37] : memref<2000x128xf32, #tpu.memory_space<vmem>>, vector<2000x128xf32>
    tpu.vector_store %arg7[%swap3A, %swap3A_37], %max3A_36 {strides = array<i32>} : memref<2000x128xf32, #tpu.memory_space<vmem>>, vector<2000x128xf32>,
    return
  }
  func.func @transform_0(%arg0: i32) -> (i32, i32) {
    %c0_i32 = arith.constant 0 : i32
    %c0_i32_0 = arith.constant 0 : i32
    return %arg0, %c0_i32 : i32, i32
  }
  func.func @transform_1(%arg0: i32) -> (i32, i32, i32) {
    %c0_i32 = arith.constant 0 : i32
    %c0_i32_0 = arith.constant 0 : i32
    %c0_i32_1 = arith.constant 0 : i32
    return %c0_i32, %arg0, %c0_i32_0 : i32, i32, i32
  }
  func.func @transform_2(%arg0: i32) -> (i32, i32) {
    %c0_i32 = arith.constant 0 : i32
    %c0_i32_0 = arith.constant 0 : i32
    %c0_i32_1 = arith.constant 0 : i32
    return %c0_i32, %c0_i32_0 : i32, i32
  }
  func.func @transform_3(%arg0: i32) -> (i32, i32) {
    %c0_i32 = arith.constant 0 : i32
    %c0_i32_0 = arith.constant 0 : i32
    %c0_i32_1 = arith.constant 0 : i32
    return %c0_i32, %c0_i32_0 : i32, i32
  }
  func.func @transform_4(%arg0: i32) -> (i32, i32) {
    %c0_i32 = arith.constant 0 : i32
    %c0_i32_0 = arith.constant 0 : i32
    %c0_i32_1 = arith.constant 0 : i32
    return %c0_i32, %c0_i32_0 : i32, i32
  }
  func.func @transform_5(%arg0: i32) -> (i32, i32) {
    %c0_i32 = arith.constant 0 : i32
    %c0_i32_0 = arith.constant 0 : i32
    %c0_i32_1 = arith.constant 0 : i32
    return %c0_i32, %c0_i32_0 : i32, i32
  }
  func.func @transform_6(%arg0: i32) -> (i32, i32) {
    %c0_i32 = arith.constant 0 : i32
    %c0_i32_0 = arith.constant 0 : i32
    return %arg0, %c0_i32 : i32, i32
  }
}

module attributes {stable_mosaic.version = 14 : i64} {
  func.func @_mlp_pool_head_body(%arg0: i32, %arg1: memref<2000x128xf32, #tpu.memory_space<vmem>>, %arg2: memref<2x2000x128xf32, #tpu.memory_space<vmem>>, %arg3: memref<128x128xf32, #tpu.memory_space<vmem>>, %arg4: memref<1x128xf32, #tpu.memory_space<vmem>>, %arg5: memref<128x128xf32, #tpu.memory_space<vmem>>, %arg6: memref<1x128xf32, #tpu.memory_space<vmem>>, %arg7: memref<1x1x2000xi32, #tpu.memory_space<vmem>>, %arg8: memref<64x256xf32, #tpu.memory_space<vmem>>, %arg9: memref<128x128xf32, #tpu.memory_space<vmem>>, %arg10: memref<1x128xf32, #tpu.memory_space<vmem>>, %arg11: memref<128x128xf32, #tpu.memory_space<vmem>>, %arg12: memref<1x128xf32, #tpu.memory_space<vmem>>, %arg13: memref<256x128xf32, #tpu.memory_space<vmem>>, %arg14: memref<1x128xf32, #tpu.memory_space<vmem>>, %arg15: memref<128x128xf32, #tpu.memory_space<vmem>>, %arg16: memref<1x128xf32, #tpu.memory_space<vmem>>, %arg17: memref<128x128xf32, #tpu.memory_space<vmem>>, %arg18: memref<1x128xf32, #tpu.memory_space<vmem>>, %arg19: memref<128x64xf32, #tpu.memory_space<vmem>>, %arg20: memref<128x64xf32, #tpu.memory_space<vmem>>, %arg21: memref<1x64xf32, #tpu.memory_space<vmem>>, %arg22: memref<64x64xf32, #tpu.memory_space<vmem>>, %arg23: memref<64x128xf32, #tpu.memory_space<vmem>>) attributes {dimension_semantics = [#tpu.dimension_semantics<arbitrary>], iteration_bounds = array<i64: 5>, scalar_prefetch = 0 : i64, scratch_operands = 1 : i64, tpu.core_type = #tpu.core_type<tc>, window_params = [{transform_indices = @transform_0, window_bounds = array<i64: 2000, 128>}, {transform_indices = @transform_1, window_bounds = array<i64: 2, 2000, 128>}, {pipeline_mode = #tpu.pipeline_mode<synchronous>, transform_indices = @transform_2, window_bounds = array<i64: 128, 128>}, {pipeline_mode = #tpu.pipeline_mode<synchronous>, transform_indices = @transform_3, window_bounds = array<i64: 1, 128>}, {pipeline_mode = #tpu.pipeline_mode<synchronous>, transform_indices = @transform_4, window_bounds = array<i64: 128, 128>}, {pipeline_mode = #tpu.pipeline_mode<synchronous>, transform_indices = @transform_5, window_bounds = array<i64: 1, 128>}, {transform_indices = @transform_6, window_bounds = array<i64: 1, 1, 2000>}, {pipeline_mode = #tpu.pipeline_mode<synchronous>, transform_indices = @transform_7, window_bounds = array<i64: 64, 256>}, {pipeline_mode = #tpu.pipeline_mode<synchronous>, transform_indices = @transform_8, window_bounds = array<i64: 128, 128>}, {pipeline_mode = #tpu.pipeline_mode<synchronous>, transform_indices = @transform_9, window_bounds = array<i64: 1, 128>}, {pipeline_mode = #tpu.pipeline_mode<synchronous>, transform_indices = @transform_10, window_bounds = array<i64: 128, 128>}, {pipeline_mode = #tpu.pipeline_mode<synchronous>, transform_indices = @transform_11, window_bounds = array<i64: 1, 128>}, {pipeline_mode = #tpu.pipeline_mode<synchronous>, transform_indices = @transform_12, window_bounds = array<i64: 256, 128>}, {pipeline_mode = #tpu.pipeline_mode<synchronous>, transform_indices = @transform_13, window_bounds = array<i64: 1, 128>}, {pipeline_mode = #tpu.pipeline_mode<synchronous>, transform_indices = @transform_14, window_bounds = array<i64: 128, 128>}, {pipeline_mode = #tpu.pipeline_mode<synchronous>, transform_indices = @transform_15, window_bounds = array<i64: 1, 128>}, {pipeline_mode = #tpu.pipeline_mode<synchronous>, transform_indices = @transform_16, window_bounds = array<i64: 128, 128>}, {pipeline_mode = #tpu.pipeline_mode<synchronous>, transform_indices = @transform_17, window_bounds = array<i64: 1, 128>}, {pipeline_mode = #tpu.pipeline_mode<synchronous>, transform_indices = @transform_18, window_bounds = array<i64: 128, 64>}, {pipeline_mode = #tpu.pipeline_mode<synchronous>, transform_indices = @transform_19, window_bounds = array<i64: 128, 64>}, {pipeline_mode = #tpu.pipeline_mode<synchronous>, transform_indices = @transform_20, window_bounds = array<i64: 1, 64>}, {pipeline_mode = #tpu.pipeline_mode<synchronous>, transform_indices = @transform_21, window_bounds = array<i64: 64, 64>}]} {
    %get3A = arith.constant 0 : index
    %get3A_0 = arith.constant 0 : index
    %get3A_1 = vector.load %arg1[%get3A, %get3A_0] : memref<2000x128xf32, #tpu.memory_space<vmem>>, vector<2000x128xf32>
    %get3A_2 = arith.constant 0 : index
    %get3A_3 = arith.constant 0 : index
    %get3A_4 = arith.constant 0 : index
    %get3A_5 = vector.load %arg2[%get3A_2, %get3A_3, %get3A_4] : memref<2x2000x128xf32, #tpu.memory_space<vmem>>, vector<1x2000x128xf32>
    %get3A_6 = vector.shape_cast %get3A_5 : vector<1x2000x128xf32> to vector<2000x128xf32>
    %add3A = arith.addf %get3A_1, %get3A_6 : vector<2000x128xf32>
    %get3A_7 = arith.constant 1 : index
    %get3A_8 = arith.constant 0 : index
    %get3A_9 = arith.constant 0 : index
    %get3A_10 = vector.load %arg2[%get3A_7, %get3A_8, %get3A_9] : memref<2x2000x128xf32, #tpu.memory_space<vmem>>, vector<1x2000x128xf32>
    %get3A_11 = vector.shape_cast %get3A_10 : vector<1x2000x128xf32> to vector<2000x128xf32>
    %add3A_12 = arith.addf %add3A, %get3A_11 : vector<2000x128xf32>
    %get3A_13 = arith.constant 0 : index
    %get3A_14 = arith.constant 0 : index
    %get3A_15 = vector.load %arg3[%get3A_13, %get3A_14] : memref<128x128xf32, #tpu.memory_space<vmem>>, vector<128x128xf32>
    %dot_general3A = arith.constant dense<0.000000e+00> : vector<2000x128xf32>
    %dot_general3A_16 = tpu.matmul %add3A_12, %get3A_15, %dot_general3A {dimension_numbers = #tpu.dot_dimension_numbers<[1], [0], [0], [1], [0, 0, 1, 1], [], []>, transpose_lhs_hint = false} : vector<2000x128xf32>, vector<128x128xf32>, vector<2000x128xf32> -> vector<2000x128xf32>
    %get3A_17 = arith.constant 0 : index
    %get3A_18 = arith.constant 0 : index
    %get3A_19 = vector.load %arg4[%get3A_17, %get3A_18] : memref<1x128xf32, #tpu.memory_space<vmem>>, vector<1x128xf32>
    %add3A_20 = vector.broadcast %get3A_19 : vector<1x128xf32> to vector<2000x128xf32>
    %add3A_21 = arith.addf %dot_general3A_16, %add3A_20 : vector<2000x128xf32>
    %max3A = arith.constant 0.000000e+00 : f32
    %max3A_22 = vector.broadcast %max3A : f32 to vector<2000x128xf32>
    %max3A_23 = arith.maximumf %add3A_21, %max3A_22 : vector<2000x128xf32>
    %get3A_24 = arith.constant 0 : index
    %get3A_25 = arith.constant 0 : index
    %get3A_26 = vector.load %arg5[%get3A_24, %get3A_25] : memref<128x128xf32, #tpu.memory_space<vmem>>, vector<128x128xf32>
    %dot_general3A_27 = arith.constant dense<0.000000e+00> : vector<2000x128xf32>
    %dot_general3A_28 = tpu.matmul %max3A_23, %get3A_26, %dot_general3A_27 {dimension_numbers = #tpu.dot_dimension_numbers<[1], [0], [0], [1], [0, 0, 1, 1], [], []>, transpose_lhs_hint = false} : vector<2000x128xf32>, vector<128x128xf32>, vector<2000x128xf32> -> vector<2000x128xf32>
    %get3A_29 = arith.constant 0 : index
    %get3A_30 = arith.constant 0 : index
    %get3A_31 = vector.load %arg6[%get3A_29, %get3A_30] : memref<1x128xf32, #tpu.memory_space<vmem>>, vector<1x128xf32>
    %add3A_32 = vector.broadcast %get3A_31 : vector<1x128xf32> to vector<2000x128xf32>
    %add3A_33 = arith.addf %dot_general3A_28, %add3A_32 : vector<2000x128xf32>
    %max3A_34 = arith.constant 0.000000e+00 : f32
    %max3A_35 = vector.broadcast %max3A_34 : f32 to vector<2000x128xf32>
    %max3A_36 = arith.maximumf %add3A_33, %max3A_35 : vector<2000x128xf32>
    %get3A_37 = arith.constant 0 : index
    %get3A_38 = arith.constant 0 : index
    %get3A_39 = arith.constant 0 : index
    %get3A_40 = vector.load %arg7[%get3A_37, %get3A_38, %get3A_39] : memref<1x1x2000xi32, #tpu.memory_space<vmem>>, vector<1x1x2000xi32>
    %get3A_41 = vector.shape_cast %get3A_40 : vector<1x1x2000xi32> to vector<1x2000xi32>
    %iota3A = tpu.iota {dimensions = array<i32: 0>} : vector<64x1xi32>
    %eq3A = vector.broadcast %get3A_41 : vector<1x2000xi32> to vector<64x2000xi32>
    %eq3A_42 = vector.broadcast %iota3A : vector<64x1xi32> to vector<64x2000xi32>
    %eq3A_43 = arith.cmpi eq, %eq3A, %eq3A_42 : vector<64x2000xi32>
    %convert_element_type3A = arith.extui %eq3A_43 : vector<64x2000xi1> to vector<64x2000xi32>
    %convert_element_type3A_44 = arith.sitofp %convert_element_type3A : vector<64x2000xi32> to vector<64x2000xf32>
    %dot_general3A_45 = arith.constant dense<0.000000e+00> : vector<64x128xf32>
    %dot_general3A_46 = tpu.matmul %convert_element_type3A_44, %max3A_36, %dot_general3A_45 {dimension_numbers = #tpu.dot_dimension_numbers<[1], [0], [0], [1], [0, 0, 1, 1], [], []>, transpose_lhs_hint = false} : vector<64x2000xf32>, vector<2000x128xf32>, vector<64x128xf32> -> vector<64x128xf32>
    %eq3A_47 = arith.constant 0 : i32
    %eq3A_48 = arith.cmpi eq, %arg0, %eq3A_47 : i32
    %convert_element_type3A_49 = arith.extui %eq3A_48 : i1 to i32
    %cond3A = arith.constant 0 : i32
    %cond3A_50 = arith.cmpi ne, %convert_element_type3A_49, %cond3A : i32
    scf.if %cond3A_50 {
      %broadcast_in_dim3A = arith.constant 0.000000e+00 : f32
      %broadcast_in_dim3A_62 = vector.broadcast %broadcast_in_dim3A : f32 to vector<64x128xf32>
      %swap3A_63 = arith.constant 0 : index
      %swap3A_64 = arith.constant 0 : index
      %swap3A_65 = vector.load %arg23[%swap3A_63, %swap3A_64] : memref<64x128xf32, #tpu.memory_space<vmem>>, vector<64x128xf32>
      tpu.vector_store %arg23[%swap3A_63, %swap3A_64], %broadcast_in_dim3A_62 {strides = array<i32>} : memref<64x128xf32, #tpu.memory_space<vmem>>, vector<64x128xf32>,
    } else {
    }
    %get3A_51 = arith.constant 0 : index
    %get3A_52 = arith.constant 0 : index
    %get3A_53 = vector.load %arg23[%get3A_51, %get3A_52] : memref<64x128xf32, #tpu.memory_space<vmem>>, vector<64x128xf32>
    %add3A_54 = arith.addf %get3A_53, %dot_general3A_46 : vector<64x128xf32>
    %swap3A = arith.constant 0 : index
    %swap3A_55 = arith.constant 0 : index
    %swap3A_56 = vector.load %arg23[%swap3A, %swap3A_55] : memref<64x128xf32, #tpu.memory_space<vmem>>, vector<64x128xf32>
    tpu.vector_store %arg23[%swap3A, %swap3A_55], %add3A_54 {strides = array<i32>} : memref<64x128xf32, #tpu.memory_space<vmem>>, vector<64x128xf32>,
    %eq3A_57 = arith.constant 4 : i32
    %eq3A_58 = arith.cmpi eq, %arg0, %eq3A_57 : i32
    %convert_element_type3A_59 = arith.extui %eq3A_58 : i1 to i32
    %cond3A_60 = arith.constant 0 : i32
    %cond3A_61 = arith.cmpi ne, %convert_element_type3A_59, %cond3A_60 : i32
    scf.if %cond3A_61 {
      %get3A_62 = arith.constant 0 : index
      %get3A_63 = arith.constant 0 : index
      %get3A_64 = vector.load %arg23[%get3A_62, %get3A_63] : memref<64x128xf32, #tpu.memory_space<vmem>>, vector<64x128xf32>
      %get3A_65 = arith.constant 0 : index
      %get3A_66 = arith.constant 0 : index
      %get3A_67 = vector.load %arg9[%get3A_65, %get3A_66] : memref<128x128xf32, #tpu.memory_space<vmem>>, vector<128x128xf32>
      %dot_general3A_68 = arith.constant dense<0.000000e+00> : vector<64x128xf32>
      %dot_general3A_69 = tpu.matmul %get3A_64, %get3A_67, %dot_general3A_68 {dimension_numbers = #tpu.dot_dimension_numbers<[1], [0], [0], [1], [0, 0, 1, 1], [], []>, transpose_lhs_hint = false} : vector<64x128xf32>, vector<128x128xf32>, vector<64x128xf32> -> vector<64x128xf32>
      %get3A_70 = arith.constant 0 : index
      %get3A_71 = arith.constant 0 : index
      %get3A_72 = vector.load %arg10[%get3A_70, %get3A_71] : memref<1x128xf32, #tpu.memory_space<vmem>>, vector<1x128xf32>
      %add3A_73 = vector.broadcast %get3A_72 : vector<1x128xf32> to vector<64x128xf32>
      %add3A_74 = arith.addf %dot_general3A_69, %add3A_73 : vector<64x128xf32>
      %max3A_75 = arith.constant 0.000000e+00 : f32
      %max3A_76 = vector.broadcast %max3A_75 : f32 to vector<64x128xf32>
      %max3A_77 = arith.maximumf %add3A_74, %max3A_76 : vector<64x128xf32>
      %get3A_78 = arith.constant 0 : index
      %get3A_79 = arith.constant 0 : index
      %get3A_80 = vector.load %arg11[%get3A_78, %get3A_79] : memref<128x128xf32, #tpu.memory_space<vmem>>, vector<128x128xf32>
      %dot_general3A_81 = arith.constant dense<0.000000e+00> : vector<64x128xf32>
      %dot_general3A_82 = tpu.matmul %max3A_77, %get3A_80, %dot_general3A_81 {dimension_numbers = #tpu.dot_dimension_numbers<[1], [0], [0], [1], [0, 0, 1, 1], [], []>, transpose_lhs_hint = false} : vector<64x128xf32>, vector<128x128xf32>, vector<64x128xf32> -> vector<64x128xf32>
      %get3A_83 = arith.constant 0 : index
      %get3A_84 = arith.constant 0 : index
      %get3A_85 = vector.load %arg12[%get3A_83, %get3A_84] : memref<1x128xf32, #tpu.memory_space<vmem>>, vector<1x128xf32>
      %add3A_86 = vector.broadcast %get3A_85 : vector<1x128xf32> to vector<64x128xf32>
      %add3A_87 = arith.addf %dot_general3A_82, %add3A_86 : vector<64x128xf32>
      %get3A_88 = arith.constant 0 : index
      %get3A_89 = arith.constant 0 : index
      %get3A_90 = vector.load %arg8[%get3A_88, %get3A_89] : memref<64x256xf32, #tpu.memory_space<vmem>>, vector<64x256xf32>
      %get3A_91 = arith.constant 0 : index
      %get3A_92 = arith.constant 0 : index
      %get3A_93 = vector.load %arg13[%get3A_91, %get3A_92] : memref<256x128xf32, #tpu.memory_space<vmem>>, vector<256x128xf32>
      %dot_general3A_94 = arith.constant dense<0.000000e+00> : vector<64x128xf32>
      %dot_general3A_95 = tpu.matmul %get3A_90, %get3A_93, %dot_general3A_94 {dimension_numbers = #tpu.dot_dimension_numbers<[1], [0], [0], [1], [0, 0, 1, 1], [], []>, transpose_lhs_hint = false} : vector<64x256xf32>, vector<256x128xf32>, vector<64x128xf32> -> vector<64x128xf32>
      %get3A_96 = arith.constant 0 : index
      %get3A_97 = arith.constant 0 : index
      %get3A_98 = vector.load %arg14[%get3A_96, %get3A_97] : memref<1x128xf32, #tpu.memory_space<vmem>>, vector<1x128xf32>
      %add3A_99 = vector.broadcast %get3A_98 : vector<1x128xf32> to vector<64x128xf32>
      %add3A_100 = arith.addf %dot_general3A_95, %add3A_99 : vector<64x128xf32>
      %max3A_101 = arith.constant 0.000000e+00 : f32
      %max3A_102 = vector.broadcast %max3A_101 : f32 to vector<64x128xf32>
      %max3A_103 = arith.maximumf %add3A_100, %max3A_102 : vector<64x128xf32>
      %get3A_104 = arith.constant 0 : index
      %get3A_105 = arith.constant 0 : index
      %get3A_106 = vector.load %arg15[%get3A_104, %get3A_105] : memref<128x128xf32, #tpu.memory_space<vmem>>, vector<128x128xf32>
      %dot_general3A_107 = arith.constant dense<0.000000e+00> : vector<64x128xf32>
      %dot_general3A_108 = tpu.matmul %max3A_103, %get3A_106, %dot_general3A_107 {dimension_numbers = #tpu.dot_dimension_numbers<[1], [0], [0], [1], [0, 0, 1, 1], [], []>, transpose_lhs_hint = false} : vector<64x128xf32>, vector<128x128xf32>, vector<64x128xf32> -> vector<64x128xf32>
      %get3A_109 = arith.constant 0 : index
      %get3A_110 = arith.constant 0 : index
      %get3A_111 = vector.load %arg16[%get3A_109, %get3A_110] : memref<1x128xf32, #tpu.memory_space<vmem>>, vector<1x128xf32>
      %add3A_112 = vector.broadcast %get3A_111 : vector<1x128xf32> to vector<64x128xf32>
      %add3A_113 = arith.addf %dot_general3A_108, %add3A_112 : vector<64x128xf32>
      %max3A_114 = arith.constant 0.000000e+00 : f32
      %max3A_115 = vector.broadcast %max3A_114 : f32 to vector<64x128xf32>
      %max3A_116 = arith.maximumf %add3A_113, %max3A_115 : vector<64x128xf32>
      %get3A_117 = arith.constant 0 : index
      %get3A_118 = arith.constant 0 : index
      %get3A_119 = vector.load %arg17[%get3A_117, %get3A_118] : memref<128x128xf32, #tpu.memory_space<vmem>>, vector<128x128xf32>
      %dot_general3A_120 = arith.constant dense<0.000000e+00> : vector<64x128xf32>
      %dot_general3A_121 = tpu.matmul %max3A_116, %get3A_119, %dot_general3A_120 {dimension_numbers = #tpu.dot_dimension_numbers<[1], [0], [0], [1], [0, 0, 1, 1], [], []>, transpose_lhs_hint = false} : vector<64x128xf32>, vector<128x128xf32>, vector<64x128xf32> -> vector<64x128xf32>
      %get3A_122 = arith.constant 0 : index
      %get3A_123 = arith.constant 0 : index
      %get3A_124 = vector.load %arg18[%get3A_122, %get3A_123] : memref<1x128xf32, #tpu.memory_space<vmem>>, vector<1x128xf32>
      %add3A_125 = vector.broadcast %get3A_124 : vector<1x128xf32> to vector<64x128xf32>
      %add3A_126 = arith.addf %dot_general3A_121, %add3A_125 : vector<64x128xf32>
      %reduce_max3A = arith.constant dense<0xFF800000> : vector<64xf32>
      %reduce_max3A_127 = vector.multi_reduction <maximumf>, %add3A_126, %reduce_max3A [1] : vector<64x128xf32> to vector<64xf32>
      %broadcast_in_dim3A = vector.shape_cast %reduce_max3A_127 : vector<64xf32> to vector<64x1xf32>
      %sub3A = vector.broadcast %broadcast_in_dim3A : vector<64x1xf32> to vector<64x128xf32>
      %sub3A_128 = arith.subf %add3A_126, %sub3A : vector<64x128xf32>
      %exp3A = math.exp %sub3A_128 : vector<64x128xf32>
      %sub3A_129 = vector.broadcast %broadcast_in_dim3A : vector<64x1xf32> to vector<64x128xf32>
      %sub3A_130 = arith.subf %add3A_126, %sub3A_129 : vector<64x128xf32>
      %reduce_sum3A = arith.constant dense<0.000000e+00> : vector<64xf32>
      %reduce_sum3A_131 = vector.multi_reduction <add>, %exp3A, %reduce_sum3A [1] : vector<64x128xf32> to vector<64xf32>
      %broadcast_in_dim3A_132 = vector.shape_cast %reduce_sum3A_131 : vector<64xf32> to vector<64x1xf32>
      %log3A = math.log %broadcast_in_dim3A_132 : vector<64x1xf32>
      %sub3A_133 = vector.broadcast %log3A : vector<64x1xf32> to vector<64x128xf32>
      %sub3A_134 = arith.subf %sub3A_130, %sub3A_133 : vector<64x128xf32>
      %get3A_135 = arith.constant 0 : index
      %get3A_136 = arith.constant 0 : index
      %get3A_137 = vector.load %arg19[%get3A_135, %get3A_136] : memref<128x64xf32, #tpu.memory_space<vmem>>, vector<128x64xf32>
      %dot_general3A_138 = arith.constant dense<0.000000e+00> : vector<64x64xf32>
      %dot_general3A_139 = tpu.matmul %sub3A_134, %get3A_137, %dot_general3A_138 {dimension_numbers = #tpu.dot_dimension_numbers<[1], [0], [0], [1], [0, 0, 1, 1], [], []>, transpose_lhs_hint = false} : vector<64x128xf32>, vector<128x64xf32>, vector<64x64xf32> -> vector<64x64xf32>
      %get3A_140 = arith.constant 0 : index
      %get3A_141 = arith.constant 0 : index
      %get3A_142 = vector.load %arg20[%get3A_140, %get3A_141] : memref<128x64xf32, #tpu.memory_space<vmem>>, vector<128x64xf32>
      %dot_general3A_143 = arith.constant dense<0.000000e+00> : vector<64x64xf32>
      %dot_general3A_144 = tpu.matmul %add3A_87, %get3A_142, %dot_general3A_143 {dimension_numbers = #tpu.dot_dimension_numbers<[1], [0], [0], [1], [0, 0, 1, 1], [], []>, transpose_lhs_hint = false} : vector<64x128xf32>, vector<128x64xf32>, vector<64x64xf32> -> vector<64x64xf32>
      %add3A_145 = arith.addf %dot_general3A_139, %dot_general3A_144 : vector<64x64xf32>
      %get3A_146 = arith.constant 0 : index
      %get3A_147 = arith.constant 0 : index
      %get3A_148 = vector.load %arg21[%get3A_146, %get3A_147] : memref<1x64xf32, #tpu.memory_space<vmem>>, vector<1x64xf32>
      %add3A_149 = vector.broadcast %get3A_148 : vector<1x64xf32> to vector<64x64xf32>
      %add3A_150 = arith.addf %add3A_145, %add3A_149 : vector<64x64xf32>
      %reduce_max3A_151 = arith.constant dense<0xFF800000> : vector<64xf32>
      %reduce_max3A_152 = vector.multi_reduction <maximumf>, %add3A_150, %reduce_max3A_151 [1] : vector<64x64xf32> to vector<64xf32>
      %broadcast_in_dim3A_153 = vector.shape_cast %reduce_max3A_152 : vector<64xf32> to vector<64x1xf32>
      %sub3A_154 = vector.broadcast %broadcast_in_dim3A_153 : vector<64x1xf32> to vector<64x64xf32>
      %sub3A_155 = arith.subf %add3A_150, %sub3A_154 : vector<64x64xf32>
      %exp3A_156 = math.exp %sub3A_155 : vector<64x64xf32>
      %sub3A_157 = vector.broadcast %broadcast_in_dim3A_153 : vector<64x1xf32> to vector<64x64xf32>
      %sub3A_158 = arith.subf %add3A_150, %sub3A_157 : vector<64x64xf32>
      %reduce_sum3A_159 = arith.constant dense<0.000000e+00> : vector<64xf32>
      %reduce_sum3A_160 = vector.multi_reduction <add>, %exp3A_156, %reduce_sum3A_159 [1] : vector<64x64xf32> to vector<64xf32>
      %broadcast_in_dim3A_161 = vector.shape_cast %reduce_sum3A_160 : vector<64xf32> to vector<64x1xf32>
      %log3A_162 = math.log %broadcast_in_dim3A_161 : vector<64x1xf32>
      %sub3A_163 = vector.broadcast %log3A_162 : vector<64x1xf32> to vector<64x64xf32>
      %sub3A_164 = arith.subf %sub3A_158, %sub3A_163 : vector<64x64xf32>
      %swap3A_165 = arith.constant 0 : index
      %swap3A_166 = arith.constant 0 : index
      %swap3A_167 = vector.load %arg22[%swap3A_165, %swap3A_166] : memref<64x64xf32, #tpu.memory_space<vmem>>, vector<64x64xf32>
      tpu.vector_store %arg22[%swap3A_165, %swap3A_166], %sub3A_164 {strides = array<i32>} : memref<64x64xf32, #tpu.memory_space<vmem>>, vector<64x64xf32>,
    } else {
    }
    return
  }
  func.func @transform_0(%arg0: i32) -> (i32, i32) {
    %c0_i32 = arith.constant 0 : i32
    %c0_i32_0 = arith.constant 0 : i32
    return %arg0, %c0_i32 : i32, i32
  }
  func.func @transform_1(%arg0: i32) -> (i32, i32, i32) {
    %c0_i32 = arith.constant 0 : i32
    %c0_i32_0 = arith.constant 0 : i32
    %c0_i32_1 = arith.constant 0 : i32
    return %c0_i32, %arg0, %c0_i32_0 : i32, i32, i32
  }
  func.func @transform_2(%arg0: i32) -> (i32, i32) {
    %c0_i32 = arith.constant 0 : i32
    %c0_i32_0 = arith.constant 0 : i32
    %c0_i32_1 = arith.constant 0 : i32
    return %c0_i32, %c0_i32_0 : i32, i32
  }
  func.func @transform_3(%arg0: i32) -> (i32, i32) {
    %c0_i32 = arith.constant 0 : i32
    %c0_i32_0 = arith.constant 0 : i32
    %c0_i32_1 = arith.constant 0 : i32
    return %c0_i32, %c0_i32_0 : i32, i32
  }
  func.func @transform_4(%arg0: i32) -> (i32, i32) {
    %c0_i32 = arith.constant 0 : i32
    %c0_i32_0 = arith.constant 0 : i32
    %c0_i32_1 = arith.constant 0 : i32
    return %c0_i32, %c0_i32_0 : i32, i32
  }
  func.func @transform_5(%arg0: i32) -> (i32, i32) {
    %c0_i32 = arith.constant 0 : i32
    %c0_i32_0 = arith.constant 0 : i32
    %c0_i32_1 = arith.constant 0 : i32
    return %c0_i32, %c0_i32_0 : i32, i32
  }
  func.func @transform_6(%arg0: i32) -> (i32, i32, i32) {
    %c0_i32 = arith.constant 0 : i32
    %c0_i32_0 = arith.constant 0 : i32
    %c0_i32_1 = arith.constant 0 : i32
    return %arg0, %c0_i32, %c0_i32_0 : i32, i32, i32
  }
  func.func @transform_7(%arg0: i32) -> (i32, i32) {
    %c0_i32 = arith.constant 0 : i32
    %c0_i32_0 = arith.constant 0 : i32
    %c0_i32_1 = arith.constant 0 : i32
    return %c0_i32, %c0_i32_0 : i32, i32
  }
  func.func @transform_8(%arg0: i32) -> (i32, i32) {
    %c0_i32 = arith.constant 0 : i32
    %c0_i32_0 = arith.constant 0 : i32
    %c0_i32_1 = arith.constant 0 : i32
    return %c0_i32, %c0_i32_0 : i32, i32
  }
  func.func @transform_9(%arg0: i32) -> (i32, i32) {
    %c0_i32 = arith.constant 0 : i32
    %c0_i32_0 = arith.constant 0 : i32
    %c0_i32_1 = arith.constant 0 : i32
    return %c0_i32, %c0_i32_0 : i32, i32
  }
  func.func @transform_10(%arg0: i32) -> (i32, i32) {
    %c0_i32 = arith.constant 0 : i32
    %c0_i32_0 = arith.constant 0 : i32
    %c0_i32_1 = arith.constant 0 : i32
    return %c0_i32, %c0_i32_0 : i32, i32
  }
  func.func @transform_11(%arg0: i32) -> (i32, i32) {
    %c0_i32 = arith.constant 0 : i32
    %c0_i32_0 = arith.constant 0 : i32
    %c0_i32_1 = arith.constant 0 : i32
    return %c0_i32, %c0_i32_0 : i32, i32
  }
  func.func @transform_12(%arg0: i32) -> (i32, i32) {
    %c0_i32 = arith.constant 0 : i32
    %c0_i32_0 = arith.constant 0 : i32
    %c0_i32_1 = arith.constant 0 : i32
    return %c0_i32, %c0_i32_0 : i32, i32
  }
  func.func @transform_13(%arg0: i32) -> (i32, i32) {
    %c0_i32 = arith.constant 0 : i32
    %c0_i32_0 = arith.constant 0 : i32
    %c0_i32_1 = arith.constant 0 : i32
    return %c0_i32, %c0_i32_0 : i32, i32
  }
  func.func @transform_14(%arg0: i32) -> (i32, i32) {
    %c0_i32 = arith.constant 0 : i32
    %c0_i32_0 = arith.constant 0 : i32
    %c0_i32_1 = arith.constant 0 : i32
    return %c0_i32, %c0_i32_0 : i32, i32
  }
  func.func @transform_15(%arg0: i32) -> (i32, i32) {
    %c0_i32 = arith.constant 0 : i32
    %c0_i32_0 = arith.constant 0 : i32
    %c0_i32_1 = arith.constant 0 : i32
    return %c0_i32, %c0_i32_0 : i32, i32
  }
  func.func @transform_16(%arg0: i32) -> (i32, i32) {
    %c0_i32 = arith.constant 0 : i32
    %c0_i32_0 = arith.constant 0 : i32
    %c0_i32_1 = arith.constant 0 : i32
    return %c0_i32, %c0_i32_0 : i32, i32
  }
  func.func @transform_17(%arg0: i32) -> (i32, i32) {
    %c0_i32 = arith.constant 0 : i32
    %c0_i32_0 = arith.constant 0 : i32
    %c0_i32_1 = arith.constant 0 : i32
    return %c0_i32, %c0_i32_0 : i32, i32
  }
  func.func @transform_18(%arg0: i32) -> (i32, i32) {
    %c0_i32 = arith.constant 0 : i32
    %c0_i32_0 = arith.constant 0 : i32
    %c0_i32_1 = arith.constant 0 : i32
    return %c0_i32, %c0_i32_0 : i32, i32
  }
  func.func @transform_19(%arg0: i32) -> (i32, i32) {
    %c0_i32 = arith.constant 0 : i32
    %c0_i32_0 = arith.constant 0 : i32
    %c0_i32_1 = arith.constant 0 : i32
    return %c0_i32, %c0_i32_0 : i32, i32
  }
  func.func @transform_20(%arg0: i32) -> (i32, i32) {
    %c0_i32 = arith.constant 0 : i32
    %c0_i32_0 = arith.constant 0 : i32
    %c0_i32_1 = arith.constant 0 : i32
    return %c0_i32, %c0_i32_0 : i32, i32
  }
  func.func @transform_21(%arg0: i32) -> (i32, i32) {
    %c0_i32 = arith.constant 0 : i32
    %c0_i32_0 = arith.constant 0 : i32
    %c0_i32_1 = arith.constant 0 : i32
    return %c0_i32, %c0_i32_0 : i32, i32
  }
}

</mosaic_0001>

<sc_bundles>
// kernel: kernel.6.cloned.1.call-start
scs
__scs_entry_jumppad:
0x0: {  	(pc) =	sbr.rel $0x88, $3  }
0x1: {  	(tag) =	ssettag $0x0;
	lr =	simm.s32 $0x1  }
0x2: {  	[smem:$0x3F81] =	sst lr;
	_ =	strace $0xD0000000  }
0x3: {  	_ = 	snop  }
0x4: {  	_ = 	snop  }
0x5: {  	_ = 	snop  }
0x6: {  	_ = 	snop  }
0x7: {  	_ = 	snop  }
__scs_overlays_trampoline_lowered:
0x8: {  	[smem:$0x3F90] =	sst s0  }
0x9: {  	[smem:$0x3F91] =	sst s1  }
0xa: {  	[smem:$0x3F92] =	sst s2  }
0xb: {  	[smem:$0x3F93] =	sst s3  }
0xc: {  	[smem:$0x3F94] =	sst s4  }
0xd: {  	[smem:$0x3F95] =	sst s5  }
0xe: {  	[smem:$0x3F96] =	sst s6  }
0xf: {  	[smem:$0x3F97] =	sst s7  }
0x10: {  	[smem:$0x3F98] =	sst s8  }
0x11: {  	[smem:$0x3F99] =	sst s9;
	s0 =	simm.s32 @!p0 $0x0  }
0x12: {  	s1 =	sld [smem:$0x3F7F];
	s0 =	simm.s32 @p0 $0x1  }
0x13: {  	[smem:$0x3F9A] =	sst s0;
	s0 =	simm.s32 @!p1 $0x0  }
0x14: {  	s2 =	sld [smem:$0x3F7E];
	s0 =	simm.s32 @p1 $0x1  }
0x15: {  	[smem:$0x3F9B] =	sst s0;
	s0 =	simm.s32 @!p2 $0x0  }
0x16: {  	s3 =	sld [smem:$0x3FDB];
	s0 =	simm.s32 @p2 $0x1  }
0x17: {  	s4 =	simm.s32 $0x1BF5;
	[smem:$0x3F9D] =	sst s0  }
0x18: {  	s0 =	sld [smem:$0x3F80];
	_ =	swait.ge [sflag:s4], $0x0  }
0x19: {  	s7 =	sld [smem:$0x3F81]  }
0x1a: {  	s8 =	sadd.s32 $0xFFFFE003, lr  }
0x1b: {  	s9 =	sadd.s32 $0xFFFFFEF7, lr;
	s5 =	simm.s32 $0xFFFFFFFF;
	p2 =	slt.u32 s8, $0xFFFFF086  }
0x1c: {  	p1 =	slt.u32 s9, $0xF7A;
	s5 =	simm.s32 @!p2 $0x0  }
0x1d: {  	s5 =	simm.s32 @p1 $0x1;
	p0 =	seq.s32 s7, s2  }
0x1e: {  	s7 =	smul.u32 @!p0 $0xF7A, s2;
	p2 =	seq.s32 @!p0 s5, $0x0  }
0x1f: {  	s9 =	smul.u32 $0xF7A, s1;
	s8 =	simm.s32 @!p0 $0x1BF5;
	p2 =	por !p2, p0  }
0x20: {  	[sflag:s8] =	ssyncset.s32 @!p0 $0xFFFFF086;
	s6 =	sadd.s32 @!p0 s3, s7;
	s7 =	simm.s32 @!p0 $0x108  }
0x21: {  	s3 =	sadd.s32 s3, s9;
	s6 =	sadd.s32 @!p0 $0x88, s6;
	s7 =	simm.s32 @p2 $0x1082  }
0x22: {  	[simem:s7], [sflag:s8] =	dma.local @!p0 [hbm:s6], $0xF7A  }
0x23: {  	s9 =	sor.u32 $0xD0000000, s2;
	s6 =	simm.s32 $0x108;
	_ =	swait.ge @!p0 [sflag:s8], $0x0  }
0x24: {  	s3 =	sadd.s32 $0x88, s3;
	s6 =	simm.s32 @!p1 $0x1082;
	[sflag:s4] =	ssyncset.s32 $0xFFFFF086  }
0x25: {  	[simem:s6], [sflag:s4] =	dma.local [hbm:s3], $0xF7A  }
0x26: {  	[smem:$0x3F81] =	sst s1;
	(tag) =	ssettag s2;
	_ =	strace s9  }
0x27: {  	s1 =	sld [smem:$0x3F91]  }
0x28: {  	s2 =	sld [smem:$0x3F92]  }
0x29: {  	s4 =	sld [smem:$0x3F94]  }
0x2a: {  	p0 =	seq.s32 s5, $0x0;
	s5 =	sld [smem:$0x3F95]  }
0x2b: {  	s6 =	sld [smem:$0x3F96]  }
0x2c: {  	s7 =	sld [smem:$0x3F97]  }
0x2d: {  	s3 =	simm.s32 $0x108;
	s8 =	sld [smem:$0x3F98]  }
0x2e: {  	s3 =	simm.s32 @!p0 $0x1082;
	s9 =	sld [smem:$0x3F99]  }
0x2f: {  	lr =	sadd.s32 s0, s3;
	s0 =	sld [smem:$0x3F90]  }
0x30: {  	s3 =	sld [smem:$0x3F93]  }
0x31: {  	[smem:$0x3F9C] =	sst s10  }
0x32: {  	s10 =	sld [smem:$0x3F9A];
	_ =	sdelay $0x3  }
0x33: {  	p0 =	seq.s32 s10, $0x1;
	s10 =	sld [smem:$0x3F9C];
	_ =	sdelay $0x3  }
0x34: {  	[smem:$0x3F9C] =	sst s10  }
0x35: {  	s10 =	sld [smem:$0x3F9B];
	_ =	sdelay $0x3  }
0x36: {  	p1 =	seq.s32 s10, $0x1;
	s10 =	sld [smem:$0x3F9C];
	_ =	sdelay $0x3  }
0x37: {  	[smem:$0x3F9C] =	sst s10  }
0x38: {  	s10 =	sld [smem:$0x3F9D]  }
0x39: {  	_ = 	snop;
	(pc) =	sbr.ind lr, $3  }
0x3a: {  	_ = 	snop  }
0x3b: {  	_ = 	snop  }
0x3c: {  	p2 =	seq.s32 s10, $0x1;
	s10 =	sld [smem:$0x3F9C]  }
0x3d: {  	_ =	shalt  }
0x3e: {  	_ =	shalt  }
0x3f: {  	_ =	shalt  }
0x40: {  	_ =	shalt  }
0x41: {  	_ =	shalt  }
0x42: {  	_ =	shalt  }
0x43: {  	_ =	shalt  }
0x44: {  	_ =	shalt  }
0x45: {  	_ =	shalt  }
0x46: {  	_ =	shalt  }
0x47: {  	_ =	shalt  }
0x48: {  	_ =	shalt  }
0x49: {  	_ =	shalt  }
0x4a: {  	_ =	shalt  }
0x4b: {  	_ =	shalt  }
0x4c: {  	_ =	shalt  }
0x4d: {  	_ =	shalt  }
0x4e: {  	_ =	shalt  }
0x4f: {  	_ =	shalt  }
0x50: {  	_ =	shalt  }
0x51: {  	_ =	shalt  }
0x52: {  	_ =	shalt  }
0x53: {  	_ =	shalt  }
0x54: {  	_ =	shalt  }
0x55: {  	_ =	shalt  }
0x56: {  	_ =	shalt  }
0x57: {  	_ =	shalt  }
0x58: {  	_ =	shalt  }
0x59: {  	_ =	shalt  }
0x5a: {  	_ =	shalt  }
0x5b: {  	_ =	shalt  }
0x5c: {  	_ =	shalt  }
0x5d: {  	_ =	shalt  }
0x5e: {  	_ =	shalt  }
0x5f: {  	_ =	shalt  }
0x60: {  	_ =	shalt  }
0x61: {  	_ =	shalt  }
0x62: {  	_ =	shalt  }
0x63: {  	_ =	shalt  }
0x64: {  	_ =	shalt  }
0x65: {  	_ =	shalt  }
0x66: {  	_ =	shalt  }
0x67: {  	_ =	shalt  }
0x68: {  	_ =	shalt  }
0x69: {  	_ =	shalt  }
0x6a: {  	_ =	shalt  }
0x6b: {  	_ =	shalt  }
0x6c: {  	_ =	shalt  }
0x6d: {  	_ =	shalt  }
0x6e: {  	_ =	shalt  }
0x6f: {  	_ =	shalt  }
0x70: {  	_ =	shalt  }
0x71: {  	_ =	shalt  }
0x72: {  	_ =	shalt  }
0x73: {  	_ =	shalt  }
0x74: {  	_ =	shalt  }
0x75: {  	_ =	shalt  }
0x76: {  	_ =	shalt  }
0x77: {  	_ =	shalt  }
0x78: {  	_ =	shalt  }
0x79: {  	_ =	shalt  }
0x7a: {  	_ =	shalt  }
0x7b: {  	_ =	shalt  }
0x7c: {  	_ =	shalt  }
0x7d: {  	_ =	shalt  }
0x7e: {  	_ =	shalt  }
0x7f: {  	_ =	shalt  }
0x80: {  	_ =	shalt  }
0x81: {  	_ =	shalt  }
0x82: {  	_ =	shalt  }
0x83: {  	_ =	shalt  }
0x84: {  	_ =	shalt  }
0x85: {  	_ =	shalt  }
0x86: {  	_ =	shalt  }
0x87: {  	_ =	shalt  }
.Lfunc_end0:
.L_simem_size_0:
called_computation_lowered:
.L_overlay_start_0:
0x88: {  	s2 =	sld [smem:$0x3FD9]  }
0x89: {  	s3 =	sld [smem:$0x3FFE];
	_ =	sdelay $0x1  }
0x8a: {  	s1 =	srdreg.scid  }
0x8b: {  	s0 =	sand.u32 $0x1, s1  }
0x8c: {  	s16 =	sshll.u32 s0, $0xA;
	s2 =	sadd.s32 s3, s2  }
0x8d: {  	s2 =	sadd.s32 s2, s16  }
0x8e: {  	[smem:$0x3FA8] =	sst s2  }
0x8f: {  	_ = 	snop  }
0x90: {  	(tm) =	ssettm $0x1  }
0x91: {  	s17 =	sld [smem:$0x3FFB];
	_ =	sdelay $0x3  }
0x92: {  	_ =	strace s17  }
0x93: {  	s2 =	sld [smem:$0x3FFC];
	_ =	sdelay $0x3  }
0x94: {  	_ =	strace s2  }
0x95: {  	s2 =	sld [smem:$0x3FFD];
	_ =	sdelay $0x3  }
0x96: {  	_ =	strace s2  }
0x97: {  	_ =	strace $0x8FFFFFFF  }
0x98: {  	s18 =	sld [smem:$0x3FDB];
	_ =	sdelay $0x1  }
0x99: {  	s19 =	simm.s32 $_scs_section_size  }
0x9a: {  	s4 =	simm.s32 $_size__tile_overlayer_lowered;
	s5 =	simm.s32 $_tile_overlayer_lowered  }
0x9b: {  	s22 =	simm.s32 $0x1BFF;
	s21 =	sshll.u32 s5, $0x1;
	s2 =	sadd.s32 s19, s18  }
0x9c: {  	s6 =	simm.s32 $0x0;
	s20 =	sshll.u32 s4, $0x1;
	s4 =	sadd.s32 s21, s2  }
0x9d: {  	[timem:s6], [sflag:s22] =	dma.local [hbm:s4], s20  }
0x9e: {  	_ =	swait.ge [sflag:s22], s20  }
0x9f: {  	s3 =	ssub.s32 $0x0, s20;
	[sflag:s22] =	ssyncset.done $0x0  }
0xa0: {  	[sflag:s22] =	ssyncadd.s32 s3;
	_ =	sdelay $0x1  }
0xa1: {  	s23 =	simm.s32 $0x1B8B  }
0xa2: {  	_ =	swait.ge [sflag:s23], $0x1  }
0xa3: {  	[sflag:s23] =	ssyncset.done $0x0  }
0xa4: {  	s25 =	simm.s32 $0x1B8E;
	s24 =	sld [smem:$0x3FFE];
	[sflag:s23] =	ssyncadd.s32 $0xFFFFFFFF  }
0xa5: {  	s26 =	simm.s32 $execute0_lowered;
	[smem:$0x3FD2] =	sst s25  }
0xa6: {  	s4 =	sshll.u32 s26, $0x1;
	_ =	strace $0x80000046;
	[dreg:$0x1] =	wrdreg $0xFFFFFFFF  }
0xa7: {  	s28 =	simm.s32 $_size_execute0_lowered;
	s2 =	sadd.s32 s2, s4;
	[dreg:$0x0] =	wrdreg $0x0  }
0xa8: {  	s4 =	sshll.u32 s28, $0x1;
	[dreg:$0x2] =	wrdreg s2  }
0xa9: {  	[dreg:$0x3] =	wrdreg s4  }
0xaa: {  	[dreg:$0x4] =	wrdreg $0xC0  }
0xab: {  	_ =	task [dreg:s6], $0x5FFFF  }
0xac: {  	[dreg:$0x1] =	wrdreg $0xFFFFFFFF  }
0xad: {  	[dreg:$0x0] =	wrdreg $0x60  }
0xae: {  	[dreg:$0x2] =	wrdreg s24  }
0xaf: {  	[dreg:$0x3] =	wrdreg $0x0  }
0xb0: {  	[dreg:$0x4] =	wrdreg $0x9  }
0xb1: {  	_ =	task.clear_ibuf [dreg:s6], $0x5FFFF;
	_ =	strace $0x90000046  }
0xb2: {  	s29 =	simm.s32 $0x9;
	_ =	strace $0x80000048  }
0xb3: {  	_ =	swait.ge [sflag:s29], $0x1  }
0xb4: {  	[sflag:s29] =	ssyncadd.s32 $0xFFFFFFFF  }
0xb5: {  	_ =	strace $0x90000048  }
0xb6: {  	_ =	sfence  }
0xb7: {  	s30 =	sld [smem:$0x0];
	_ =	sdelay $0x2  }
0xb8: {  	s31 =	sshll.u32 s1, $0xD;
	s1 =	sshrl.u32 s1, $0x2  }
0xb9: {  	s3 =	sand.u32 $0x4000, s31;
	s1 =	sadd.s32 s1, s30  }
0xba: {  	s0 =	sor.u32 s3, s0;
	s1 =	sshll.u32 s1, $0x11  }
0xbb: {  	s0 =	sor.u32 s1, s0  }
0xbc: {  	s0 =	sadd.s32 $0x8F2B, s0  }
0xbd: {  	[sflag:s0] =	ssyncadd.remote.s32 $0x1  }
0xbe: {  	_ =	sfence.sel $0xFFFF  }
0xbf: {  	[dreg:$0x0] =	wrdreg $0xFFFFFFFF;
	(pc) =	sbr.abs _section_cstart, $3  }
0xc0: {  	[dreg:$0x1] =	wrdreg $0xFFFFFFFF  }
0xc1: {  	_ =	task.clear_ibuf [dreg:s6], $0x2FFFF;
	_ =	strace $0x9FFFFFFF  }
0xc2: {  	(tm) =	ssettm $0x7FFFFFFF  }
0xc3: {  	_ =	shalt  }
tec
execute0_lowered:
.L_overlay_start_1:
0x0: {  	(tag) =	ssettag $0x1  }
0x1: {  	s0 =	rddreg [dreg:$0x0]  }
0x2: {  	s1 =	rddreg [dreg:$0x1];
	s2 =	simm.s32 $0x0  }
0x3: {  	s3 =	srdreg.scid;
	s10 =	stileid.u32;
	s28 =	simm.s32 $0x1BC80  }
0x4: {  	s29 =	simm.s32 $0x1C480;
	s30 =	simm.s32 $0x5;
	s31 =	simm.s32 $0x80  }
0x5: {  	[smem:$0x7FF] =	sst s2;
	s4 =	sadd.s32 $0x19000, s0;
	s5 =	sadd.s32 $0x5000, s0  }
0x6: {  	s3 =	sand.u32 $0x1, s3;
	s6 =	smul.u32 $0x4E000, s10;
	s0 =	sadd.s32 $0x40A00, s0  }
0x7: {  	s8 =	sshll.u32 s10, $0x1;
	s12 =	sadd.s32 $0x138000, s1;
	s13 =	smul.u32 $0x13800, s10  }
0x8: {  	s16 =	smul.u32 $0x5000, s10;
	p0 =	sne.s32 s10, $0xF;
	s10 =	simm.s32 $0x1C700  }
0x9: {  	_ =	strace $0x80000047;
	s7 =	ssub.s32 $0x2, s3;
	s26 =	smul.u32 $0x138800, s3  }
0xa: {  	s8 =	sor.u32 s3, s8;
	[dreg:$0x8] =	wrdreg s12;
	s3 =	smul.u32 $0x2800, s3  }
0xb: {  	s9 =	sshrl.u32 s7, $0x1;
	s6 =	sshrl.u32 s6, $0x2;
	s20 =	smul.u32 $0x2800, s8  }
0xc: {  	s7 =	ssub.s32 s7, s9;
	s24 =	sadd.s32 s6, s1;
	s8 =	sshrl.u32 s26, $0x3  }
0xd: {  	s18 =	sadd.s32 s3, s16;
	s21 =	sadd.s32 $0x4000, s24;
	[dreg:$0x3] =	wrdreg s24  }
0xe: {  	s9 =	simm.s32 $0x3;
	s22 =	sadd.s32 $0x8000, s24;
	[dreg:$0x4] =	wrdreg s21  }
0xf: {  	s16 =	simm.s32 $0x8;
	s23 =	sadd.s32 $0xC000, s24;
	[dreg:$0x5] =	wrdreg s22  }
0x10: {  	s25 =	sadd.s32 $0x10000, s24;
	s6 =	sshrl.u32 s20, $0x3;
	[dreg:$0x6] =	wrdreg s23  }
0x11: {  	s8 =	sadd.s32 s0, s8;
	[dreg:$0x7] =	wrdreg s25;
	s11 =	sadd.s32 s5, s6  }
0x12: {  	s6 =	sadd.s32 s13, s26;
	s17 =	sadd.s32 $0x27000, s8;
	s21 =	smax.u32 s7, $0x1  }
0x13: {  	s22 =	sadd.s32 $0x50C00, s18;
	s23 =	sadd.s32 $0xC00, s18;
	s25 =	sadd.s32 $0x50800, s18  }
0x14: {  	s7 =	simm.s32 $0x7;
	s8 =	simm.s32 $0x1;
	[dreg:$0x9] =	wrdreg s11  }
0x15: {  	s13 =	simm.s32 $0x2;
	s14 =	sadd.s32 $0xA000, s11;
	[dreg:$0xe] =	wrdreg s17  }
0x16: {  	s15 =	sadd.s32 $0x80, s11;
	s11 =	sadd.s32 $0xA080, s11;
	[dreg:$0xf] =	wrdreg s21  }
0x17: {  	s6 =	sshrl.u32 s6, $0x3;
	s3 =	sshrl.u32 s22, $0x3;
	[dreg:$0xa] =	wrdreg s14  }
0x18: {  	s26 =	sshrl.u32 s25, $0x3;
	s25 =	simm.s32 $0x1BF80;
	[dreg:$0xb] =	wrdreg s15  }
0x19: {  	s17 =	simm.s32 $0x1C780;
	[dreg:$0xc] =	wrdreg s11;
	s0 =	sadd.s32 s0, s6  }
.Ltmp0:
0x1a: {  	s6 =	sshrl.u32 s23, $0x3;
	s19 =	sadd.s32 s3, s5;
	(pc) =	sbr.rel .LBB2_1-.Ltmp0, $4  }
0x1b: {  	s21 =	sadd.s32 s26, s5;
	s23 =	simm.s32 $0x13880;
	s3 =	simm.s32 $0x17880  }
0x1c: {  	s15 =	simm.s32 $0x4;
	s26 =	simm.s32 $0x6;
	s14 =	simm.s32 $0x1C000  }
0x1d: {  	[dreg:$0xd] =	wrdreg s0;
	s20 =	sadd.s32 s6, s5;
	s0 =	sadd.s32 $0x800, s18  }
0x1e: {  	v0 =	vimm.f32 $0.0e+00;
	s18 =	simm.s32 $0x1C800;
	[dreg:$0x10] =	wrdreg s0;
	s0 =	simm.s32 $0x0  }
.LBB2_6:
0x1f: {  	_ =	swait.ge [sflag:s13], $0x4000  }
0x20: {  	[sflag:s13] =	ssyncset.done $0x0  }
0x21: {  	[sflag:s13] =	ssyncadd.s32 $0xFFFFC000  }
0x22: {  	[spmem:s1] =	stream.indirect.scatter.add.f32 [tilespmem:s3], [sflag:$0x4], $0x80, s18, s31, $0xb8;
	[tilespmem:$0x1C880] =	vst v63  }
0x23: {  	_ =	swait.ge [sflag:s15], $0x4000  }
0x24: {  	[sflag:s15] =	ssyncset.done $0x0  }
0x25: {  	[sflag:s15] =	ssyncadd.s32 $0xFFFFC000  }
0x26: {  	s6 =	stileid.u32;
	[bflag:$0x0] =	sbarrier.arrive $0xFFFF  }
0x27: {  	s6 =	sshll.u32 s6, $0x6;
	s24 =	rddreg [dreg:$0x3]  }
0x28: {  	s6 =	sor.u32 $0x1C09, s6;
	s12 =	rddreg [dreg:$0xd];
	s11 =	sshrl.u32 s24, $0x3  }
0x29: {  	[hbm:s12], [sflag:s6] =	dma.local [spmem:s11], $0x2700  }
0x2a: {  	s12 =	simm.s32 $0x9  }
0x2b: {  	_ =	swait.ge [sflag:s12], $0x2700  }
0x2c: {  	[sflag:s12] =	ssyncset.done $0x0;
	s11 =	rddreg [dreg:$0x8]  }
0x2d: {  	[sflag:s12] =	ssyncadd.s32 $0xFFFFD900;
	s11 =	sshrl.u32 @!p0 s11, $0x3;
	s12 =	rddreg [dreg:$0xe]  }
0x2e: {  	[hbm:s12], [sflag:s6] =	dma.local @!p0 [spmem:s11], $0x100  }
0x2f: {  	s6 =	simm.s32 @!p0 $0x9  }
0x30: {  	_ =	swait.ge @!p0 [sflag:s6], $0x100  }
0x31: {  	s0 =	rddreg [dreg:$0x11]  }
0x32: {  	s22 =	rddreg [dreg:$0xf];
	s0 =	sadd.s32 $0x1, s0  }
0x33: {  	p1 =	sne.s32 s0, s22  }
.Ltmp1:
0x34: {  	_ = 	snop;
	(pc) =	sbr.rel @!p1 .LBB2_7-.Ltmp1, $3  }
0x35: {  	_ =	sdelay $0x1  }
0x36: {  	[sflag:s6] =	ssyncset.done @!p0 $0x0  }
0x37: {  	[sflag:s6] =	ssyncadd.s32 @!p0 $0xFFFFFF00  }
.LBB2_1:
0x38: {  	[dreg:$0x11] =	wrdreg s0;
	s12 =	simm.s32 $0x0;
	s22 =	simm.s32 $0x200  }
.LBB2_2:
0x39: {  	p1 =	sne.s32 s22, $0xFE00;
	[tilespmem:s12+$0x138F0] =	vst v0  }
0x3a: {  	[tilespmem:s12+$0x13880] =	vst v0  }
0x3b: {  	[tilespmem:s12+$0x13890] =	vst v0  }
.Ltmp2:
0x3c: {  	[tilespmem:s12+$0x138A0] =	vst v0;
	(pc) =	sbr.rel @p1 .LBB2_2-.Ltmp2, $4  }
0x3d: {  	[tilespmem:s12+$0x138B0] =	vst v0  }
0x3e: {  	[tilespmem:s12+$0x138C0] =	vst v0  }
0x3f: {  	[tilespmem:s12+$0x138D0] =	vst v0  }
0x40: {  	[tilespmem:s12+$0x138E0] =	vst v0;
	s12 =	sshra.s32 s22, $0x2;
	s22 =	sadd.s32 $0x200, s22  }
0x41: {  	[tilespmem:s12+$0x138F0] =	vst v0  }
0x42: {  	[tilespmem:s12+$0x13880] =	vst v0  }
0x43: {  	[tilespmem:s12+$0x13890] =	vst v0  }
0x44: {  	[tilespmem:s12+$0x138A0] =	vst v0  }
0x45: {  	[tilespmem:s12+$0x138B0] =	vst v0  }
0x46: {  	[tilespmem:s12+$0x138C0] =	vst v0  }
0x47: {  	[tilespmem:s12+$0x138D0] =	vst v0  }
0x48: {  	[tilespmem:s12+$0x138E0] =	vst v0;
	s11 =	simm.s32 $0x9  }
0x49: {  	[spmem:s24] =	stream.linear.scatter [tilespmem:s23], [sflag:$0x9], $0x4000, $0x38;
	[tilespmem:$0x1C880] =	vst v63  }
0x4a: {  	_ =	swait.ge [sflag:s11], $0x4000  }
0x4b: {  	[sflag:s11] =	ssyncset.done $0x0  }
0x4c: {  	s6 =	rddreg [dreg:$0x4];
	[sflag:s11] =	ssyncadd.s32 $0xFFFFC000  }
0x4d: {  	[spmem:s6] =	stream.linear.scatter [tilespmem:s23], [sflag:$0x9], $0x4000, $0x38;
	[tilespmem:$0x1C880] =	vst v63  }
0x4e: {  	_ =	swait.ge [sflag:s11], $0x4000  }
0x4f: {  	[sflag:s11] =	ssyncset.done $0x0  }
0x50: {  	s22 =	rddreg [dreg:$0x5];
	[sflag:s11] =	ssyncadd.s32 $0xFFFFC000  }
0x51: {  	[spmem:s22] =	stream.linear.scatter [tilespmem:s23], [sflag:$0x9], $0x4000, $0x38;
	[tilespmem:$0x1C880] =	vst v63  }
0x52: {  	_ =	swait.ge [sflag:s11], $0x4000  }
0x53: {  	[sflag:s11] =	ssyncset.done $0x0  }
0x54: {  	s24 =	rddreg [dreg:$0x6];
	[sflag:s11] =	ssyncadd.s32 $0xFFFFC000  }
0x55: {  	[spmem:s24] =	stream.linear.scatter [tilespmem:s23], [sflag:$0x9], $0x4000, $0x38;
	[tilespmem:$0x1C880] =	vst v63  }
0x56: {  	_ =	swait.ge [sflag:s11], $0x4000  }
0x57: {  	[sflag:s11] =	ssyncset.done $0x0  }
0x58: {  	s0 =	rddreg [dreg:$0x7];
	[sflag:s11] =	ssyncadd.s32 $0xFFFFC000  }
0x59: {  	[spmem:s0] =	stream.linear.scatter [tilespmem:s23], [sflag:$0x9], $0x3800, $0x38;
	[tilespmem:$0x1C880] =	vst v63  }
0x5a: {  	_ =	swait.ge [sflag:s11], $0x3800  }
0x5b: {  	[sflag:s11] =	ssyncset.done $0x0  }
0x5c: {  	s12 =	simm.s32 @!p0 $0x13880;
	s6 =	rddreg [dreg:$0x8];
	[sflag:s11] =	ssyncadd.s32 $0xFFFFC800  }
0x5d: {  	[spmem:s6] =	stream.linear.scatter @!p0 [tilespmem:s12], [sflag:$0x9], $0x800, $0x38;
	[tilespmem:$0x1C880] =	vst v63  }
0x5e: {  	s12 =	simm.s32 @!p0 $0x9  }
0x5f: {  	_ =	swait.ge @!p0 [sflag:s12], $0x800  }
0x60: {  	[sflag:s12] =	ssyncset.done @!p0 $0x0  }
0x61: {  	[sflag:s12] =	ssyncadd.s32 @!p0 $0xFFFFF800  }
0x62: {  	[bflag:$0x0] =	sbarrier.arrive $0xFFFF  }
0x63: {  	s22 =	simm.s32 $0x0;
	s11 =	simm.s32 $0x1B880;
	s12 =	rddreg [dreg:$0x9]  }
0x64: {  	[tilespmem:s11], [sflag:$0x5] =	stream.linear.gather [hbm4b:s12+s22], $0x400, $0x38;
	[tilespmem:$0x1C880] =	vst v63  }
0x65: {  	s0 =	simm.s32 $0x1C080;
	s24 =	rddreg [dreg:$0xa]  }
0x66: {  	[tilespmem:s0], [sflag:$0x7] =	stream.linear.gather [hbm4b:s24+s22], $0x400, $0x38;
	[tilespmem:$0x1C880] =	vst v63  }
0x67: {  	s0 =	rddreg [dreg:$0xb]  }
0x68: {  	[tilespmem:s28], [sflag:$0x6] =	stream.linear.gather [hbm4b:s0+s22], $0x400, $0x38;
	[tilespmem:$0x1C880] =	vst v63  }
0x69: {  	s12 =	rddreg [dreg:$0xc]  }
0x6a: {  	[tilespmem:s29], [sflag:$0x8] =	stream.linear.gather [hbm4b:s12+s22], $0x400, $0x38;
	[tilespmem:$0x1C880] =	vst v63  }
0x6b: {  	_ =	swait.ge [sflag:s30], $0x400  }
0x6c: {  	[sflag:s30] =	ssyncset.done $0x0  }
0x6d: {  	[sflag:s30] =	ssyncadd.s32 $0xFFFFFC00  }
0x6e: {  	[tilespmem:s23], [sflag:$0x1] =	stream.indirect.gather [hbm4b:s4+s31], $0x80, s11, s31, $0xb8;
	[tilespmem:$0x1C880] =	vst v63  }
0x6f: {  	s24 =	simm.s32 $0x1B900;
	s0 =	simm.s32 $0x1B880;
	s12 =	rddreg [dreg:$0x10]  }
0x70: {  	[tilespmem:s3], [sflag:$0x2] =	stream.indirect.gather [hbm4b:s4+s31], $0x80, s24, s31, $0xb8;
	[tilespmem:$0x1C880] =	vst v63  }
.LBB2_4:
0x71: {  	_ =	swait.ge [sflag:s7], $0x400  }
0x72: {  	[sflag:s7] =	ssyncset.done $0x0  }
0x73: {  	[sflag:s7] =	ssyncadd.s32 $0xFFFFFC00  }
0x74: {  	_ =	swait.ge [sflag:s8], $0x4000  }
0x75: {  	[sflag:s8] =	ssyncset.done $0x0  }
0x76: {  	s6 =	simm.s32 $0x1C080;
	[sflag:s8] =	ssyncadd.s32 $0xFFFFC000  }
0x77: {  	[spmem:s1] =	stream.indirect.scatter.add.f32 [tilespmem:s23], [sflag:$0x3], $0x80, s6, s31, $0xb8;
	[tilespmem:$0x1C880] =	vst v63  }
0x78: {  	_ =	swait.ge [sflag:s9], $0x4000  }
0x79: {  	[sflag:s9] =	ssyncset.done $0x0  }
0x7a: {  	s11 =	simm.s32 $0x1B980;
	[sflag:s9] =	ssyncadd.s32 $0xFFFFC000  }
0x7b: {  	[tilespmem:s23], [sflag:$0x1] =	stream.indirect.gather [hbm4b:s4+s31], $0x80, s11, s31, $0xb8;
	[tilespmem:$0x1C880] =	vst v63  }
0x7c: {  	_ =	swait.ge [sflag:s13], $0x4000  }
0x7d: {  	[sflag:s13] =	ssyncset.done $0x0  }
0x7e: {  	s24 =	simm.s32 $0x1C100;
	[sflag:s13] =	ssyncadd.s32 $0xFFFFC000  }
0x7f: {  	[spmem:s1] =	stream.indirect.scatter.add.f32 [tilespmem:s3], [sflag:$0x4], $0x80, s24, s31, $0xb8;
	[tilespmem:$0x1C880] =	vst v63  }
0x80: {  	_ =	swait.ge [sflag:s15], $0x4000  }
0x81: {  	[sflag:s15] =	ssyncset.done $0x0  }
0x82: {  	s11 =	simm.s32 $0x1BA00;
	[sflag:s15] =	ssyncadd.s32 $0xFFFFC000  }
0x83: {  	[tilespmem:s3], [sflag:$0x2] =	stream.indirect.gather [hbm4b:s4+s31], $0x80, s11, s31, $0xb8;
	[tilespmem:$0x1C880] =	vst v63  }
0x84: {  	_ =	swait.ge [sflag:s8], $0x4000  }
0x85: {  	[sflag:s8] =	ssyncset.done $0x0  }
0x86: {  	s24 =	simm.s32 $0x1C180;
	[sflag:s8] =	ssyncadd.s32 $0xFFFFC000  }
0x87: {  	[spmem:s1] =	stream.indirect.scatter.add.f32 [tilespmem:s23], [sflag:$0x3], $0x80, s24, s31, $0xb8;
	[tilespmem:$0x1C880] =	vst v63  }
0x88: {  	_ =	swait.ge [sflag:s9], $0x4000  }
0x89: {  	[sflag:s9] =	ssyncset.done $0x0  }
0x8a: {  	s11 =	simm.s32 $0x1BA80;
	[sflag:s9] =	ssyncadd.s32 $0xFFFFC000  }
0x8b: {  	[tilespmem:s23], [sflag:$0x1] =	stream.indirect.gather [hbm4b:s4+s31], $0x80, s11, s31, $0xb8;
	[tilespmem:$0x1C880] =	vst v63  }
0x8c: {  	_ =	swait.ge [sflag:s13], $0x4000  }
0x8d: {  	[sflag:s13] =	ssyncset.done $0x0  }
0x8e: {  	s24 =	simm.s32 $0x1C200;
	[sflag:s13] =	ssyncadd.s32 $0xFFFFC000  }
0x8f: {  	[spmem:s1] =	stream.indirect.scatter.add.f32 [tilespmem:s3], [sflag:$0x4], $0x80, s24, s31, $0xb8;
	[tilespmem:$0x1C880] =	vst v63  }
0x90: {  	_ =	swait.ge [sflag:s15], $0x4000  }
0x91: {  	[sflag:s15] =	ssyncset.done $0x0  }
0x92: {  	s11 =	simm.s32 $0x1BB00;
	[sflag:s15] =	ssyncadd.s32 $0xFFFFC000  }
0x93: {  	[tilespmem:s3], [sflag:$0x2] =	stream.indirect.gather [hbm4b:s4+s31], $0x80, s11, s31, $0xb8;
	[tilespmem:$0x1C880] =	vst v63  }
0x94: {  	_ =	swait.ge [sflag:s8], $0x4000  }
0x95: {  	[sflag:s8] =	ssyncset.done $0x0  }
0x96: {  	s24 =	simm.s32 $0x1C280;
	[sflag:s8] =	ssyncadd.s32 $0xFFFFC000  }
0x97: {  	[spmem:s1] =	stream.indirect.scatter.add.f32 [tilespmem:s23], [sflag:$0x3], $0x80, s24, s31, $0xb8;
	[tilespmem:$0x1C880] =	vst v63  }
0x98: {  	_ =	swait.ge [sflag:s9], $0x4000  }
0x99: {  	[sflag:s9] =	ssyncset.done $0x0  }
0x9a: {  	s11 =	simm.s32 $0x1BB80;
	[sflag:s9] =	ssyncadd.s32 $0xFFFFC000  }
0x9b: {  	[tilespmem:s23], [sflag:$0x1] =	stream.indirect.gather [hbm4b:s4+s31], $0x80, s11, s31, $0xb8;
	[tilespmem:$0x1C880] =	vst v63  }
0x9c: {  	_ =	swait.ge [sflag:s13], $0x4000  }
0x9d: {  	[sflag:s13] =	ssyncset.done $0x0  }
0x9e: {  	s24 =	simm.s32 $0x1C300;
	[sflag:s13] =	ssyncadd.s32 $0xFFFFC000  }
0x9f: {  	[spmem:s1] =	stream.indirect.scatter.add.f32 [tilespmem:s3], [sflag:$0x4], $0x80, s24, s31, $0xb8;
	[tilespmem:$0x1C880] =	vst v63  }
0xa0: {  	_ =	swait.ge [sflag:s15], $0x4000  }
0xa1: {  	[sflag:s15] =	ssyncset.done $0x0  }
0xa2: {  	s11 =	simm.s32 $0x1BC00;
	[sflag:s15] =	ssyncadd.s32 $0xFFFFC000  }
0xa3: {  	[tilespmem:s3], [sflag:$0x2] =	stream.indirect.gather [hbm4b:s4+s31], $0x80, s11, s31, $0xb8;
	[tilespmem:$0x1C880] =	vst v63  }
0xa4: {  	_ =	swait.ge [sflag:s8], $0x4000  }
0xa5: {  	[sflag:s8] =	ssyncset.done $0x0  }
0xa6: {  	s24 =	simm.s32 $0x1C380;
	[sflag:s8] =	ssyncadd.s32 $0xFFFFC000  }
0xa7: {  	[spmem:s1] =	stream.indirect.scatter.add.f32 [tilespmem:s23], [sflag:$0x3], $0x80, s24, s31, $0xb8;
	[tilespmem:$0x1C880] =	vst v63  }
0xa8: {  	_ =	swait.ge [sflag:s9], $0x4000  }
0xa9: {  	[sflag:s9] =	ssyncset.done $0x0  }
0xaa: {  	[sflag:s9] =	ssyncadd.s32 $0xFFFFC000  }
0xab: {  	_ =	swait.ge [sflag:s26], $0x400  }
0xac: {  	[sflag:s26] =	ssyncset.done $0x0  }
0xad: {  	[sflag:s26] =	ssyncadd.s32 $0xFFFFFC00  }
0xae: {  	[tilespmem:s23], [sflag:$0x1] =	stream.indirect.gather [hbm4b:s4+s31], $0x80, s28, s31, $0xb8;
	[tilespmem:$0x1C880] =	vst v63  }
0xaf: {  	_ =	swait.ge [sflag:s13], $0x4000  }
0xb0: {  	[sflag:s13] =	ssyncset.done $0x0  }
0xb1: {  	s11 =	simm.s32 $0x1C400;
	[sflag:s13] =	ssyncadd.s32 $0xFFFFC000  }
0xb2: {  	[spmem:s1] =	stream.indirect.scatter.add.f32 [tilespmem:s3], [sflag:$0x4], $0x80, s11, s31, $0xb8;
	[tilespmem:$0x1C880] =	vst v63  }
0xb3: {  	_ =	swait.ge [sflag:s15], $0x4000  }
0xb4: {  	p1 =	seq.s32 s22, $0x400;
	[sflag:s15] =	ssyncset.done $0x0  }
0xb5: {  	s24 =	simm.s32 $0x1BD00;
	s11 =	sshrl.u32 @!p1 s12, $0x3;
	[sflag:s15] =	ssyncadd.s32 $0xFFFFC000  }
0xb6: {  	[tilespmem:s3], [sflag:$0x2] =	stream.indirect.gather [hbm4b:s4+s31], $0x80, s24, s31, $0xb8;
	[tilespmem:$0x1C880] =	vst v63  }
0xb7: {  	s6 =	simm.s32 @!p1 $0x0;
	s11 =	sadd.s32 @!p1 s5, s11;
	s24 =	simm.s32 @!p1 $0x1B880  }
0xb8: {  	[tilespmem:s24], [sflag:$0x5] =	stream.linear.gather @!p1 [hbm4b:s11+s6], $0x400, $0x38;
	[tilespmem:$0x1C880] =	vst v63  }
0xb9: {  	s11 =	sadd.s32 @!p1 s22, s21;
	s24 =	simm.s32 @!p1 $0x1C080  }
0xba: {  	[tilespmem:s24], [sflag:$0x7] =	stream.linear.gather @!p1 [hbm4b:s11+s6], $0x400, $0x38;
	[tilespmem:$0x1C880] =	vst v63  }
0xbb: {  	_ =	swait.ge [sflag:s16], $0x400  }
0xbc: {  	[sflag:s16] =	ssyncset.done $0x0  }
0xbd: {  	[sflag:s16] =	ssyncadd.s32 $0xFFFFFC00  }
0xbe: {  	_ =	swait.ge [sflag:s8], $0x4000  }
0xbf: {  	[sflag:s8] =	ssyncset.done $0x0  }
0xc0: {  	[sflag:s8] =	ssyncadd.s32 $0xFFFFC000  }
0xc1: {  	[spmem:s1] =	stream.indirect.scatter.add.f32 [tilespmem:s23], [sflag:$0x3], $0x80, s29, s31, $0xb8;
	[tilespmem:$0x1C880] =	vst v63  }
0xc2: {  	_ =	swait.ge [sflag:s9], $0x4000  }
0xc3: {  	[sflag:s9] =	ssyncset.done $0x0  }
0xc4: {  	s11 =	simm.s32 $0x1BD80;
	[sflag:s9] =	ssyncadd.s32 $0xFFFFC000  }
0xc5: {  	[tilespmem:s23], [sflag:$0x1] =	stream.indirect.gather [hbm4b:s4+s31], $0x80, s11, s31, $0xb8;
	[tilespmem:$0x1C880] =	vst v63  }
0xc6: {  	_ =	swait.ge [sflag:s13], $0x4000  }
0xc7: {  	[sflag:s13] =	ssyncset.done $0x0  }
0xc8: {  	s24 =	simm.s32 $0x1C500;
	[sflag:s13] =	ssyncadd.s32 $0xFFFFC000  }
0xc9: {  	[spmem:s1] =	stream.indirect.scatter.add.f32 [tilespmem:s3], [sflag:$0x4], $0x80, s24, s31, $0xb8;
	[tilespmem:$0x1C880] =	vst v63  }
0xca: {  	_ =	swait.ge [sflag:s15], $0x4000  }
0xcb: {  	[sflag:s15] =	ssyncset.done $0x0  }
0xcc: {  	s11 =	simm.s32 $0x1BE00;
	[sflag:s15] =	ssyncadd.s32 $0xFFFFC000  }
0xcd: {  	[tilespmem:s3], [sflag:$0x2] =	stream.indirect.gather [hbm4b:s4+s31], $0x80, s11, s31, $0xb8;
	[tilespmem:$0x1C880] =	vst v63  }
0xce: {  	_ =	swait.ge [sflag:s8], $0x4000  }
0xcf: {  	[sflag:s8] =	ssyncset.done $0x0  }
0xd0: {  	s24 =	simm.s32 $0x1C580;
	[sflag:s8] =	ssyncadd.s32 $0xFFFFC000  }
0xd1: {  	[spmem:s1] =	stream.indirect.scatter.add.f32 [tilespmem:s23], [sflag:$0x3], $0x80, s24, s31, $0xb8;
	[tilespmem:$0x1C880] =	vst v63  }
0xd2: {  	_ =	swait.ge [sflag:s9], $0x4000  }
0xd3: {  	[sflag:s9] =	ssyncset.done $0x0  }
0xd4: {  	s11 =	simm.s32 $0x1BE80;
	[sflag:s9] =	ssyncadd.s32 $0xFFFFC000  }
0xd5: {  	[tilespmem:s23], [sflag:$0x1] =	stream.indirect.gather [hbm4b:s4+s31], $0x80, s11, s31, $0xb8;
	[tilespmem:$0x1C880] =	vst v63  }
0xd6: {  	_ =	swait.ge [sflag:s13], $0x4000  }
0xd7: {  	[sflag:s13] =	ssyncset.done $0x0  }
0xd8: {  	s24 =	simm.s32 $0x1C600;
	[sflag:s13] =	ssyncadd.s32 $0xFFFFC000  }
0xd9: {  	[spmem:s1] =	stream.indirect.scatter.add.f32 [tilespmem:s3], [sflag:$0x4], $0x80, s24, s31, $0xb8;
	[tilespmem:$0x1C880] =	vst v63  }
0xda: {  	_ =	swait.ge [sflag:s15], $0x4000  }
0xdb: {  	[sflag:s15] =	ssyncset.done $0x0  }
0xdc: {  	s11 =	simm.s32 $0x1BF00;
	[sflag:s15] =	ssyncadd.s32 $0xFFFFC000  }
0xdd: {  	[tilespmem:s3], [sflag:$0x2] =	stream.indirect.gather [hbm4b:s4+s31], $0x80, s11, s31, $0xb8;
	[tilespmem:$0x1C880] =	vst v63  }
0xde: {  	_ =	swait.ge [sflag:s8], $0x4000  }
0xdf: {  	[sflag:s8] =	ssyncset.done $0x0  }
0xe0: {  	s24 =	simm.s32 $0x1C680;
	[sflag:s8] =	ssyncadd.s32 $0xFFFFC000  }
0xe1: {  	[spmem:s1] =	stream.indirect.scatter.add.f32 [tilespmem:s23], [sflag:$0x3], $0x80, s24, s31, $0xb8;
	[tilespmem:$0x1C880] =	vst v63  }
0xe2: {  	_ =	swait.ge [sflag:s9], $0x4000  }
0xe3: {  	[sflag:s9] =	ssyncset.done $0x0  }
0xe4: {  	[sflag:s9] =	ssyncadd.s32 $0xFFFFC000  }
0xe5: {  	[tilespmem:s23], [sflag:$0x1] =	stream.indirect.gather [hbm4b:s4+s31], $0x80, s25, s31, $0xb8;
	[tilespmem:$0x1C880] =	vst v63  }
0xe6: {  	_ =	swait.ge [sflag:s13], $0x4000  }
0xe7: {  	[sflag:s13] =	ssyncset.done $0x0  }
0xe8: {  	[sflag:s13] =	ssyncadd.s32 $0xFFFFC000  }
0xe9: {  	[spmem:s1] =	stream.indirect.scatter.add.f32 [tilespmem:s3], [sflag:$0x4], $0x80, s10, s31, $0xb8;
	[tilespmem:$0x1C880] =	vst v63  }
0xea: {  	_ =	swait.ge [sflag:s15], $0x4000  }
0xeb: {  	[sflag:s15] =	ssyncset.done $0x0  }
0xec: {  	[sflag:s15] =	ssyncadd.s32 $0xFFFFC000  }
0xed: {  	[tilespmem:s3], [sflag:$0x2] =	stream.indirect.gather [hbm4b:s4+s31], $0x80, s14, s31, $0xb8;
	[tilespmem:$0x1C880] =	vst v63  }
0xee: {  	_ =	swait.ge [sflag:s8], $0x4000  }
0xef: {  	[sflag:s8] =	ssyncset.done $0x0  }
.Ltmp3:
0xf0: {  	[sflag:s8] =	ssyncadd.s32 $0xFFFFC000;
	(pc) =	sbr.rel @p1 .LBB2_6-.Ltmp3, $4  }
0xf1: {  	[spmem:s1] =	stream.indirect.scatter.add.f32 [tilespmem:s23], [sflag:$0x3], $0x80, s17, s31, $0xb8;
	[tilespmem:$0x1C880] =	vst v63  }
0xf2: {  	_ =	swait.ge [sflag:s9], $0x4000  }
0xf3: {  	[sflag:s9] =	ssyncset.done $0x0  }
0xf4: {  	[sflag:s9] =	ssyncadd.s32 $0xFFFFC000  }
0xf5: {  	_ =	swait.ge [sflag:s30], $0x400  }
0xf6: {  	[sflag:s30] =	ssyncset.done $0x0  }
0xf7: {  	[sflag:s30] =	ssyncadd.s32 $0xFFFFFC00  }
0xf8: {  	[tilespmem:s23], [sflag:$0x1] =	stream.indirect.gather [hbm4b:s4+s31], $0x80, s0, s31, $0xb8;
	[tilespmem:$0x1C880] =	vst v63  }
0xf9: {  	_ =	swait.ge [sflag:s13], $0x4000  }
0xfa: {  	[sflag:s13] =	ssyncset.done $0x0  }
0xfb: {  	[sflag:s13] =	ssyncadd.s32 $0xFFFFC000  }
0xfc: {  	[spmem:s1] =	stream.indirect.scatter.add.f32 [tilespmem:s3], [sflag:$0x4], $0x80, s18, s31, $0xb8;
	[tilespmem:$0x1C880] =	vst v63  }
0xfd: {  	_ =	swait.ge [sflag:s15], $0x4000  }
0xfe: {  	[sflag:s15] =	ssyncset.done $0x0  }
0xff: {  	s6 =	simm.s32 $0x1B900;
	[sflag:s15] =	ssyncadd.s32 $0xFFFFC000  }
0x100: {  	[tilespmem:s3], [sflag:$0x2] =	stream.indirect.gather [hbm4b:s4+s31], $0x80, s6, s31, $0xb8;
	[tilespmem:$0x1C880] =	vst v63  }
.Ltmp4:
0x101: {  	_ = 	snop;
	(pc) =	sbr.rel .LBB2_4-.Ltmp4, $4  }
0x102: {  	s11 =	sadd.s32 s22, s20  }
0x103: {  	[tilespmem:s28], [sflag:$0x6] =	stream.linear.gather [hbm4b:s11+s2], $0x400, $0x38;
	[tilespmem:$0x1C880] =	vst v63  }
0x104: {  	s24 =	sadd.s32 s22, s19;
	s22 =	sadd.s32 $0x100, s22;
	s12 =	sadd.s32 $0x800, s12  }
0x105: {  	[tilespmem:s29], [sflag:$0x8] =	stream.linear.gather [hbm4b:s24+s2], $0x400, $0x38;
	[tilespmem:$0x1C880] =	vst v63  }
.LBB2_7:
0x106: {  	_ =	sfence.sel $0x180000  }
0x107: {  	[bflag:$0x0] =	sbarrier.arrive $0xFFFF  }
0x108: {  	_ =	strace $0x90000047  }
0x109: {  	s0 =	stileid.u32;
	[bflag:$0x2] =	sbarrier.arrive $0xFFFF  }
0x10a: {  	p0 =	sne.s32 s0, $0x0;
	s0 =	rddreg [dreg:$0x2]  }
0x10b: {  	s0 =	sadd.s32 @!p0 $0x100000, s0  }
0x10c: {  	[sflag:s0] =	ssyncadd.tile.s32 @!p0 $0x1;
	_ =	shalt  }
.Lfunc_end2:
_tile_overlayer_lowered:
.L_overlay_start_2:
0x10d: {  	(tag) =	ssettag $0x2  }
0x10e: {  	s0 =	rddreg [dreg:$0x0];
	s2 =	stileid.u32  }
0x10f: {  	s1 =	rddreg [dreg:$0x1];
	p0 =	sne.s32 s2, $0x0  }
0x110: {  	s3 =	rddreg [dreg:$0x2];
	[bflag:$0x3] =	sbarrier.arrive $0xFFFF;
	s2 =	simm.s32 @!p0 $0x1C09  }
0x111: {  	[timem:s3], [sflag:s2] =	dma.local @!p0 [hbm:s0], s1  }
0x112: {  	s0 =	simm.s32 @!p0 $0x9  }
0x113: {  	_ =	swait.ge @!p0 [sflag:s0], s1  }
0x114: {  	s1 =	ssub.s32 @!p0 $0x0, s1;
	[sflag:s0] =	ssyncset.done @!p0 $0x0  }
0x115: {  	[sflag:s0] =	ssyncadd.s32 @!p0 s1  }
0x116: {  	[bflag:$0x3] =	sbarrier.arrive $0xFFFF  }
0x117: {  	_ =	shalt  }

// kernel: kernel.9.cloned.1.call-start
scs
__scs_entry_jumppad:
0x0: {  	(pc) =	sbr.rel $0x88, $3  }
0x1: {  	(tag) =	ssettag $0x0;
	lr =	simm.s32 $0x1  }
0x2: {  	[smem:$0x3F81] =	sst lr;
	_ =	strace $0xD0000000  }
0x3: {  	_ = 	snop  }
0x4: {  	_ = 	snop  }
0x5: {  	_ = 	snop  }
0x6: {  	_ = 	snop  }
0x7: {  	_ = 	snop  }
__scs_overlays_trampoline_lowered:
0x8: {  	[smem:$0x3F90] =	sst s0  }
0x9: {  	[smem:$0x3F91] =	sst s1  }
0xa: {  	[smem:$0x3F92] =	sst s2  }
0xb: {  	[smem:$0x3F93] =	sst s3  }
0xc: {  	[smem:$0x3F94] =	sst s4  }
0xd: {  	[smem:$0x3F95] =	sst s5  }
0xe: {  	[smem:$0x3F96] =	sst s6  }
0xf: {  	[smem:$0x3F97] =	sst s7  }
0x10: {  	[smem:$0x3F98] =	sst s8  }
0x11: {  	[smem:$0x3F99] =	sst s9;
	s0 =	simm.s32 @!p0 $0x0  }
0x12: {  	s1 =	sld [smem:$0x3F7F];
	s0 =	simm.s32 @p0 $0x1  }
0x13: {  	[smem:$0x3F9A] =	sst s0;
	s0 =	simm.s32 @!p1 $0x0  }
0x14: {  	s2 =	sld [smem:$0x3F7E];
	s0 =	simm.s32 @p1 $0x1  }
0x15: {  	[smem:$0x3F9B] =	sst s0;
	s0 =	simm.s32 @!p2 $0x0  }
0x16: {  	s3 =	sld [smem:$0x3FDB];
	s0 =	simm.s32 @p2 $0x1  }
0x17: {  	s4 =	simm.s32 $0x1BF5;
	[smem:$0x3F9D] =	sst s0  }
0x18: {  	s0 =	sld [smem:$0x3F80];
	_ =	swait.ge [sflag:s4], $0x0  }
0x19: {  	s7 =	sld [smem:$0x3F81]  }
0x1a: {  	s8 =	sadd.s32 $0xFFFFE003, lr  }
0x1b: {  	s9 =	sadd.s32 $0xFFFFFEF7, lr;
	s5 =	simm.s32 $0xFFFFFFFF;
	p2 =	slt.u32 s8, $0xFFFFF086  }
0x1c: {  	p1 =	slt.u32 s9, $0xF7A;
	s5 =	simm.s32 @!p2 $0x0  }
0x1d: {  	s5 =	simm.s32 @p1 $0x1;
	p0 =	seq.s32 s7, s2  }
0x1e: {  	s7 =	smul.u32 @!p0 $0xF7A, s2;
	p2 =	seq.s32 @!p0 s5, $0x0  }
0x1f: {  	s9 =	smul.u32 $0xF7A, s1;
	s8 =	simm.s32 @!p0 $0x1BF5;
	p2 =	por !p2, p0  }
0x20: {  	[sflag:s8] =	ssyncset.s32 @!p0 $0xFFFFF086;
	s6 =	sadd.s32 @!p0 s3, s7;
	s7 =	simm.s32 @!p0 $0x108  }
0x21: {  	s3 =	sadd.s32 s3, s9;
	s6 =	sadd.s32 @!p0 $0x88, s6;
	s7 =	simm.s32 @p2 $0x1082  }
0x22: {  	[simem:s7], [sflag:s8] =	dma.local @!p0 [hbm:s6], $0xF7A  }
0x23: {  	s9 =	sor.u32 $0xD0000000, s2;
	s6 =	simm.s32 $0x108;
	_ =	swait.ge @!p0 [sflag:s8], $0x0  }
0x24: {  	s3 =	sadd.s32 $0x88, s3;
	s6 =	simm.s32 @!p1 $0x1082;
	[sflag:s4] =	ssyncset.s32 $0xFFFFF086  }
0x25: {  	[simem:s6], [sflag:s4] =	dma.local [hbm:s3], $0xF7A  }
0x26: {  	[smem:$0x3F81] =	sst s1;
	(tag) =	ssettag s2;
	_ =	strace s9  }
0x27: {  	s1 =	sld [smem:$0x3F91]  }
0x28: {  	s2 =	sld [smem:$0x3F92]  }
0x29: {  	s4 =	sld [smem:$0x3F94]  }
0x2a: {  	p0 =	seq.s32 s5, $0x0;
	s5 =	sld [smem:$0x3F95]  }
0x2b: {  	s6 =	sld [smem:$0x3F96]  }
0x2c: {  	s7 =	sld [smem:$0x3F97]  }
0x2d: {  	s3 =	simm.s32 $0x108;
	s8 =	sld [smem:$0x3F98]  }
0x2e: {  	s3 =	simm.s32 @!p0 $0x1082;
	s9 =	sld [smem:$0x3F99]  }
0x2f: {  	lr =	sadd.s32 s0, s3;
	s0 =	sld [smem:$0x3F90]  }
0x30: {  	s3 =	sld [smem:$0x3F93]  }
0x31: {  	[smem:$0x3F9C] =	sst s10  }
0x32: {  	s10 =	sld [smem:$0x3F9A];
	_ =	sdelay $0x3  }
0x33: {  	p0 =	seq.s32 s10, $0x1;
	s10 =	sld [smem:$0x3F9C];
	_ =	sdelay $0x3  }
0x34: {  	[smem:$0x3F9C] =	sst s10  }
0x35: {  	s10 =	sld [smem:$0x3F9B];
	_ =	sdelay $0x3  }
0x36: {  	p1 =	seq.s32 s10, $0x1;
	s10 =	sld [smem:$0x3F9C];
	_ =	sdelay $0x3  }
0x37: {  	[smem:$0x3F9C] =	sst s10  }
0x38: {  	s10 =	sld [smem:$0x3F9D]  }
0x39: {  	_ = 	snop;
	(pc) =	sbr.ind lr, $3  }
0x3a: {  	_ = 	snop  }
0x3b: {  	_ = 	snop  }
0x3c: {  	p2 =	seq.s32 s10, $0x1;
	s10 =	sld [smem:$0x3F9C]  }
0x3d: {  	_ =	shalt  }
0x3e: {  	_ =	shalt  }
0x3f: {  	_ =	shalt  }
0x40: {  	_ =	shalt  }
0x41: {  	_ =	shalt  }
0x42: {  	_ =	shalt  }
0x43: {  	_ =	shalt  }
0x44: {  	_ =	shalt  }
0x45: {  	_ =	shalt  }
0x46: {  	_ =	shalt  }
0x47: {  	_ =	shalt  }
0x48: {  	_ =	shalt  }
0x49: {  	_ =	shalt  }
0x4a: {  	_ =	shalt  }
0x4b: {  	_ =	shalt  }
0x4c: {  	_ =	shalt  }
0x4d: {  	_ =	shalt  }
0x4e: {  	_ =	shalt  }
0x4f: {  	_ =	shalt  }
0x50: {  	_ =	shalt  }
0x51: {  	_ =	shalt  }
0x52: {  	_ =	shalt  }
0x53: {  	_ =	shalt  }
0x54: {  	_ =	shalt  }
0x55: {  	_ =	shalt  }
0x56: {  	_ =	shalt  }
0x57: {  	_ =	shalt  }
0x58: {  	_ =	shalt  }
0x59: {  	_ =	shalt  }
0x5a: {  	_ =	shalt  }
0x5b: {  	_ =	shalt  }
0x5c: {  	_ =	shalt  }
0x5d: {  	_ =	shalt  }
0x5e: {  	_ =	shalt  }
0x5f: {  	_ =	shalt  }
0x60: {  	_ =	shalt  }
0x61: {  	_ =	shalt  }
0x62: {  	_ =	shalt  }
0x63: {  	_ =	shalt  }
0x64: {  	_ =	shalt  }
0x65: {  	_ =	shalt  }
0x66: {  	_ =	shalt  }
0x67: {  	_ =	shalt  }
0x68: {  	_ =	shalt  }
0x69: {  	_ =	shalt  }
0x6a: {  	_ =	shalt  }
0x6b: {  	_ =	shalt  }
0x6c: {  	_ =	shalt  }
0x6d: {  	_ =	shalt  }
0x6e: {  	_ =	shalt  }
0x6f: {  	_ =	shalt  }
0x70: {  	_ =	shalt  }
0x71: {  	_ =	shalt  }
0x72: {  	_ =	shalt  }
0x73: {  	_ =	shalt  }
0x74: {  	_ =	shalt  }
0x75: {  	_ =	shalt  }
0x76: {  	_ =	shalt  }
0x77: {  	_ =	shalt  }
0x78: {  	_ =	shalt  }
0x79: {  	_ =	shalt  }
0x7a: {  	_ =	shalt  }
0x7b: {  	_ =	shalt  }
0x7c: {  	_ =	shalt  }
0x7d: {  	_ =	shalt  }
0x7e: {  	_ =	shalt  }
0x7f: {  	_ =	shalt  }
0x80: {  	_ =	shalt  }
0x81: {  	_ =	shalt  }
0x82: {  	_ =	shalt  }
0x83: {  	_ =	shalt  }
0x84: {  	_ =	shalt  }
0x85: {  	_ =	shalt  }
0x86: {  	_ =	shalt  }
0x87: {  	_ =	shalt  }
.Lfunc_end0:
.L_simem_size_0:
called_computation.1_lowered:
.L_overlay_start_0:
0x88: {  	s2 =	sld [smem:$0x3FD9]  }
0x89: {  	s3 =	sld [smem:$0x3FFE];
	_ =	sdelay $0x1  }
0x8a: {  	s1 =	srdreg.scid  }
0x8b: {  	s0 =	sand.u32 $0x1, s1  }
0x8c: {  	s16 =	sshll.u32 s0, $0xA;
	s2 =	sadd.s32 s3, s2  }
0x8d: {  	s2 =	sadd.s32 s2, s16  }
0x8e: {  	[smem:$0x3FA8] =	sst s2  }
0x8f: {  	_ = 	snop  }
0x90: {  	(tm) =	ssettm $0x1  }
0x91: {  	s17 =	sld [smem:$0x3FFB];
	_ =	sdelay $0x3  }
0x92: {  	_ =	strace s17  }
0x93: {  	s2 =	sld [smem:$0x3FFC];
	_ =	sdelay $0x3  }
0x94: {  	_ =	strace s2  }
0x95: {  	s2 =	sld [smem:$0x3FFD];
	_ =	sdelay $0x3  }
0x96: {  	_ =	strace s2  }
0x97: {  	_ =	strace $0x8FFFFFFF  }
0x98: {  	s18 =	sld [smem:$0x3FDB];
	_ =	sdelay $0x1  }
0x99: {  	s19 =	simm.s32 $_scs_section_size  }
0x9a: {  	s4 =	simm.s32 $_size__tile_overlayer_lowered;
	s5 =	simm.s32 $_tile_overlayer_lowered  }
0x9b: {  	s22 =	simm.s32 $0x1BFF;
	s21 =	sshll.u32 s5, $0x1;
	s2 =	sadd.s32 s19, s18  }
0x9c: {  	s6 =	simm.s32 $0x0;
	s20 =	sshll.u32 s4, $0x1;
	s4 =	sadd.s32 s21, s2  }
0x9d: {  	[timem:s6], [sflag:s22] =	dma.local [hbm:s4], s20  }
0x9e: {  	_ =	swait.ge [sflag:s22], s20  }
0x9f: {  	s3 =	ssub.s32 $0x0, s20;
	[sflag:s22] =	ssyncset.done $0x0  }
0xa0: {  	[sflag:s22] =	ssyncadd.s32 s3;
	_ =	sdelay $0x1  }
0xa1: {  	s23 =	simm.s32 $0x1B8B  }
0xa2: {  	_ =	swait.ge [sflag:s23], $0x1  }
0xa3: {  	[sflag:s23] =	ssyncset.done $0x0  }
0xa4: {  	s25 =	simm.s32 $0x1B8E;
	s24 =	sld [smem:$0x3FFE];
	[sflag:s23] =	ssyncadd.s32 $0xFFFFFFFF  }
0xa5: {  	s26 =	simm.s32 $execute0_lowered;
	[smem:$0x3FD2] =	sst s25  }
0xa6: {  	s4 =	sshll.u32 s26, $0x1;
	_ =	strace $0x80000049;
	[dreg:$0x1] =	wrdreg $0xFFFFFFFF  }
0xa7: {  	s28 =	simm.s32 $_size_execute0_lowered;
	s2 =	sadd.s32 s2, s4;
	[dreg:$0x0] =	wrdreg $0x0  }
0xa8: {  	s4 =	sshll.u32 s28, $0x1;
	[dreg:$0x2] =	wrdreg s2  }
0xa9: {  	[dreg:$0x3] =	wrdreg s4  }
0xaa: {  	[dreg:$0x4] =	wrdreg $0xC0  }
0xab: {  	_ =	task [dreg:s6], $0x5FFFF  }
0xac: {  	[dreg:$0x1] =	wrdreg $0xFFFFFFFF  }
0xad: {  	[dreg:$0x0] =	wrdreg $0x60  }
0xae: {  	[dreg:$0x2] =	wrdreg s24  }
0xaf: {  	[dreg:$0x3] =	wrdreg $0x0  }
0xb0: {  	[dreg:$0x4] =	wrdreg $0x9  }
0xb1: {  	_ =	task.clear_ibuf [dreg:s6], $0x5FFFF;
	_ =	strace $0x90000049  }
0xb2: {  	s29 =	simm.s32 $0x9;
	_ =	strace $0x8000004B  }
0xb3: {  	_ =	swait.ge [sflag:s29], $0x1  }
0xb4: {  	[sflag:s29] =	ssyncadd.s32 $0xFFFFFFFF  }
0xb5: {  	_ =	strace $0x9000004B  }
0xb6: {  	_ =	sfence  }
0xb7: {  	s30 =	sld [smem:$0x0];
	_ =	sdelay $0x2  }
0xb8: {  	s31 =	sshll.u32 s1, $0xD;
	s1 =	sshrl.u32 s1, $0x2  }
0xb9: {  	s3 =	sand.u32 $0x4000, s31;
	s1 =	sadd.s32 s1, s30  }
0xba: {  	s0 =	sor.u32 s3, s0;
	s1 =	sshll.u32 s1, $0x11  }
0xbb: {  	s0 =	sor.u32 s1, s0  }
0xbc: {  	s0 =	sadd.s32 $0x8F2B, s0  }
0xbd: {  	[sflag:s0] =	ssyncadd.remote.s32 $0x1  }
0xbe: {  	_ =	sfence.sel $0xFFFF  }
0xbf: {  	[dreg:$0x0] =	wrdreg $0xFFFFFFFF;
	(pc) =	sbr.abs _section_cstart, $3  }
0xc0: {  	[dreg:$0x1] =	wrdreg $0xFFFFFFFF  }
0xc1: {  	_ =	task.clear_ibuf [dreg:s6], $0x2FFFF;
	_ =	strace $0x9FFFFFFF  }
0xc2: {  	(tm) =	ssettm $0x7FFFFFFF  }
0xc3: {  	_ =	shalt  }
tec
execute0_lowered:
.L_overlay_start_1:
0x0: {  	(tag) =	ssettag $0x1  }
0x1: {  	s0 =	rddreg [dreg:$0x0]  }
0x2: {  	s1 =	rddreg [dreg:$0x1];
	s2 =	simm.s32 $0x0  }
0x3: {  	s3 =	srdreg.scid;
	s10 =	stileid.u32;
	s28 =	simm.s32 $0x1BC80  }
0x4: {  	s29 =	simm.s32 $0x1C480;
	s30 =	simm.s32 $0x5;
	s31 =	simm.s32 $0x80  }
0x5: {  	[smem:$0x7FF] =	sst s2;
	s4 =	sadd.s32 $0x19000, s0;
	s5 =	sadd.s32 $0x5000, s0  }
0x6: {  	s3 =	sand.u32 $0x1, s3;
	s6 =	smul.u32 $0x4E000, s10;
	s0 =	sadd.s32 $0x40A00, s0  }
0x7: {  	s8 =	sshll.u32 s10, $0x1;
	s12 =	sadd.s32 $0x138000, s1;
	s13 =	smul.u32 $0x13800, s10  }
0x8: {  	s16 =	smul.u32 $0x5000, s10;
	p0 =	sne.s32 s10, $0xF;
	s10 =	simm.s32 $0x1C700  }
0x9: {  	_ =	strace $0x8000004A;
	s7 =	ssub.s32 $0x2, s3;
	s26 =	smul.u32 $0x138800, s3  }
0xa: {  	s8 =	sor.u32 s3, s8;
	[dreg:$0x8] =	wrdreg s12;
	s3 =	smul.u32 $0x2800, s3  }
0xb: {  	s9 =	sshrl.u32 s7, $0x1;
	s6 =	sshrl.u32 s6, $0x2;
	s20 =	smul.u32 $0x2800, s8  }
0xc: {  	s7 =	ssub.s32 s7, s9;
	s24 =	sadd.s32 s6, s1;
	s8 =	sshrl.u32 s26, $0x3  }
0xd: {  	s18 =	sadd.s32 s3, s16;
	s21 =	sadd.s32 $0x4000, s24;
	[dreg:$0x3] =	wrdreg s24  }
0xe: {  	s9 =	simm.s32 $0x3;
	s22 =	sadd.s32 $0x8000, s24;
	[dreg:$0x4] =	wrdreg s21  }
0xf: {  	s16 =	simm.s32 $0x8;
	s23 =	sadd.s32 $0xC000, s24;
	[dreg:$0x5] =	wrdreg s22  }
0x10: {  	s25 =	sadd.s32 $0x10000, s24;
	s6 =	sshrl.u32 s20, $0x3;
	[dreg:$0x6] =	wrdreg s23  }
0x11: {  	s8 =	sadd.s32 s0, s8;
	[dreg:$0x7] =	wrdreg s25;
	s11 =	sadd.s32 s5, s6  }
0x12: {  	s6 =	sadd.s32 s13, s26;
	s17 =	sadd.s32 $0x27000, s8;
	s21 =	smax.u32 s7, $0x1  }
0x13: {  	s22 =	sadd.s32 $0x50C00, s18;
	s23 =	sadd.s32 $0xC00, s18;
	s25 =	sadd.s32 $0x50800, s18  }
0x14: {  	s7 =	simm.s32 $0x7;
	s8 =	simm.s32 $0x1;
	[dreg:$0x9] =	wrdreg s11  }
0x15: {  	s13 =	simm.s32 $0x2;
	s14 =	sadd.s32 $0xA000, s11;
	[dreg:$0xe] =	wrdreg s17  }
0x16: {  	s15 =	sadd.s32 $0x80, s11;
	s11 =	sadd.s32 $0xA080, s11;
	[dreg:$0xf] =	wrdreg s21  }
0x17: {  	s6 =	sshrl.u32 s6, $0x3;
	s3 =	sshrl.u32 s22, $0x3;
	[dreg:$0xa] =	wrdreg s14  }
0x18: {  	s26 =	sshrl.u32 s25, $0x3;
	s25 =	simm.s32 $0x1BF80;
	[dreg:$0xb] =	wrdreg s15  }
0x19: {  	s17 =	simm.s32 $0x1C780;
	[dreg:$0xc] =	wrdreg s11;
	s0 =	sadd.s32 s0, s6  }
.Ltmp0:
0x1a: {  	s6 =	sshrl.u32 s23, $0x3;
	s19 =	sadd.s32 s3, s5;
	(pc) =	sbr.rel .LBB2_1-.Ltmp0, $4  }
0x1b: {  	s21 =	sadd.s32 s26, s5;
	s23 =	simm.s32 $0x13880;
	s3 =	simm.s32 $0x17880  }
0x1c: {  	s15 =	simm.s32 $0x4;
	s26 =	simm.s32 $0x6;
	s14 =	simm.s32 $0x1C000  }
0x1d: {  	[dreg:$0xd] =	wrdreg s0;
	s20 =	sadd.s32 s6, s5;
	s0 =	sadd.s32 $0x800, s18  }
0x1e: {  	v0 =	vimm.f32 $0.0e+00;
	s18 =	simm.s32 $0x1C800;
	[dreg:$0x10] =	wrdreg s0;
	s0 =	simm.s32 $0x0  }
.LBB2_6:
0x1f: {  	_ =	swait.ge [sflag:s13], $0x4000  }
0x20: {  	[sflag:s13] =	ssyncset.done $0x0  }
0x21: {  	[sflag:s13] =	ssyncadd.s32 $0xFFFFC000  }
0x22: {  	[spmem:s1] =	stream.indirect.scatter.add.f32 [tilespmem:s3], [sflag:$0x4], $0x80, s18, s31, $0xb8;
	[tilespmem:$0x1C880] =	vst v63  }
0x23: {  	_ =	swait.ge [sflag:s15], $0x4000  }
0x24: {  	[sflag:s15] =	ssyncset.done $0x0  }
0x25: {  	[sflag:s15] =	ssyncadd.s32 $0xFFFFC000  }
0x26: {  	s6 =	stileid.u32;
	[bflag:$0x0] =	sbarrier.arrive $0xFFFF  }
0x27: {  	s6 =	sshll.u32 s6, $0x6;
	s24 =	rddreg [dreg:$0x3]  }
0x28: {  	s6 =	sor.u32 $0x1C09, s6;
	s12 =	rddreg [dreg:$0xd];
	s11 =	sshrl.u32 s24, $0x3  }
0x29: {  	[hbm:s12], [sflag:s6] =	dma.local [spmem:s11], $0x2700  }
0x2a: {  	s12 =	simm.s32 $0x9  }
0x2b: {  	_ =	swait.ge [sflag:s12], $0x2700  }
0x2c: {  	[sflag:s12] =	ssyncset.done $0x0;
	s11 =	rddreg [dreg:$0x8]  }
0x2d: {  	[sflag:s12] =	ssyncadd.s32 $0xFFFFD900;
	s11 =	sshrl.u32 @!p0 s11, $0x3;
	s12 =	rddreg [dreg:$0xe]  }
0x2e: {  	[hbm:s12], [sflag:s6] =	dma.local @!p0 [spmem:s11], $0x100  }
0x2f: {  	s6 =	simm.s32 @!p0 $0x9  }
0x30: {  	_ =	swait.ge @!p0 [sflag:s6], $0x100  }
0x31: {  	s0 =	rddreg [dreg:$0x11]  }
0x32: {  	s22 =	rddreg [dreg:$0xf];
	s0 =	sadd.s32 $0x1, s0  }
0x33: {  	p1 =	sne.s32 s0, s22  }
.Ltmp1:
0x34: {  	_ = 	snop;
	(pc) =	sbr.rel @!p1 .LBB2_7-.Ltmp1, $3  }
0x35: {  	_ =	sdelay $0x1  }
0x36: {  	[sflag:s6] =	ssyncset.done @!p0 $0x0  }
0x37: {  	[sflag:s6] =	ssyncadd.s32 @!p0 $0xFFFFFF00  }
.LBB2_1:
0x38: {  	[dreg:$0x11] =	wrdreg s0;
	s12 =	simm.s32 $0x0;
	s22 =	simm.s32 $0x200  }
.LBB2_2:
0x39: {  	p1 =	sne.s32 s22, $0xFE00;
	[tilespmem:s12+$0x138F0] =	vst v0  }
0x3a: {  	[tilespmem:s12+$0x13880] =	vst v0  }
0x3b: {  	[tilespmem:s12+$0x13890] =	vst v0  }
.Ltmp2:
0x3c: {  	[tilespmem:s12+$0x138A0] =	vst v0;
	(pc) =	sbr.rel @p1 .LBB2_2-.Ltmp2, $4  }
0x3d: {  	[tilespmem:s12+$0x138B0] =	vst v0  }
0x3e: {  	[tilespmem:s12+$0x138C0] =	vst v0  }
0x3f: {  	[tilespmem:s12+$0x138D0] =	vst v0  }
0x40: {  	[tilespmem:s12+$0x138E0] =	vst v0;
	s12 =	sshra.s32 s22, $0x2;
	s22 =	sadd.s32 $0x200, s22  }
0x41: {  	[tilespmem:s12+$0x138F0] =	vst v0  }
0x42: {  	[tilespmem:s12+$0x13880] =	vst v0  }
0x43: {  	[tilespmem:s12+$0x13890] =	vst v0  }
0x44: {  	[tilespmem:s12+$0x138A0] =	vst v0  }
0x45: {  	[tilespmem:s12+$0x138B0] =	vst v0  }
0x46: {  	[tilespmem:s12+$0x138C0] =	vst v0  }
0x47: {  	[tilespmem:s12+$0x138D0] =	vst v0  }
0x48: {  	[tilespmem:s12+$0x138E0] =	vst v0;
	s11 =	simm.s32 $0x9  }
0x49: {  	[spmem:s24] =	stream.linear.scatter [tilespmem:s23], [sflag:$0x9], $0x4000, $0x38;
	[tilespmem:$0x1C880] =	vst v63  }
0x4a: {  	_ =	swait.ge [sflag:s11], $0x4000  }
0x4b: {  	[sflag:s11] =	ssyncset.done $0x0  }
0x4c: {  	s6 =	rddreg [dreg:$0x4];
	[sflag:s11] =	ssyncadd.s32 $0xFFFFC000  }
0x4d: {  	[spmem:s6] =	stream.linear.scatter [tilespmem:s23], [sflag:$0x9], $0x4000, $0x38;
	[tilespmem:$0x1C880] =	vst v63  }
0x4e: {  	_ =	swait.ge [sflag:s11], $0x4000  }
0x4f: {  	[sflag:s11] =	ssyncset.done $0x0  }
0x50: {  	s22 =	rddreg [dreg:$0x5];
	[sflag:s11] =	ssyncadd.s32 $0xFFFFC000  }
0x51: {  	[spmem:s22] =	stream.linear.scatter [tilespmem:s23], [sflag:$0x9], $0x4000, $0x38;
	[tilespmem:$0x1C880] =	vst v63  }
0x52: {  	_ =	swait.ge [sflag:s11], $0x4000  }
0x53: {  	[sflag:s11] =	ssyncset.done $0x0  }
0x54: {  	s24 =	rddreg [dreg:$0x6];
	[sflag:s11] =	ssyncadd.s32 $0xFFFFC000  }
0x55: {  	[spmem:s24] =	stream.linear.scatter [tilespmem:s23], [sflag:$0x9], $0x4000, $0x38;
	[tilespmem:$0x1C880] =	vst v63  }
0x56: {  	_ =	swait.ge [sflag:s11], $0x4000  }
0x57: {  	[sflag:s11] =	ssyncset.done $0x0  }
0x58: {  	s0 =	rddreg [dreg:$0x7];
	[sflag:s11] =	ssyncadd.s32 $0xFFFFC000  }
0x59: {  	[spmem:s0] =	stream.linear.scatter [tilespmem:s23], [sflag:$0x9], $0x3800, $0x38;
	[tilespmem:$0x1C880] =	vst v63  }
0x5a: {  	_ =	swait.ge [sflag:s11], $0x3800  }
0x5b: {  	[sflag:s11] =	ssyncset.done $0x0  }
0x5c: {  	s12 =	simm.s32 @!p0 $0x13880;
	s6 =	rddreg [dreg:$0x8];
	[sflag:s11] =	ssyncadd.s32 $0xFFFFC800  }
0x5d: {  	[spmem:s6] =	stream.linear.scatter @!p0 [tilespmem:s12], [sflag:$0x9], $0x800, $0x38;
	[tilespmem:$0x1C880] =	vst v63  }
0x5e: {  	s12 =	simm.s32 @!p0 $0x9  }
0x5f: {  	_ =	swait.ge @!p0 [sflag:s12], $0x800  }
0x60: {  	[sflag:s12] =	ssyncset.done @!p0 $0x0  }
0x61: {  	[sflag:s12] =	ssyncadd.s32 @!p0 $0xFFFFF800  }
0x62: {  	[bflag:$0x0] =	sbarrier.arrive $0xFFFF  }
0x63: {  	s22 =	simm.s32 $0x0;
	s11 =	simm.s32 $0x1B880;
	s12 =	rddreg [dreg:$0x9]  }
0x64: {  	[tilespmem:s11], [sflag:$0x5] =	stream.linear.gather [hbm4b:s12+s22], $0x400, $0x38;
	[tilespmem:$0x1C880] =	vst v63  }
0x65: {  	s0 =	simm.s32 $0x1C080;
	s24 =	rddreg [dreg:$0xa]  }
0x66: {  	[tilespmem:s0], [sflag:$0x7] =	stream.linear.gather [hbm4b:s24+s22], $0x400, $0x38;
	[tilespmem:$0x1C880] =	vst v63  }
0x67: {  	s0 =	rddreg [dreg:$0xb]  }
0x68: {  	[tilespmem:s28], [sflag:$0x6] =	stream.linear.gather [hbm4b:s0+s22], $0x400, $0x38;
	[tilespmem:$0x1C880] =	vst v63  }
0x69: {  	s12 =	rddreg [dreg:$0xc]  }
0x6a: {  	[tilespmem:s29], [sflag:$0x8] =	stream.linear.gather [hbm4b:s12+s22], $0x400, $0x38;
	[tilespmem:$0x1C880] =	vst v63  }
0x6b: {  	_ =	swait.ge [sflag:s30], $0x400  }
0x6c: {  	[sflag:s30] =	ssyncset.done $0x0  }
0x6d: {  	[sflag:s30] =	ssyncadd.s32 $0xFFFFFC00  }
0x6e: {  	[tilespmem:s23], [sflag:$0x1] =	stream.indirect.gather [hbm4b:s4+s31], $0x80, s11, s31, $0xb8;
	[tilespmem:$0x1C880] =	vst v63  }
0x6f: {  	s24 =	simm.s32 $0x1B900;
	s0 =	simm.s32 $0x1B880;
	s12 =	rddreg [dreg:$0x10]  }
0x70: {  	[tilespmem:s3], [sflag:$0x2] =	stream.indirect.gather [hbm4b:s4+s31], $0x80, s24, s31, $0xb8;
	[tilespmem:$0x1C880] =	vst v63  }
.LBB2_4:
0x71: {  	_ =	swait.ge [sflag:s7], $0x400  }
0x72: {  	[sflag:s7] =	ssyncset.done $0x0  }
0x73: {  	[sflag:s7] =	ssyncadd.s32 $0xFFFFFC00  }
0x74: {  	_ =	swait.ge [sflag:s8], $0x4000  }
0x75: {  	[sflag:s8] =	ssyncset.done $0x0  }
0x76: {  	s6 =	simm.s32 $0x1C080;
	[sflag:s8] =	ssyncadd.s32 $0xFFFFC000  }
0x77: {  	[spmem:s1] =	stream.indirect.scatter.add.f32 [tilespmem:s23], [sflag:$0x3], $0x80, s6, s31, $0xb8;
	[tilespmem:$0x1C880] =	vst v63  }
0x78: {  	_ =	swait.ge [sflag:s9], $0x4000  }
0x79: {  	[sflag:s9] =	ssyncset.done $0x0  }
0x7a: {  	s11 =	simm.s32 $0x1B980;
	[sflag:s9] =	ssyncadd.s32 $0xFFFFC000  }
0x7b: {  	[tilespmem:s23], [sflag:$0x1] =	stream.indirect.gather [hbm4b:s4+s31], $0x80, s11, s31, $0xb8;
	[tilespmem:$0x1C880] =	vst v63  }
0x7c: {  	_ =	swait.ge [sflag:s13], $0x4000  }
0x7d: {  	[sflag:s13] =	ssyncset.done $0x0  }
0x7e: {  	s24 =	simm.s32 $0x1C100;
	[sflag:s13] =	ssyncadd.s32 $0xFFFFC000  }
0x7f: {  	[spmem:s1] =	stream.indirect.scatter.add.f32 [tilespmem:s3], [sflag:$0x4], $0x80, s24, s31, $0xb8;
	[tilespmem:$0x1C880] =	vst v63  }
0x80: {  	_ =	swait.ge [sflag:s15], $0x4000  }
0x81: {  	[sflag:s15] =	ssyncset.done $0x0  }
0x82: {  	s11 =	simm.s32 $0x1BA00;
	[sflag:s15] =	ssyncadd.s32 $0xFFFFC000  }
0x83: {  	[tilespmem:s3], [sflag:$0x2] =	stream.indirect.gather [hbm4b:s4+s31], $0x80, s11, s31, $0xb8;
	[tilespmem:$0x1C880] =	vst v63  }
0x84: {  	_ =	swait.ge [sflag:s8], $0x4000  }
0x85: {  	[sflag:s8] =	ssyncset.done $0x0  }
0x86: {  	s24 =	simm.s32 $0x1C180;
	[sflag:s8] =	ssyncadd.s32 $0xFFFFC000  }
0x87: {  	[spmem:s1] =	stream.indirect.scatter.add.f32 [tilespmem:s23], [sflag:$0x3], $0x80, s24, s31, $0xb8;
	[tilespmem:$0x1C880] =	vst v63  }
0x88: {  	_ =	swait.ge [sflag:s9], $0x4000  }
0x89: {  	[sflag:s9] =	ssyncset.done $0x0  }
0x8a: {  	s11 =	simm.s32 $0x1BA80;
	[sflag:s9] =	ssyncadd.s32 $0xFFFFC000  }
0x8b: {  	[tilespmem:s23], [sflag:$0x1] =	stream.indirect.gather [hbm4b:s4+s31], $0x80, s11, s31, $0xb8;
	[tilespmem:$0x1C880] =	vst v63  }
0x8c: {  	_ =	swait.ge [sflag:s13], $0x4000  }
0x8d: {  	[sflag:s13] =	ssyncset.done $0x0  }
0x8e: {  	s24 =	simm.s32 $0x1C200;
	[sflag:s13] =	ssyncadd.s32 $0xFFFFC000  }
0x8f: {  	[spmem:s1] =	stream.indirect.scatter.add.f32 [tilespmem:s3], [sflag:$0x4], $0x80, s24, s31, $0xb8;
	[tilespmem:$0x1C880] =	vst v63  }
0x90: {  	_ =	swait.ge [sflag:s15], $0x4000  }
0x91: {  	[sflag:s15] =	ssyncset.done $0x0  }
0x92: {  	s11 =	simm.s32 $0x1BB00;
	[sflag:s15] =	ssyncadd.s32 $0xFFFFC000  }
0x93: {  	[tilespmem:s3], [sflag:$0x2] =	stream.indirect.gather [hbm4b:s4+s31], $0x80, s11, s31, $0xb8;
	[tilespmem:$0x1C880] =	vst v63  }
0x94: {  	_ =	swait.ge [sflag:s8], $0x4000  }
0x95: {  	[sflag:s8] =	ssyncset.done $0x0  }
0x96: {  	s24 =	simm.s32 $0x1C280;
	[sflag:s8] =	ssyncadd.s32 $0xFFFFC000  }
0x97: {  	[spmem:s1] =	stream.indirect.scatter.add.f32 [tilespmem:s23], [sflag:$0x3], $0x80, s24, s31, $0xb8;
	[tilespmem:$0x1C880] =	vst v63  }
0x98: {  	_ =	swait.ge [sflag:s9], $0x4000  }
0x99: {  	[sflag:s9] =	ssyncset.done $0x0  }
0x9a: {  	s11 =	simm.s32 $0x1BB80;
	[sflag:s9] =	ssyncadd.s32 $0xFFFFC000  }
0x9b: {  	[tilespmem:s23], [sflag:$0x1] =	stream.indirect.gather [hbm4b:s4+s31], $0x80, s11, s31, $0xb8;
	[tilespmem:$0x1C880] =	vst v63  }
0x9c: {  	_ =	swait.ge [sflag:s13], $0x4000  }
0x9d: {  	[sflag:s13] =	ssyncset.done $0x0  }
0x9e: {  	s24 =	simm.s32 $0x1C300;
	[sflag:s13] =	ssyncadd.s32 $0xFFFFC000  }
0x9f: {  	[spmem:s1] =	stream.indirect.scatter.add.f32 [tilespmem:s3], [sflag:$0x4], $0x80, s24, s31, $0xb8;
	[tilespmem:$0x1C880] =	vst v63  }
0xa0: {  	_ =	swait.ge [sflag:s15], $0x4000  }
0xa1: {  	[sflag:s15] =	ssyncset.done $0x0  }
0xa2: {  	s11 =	simm.s32 $0x1BC00;
	[sflag:s15] =	ssyncadd.s32 $0xFFFFC000  }
0xa3: {  	[tilespmem:s3], [sflag:$0x2] =	stream.indirect.gather [hbm4b:s4+s31], $0x80, s11, s31, $0xb8;
	[tilespmem:$0x1C880] =	vst v63  }
0xa4: {  	_ =	swait.ge [sflag:s8], $0x4000  }
0xa5: {  	[sflag:s8] =	ssyncset.done $0x0  }
0xa6: {  	s24 =	simm.s32 $0x1C380;
	[sflag:s8] =	ssyncadd.s32 $0xFFFFC000  }
0xa7: {  	[spmem:s1] =	stream.indirect.scatter.add.f32 [tilespmem:s23], [sflag:$0x3], $0x80, s24, s31, $0xb8;
	[tilespmem:$0x1C880] =	vst v63  }
0xa8: {  	_ =	swait.ge [sflag:s9], $0x4000  }
0xa9: {  	[sflag:s9] =	ssyncset.done $0x0  }
0xaa: {  	[sflag:s9] =	ssyncadd.s32 $0xFFFFC000  }
0xab: {  	_ =	swait.ge [sflag:s26], $0x400  }
0xac: {  	[sflag:s26] =	ssyncset.done $0x0  }
0xad: {  	[sflag:s26] =	ssyncadd.s32 $0xFFFFFC00  }
0xae: {  	[tilespmem:s23], [sflag:$0x1] =	stream.indirect.gather [hbm4b:s4+s31], $0x80, s28, s31, $0xb8;
	[tilespmem:$0x1C880] =	vst v63  }
0xaf: {  	_ =	swait.ge [sflag:s13], $0x4000  }
0xb0: {  	[sflag:s13] =	ssyncset.done $0x0  }
0xb1: {  	s11 =	simm.s32 $0x1C400;
	[sflag:s13] =	ssyncadd.s32 $0xFFFFC000  }
0xb2: {  	[spmem:s1] =	stream.indirect.scatter.add.f32 [tilespmem:s3], [sflag:$0x4], $0x80, s11, s31, $0xb8;
	[tilespmem:$0x1C880] =	vst v63  }
0xb3: {  	_ =	swait.ge [sflag:s15], $0x4000  }
0xb4: {  	p1 =	seq.s32 s22, $0x400;
	[sflag:s15] =	ssyncset.done $0x0  }
0xb5: {  	s24 =	simm.s32 $0x1BD00;
	s11 =	sshrl.u32 @!p1 s12, $0x3;
	[sflag:s15] =	ssyncadd.s32 $0xFFFFC000  }
0xb6: {  	[tilespmem:s3], [sflag:$0x2] =	stream.indirect.gather [hbm4b:s4+s31], $0x80, s24, s31, $0xb8;
	[tilespmem:$0x1C880] =	vst v63  }
0xb7: {  	s6 =	simm.s32 @!p1 $0x0;
	s11 =	sadd.s32 @!p1 s5, s11;
	s24 =	simm.s32 @!p1 $0x1B880  }
0xb8: {  	[tilespmem:s24], [sflag:$0x5] =	stream.linear.gather @!p1 [hbm4b:s11+s6], $0x400, $0x38;
	[tilespmem:$0x1C880] =	vst v63  }
0xb9: {  	s11 =	sadd.s32 @!p1 s22, s21;
	s24 =	simm.s32 @!p1 $0x1C080  }
0xba: {  	[tilespmem:s24], [sflag:$0x7] =	stream.linear.gather @!p1 [hbm4b:s11+s6], $0x400, $0x38;
	[tilespmem:$0x1C880] =	vst v63  }
0xbb: {  	_ =	swait.ge [sflag:s16], $0x400  }
0xbc: {  	[sflag:s16] =	ssyncset.done $0x0  }
0xbd: {  	[sflag:s16] =	ssyncadd.s32 $0xFFFFFC00  }
0xbe: {  	_ =	swait.ge [sflag:s8], $0x4000  }
0xbf: {  	[sflag:s8] =	ssyncset.done $0x0  }
0xc0: {  	[sflag:s8] =	ssyncadd.s32 $0xFFFFC000  }
0xc1: {  	[spmem:s1] =	stream.indirect.scatter.add.f32 [tilespmem:s23], [sflag:$0x3], $0x80, s29, s31, $0xb8;
	[tilespmem:$0x1C880] =	vst v63  }
0xc2: {  	_ =	swait.ge [sflag:s9], $0x4000  }
0xc3: {  	[sflag:s9] =	ssyncset.done $0x0  }
0xc4: {  	s11 =	simm.s32 $0x1BD80;
	[sflag:s9] =	ssyncadd.s32 $0xFFFFC000  }
0xc5: {  	[tilespmem:s23], [sflag:$0x1] =	stream.indirect.gather [hbm4b:s4+s31], $0x80, s11, s31, $0xb8;
	[tilespmem:$0x1C880] =	vst v63  }
0xc6: {  	_ =	swait.ge [sflag:s13], $0x4000  }
0xc7: {  	[sflag:s13] =	ssyncset.done $0x0  }
0xc8: {  	s24 =	simm.s32 $0x1C500;
	[sflag:s13] =	ssyncadd.s32 $0xFFFFC000  }
0xc9: {  	[spmem:s1] =	stream.indirect.scatter.add.f32 [tilespmem:s3], [sflag:$0x4], $0x80, s24, s31, $0xb8;
	[tilespmem:$0x1C880] =	vst v63  }
0xca: {  	_ =	swait.ge [sflag:s15], $0x4000  }
0xcb: {  	[sflag:s15] =	ssyncset.done $0x0  }
0xcc: {  	s11 =	simm.s32 $0x1BE00;
	[sflag:s15] =	ssyncadd.s32 $0xFFFFC000  }
0xcd: {  	[tilespmem:s3], [sflag:$0x2] =	stream.indirect.gather [hbm4b:s4+s31], $0x80, s11, s31, $0xb8;
	[tilespmem:$0x1C880] =	vst v63  }
0xce: {  	_ =	swait.ge [sflag:s8], $0x4000  }
0xcf: {  	[sflag:s8] =	ssyncset.done $0x0  }
0xd0: {  	s24 =	simm.s32 $0x1C580;
	[sflag:s8] =	ssyncadd.s32 $0xFFFFC000  }
0xd1: {  	[spmem:s1] =	stream.indirect.scatter.add.f32 [tilespmem:s23], [sflag:$0x3], $0x80, s24, s31, $0xb8;
	[tilespmem:$0x1C880] =	vst v63  }
0xd2: {  	_ =	swait.ge [sflag:s9], $0x4000  }
0xd3: {  	[sflag:s9] =	ssyncset.done $0x0  }
0xd4: {  	s11 =	simm.s32 $0x1BE80;
	[sflag:s9] =	ssyncadd.s32 $0xFFFFC000  }
0xd5: {  	[tilespmem:s23], [sflag:$0x1] =	stream.indirect.gather [hbm4b:s4+s31], $0x80, s11, s31, $0xb8;
	[tilespmem:$0x1C880] =	vst v63  }
0xd6: {  	_ =	swait.ge [sflag:s13], $0x4000  }
0xd7: {  	[sflag:s13] =	ssyncset.done $0x0  }
0xd8: {  	s24 =	simm.s32 $0x1C600;
	[sflag:s13] =	ssyncadd.s32 $0xFFFFC000  }
0xd9: {  	[spmem:s1] =	stream.indirect.scatter.add.f32 [tilespmem:s3], [sflag:$0x4], $0x80, s24, s31, $0xb8;
	[tilespmem:$0x1C880] =	vst v63  }
0xda: {  	_ =	swait.ge [sflag:s15], $0x4000  }
0xdb: {  	[sflag:s15] =	ssyncset.done $0x0  }
0xdc: {  	s11 =	simm.s32 $0x1BF00;
	[sflag:s15] =	ssyncadd.s32 $0xFFFFC000  }
0xdd: {  	[tilespmem:s3], [sflag:$0x2] =	stream.indirect.gather [hbm4b:s4+s31], $0x80, s11, s31, $0xb8;
	[tilespmem:$0x1C880] =	vst v63  }
0xde: {  	_ =	swait.ge [sflag:s8], $0x4000  }
0xdf: {  	[sflag:s8] =	ssyncset.done $0x0  }
0xe0: {  	s24 =	simm.s32 $0x1C680;
	[sflag:s8] =	ssyncadd.s32 $0xFFFFC000  }
0xe1: {  	[spmem:s1] =	stream.indirect.scatter.add.f32 [tilespmem:s23], [sflag:$0x3], $0x80, s24, s31, $0xb8;
	[tilespmem:$0x1C880] =	vst v63  }
0xe2: {  	_ =	swait.ge [sflag:s9], $0x4000  }
0xe3: {  	[sflag:s9] =	ssyncset.done $0x0  }
0xe4: {  	[sflag:s9] =	ssyncadd.s32 $0xFFFFC000  }
0xe5: {  	[tilespmem:s23], [sflag:$0x1] =	stream.indirect.gather [hbm4b:s4+s31], $0x80, s25, s31, $0xb8;
	[tilespmem:$0x1C880] =	vst v63  }
0xe6: {  	_ =	swait.ge [sflag:s13], $0x4000  }
0xe7: {  	[sflag:s13] =	ssyncset.done $0x0  }
0xe8: {  	[sflag:s13] =	ssyncadd.s32 $0xFFFFC000  }
0xe9: {  	[spmem:s1] =	stream.indirect.scatter.add.f32 [tilespmem:s3], [sflag:$0x4], $0x80, s10, s31, $0xb8;
	[tilespmem:$0x1C880] =	vst v63  }
0xea: {  	_ =	swait.ge [sflag:s15], $0x4000  }
0xeb: {  	[sflag:s15] =	ssyncset.done $0x0  }
0xec: {  	[sflag:s15] =	ssyncadd.s32 $0xFFFFC000  }
0xed: {  	[tilespmem:s3], [sflag:$0x2] =	stream.indirect.gather [hbm4b:s4+s31], $0x80, s14, s31, $0xb8;
	[tilespmem:$0x1C880] =	vst v63  }
0xee: {  	_ =	swait.ge [sflag:s8], $0x4000  }
0xef: {  	[sflag:s8] =	ssyncset.done $0x0  }
.Ltmp3:
0xf0: {  	[sflag:s8] =	ssyncadd.s32 $0xFFFFC000;
	(pc) =	sbr.rel @p1 .LBB2_6-.Ltmp3, $4  }
0xf1: {  	[spmem:s1] =	stream.indirect.scatter.add.f32 [tilespmem:s23], [sflag:$0x3], $0x80, s17, s31, $0xb8;
	[tilespmem:$0x1C880] =	vst v63  }
0xf2: {  	_ =	swait.ge [sflag:s9], $0x4000  }
0xf3: {  	[sflag:s9] =	ssyncset.done $0x0  }
0xf4: {  	[sflag:s9] =	ssyncadd.s32 $0xFFFFC000  }
0xf5: {  	_ =	swait.ge [sflag:s30], $0x400  }
0xf6: {  	[sflag:s30] =	ssyncset.done $0x0  }
0xf7: {  	[sflag:s30] =	ssyncadd.s32 $0xFFFFFC00  }
0xf8: {  	[tilespmem:s23], [sflag:$0x1] =	stream.indirect.gather [hbm4b:s4+s31], $0x80, s0, s31, $0xb8;
	[tilespmem:$0x1C880] =	vst v63  }
0xf9: {  	_ =	swait.ge [sflag:s13], $0x4000  }
0xfa: {  	[sflag:s13] =	ssyncset.done $0x0  }
0xfb: {  	[sflag:s13] =	ssyncadd.s32 $0xFFFFC000  }
0xfc: {  	[spmem:s1] =	stream.indirect.scatter.add.f32 [tilespmem:s3], [sflag:$0x4], $0x80, s18, s31, $0xb8;
	[tilespmem:$0x1C880] =	vst v63  }
0xfd: {  	_ =	swait.ge [sflag:s15], $0x4000  }
0xfe: {  	[sflag:s15] =	ssyncset.done $0x0  }
0xff: {  	s6 =	simm.s32 $0x1B900;
	[sflag:s15] =	ssyncadd.s32 $0xFFFFC000  }
0x100: {  	[tilespmem:s3], [sflag:$0x2] =	stream.indirect.gather [hbm4b:s4+s31], $0x80, s6, s31, $0xb8;
	[tilespmem:$0x1C880] =	vst v63  }
.Ltmp4:
0x101: {  	_ = 	snop;
	(pc) =	sbr.rel .LBB2_4-.Ltmp4, $4  }
0x102: {  	s11 =	sadd.s32 s22, s20  }
0x103: {  	[tilespmem:s28], [sflag:$0x6] =	stream.linear.gather [hbm4b:s11+s2], $0x400, $0x38;
	[tilespmem:$0x1C880] =	vst v63  }
0x104: {  	s24 =	sadd.s32 s22, s19;
	s22 =	sadd.s32 $0x100, s22;
	s12 =	sadd.s32 $0x800, s12  }
0x105: {  	[tilespmem:s29], [sflag:$0x8] =	stream.linear.gather [hbm4b:s24+s2], $0x400, $0x38;
	[tilespmem:$0x1C880] =	vst v63  }
.LBB2_7:
0x106: {  	_ =	sfence.sel $0x180000  }
0x107: {  	[bflag:$0x0] =	sbarrier.arrive $0xFFFF  }
0x108: {  	_ =	strace $0x9000004A  }
0x109: {  	s0 =	stileid.u32;
	[bflag:$0x2] =	sbarrier.arrive $0xFFFF  }
0x10a: {  	p0 =	sne.s32 s0, $0x0;
	s0 =	rddreg [dreg:$0x2]  }
0x10b: {  	s0 =	sadd.s32 @!p0 $0x100000, s0  }
0x10c: {  	[sflag:s0] =	ssyncadd.tile.s32 @!p0 $0x1;
	_ =	shalt  }
.Lfunc_end2:
_tile_overlayer_lowered:
.L_overlay_start_2:
0x10d: {  	(tag) =	ssettag $0x2  }
0x10e: {  	s0 =	rddreg [dreg:$0x0];
	s2 =	stileid.u32  }
0x10f: {  	s1 =	rddreg [dreg:$0x1];
	p0 =	sne.s32 s2, $0x0  }
0x110: {  	s3 =	rddreg [dreg:$0x2];
	[bflag:$0x3] =	sbarrier.arrive $0xFFFF;
	s2 =	simm.s32 @!p0 $0x1C09  }
0x111: {  	[timem:s3], [sflag:s2] =	dma.local @!p0 [hbm:s0], s1  }
0x112: {  	s0 =	simm.s32 @!p0 $0x9  }
0x113: {  	_ =	swait.ge @!p0 [sflag:s0], s1  }
0x114: {  	s1 =	ssub.s32 @!p0 $0x0, s1;
	[sflag:s0] =	ssyncset.done @!p0 $0x0  }
0x115: {  	[sflag:s0] =	ssyncadd.s32 @!p0 s1  }
0x116: {  	[bflag:$0x3] =	sbarrier.arrive $0xFFFF  }
0x117: {  	_ =	shalt  }

</sc_bundles>
